<compile_context>
chip_gen: v7x
topology: tpu7x:2x2x1
jax: 0.10.2.dev20260603
libtpu: 0.0.44.dev20260713+nightly
codegen_flags: <defaults>
</compile_context>

<pallas_src>
import dataclasses

import jax
import jax.numpy as jnp
from jax import lax
from jax.experimental import pallas as pl
from jax.experimental.pallas import tpu as pltpu
from jax.experimental.pallas import tpu_sc as plsc

N = 10000
D = 128
E = 320000
NUM_LAYERS = 2
ALPHA = 0.1
BETA = 0.1
ETA = 0.5
EPS = 1e-5

NC = 2
NS = 16
NT = NC * NS
PER_TILE = E // NT
CH = 80
NCH = PER_TILE // CH
RPS = 624
TAIL = N - NS * RPS
RB = 5
BM = N // RB

_mesh = plsc.VectorSubcoreMesh(core_axis_name="c", subcore_axis_name="s")

_sc_params = pltpu.CompilerParams()
if "needs_layout_passes" in pltpu.CompilerParams.__dataclass_fields__:
    _sc_params = dataclasses.replace(_sc_params, needs_layout_passes=False)



def _deg_body(dst_hbm, out0_hbm, out1_hbm, deg_sh, dst_v, ones_v, zero_v):
    ci = lax.axis_index("c")
    si = lax.axis_index("s")
    tid = ci * NS + si

    @pl.loop(0, CH // 16)
    def _(i):
        ones_v[pl.ds(i * 16, 16)] = jnp.ones((16,), jnp.float32)

    @pl.when(si == 0)
    def _():
        @pl.loop(0, N // 16)
        def _(i):
            zero_v[pl.ds(i * 16, 16)] = jnp.zeros((16,), jnp.float32)
        pltpu.sync_copy(zero_v, deg_sh)

    pltpu.sync_copy(dst_hbm.at[tid], dst_v)
    plsc.subcore_barrier()

    @pl.loop(0, NCH)
    def _(c):
        pltpu.sync_copy(ones_v, deg_sh.at[dst_v.at[c]], add=True)

    plsc.subcore_barrier()

    @pl.when(jnp.logical_and(si == 0, ci == 0))
    def _():
        pltpu.sync_copy(deg_sh, out0_hbm)

    @pl.when(jnp.logical_and(si == 0, ci == 1))
    def _():
        pltpu.sync_copy(deg_sh, out1_hbm)


def _edge_body(h_hbm, w_hbm, src_hbm, dst_hbm, dd_hbm, out_hbm,
               agg_sh, w_v, sidx_v, didx_v, didx2_v, ddc_v, ws_v, wd_v,
               hs_v, hd_v, msg_v, sem1, sem2, sem3, sem4, sem5, sem6, sem7):
    ci = lax.axis_index("c")
    si = lax.axis_index("s")
    tid = ci * NS + si

    pltpu.sync_copy(w_hbm, w_v)

    @pl.loop(0, CH)
    def _(r):
        for cc in range(D // 16):
            msg_v[r, pl.ds(cc * 16, 16)] = jnp.zeros((16,), jnp.float32)

    for t in range(RPS // CH):
        pltpu.sync_copy(msg_v, agg_sh.at[pl.ds(si * RPS + t * CH, CH)])
    rem = RPS - (RPS // CH) * CH
    pltpu.sync_copy(msg_v.at[pl.ds(0, rem)],
                    agg_sh.at[pl.ds(si * RPS + RPS - rem, rem)])

    @pl.when(si == NS - 1)
    def _():
        pltpu.sync_copy(msg_v.at[pl.ds(0, TAIL)],
                        agg_sh.at[pl.ds(NS * RPS, TAIL)])

    plsc.subcore_barrier()

    def _do_chunk(c, hsbuf, dibuf, scsem):
        i1 = pltpu.async_copy(src_hbm.at[tid, c], sidx_v, sem5)
        i2 = pltpu.async_copy(dst_hbm.at[tid, c], dibuf, sem6)
        i3 = pltpu.async_copy(dd_hbm.at[tid, c], ddc_v, sem7)
        i1.wait()
        i2.wait()
        g1 = pltpu.async_copy(h_hbm.at[sidx_v], hsbuf, sem1)
        g2 = pltpu.async_copy(h_hbm.at[dibuf], hd_v, sem2)
        i3.wait()
        for g in range(CH // 16):
            rb = g * 16
            src16 = sidx_v[pl.ds(rb, 16)]
            dst16 = dibuf[pl.ds(rb, 16)]
            ws_v[pl.ds(rb, 16)] = plsc.load_gather(w_v, [src16])
            wd_v[pl.ds(rb, 16)] = plsc.load_gather(w_v, [dst16])
        g1.wait()
        g2.wait()

        @pl.loop(0, CH)
        def _edge(e):
            ev = lax.broadcast(e, (16,))
            ws = plsc.load_gather(ws_v, [ev])
            wd = plsc.load_gather(wd_v, [ev])
            dd = plsc.load_gather(ddc_v, [ev])
            hs_c = [hsbuf[e, pl.ds(k * 16, 16)] for k in range(D // 16)]
            hd_c = [hd_v[e, pl.ds(k * 16, 16)] for k in range(D // 16)]
            acc = jnp.zeros((16,), jnp.float32)
            for k in range(D // 16):
                t = wd * hd_c[k] - ws * hs_c[k]
                acc = acc + t * t
            s = lax.broadcast(jnp.sum(acc), (16,))
            scl = jnp.maximum(s, 1e-20)
            ib = lax.bitcast_convert_type(scl, jnp.int32)
            ib = jnp.int32(0x5F3759DF) - lax.shift_right_arithmetic(ib, 1)
            y = lax.bitcast_convert_type(ib, jnp.float32)
            for _ in range(3):
                y = y * (1.5 - 0.5 * scl * y * y)
            denom = scl * y + EPS
            q = (ETA * dd) / denom
            a = ws * wd * (1.0 - q)
            b = (ws * ws) * q
            for k in range(D // 16):
                hsbuf[e, pl.ds(k * 16, 16)] = a * hs_c[k] + b * hd_c[k]

        return pltpu.async_copy(hsbuf, agg_sh.at[dibuf], scsem, add=True)

    @pl.loop(0, NCH // 2)
    def _pair(p):
        @pl.when(p > 0)
        def _():
            pltpu.make_async_copy(hs_v, agg_sh.at[didx_v], sem3).wait()

        s_even = _do_chunk(2 * p, hs_v, didx_v, sem3)

        @pl.when(p > 0)
        def _():
            pltpu.make_async_copy(msg_v, agg_sh.at[didx2_v], sem4).wait()

        s_odd = _do_chunk(2 * p + 1, msg_v, didx2_v, sem4)

        @pl.when(p == NCH // 2 - 1)
        def _():
            s_even.wait()
            _do_chunk(2 * p + 2, hs_v, didx_v, sem3).wait()
            s_odd.wait()

    plsc.subcore_barrier()
    pltpu.sync_copy(agg_sh.at[pl.ds(si * RPS, RPS)],
                    out_hbm.at[ci, pl.ds(si * RPS, RPS)])

    @pl.when(si == NS - 1)
    def _():
        pltpu.sync_copy(agg_sh.at[pl.ds(NS * RPS, TAIL)],
                        out_hbm.at[ci, pl.ds(NS * RPS, TAIL)])


def _deg_partials(dst_tiles):
    return pl.kernel(
        _deg_body,
        out_type=[jax.ShapeDtypeStruct((N,), jnp.float32),
                  jax.ShapeDtypeStruct((N,), jnp.float32)],
        mesh=_mesh,
        compiler_params=_sc_params,
        scratch_types=[
            pltpu.VMEM_SHARED((N,), jnp.float32),
            pltpu.VMEM((NCH, CH), jnp.int32),
            pltpu.VMEM((CH,), jnp.float32),
            pltpu.VMEM((N,), jnp.float32),
        ],
    )(dst_tiles)


def _edge_partials(h, w, src_tiles, dst_tiles, dd_tiles):
    return pl.kernel(
        _edge_body,
        out_type=jax.ShapeDtypeStruct((NC, N, D), jnp.float32),
        mesh=_mesh,
        compiler_params=_sc_params,
        scratch_types=[
            pltpu.VMEM_SHARED((N, D), jnp.float32),
            pltpu.VMEM((N,), jnp.float32),
            pltpu.VMEM((CH,), jnp.int32),
            pltpu.VMEM((CH,), jnp.int32),
            pltpu.VMEM((CH,), jnp.int32),
            pltpu.VMEM((CH,), jnp.float32),
            pltpu.VMEM((CH,), jnp.float32),
            pltpu.VMEM((CH,), jnp.float32),
            pltpu.VMEM((CH, D), jnp.float32),
            pltpu.VMEM((CH, D), jnp.float32),
            pltpu.VMEM((CH, D), jnp.float32),
            pltpu.SemaphoreType.DMA,
            pltpu.SemaphoreType.DMA,
            pltpu.SemaphoreType.DMA,
            pltpu.SemaphoreType.DMA,
            pltpu.SemaphoreType.DMA,
            pltpu.SemaphoreType.DMA,
            pltpu.SemaphoreType.DMA,
        ],
    )(h, w, src_tiles, dst_tiles, dd_tiles)



def _k1_body(x_ref, wi_ref, bi_ref, d0_ref, d1_ref, h_ref, w_ref):
    h_ref[...] = (jnp.dot(x_ref[...], wi_ref[...],
                          preferred_element_type=jnp.float32) + bi_ref[...])
    deg = d0_ref[...] + d1_ref[...]
    w_ref[...] = jnp.where(deg > 0.0, lax.rsqrt(jnp.maximum(deg, 1.0)), 0.0)


def _k2_body(h_ref, m_ref, acc_ref):
    i = pl.program_id(0)

    @pl.when(i == 0)
    def _():
        acc_ref[...] = jnp.zeros_like(acc_ref)

    hb = h_ref[...]
    acc_ref[...] += lax.dot_general(hb, hb, (((0,), (0,)), ((), ())),
                                    preferred_element_type=jnp.float32)

    @pl.when(i == RB - 1)
    def _():
        G = acc_ref[...]
        rr = lax.broadcasted_iota(jnp.int32, (D, D), 0)
        cc = lax.broadcasted_iota(jnp.int32, (D, D), 1)
        diag = jnp.where(rr == cc, G, 0.0)
        drow = jnp.sum(diag, axis=1, keepdims=True)
        dcol = jnp.sum(diag, axis=0, keepdims=True)
        crow = 1.0 / jnp.maximum(jnp.sqrt(drow), 1e-12)
        ccol = 1.0 / jnp.maximum(jnp.sqrt(dcol), 1e-12)
        m_ref[...] = (crow * crow) * G * ccol


def _k3_body(h_ref, h0_ref, m_ref, agg_ref, o_ref):
    o_ref[...] = jnp.maximum(
        ALPHA * h0_ref[...]
        - BETA * jnp.dot(h_ref[...], m_ref[...],
                         preferred_element_type=jnp.float32)
        + agg_ref[0] + agg_ref[1],
        0.0)


def _mm_body(h_ref, wf_ref, bf_ref, o_ref):
    o_ref[...] = (jnp.dot(h_ref[...], wf_ref[...],
                          preferred_element_type=jnp.float32) + bf_ref[...])


def _k1(x, W_init, b_init, d0, d1):
    return pl.pallas_call(
        _k1_body,
        grid=(RB,),
        in_specs=[
            pl.BlockSpec((BM, D), lambda i: (i, 0)),
            pl.BlockSpec((D, D), lambda i: (0, 0)),
            pl.BlockSpec((1, D), lambda i: (0, 0)),
            pl.BlockSpec((RB, BM), lambda i: (0, 0)),
            pl.BlockSpec((RB, BM), lambda i: (0, 0)),
        ],
        out_specs=[
            pl.BlockSpec((BM, D), lambda i: (i, 0)),
            pl.BlockSpec((RB, BM), lambda i: (0, 0)),
        ],
        out_shape=[
            jax.ShapeDtypeStruct((N, D), jnp.float32),
            jax.ShapeDtypeStruct((RB, BM), jnp.float32),
        ],
    )(x, W_init, b_init.reshape(1, D), d0.reshape(RB, BM), d1.reshape(RB, BM))


def _k2(h):
    return pl.pallas_call(
        _k2_body,
        grid=(RB,),
        in_specs=[pl.BlockSpec((BM, D), lambda i: (i, 0))],
        out_specs=pl.BlockSpec((D, D), lambda i: (0, 0)),
        out_shape=jax.ShapeDtypeStruct((D, D), jnp.float32),
        scratch_shapes=[pltpu.VMEM((D, D), jnp.float32)],
    )(h)


def _k3(h, h0, M, agg2):
    return pl.pallas_call(
        _k3_body,
        grid=(RB,),
        in_specs=[
            pl.BlockSpec((BM, D), lambda i: (i, 0)),
            pl.BlockSpec((BM, D), lambda i: (i, 0)),
            pl.BlockSpec((D, D), lambda i: (0, 0)),
            pl.BlockSpec((NC, BM, D), lambda i: (0, i, 0)),
        ],
        out_specs=pl.BlockSpec((BM, D), lambda i: (i, 0)),
        out_shape=jax.ShapeDtypeStruct((N, D), jnp.float32),
    )(h, h0, M, agg2)


def _k4(h, W_final, b_final):
    return pl.pallas_call(
        _mm_body,
        grid=(RB,),
        in_specs=[
            pl.BlockSpec((BM, D), lambda i: (i, 0)),
            pl.BlockSpec((D, D), lambda i: (0, 0)),
            pl.BlockSpec((1, D), lambda i: (0, 0)),
        ],
        out_specs=pl.BlockSpec((BM, D), lambda i: (i, 0)),
        out_shape=jax.ShapeDtypeStruct((N, D), jnp.float32),
    )(h, W_final, b_final.reshape(1, D))



def kernel(x, edge_index, diffusion_distance, W_init, b_init,
           W_final, b_final):
    src_tiles = edge_index[0].reshape(NT, NCH, CH)
    dst_tiles = edge_index[1].reshape(NT, NCH, CH)
    dd_tiles = diffusion_distance.reshape(NT, NCH, CH)

    d0, d1 = _deg_partials(dst_tiles)
    h, w2 = _k1(x, W_init, b_init, d0, d1)
    w = w2.reshape(N)
    h0 = h
    for _ in range(NUM_LAYERS):
        M = _k2(h)
        agg2 = _edge_partials(h, w, src_tiles, dst_tiles, dd_tiles)
        h = _k3(h, h0, M, agg2)
    return _k4(h, W_final, b_final)

# --- scband reference (transcript-rebuilt; emitter-appended) ---
"""Pipeline reference for scband-ddsm-86741159510239 (READ-ONLY COPY).

The authoritative reference and input builder live on the scoring server;
editing this copy changes nothing except your own understanding.
"""

import jax, jax.numpy as jnp
import numpy as np

N = 10000
E = 320000
D_IN = 128
D_HID = 128
D_OUT = 128
NUM_LAYERS = 2
ALPHA = 0.1
BETA = 0.1
ETA = 0.5
EPS = 1e-05


def setup_inputs(seed: int = 0) -> dict:
    key = jax.random.key(seed)
    ks = jax.random.split(key, 8)
    x = jax.random.normal(ks[0], (N, D_IN), dtype=jnp.float32)
    edge_index = jax.random.randint(ks[1], (2, E), 0, N, dtype=jnp.int32)
    diffusion_distance = jax.random.uniform(ks[2], (E,), dtype=jnp.float32)
    W_init = jax.random.normal(ks[3], (D_IN, D_HID), dtype=jnp.float32) * (1.0 / np.sqrt(D_IN))
    b_init = jnp.zeros((D_HID,), dtype=jnp.float32)
    W_final = jax.random.normal(ks[4], (D_HID, D_OUT), dtype=jnp.float32) * (1.0 / np.sqrt(D_HID))
    b_final = jnp.zeros((D_OUT,), dtype=jnp.float32)
    return {
        "x": x,
        "edge_index": edge_index,
        "diffusion_distance": diffusion_distance,
        "W_init": W_init,
        "b_init": b_init,
        "W_final": W_final,
        "b_final": b_final,
    }


def reference(x, edge_index, diffusion_distance, W_init, b_init, W_final, b_final):
    # PyG convention (flow='source_to_target'): j = edge_index[0] (source), i = edge_index[1] (target)
    src = edge_index[0]
    dst = edge_index[1]
    n = x.shape[0]
    # degree(col, N) with col = edge_index[1]
    deg = jnp.zeros((n,), dtype=x.dtype).at[dst].add(1.0)
    deg_inv_sqrt = jnp.where(deg > 0, jnp.where(deg > 0, deg, 1.0) ** -0.5, 0.0)
    # norm = deg_inv_sqrt[row] * deg_inv_sqrt[col]; norm_ii = deg_inv_sqrt[row] ** 2 (row = edge_index[0])
    norm = deg_inv_sqrt[src] * deg_inv_sqrt[dst]
    norm_ii = deg_inv_sqrt[src] * deg_inv_sqrt[src]
    dis_i = deg_inv_sqrt[dst]  # _i indexed by edge_index[1]
    dis_j = deg_inv_sqrt[src]  # _j indexed by edge_index[0]

    h = x @ W_init + b_init
    h0 = h
    for _ in range(NUM_LAYERS):
        # F.normalize(x, p=2, dim=0)
        col_norm = jnp.sqrt(jnp.sum(h * h, axis=0, keepdims=True))
        h_n = h / jnp.maximum(col_norm, 1e-12)
        orthogonal_message = h_n @ (h_n.T @ h_n)
        x_j = h[src]
        x_i = h[dst]
        topological = norm[:, None] * x_j
        diff = dis_i[:, None] * x_i - dis_j[:, None] * x_j
        denom = jnp.sqrt(jnp.sum(diff * diff, axis=1)) + EPS
        positional = ETA * diffusion_distance[:, None] * (norm_ii[:, None] * x_i - norm[:, None] * x_j) / denom[:, None]
        msg = (1.0 - ALPHA + BETA) * (topological + positional)
        agg = jnp.zeros_like(h).at[dst].add(msg)
        h = ALPHA * h0 - BETA * orthogonal_message + agg
        # dropout p=0.0 is identity
        h = jax.nn.relu(h)
    return h @ W_final + b_final

if __name__ == "__main__":
    import jax
    _d = setup_inputs()
    print(jax.jit(kernel)(*tuple(_d.values())))

</pallas_src>

<mosaic_0001>
#map = affine_map<(d0, d1) -> (0, 0, 0)>
#map1 = affine_map<(d0, d1) -> (0)>
module attributes {stable_mosaic.version = 14 : i64} {
  func.func @_deg_body(%arg0: i32, %arg1: i32, %arg2: memref<32x125x80xi32, #tpu.memory_space<hbm>>, %arg3: memref<10000xf32, #tpu.memory_space<hbm>>, %arg4: memref<10000xf32, #tpu.memory_space<hbm>>, %arg5: memref<10000xf32, #tpu.memory_space<vmem_shared>>, %arg6: memref<125x80xi32, #tpu.memory_space<vmem>>, %arg7: memref<80xf32, #tpu.memory_space<vmem>>, %arg8: memref<10000xf32, #tpu.memory_space<vmem>>) attributes {dimension_semantics = [#tpu.dimension_semantics<core_parallel>, #tpu.dimension_semantics<subcore_parallel>], iteration_bounds = array<i64: 2, 16>, scalar_prefetch = 0 : i64, scratch_operands = 4 : i64, tpu.core_type = #tpu.core_type<sc_vector_subcore>, window_params = [{transform_indices = #map}, {transform_indices = #map1}, {transform_indices = #map1}]} {
    %mul3A = arith.constant 16 : i32
    %mul3A_0 = arith.muli %arg0, %mul3A : i32
    %add3A = arith.addi %mul3A_0, %arg1 : i32
    %scan3A = arith.constant 0 : i32
    %scan3A_1 = arith.constant 5 : i32
    %scan3A_2 = arith.addi %scan3A, %scan3A_1 : i32
    %scan3A_3 = arith.constant 1 : i32
    scf.for %scan3A_28 = %scan3A to %scan3A_2 step %scan3A_3  : i32 {
      %mul3A_29 = arith.constant 1 : i32
      %mul3A_30 = arith.muli %scan3A_28, %mul3A_29 : i32
      %add3A_31 = arith.constant 0 : i32
      %add3A_32 = arith.addi %add3A_31, %mul3A_30 : i32
      %broadcast_in_dim3A = arith.constant 1.000000e+00 : f32
      %broadcast_in_dim3A_33 = vector.broadcast %broadcast_in_dim3A : f32 to vector<16xf32>
      %mul3A_34 = arith.constant 16 : i32
      %mul3A_35 = arith.muli %add3A_32, %mul3A_34 : i32
      %swap3A = arith.index_cast %mul3A_35 : i32 to index
      %swap3A_36 = tpu.vector_load %arg7[%swap3A] {strides = array<i32>} : memref<80xf32, #tpu.memory_space<vmem>>, vector<16xf32>,
      tpu.vector_store %arg7[%swap3A], %broadcast_in_dim3A_33 {strides = array<i32>} : memref<80xf32, #tpu.memory_space<vmem>>, vector<16xf32>,
    }
    %scan3A_4 = arith.constant 5 : i32
    %eq3A = arith.constant 0 : i32
    %eq3A_5 = arith.cmpi eq, %arg1, %eq3A : i32
    %convert_element_type3A = arith.extui %eq3A_5 : i1 to i32
    %cond3A = arith.constant 0 : i32
    %cond3A_6 = arith.cmpi ne, %convert_element_type3A, %cond3A : i32
    scf.if %cond3A_6 {
      %scan3A_28 = arith.constant 0 : i32
      %scan3A_29 = arith.constant 625 : i32
      %scan3A_30 = arith.addi %scan3A_28, %scan3A_29 : i32
      %scan3A_31 = arith.constant 1 : i32
      scf.for %scan3A_33 = %scan3A_28 to %scan3A_30 step %scan3A_31  : i32 {
        %mul3A_34 = arith.constant 1 : i32
        %mul3A_35 = arith.muli %scan3A_33, %mul3A_34 : i32
        %add3A_36 = arith.constant 0 : i32
        %add3A_37 = arith.addi %add3A_36, %mul3A_35 : i32
        %broadcast_in_dim3A = arith.constant 0.000000e+00 : f32
        %broadcast_in_dim3A_38 = vector.broadcast %broadcast_in_dim3A : f32 to vector<16xf32>
        %mul3A_39 = arith.constant 16 : i32
        %mul3A_40 = arith.muli %add3A_37, %mul3A_39 : i32
        %swap3A = arith.index_cast %mul3A_40 : i32 to index
        %swap3A_41 = tpu.vector_load %arg8[%swap3A] {strides = array<i32>} : memref<10000xf32, #tpu.memory_space<vmem>>, vector<16xf32>,
        tpu.vector_store %arg8[%swap3A], %broadcast_in_dim3A_38 {strides = array<i32>} : memref<10000xf32, #tpu.memory_space<vmem>>, vector<16xf32>,
      }
      %scan3A_32 = arith.constant 625 : i32
      "tpu.region"() ({
        %run_scoped3A = tpu.sem_alloc : memref<!tpu.dma_semaphore, #tpu.memory_space<semaphore_mem>>
        tpu.enqueue_dma source(%arg8 : memref<10000xf32, #tpu.memory_space<vmem>>) target(%arg5 : memref<10000xf32, #tpu.memory_space<vmem_shared>>) target_semaphore(%run_scoped3A : memref<!tpu.dma_semaphore, #tpu.memory_space<semaphore_mem>>)
        tpu.wait_dma2 semaphore(%run_scoped3A : memref<!tpu.dma_semaphore, #tpu.memory_space<semaphore_mem>>) src(%arg8 : memref<10000xf32, #tpu.memory_space<vmem>>) dst(%arg5 : memref<10000xf32, #tpu.memory_space<vmem_shared>>)
        tpu.yield
      }) : () -> ()
    } else {
    }
    "tpu.region"() ({
      %run_scoped3A = tpu.sem_alloc : memref<!tpu.dma_semaphore, #tpu.memory_space<semaphore_mem>>
      %dma_start3A = arith.constant 0 : i32
      %dma_start3A_28 = arith.constant 0 : i32
      %dma_start3A_29 = tpu.memref_slice %arg2[%add3A, %dma_start3A, %dma_start3A_28] : memref<32x125x80xi32, #tpu.memory_space<hbm>> -> memref<1x125x80xi32, #tpu.memory_space<hbm>>
      %dma_start3A_30 = tpu.memref_squeeze %dma_start3A_29 : memref<1x125x80xi32, #tpu.memory_space<hbm>> -> memref<125x80xi32, #tpu.memory_space<hbm>>
      %dma_start3A_31 = arith.constant 0 : i32
      %dma_start3A_32 = arith.constant 0 : i32
      %dma_start3A_33 = tpu.memref_slice %arg2[%add3A, %dma_start3A_31, %dma_start3A_32] : memref<32x125x80xi32, #tpu.memory_space<hbm>> -> memref<1x125x80xi32, #tpu.memory_space<hbm>>
      %dma_start3A_34 = tpu.memref_squeeze %dma_start3A_33 : memref<1x125x80xi32, #tpu.memory_space<hbm>> -> memref<125x80xi32, #tpu.memory_space<hbm>>
      tpu.enqueue_dma source(%dma_start3A_34 : memref<125x80xi32, #tpu.memory_space<hbm>>) target(%arg6 : memref<125x80xi32, #tpu.memory_space<vmem>>) target_semaphore(%run_scoped3A : memref<!tpu.dma_semaphore, #tpu.memory_space<semaphore_mem>>)
      %dma_wait3A = arith.constant 0 : i32
      %dma_wait3A_35 = arith.constant 0 : i32
      %dma_wait3A_36 = tpu.memref_slice %arg2[%add3A, %dma_wait3A, %dma_wait3A_35] : memref<32x125x80xi32, #tpu.memory_space<hbm>> -> memref<1x125x80xi32, #tpu.memory_space<hbm>>
      %dma_wait3A_37 = tpu.memref_squeeze %dma_wait3A_36 : memref<1x125x80xi32, #tpu.memory_space<hbm>> -> memref<125x80xi32, #tpu.memory_space<hbm>>
      %dma_wait3A_38 = arith.constant 0 : i32
      %dma_wait3A_39 = arith.constant 0 : i32
      %dma_wait3A_40 = tpu.memref_slice %arg2[%add3A, %dma_wait3A_38, %dma_wait3A_39] : memref<32x125x80xi32, #tpu.memory_space<hbm>> -> memref<1x125x80xi32, #tpu.memory_space<hbm>>
      %dma_wait3A_41 = tpu.memref_squeeze %dma_wait3A_40 : memref<1x125x80xi32, #tpu.memory_space<hbm>> -> memref<125x80xi32, #tpu.memory_space<hbm>>
      tpu.wait_dma2 semaphore(%run_scoped3A : memref<!tpu.dma_semaphore, #tpu.memory_space<semaphore_mem>>) src(%dma_wait3A_41 : memref<125x80xi32, #tpu.memory_space<hbm>>) dst(%arg6 : memref<125x80xi32, #tpu.memory_space<vmem>>)
      tpu.yield
    }) : () -> ()
    %barrier3A = arith.constant 0 : index
    tpu.barrier barrier_id(%barrier3A)
    %scan3A_7 = arith.constant 0 : i32
    %scan3A_8 = arith.constant 125 : i32
    %scan3A_9 = arith.addi %scan3A_7, %scan3A_8 : i32
    %scan3A_10 = arith.constant 1 : i32
    scf.for %scan3A_28 = %scan3A_7 to %scan3A_9 step %scan3A_10  : i32 {
      %mul3A_29 = arith.constant 1 : i32
      %mul3A_30 = arith.muli %scan3A_28, %mul3A_29 : i32
      %add3A_31 = arith.constant 0 : i32
      %add3A_32 = arith.addi %add3A_31, %mul3A_30 : i32
      "tpu.region"() ({
        %run_scoped3A = tpu.sem_alloc : memref<!tpu.dma_semaphore, #tpu.memory_space<semaphore_mem>>
        %dma_start3A = arith.constant 0 : i32
        %dma_start3A_33 = tpu.memref_slice %arg6[%add3A_32, %dma_start3A] : memref<125x80xi32, #tpu.memory_space<vmem>> -> memref<1x80xi32, #tpu.memory_space<vmem>>
        %dma_start3A_34 = tpu.memref_squeeze %dma_start3A_33 : memref<1x80xi32, #tpu.memory_space<vmem>> -> memref<80xi32, #tpu.memory_space<vmem>>
        %dma_start3A_35 = arith.constant 0 : i32
        %dma_start3A_36 = tpu.memref_slice %arg5[%dma_start3A_35] : memref<10000xf32, #tpu.memory_space<vmem_shared>> -> memref<10000xf32, #tpu.memory_space<vmem_shared>>
        tpu.enqueue_indirect_dma source(%arg7 : memref<80xf32, #tpu.memory_space<vmem>>) target(%dma_start3A_36 : memref<10000xf32, #tpu.memory_space<vmem_shared>>) offsets(%dma_start3A_34 : memref<80xi32, #tpu.memory_space<vmem>>) semaphore(%run_scoped3A : memref<!tpu.dma_semaphore, #tpu.memory_space<semaphore_mem>>) {add = true}
        %dma_wait3A = arith.constant 0 : i32
        %dma_wait3A_37 = tpu.memref_slice %arg6[%add3A_32, %dma_wait3A] : memref<125x80xi32, #tpu.memory_space<vmem>> -> memref<1x80xi32, #tpu.memory_space<vmem>>
        %dma_wait3A_38 = tpu.memref_squeeze %dma_wait3A_37 : memref<1x80xi32, #tpu.memory_space<vmem>> -> memref<80xi32, #tpu.memory_space<vmem>>
        %dma_wait3A_39 = arith.constant 0 : i32
        %dma_wait3A_40 = tpu.memref_slice %arg5[%dma_wait3A_39] : memref<10000xf32, #tpu.memory_space<vmem_shared>> -> memref<10000xf32, #tpu.memory_space<vmem_shared>>
        tpu.wait_indirect_dma semaphore(%run_scoped3A : memref<!tpu.dma_semaphore, #tpu.memory_space<semaphore_mem>>) src(%arg7 : memref<80xf32, #tpu.memory_space<vmem>>) dst(%dma_wait3A_40 : memref<10000xf32, #tpu.memory_space<vmem_shared>>)
        tpu.yield
      }) : () -> ()
    }
    %scan3A_11 = arith.constant 125 : i32
    %barrier3A_12 = arith.constant 0 : index
    tpu.barrier barrier_id(%barrier3A_12)
    %eq3A_13 = arith.constant 0 : i32
    %eq3A_14 = arith.cmpi eq, %arg1, %eq3A_13 : i32
    %eq3A_15 = arith.constant 0 : i32
    %eq3A_16 = arith.cmpi eq, %arg0, %eq3A_15 : i32
    %and3A = arith.andi %eq3A_14, %eq3A_16 : i1
    %convert_element_type3A_17 = arith.extui %and3A : i1 to i32
    %cond3A_18 = arith.constant 0 : i32
    %cond3A_19 = arith.cmpi ne, %convert_element_type3A_17, %cond3A_18 : i32
    scf.if %cond3A_19 {
      "tpu.region"() ({
        %run_scoped3A = tpu.sem_alloc : memref<!tpu.dma_semaphore, #tpu.memory_space<semaphore_mem>>
        tpu.enqueue_dma source(%arg5 : memref<10000xf32, #tpu.memory_space<vmem_shared>>) target(%arg3 : memref<10000xf32, #tpu.memory_space<hbm>>) target_semaphore(%run_scoped3A : memref<!tpu.dma_semaphore, #tpu.memory_space<semaphore_mem>>)
        tpu.wait_dma2 semaphore(%run_scoped3A : memref<!tpu.dma_semaphore, #tpu.memory_space<semaphore_mem>>) src(%arg5 : memref<10000xf32, #tpu.memory_space<vmem_shared>>) dst(%arg3 : memref<10000xf32, #tpu.memory_space<hbm>>)
        tpu.yield
      }) : () -> ()
    } else {
    }
    %eq3A_20 = arith.constant 0 : i32
    %eq3A_21 = arith.cmpi eq, %arg1, %eq3A_20 : i32
    %eq3A_22 = arith.constant 1 : i32
    %eq3A_23 = arith.cmpi eq, %arg0, %eq3A_22 : i32
    %and3A_24 = arith.andi %eq3A_21, %eq3A_23 : i1
    %convert_element_type3A_25 = arith.extui %and3A_24 : i1 to i32
    %cond3A_26 = arith.constant 0 : i32
    %cond3A_27 = arith.cmpi ne, %convert_element_type3A_25, %cond3A_26 : i32
    scf.if %cond3A_27 {
      "tpu.region"() ({
        %run_scoped3A = tpu.sem_alloc : memref<!tpu.dma_semaphore, #tpu.memory_space<semaphore_mem>>
        tpu.enqueue_dma source(%arg5 : memref<10000xf32, #tpu.memory_space<vmem_shared>>) target(%arg4 : memref<10000xf32, #tpu.memory_space<hbm>>) target_semaphore(%run_scoped3A : memref<!tpu.dma_semaphore, #tpu.memory_space<semaphore_mem>>)
        tpu.wait_dma2 semaphore(%run_scoped3A : memref<!tpu.dma_semaphore, #tpu.memory_space<semaphore_mem>>) src(%arg5 : memref<10000xf32, #tpu.memory_space<vmem_shared>>) dst(%arg4 : memref<10000xf32, #tpu.memory_space<hbm>>)
        tpu.yield
      }) : () -> ()
    } else {
    }
    return
  }
}

#map = affine_map<(d0, d1) -> (0, 0)>
#map1 = affine_map<(d0, d1) -> (0)>
#map2 = affine_map<(d0, d1) -> (0, 0, 0)>
module attributes {stable_mosaic.version = 14 : i64} {
  func.func @_edge_body(%arg0: i32, %arg1: i32, %arg2: memref<10000x128xf32, #tpu.memory_space<hbm>>, %arg3: memref<10000xf32, #tpu.memory_space<hbm>>, %arg4: memref<32x125x80xi32, #tpu.memory_space<hbm>>, %arg5: memref<32x125x80xi32, #tpu.memory_space<hbm>>, %arg6: memref<32x125x80xf32, #tpu.memory_space<hbm>>, %arg7: memref<2x10000x128xf32, #tpu.memory_space<hbm>>, %arg8: memref<10000x128xf32, #tpu.memory_space<vmem_shared>>, %arg9: memref<10000xf32, #tpu.memory_space<vmem>>, %arg10: memref<80xi32, #tpu.memory_space<vmem>>, %arg11: memref<80xi32, #tpu.memory_space<vmem>>, %arg12: memref<80xi32, #tpu.memory_space<vmem>>, %arg13: memref<80xf32, #tpu.memory_space<vmem>>, %arg14: memref<80xf32, #tpu.memory_space<vmem>>, %arg15: memref<80xf32, #tpu.memory_space<vmem>>, %arg16: memref<80x128xf32, #tpu.memory_space<vmem>>, %arg17: memref<80x128xf32, #tpu.memory_space<vmem>>, %arg18: memref<80x128xf32, #tpu.memory_space<vmem>>, %arg19: memref<!tpu.dma_semaphore, #tpu.memory_space<semaphore_mem>>, %arg20: memref<!tpu.dma_semaphore, #tpu.memory_space<semaphore_mem>>, %arg21: memref<!tpu.dma_semaphore, #tpu.memory_space<semaphore_mem>>, %arg22: memref<!tpu.dma_semaphore, #tpu.memory_space<semaphore_mem>>, %arg23: memref<!tpu.dma_semaphore, #tpu.memory_space<semaphore_mem>>, %arg24: memref<!tpu.dma_semaphore, #tpu.memory_space<semaphore_mem>>, %arg25: memref<!tpu.dma_semaphore, #tpu.memory_space<semaphore_mem>>) attributes {dimension_semantics = [#tpu.dimension_semantics<core_parallel>, #tpu.dimension_semantics<subcore_parallel>], iteration_bounds = array<i64: 2, 16>, scalar_prefetch = 0 : i64, scratch_operands = 18 : i64, tpu.core_type = #tpu.core_type<sc_vector_subcore>, window_params = [{transform_indices = #map}, {transform_indices = #map1}, {transform_indices = #map2}, {transform_indices = #map2}, {transform_indices = #map2}, {transform_indices = #map2}]} {
    %mul3A = arith.constant 16 : i32
    %mul3A_0 = arith.muli %arg0, %mul3A : i32
    %add3A = arith.addi %mul3A_0, %arg1 : i32
    "tpu.region"() ({
      %run_scoped3A = tpu.sem_alloc : memref<!tpu.dma_semaphore, #tpu.memory_space<semaphore_mem>>
      tpu.enqueue_dma source(%arg3 : memref<10000xf32, #tpu.memory_space<hbm>>) target(%arg9 : memref<10000xf32, #tpu.memory_space<vmem>>) target_semaphore(%run_scoped3A : memref<!tpu.dma_semaphore, #tpu.memory_space<semaphore_mem>>)
      tpu.wait_dma2 semaphore(%run_scoped3A : memref<!tpu.dma_semaphore, #tpu.memory_space<semaphore_mem>>) src(%arg3 : memref<10000xf32, #tpu.memory_space<hbm>>) dst(%arg9 : memref<10000xf32, #tpu.memory_space<vmem>>)
      tpu.yield
    }) : () -> ()
    %scan3A = arith.constant 0 : i32
    %scan3A_1 = arith.constant 80 : i32
    %scan3A_2 = arith.addi %scan3A, %scan3A_1 : i32
    %scan3A_3 = arith.constant 1 : i32
    scf.for %scan3A_55 = %scan3A to %scan3A_2 step %scan3A_3  : i32 {
      %mul3A_56 = arith.constant 1 : i32
      %mul3A_57 = arith.muli %scan3A_55, %mul3A_56 : i32
      %add3A_58 = arith.constant 0 : i32
      %add3A_59 = arith.addi %add3A_58, %mul3A_57 : i32
      %broadcast_in_dim3A = arith.constant 0.000000e+00 : f32
      %broadcast_in_dim3A_60 = vector.broadcast %broadcast_in_dim3A : f32 to vector<16xf32>
      %swap3A = arith.index_cast %add3A_59 : i32 to index
      %swap3A_61 = arith.constant 0 : index
      %swap3A_62 = tpu.vector_load %arg18[%swap3A, %swap3A_61] {strides = array<i32>} : memref<80x128xf32, #tpu.memory_space<vmem>>, vector<16xf32>,
      tpu.vector_store %arg18[%swap3A, %swap3A_61], %broadcast_in_dim3A_60 {strides = array<i32>} : memref<80x128xf32, #tpu.memory_space<vmem>>, vector<16xf32>,
      %broadcast_in_dim3A_63 = arith.constant 0.000000e+00 : f32
      %broadcast_in_dim3A_64 = vector.broadcast %broadcast_in_dim3A_63 : f32 to vector<16xf32>
      %swap3A_65 = arith.index_cast %add3A_59 : i32 to index
      %swap3A_66 = arith.constant 16 : index
      %swap3A_67 = tpu.vector_load %arg18[%swap3A_65, %swap3A_66] {strides = array<i32>} : memref<80x128xf32, #tpu.memory_space<vmem>>, vector<16xf32>,
      tpu.vector_store %arg18[%swap3A_65, %swap3A_66], %broadcast_in_dim3A_64 {strides = array<i32>} : memref<80x128xf32, #tpu.memory_space<vmem>>, vector<16xf32>,
      %broadcast_in_dim3A_68 = arith.constant 0.000000e+00 : f32
      %broadcast_in_dim3A_69 = vector.broadcast %broadcast_in_dim3A_68 : f32 to vector<16xf32>
      %swap3A_70 = arith.index_cast %add3A_59 : i32 to index
      %swap3A_71 = arith.constant 32 : index
      %swap3A_72 = tpu.vector_load %arg18[%swap3A_70, %swap3A_71] {strides = array<i32>} : memref<80x128xf32, #tpu.memory_space<vmem>>, vector<16xf32>,
      tpu.vector_store %arg18[%swap3A_70, %swap3A_71], %broadcast_in_dim3A_69 {strides = array<i32>} : memref<80x128xf32, #tpu.memory_space<vmem>>, vector<16xf32>,
      %broadcast_in_dim3A_73 = arith.constant 0.000000e+00 : f32
      %broadcast_in_dim3A_74 = vector.broadcast %broadcast_in_dim3A_73 : f32 to vector<16xf32>
      %swap3A_75 = arith.index_cast %add3A_59 : i32 to index
      %swap3A_76 = arith.constant 48 : index
      %swap3A_77 = tpu.vector_load %arg18[%swap3A_75, %swap3A_76] {strides = array<i32>} : memref<80x128xf32, #tpu.memory_space<vmem>>, vector<16xf32>,
      tpu.vector_store %arg18[%swap3A_75, %swap3A_76], %broadcast_in_dim3A_74 {strides = array<i32>} : memref<80x128xf32, #tpu.memory_space<vmem>>, vector<16xf32>,
      %broadcast_in_dim3A_78 = arith.constant 0.000000e+00 : f32
      %broadcast_in_dim3A_79 = vector.broadcast %broadcast_in_dim3A_78 : f32 to vector<16xf32>
      %swap3A_80 = arith.index_cast %add3A_59 : i32 to index
      %swap3A_81 = arith.constant 64 : index
      %swap3A_82 = tpu.vector_load %arg18[%swap3A_80, %swap3A_81] {strides = array<i32>} : memref<80x128xf32, #tpu.memory_space<vmem>>, vector<16xf32>,
      tpu.vector_store %arg18[%swap3A_80, %swap3A_81], %broadcast_in_dim3A_79 {strides = array<i32>} : memref<80x128xf32, #tpu.memory_space<vmem>>, vector<16xf32>,
      %broadcast_in_dim3A_83 = arith.constant 0.000000e+00 : f32
      %broadcast_in_dim3A_84 = vector.broadcast %broadcast_in_dim3A_83 : f32 to vector<16xf32>
      %swap3A_85 = arith.index_cast %add3A_59 : i32 to index
      %swap3A_86 = arith.constant 80 : index
      %swap3A_87 = tpu.vector_load %arg18[%swap3A_85, %swap3A_86] {strides = array<i32>} : memref<80x128xf32, #tpu.memory_space<vmem>>, vector<16xf32>,
      tpu.vector_store %arg18[%swap3A_85, %swap3A_86], %broadcast_in_dim3A_84 {strides = array<i32>} : memref<80x128xf32, #tpu.memory_space<vmem>>, vector<16xf32>,
      %broadcast_in_dim3A_88 = arith.constant 0.000000e+00 : f32
      %broadcast_in_dim3A_89 = vector.broadcast %broadcast_in_dim3A_88 : f32 to vector<16xf32>
      %swap3A_90 = arith.index_cast %add3A_59 : i32 to index
      %swap3A_91 = arith.constant 96 : index
      %swap3A_92 = tpu.vector_load %arg18[%swap3A_90, %swap3A_91] {strides = array<i32>} : memref<80x128xf32, #tpu.memory_space<vmem>>, vector<16xf32>,
      tpu.vector_store %arg18[%swap3A_90, %swap3A_91], %broadcast_in_dim3A_89 {strides = array<i32>} : memref<80x128xf32, #tpu.memory_space<vmem>>, vector<16xf32>,
      %broadcast_in_dim3A_93 = arith.constant 0.000000e+00 : f32
      %broadcast_in_dim3A_94 = vector.broadcast %broadcast_in_dim3A_93 : f32 to vector<16xf32>
      %swap3A_95 = arith.index_cast %add3A_59 : i32 to index
      %swap3A_96 = arith.constant 112 : index
      %swap3A_97 = tpu.vector_load %arg18[%swap3A_95, %swap3A_96] {strides = array<i32>} : memref<80x128xf32, #tpu.memory_space<vmem>>, vector<16xf32>,
      tpu.vector_store %arg18[%swap3A_95, %swap3A_96], %broadcast_in_dim3A_94 {strides = array<i32>} : memref<80x128xf32, #tpu.memory_space<vmem>>, vector<16xf32>,
    }
    %scan3A_4 = arith.constant 80 : i32
    %mul3A_5 = arith.constant 624 : i32
    %mul3A_6 = arith.muli %arg1, %mul3A_5 : i32
    %add3A_7 = arith.constant 0 : i32
    %add3A_8 = arith.addi %mul3A_6, %add3A_7 : i32
    "tpu.region"() ({
      %run_scoped3A = tpu.sem_alloc : memref<!tpu.dma_semaphore, #tpu.memory_space<semaphore_mem>>
      %dma_start3A = arith.constant 0 : i32
      %dma_start3A_55 = tpu.memref_slice %arg8[%add3A_8, %dma_start3A] : memref<10000x128xf32, #tpu.memory_space<vmem_shared>> -> memref<80x128xf32, #tpu.memory_space<vmem_shared>>
      %dma_start3A_56 = arith.constant 0 : i32
      %dma_start3A_57 = tpu.memref_slice %arg8[%add3A_8, %dma_start3A_56] : memref<10000x128xf32, #tpu.memory_space<vmem_shared>> -> memref<80x128xf32, #tpu.memory_space<vmem_shared>>
      tpu.enqueue_dma source(%arg18 : memref<80x128xf32, #tpu.memory_space<vmem>>) target(%dma_start3A_57 : memref<80x128xf32, #tpu.memory_space<vmem_shared>>) target_semaphore(%run_scoped3A : memref<!tpu.dma_semaphore, #tpu.memory_space<semaphore_mem>>)
      %dma_wait3A = arith.constant 0 : i32
      %dma_wait3A_58 = tpu.memref_slice %arg8[%add3A_8, %dma_wait3A] : memref<10000x128xf32, #tpu.memory_space<vmem_shared>> -> memref<80x128xf32, #tpu.memory_space<vmem_shared>>
      %dma_wait3A_59 = arith.constant 0 : i32
      %dma_wait3A_60 = tpu.memref_slice %arg8[%add3A_8, %dma_wait3A_59] : memref<10000x128xf32, #tpu.memory_space<vmem_shared>> -> memref<80x128xf32, #tpu.memory_space<vmem_shared>>
      tpu.wait_dma2 semaphore(%run_scoped3A : memref<!tpu.dma_semaphore, #tpu.memory_space<semaphore_mem>>) src(%arg18 : memref<80x128xf32, #tpu.memory_space<vmem>>) dst(%dma_wait3A_60 : memref<80x128xf32, #tpu.memory_space<vmem_shared>>)
      tpu.yield
    }) : () -> ()
    %mul3A_9 = arith.constant 624 : i32
    %mul3A_10 = arith.muli %arg1, %mul3A_9 : i32
    %add3A_11 = arith.constant 80 : i32
    %add3A_12 = arith.addi %mul3A_10, %add3A_11 : i32
    "tpu.region"() ({
      %run_scoped3A = tpu.sem_alloc : memref<!tpu.dma_semaphore, #tpu.memory_space<semaphore_mem>>
      %dma_start3A = arith.constant 0 : i32
      %dma_start3A_55 = tpu.memref_slice %arg8[%add3A_12, %dma_start3A] : memref<10000x128xf32, #tpu.memory_space<vmem_shared>> -> memref<80x128xf32, #tpu.memory_space<vmem_shared>>
      %dma_start3A_56 = arith.constant 0 : i32
      %dma_start3A_57 = tpu.memref_slice %arg8[%add3A_12, %dma_start3A_56] : memref<10000x128xf32, #tpu.memory_space<vmem_shared>> -> memref<80x128xf32, #tpu.memory_space<vmem_shared>>
      tpu.enqueue_dma source(%arg18 : memref<80x128xf32, #tpu.memory_space<vmem>>) target(%dma_start3A_57 : memref<80x128xf32, #tpu.memory_space<vmem_shared>>) target_semaphore(%run_scoped3A : memref<!tpu.dma_semaphore, #tpu.memory_space<semaphore_mem>>)
      %dma_wait3A = arith.constant 0 : i32
      %dma_wait3A_58 = tpu.memref_slice %arg8[%add3A_12, %dma_wait3A] : memref<10000x128xf32, #tpu.memory_space<vmem_shared>> -> memref<80x128xf32, #tpu.memory_space<vmem_shared>>
      %dma_wait3A_59 = arith.constant 0 : i32
      %dma_wait3A_60 = tpu.memref_slice %arg8[%add3A_12, %dma_wait3A_59] : memref<10000x128xf32, #tpu.memory_space<vmem_shared>> -> memref<80x128xf32, #tpu.memory_space<vmem_shared>>
      tpu.wait_dma2 semaphore(%run_scoped3A : memref<!tpu.dma_semaphore, #tpu.memory_space<semaphore_mem>>) src(%arg18 : memref<80x128xf32, #tpu.memory_space<vmem>>) dst(%dma_wait3A_60 : memref<80x128xf32, #tpu.memory_space<vmem_shared>>)
      tpu.yield
    }) : () -> ()
    %mul3A_13 = arith.constant 624 : i32
    %mul3A_14 = arith.muli %arg1, %mul3A_13 : i32
    %add3A_15 = arith.constant 160 : i32
    %add3A_16 = arith.addi %mul3A_14, %add3A_15 : i32
    "tpu.region"() ({
      %run_scoped3A = tpu.sem_alloc : memref<!tpu.dma_semaphore, #tpu.memory_space<semaphore_mem>>
      %dma_start3A = arith.constant 0 : i32
      %dma_start3A_55 = tpu.memref_slice %arg8[%add3A_16, %dma_start3A] : memref<10000x128xf32, #tpu.memory_space<vmem_shared>> -> memref<80x128xf32, #tpu.memory_space<vmem_shared>>
      %dma_start3A_56 = arith.constant 0 : i32
      %dma_start3A_57 = tpu.memref_slice %arg8[%add3A_16, %dma_start3A_56] : memref<10000x128xf32, #tpu.memory_space<vmem_shared>> -> memref<80x128xf32, #tpu.memory_space<vmem_shared>>
      tpu.enqueue_dma source(%arg18 : memref<80x128xf32, #tpu.memory_space<vmem>>) target(%dma_start3A_57 : memref<80x128xf32, #tpu.memory_space<vmem_shared>>) target_semaphore(%run_scoped3A : memref<!tpu.dma_semaphore, #tpu.memory_space<semaphore_mem>>)
      %dma_wait3A = arith.constant 0 : i32
      %dma_wait3A_58 = tpu.memref_slice %arg8[%add3A_16, %dma_wait3A] : memref<10000x128xf32, #tpu.memory_space<vmem_shared>> -> memref<80x128xf32, #tpu.memory_space<vmem_shared>>
      %dma_wait3A_59 = arith.constant 0 : i32
      %dma_wait3A_60 = tpu.memref_slice %arg8[%add3A_16, %dma_wait3A_59] : memref<10000x128xf32, #tpu.memory_space<vmem_shared>> -> memref<80x128xf32, #tpu.memory_space<vmem_shared>>
      tpu.wait_dma2 semaphore(%run_scoped3A : memref<!tpu.dma_semaphore, #tpu.memory_space<semaphore_mem>>) src(%arg18 : memref<80x128xf32, #tpu.memory_space<vmem>>) dst(%dma_wait3A_60 : memref<80x128xf32, #tpu.memory_space<vmem_shared>>)
      tpu.yield
    }) : () -> ()
    %mul3A_17 = arith.constant 624 : i32
    %mul3A_18 = arith.muli %arg1, %mul3A_17 : i32
    %add3A_19 = arith.constant 240 : i32
    %add3A_20 = arith.addi %mul3A_18, %add3A_19 : i32
    "tpu.region"() ({
      %run_scoped3A = tpu.sem_alloc : memref<!tpu.dma_semaphore, #tpu.memory_space<semaphore_mem>>
      %dma_start3A = arith.constant 0 : i32
      %dma_start3A_55 = tpu.memref_slice %arg8[%add3A_20, %dma_start3A] : memref<10000x128xf32, #tpu.memory_space<vmem_shared>> -> memref<80x128xf32, #tpu.memory_space<vmem_shared>>
      %dma_start3A_56 = arith.constant 0 : i32
      %dma_start3A_57 = tpu.memref_slice %arg8[%add3A_20, %dma_start3A_56] : memref<10000x128xf32, #tpu.memory_space<vmem_shared>> -> memref<80x128xf32, #tpu.memory_space<vmem_shared>>
      tpu.enqueue_dma source(%arg18 : memref<80x128xf32, #tpu.memory_space<vmem>>) target(%dma_start3A_57 : memref<80x128xf32, #tpu.memory_space<vmem_shared>>) target_semaphore(%run_scoped3A : memref<!tpu.dma_semaphore, #tpu.memory_space<semaphore_mem>>)
      %dma_wait3A = arith.constant 0 : i32
      %dma_wait3A_58 = tpu.memref_slice %arg8[%add3A_20, %dma_wait3A] : memref<10000x128xf32, #tpu.memory_space<vmem_shared>> -> memref<80x128xf32, #tpu.memory_space<vmem_shared>>
      %dma_wait3A_59 = arith.constant 0 : i32
      %dma_wait3A_60 = tpu.memref_slice %arg8[%add3A_20, %dma_wait3A_59] : memref<10000x128xf32, #tpu.memory_space<vmem_shared>> -> memref<80x128xf32, #tpu.memory_space<vmem_shared>>
      tpu.wait_dma2 semaphore(%run_scoped3A : memref<!tpu.dma_semaphore, #tpu.memory_space<semaphore_mem>>) src(%arg18 : memref<80x128xf32, #tpu.memory_space<vmem>>) dst(%dma_wait3A_60 : memref<80x128xf32, #tpu.memory_space<vmem_shared>>)
      tpu.yield
    }) : () -> ()
    %mul3A_21 = arith.constant 624 : i32
    %mul3A_22 = arith.muli %arg1, %mul3A_21 : i32
    %add3A_23 = arith.constant 320 : i32
    %add3A_24 = arith.addi %mul3A_22, %add3A_23 : i32
    "tpu.region"() ({
      %run_scoped3A = tpu.sem_alloc : memref<!tpu.dma_semaphore, #tpu.memory_space<semaphore_mem>>
      %dma_start3A = arith.constant 0 : i32
      %dma_start3A_55 = tpu.memref_slice %arg8[%add3A_24, %dma_start3A] : memref<10000x128xf32, #tpu.memory_space<vmem_shared>> -> memref<80x128xf32, #tpu.memory_space<vmem_shared>>
      %dma_start3A_56 = arith.constant 0 : i32
      %dma_start3A_57 = tpu.memref_slice %arg8[%add3A_24, %dma_start3A_56] : memref<10000x128xf32, #tpu.memory_space<vmem_shared>> -> memref<80x128xf32, #tpu.memory_space<vmem_shared>>
      tpu.enqueue_dma source(%arg18 : memref<80x128xf32, #tpu.memory_space<vmem>>) target(%dma_start3A_57 : memref<80x128xf32, #tpu.memory_space<vmem_shared>>) target_semaphore(%run_scoped3A : memref<!tpu.dma_semaphore, #tpu.memory_space<semaphore_mem>>)
      %dma_wait3A = arith.constant 0 : i32
      %dma_wait3A_58 = tpu.memref_slice %arg8[%add3A_24, %dma_wait3A] : memref<10000x128xf32, #tpu.memory_space<vmem_shared>> -> memref<80x128xf32, #tpu.memory_space<vmem_shared>>
      %dma_wait3A_59 = arith.constant 0 : i32
      %dma_wait3A_60 = tpu.memref_slice %arg8[%add3A_24, %dma_wait3A_59] : memref<10000x128xf32, #tpu.memory_space<vmem_shared>> -> memref<80x128xf32, #tpu.memory_space<vmem_shared>>
      tpu.wait_dma2 semaphore(%run_scoped3A : memref<!tpu.dma_semaphore, #tpu.memory_space<semaphore_mem>>) src(%arg18 : memref<80x128xf32, #tpu.memory_space<vmem>>) dst(%dma_wait3A_60 : memref<80x128xf32, #tpu.memory_space<vmem_shared>>)
      tpu.yield
    }) : () -> ()
    %mul3A_25 = arith.constant 624 : i32
    %mul3A_26 = arith.muli %arg1, %mul3A_25 : i32
    %add3A_27 = arith.constant 400 : i32
    %add3A_28 = arith.addi %mul3A_26, %add3A_27 : i32
    "tpu.region"() ({
      %run_scoped3A = tpu.sem_alloc : memref<!tpu.dma_semaphore, #tpu.memory_space<semaphore_mem>>
      %dma_start3A = arith.constant 0 : i32
      %dma_start3A_55 = tpu.memref_slice %arg8[%add3A_28, %dma_start3A] : memref<10000x128xf32, #tpu.memory_space<vmem_shared>> -> memref<80x128xf32, #tpu.memory_space<vmem_shared>>
      %dma_start3A_56 = arith.constant 0 : i32
      %dma_start3A_57 = tpu.memref_slice %arg8[%add3A_28, %dma_start3A_56] : memref<10000x128xf32, #tpu.memory_space<vmem_shared>> -> memref<80x128xf32, #tpu.memory_space<vmem_shared>>
      tpu.enqueue_dma source(%arg18 : memref<80x128xf32, #tpu.memory_space<vmem>>) target(%dma_start3A_57 : memref<80x128xf32, #tpu.memory_space<vmem_shared>>) target_semaphore(%run_scoped3A : memref<!tpu.dma_semaphore, #tpu.memory_space<semaphore_mem>>)
      %dma_wait3A = arith.constant 0 : i32
      %dma_wait3A_58 = tpu.memref_slice %arg8[%add3A_28, %dma_wait3A] : memref<10000x128xf32, #tpu.memory_space<vmem_shared>> -> memref<80x128xf32, #tpu.memory_space<vmem_shared>>
      %dma_wait3A_59 = arith.constant 0 : i32
      %dma_wait3A_60 = tpu.memref_slice %arg8[%add3A_28, %dma_wait3A_59] : memref<10000x128xf32, #tpu.memory_space<vmem_shared>> -> memref<80x128xf32, #tpu.memory_space<vmem_shared>>
      tpu.wait_dma2 semaphore(%run_scoped3A : memref<!tpu.dma_semaphore, #tpu.memory_space<semaphore_mem>>) src(%arg18 : memref<80x128xf32, #tpu.memory_space<vmem>>) dst(%dma_wait3A_60 : memref<80x128xf32, #tpu.memory_space<vmem_shared>>)
      tpu.yield
    }) : () -> ()
    %mul3A_29 = arith.constant 624 : i32
    %mul3A_30 = arith.muli %arg1, %mul3A_29 : i32
    %add3A_31 = arith.constant 480 : i32
    %add3A_32 = arith.addi %mul3A_30, %add3A_31 : i32
    "tpu.region"() ({
      %run_scoped3A = tpu.sem_alloc : memref<!tpu.dma_semaphore, #tpu.memory_space<semaphore_mem>>
      %dma_start3A = arith.constant 0 : i32
      %dma_start3A_55 = tpu.memref_slice %arg8[%add3A_32, %dma_start3A] : memref<10000x128xf32, #tpu.memory_space<vmem_shared>> -> memref<80x128xf32, #tpu.memory_space<vmem_shared>>
      %dma_start3A_56 = arith.constant 0 : i32
      %dma_start3A_57 = tpu.memref_slice %arg8[%add3A_32, %dma_start3A_56] : memref<10000x128xf32, #tpu.memory_space<vmem_shared>> -> memref<80x128xf32, #tpu.memory_space<vmem_shared>>
      tpu.enqueue_dma source(%arg18 : memref<80x128xf32, #tpu.memory_space<vmem>>) target(%dma_start3A_57 : memref<80x128xf32, #tpu.memory_space<vmem_shared>>) target_semaphore(%run_scoped3A : memref<!tpu.dma_semaphore, #tpu.memory_space<semaphore_mem>>)
      %dma_wait3A = arith.constant 0 : i32
      %dma_wait3A_58 = tpu.memref_slice %arg8[%add3A_32, %dma_wait3A] : memref<10000x128xf32, #tpu.memory_space<vmem_shared>> -> memref<80x128xf32, #tpu.memory_space<vmem_shared>>
      %dma_wait3A_59 = arith.constant 0 : i32
      %dma_wait3A_60 = tpu.memref_slice %arg8[%add3A_32, %dma_wait3A_59] : memref<10000x128xf32, #tpu.memory_space<vmem_shared>> -> memref<80x128xf32, #tpu.memory_space<vmem_shared>>
      tpu.wait_dma2 semaphore(%run_scoped3A : memref<!tpu.dma_semaphore, #tpu.memory_space<semaphore_mem>>) src(%arg18 : memref<80x128xf32, #tpu.memory_space<vmem>>) dst(%dma_wait3A_60 : memref<80x128xf32, #tpu.memory_space<vmem_shared>>)
      tpu.yield
    }) : () -> ()
    %mul3A_33 = arith.constant 624 : i32
    %mul3A_34 = arith.muli %arg1, %mul3A_33 : i32
    %add3A_35 = arith.constant 624 : i32
    %add3A_36 = arith.addi %mul3A_34, %add3A_35 : i32
    %sub3A = arith.constant 64 : i32
    %sub3A_37 = arith.subi %add3A_36, %sub3A : i32
    "tpu.region"() ({
      %run_scoped3A = tpu.sem_alloc : memref<!tpu.dma_semaphore, #tpu.memory_space<semaphore_mem>>
      %dma_start3A = arith.constant 0 : i32
      %dma_start3A_55 = arith.constant 0 : i32
      %dma_start3A_56 = tpu.memref_slice %arg18[%dma_start3A, %dma_start3A_55] : memref<80x128xf32, #tpu.memory_space<vmem>> -> memref<64x128xf32, #tpu.memory_space<vmem>>
      %dma_start3A_57 = arith.constant 0 : i32
      %dma_start3A_58 = tpu.memref_slice %arg8[%sub3A_37, %dma_start3A_57] : memref<10000x128xf32, #tpu.memory_space<vmem_shared>> -> memref<64x128xf32, #tpu.memory_space<vmem_shared>>
      %dma_start3A_59 = arith.constant 0 : i32
      %dma_start3A_60 = tpu.memref_slice %arg8[%sub3A_37, %dma_start3A_59] : memref<10000x128xf32, #tpu.memory_space<vmem_shared>> -> memref<64x128xf32, #tpu.memory_space<vmem_shared>>
      %dma_start3A_61 = arith.constant 0 : i32
      %dma_start3A_62 = arith.constant 0 : i32
      %dma_start3A_63 = tpu.memref_slice %arg18[%dma_start3A_61, %dma_start3A_62] : memref<80x128xf32, #tpu.memory_space<vmem>> -> memref<64x128xf32, #tpu.memory_space<vmem>>
      tpu.enqueue_dma source(%dma_start3A_63 : memref<64x128xf32, #tpu.memory_space<vmem>>) target(%dma_start3A_60 : memref<64x128xf32, #tpu.memory_space<vmem_shared>>) target_semaphore(%run_scoped3A : memref<!tpu.dma_semaphore, #tpu.memory_space<semaphore_mem>>)
      %dma_wait3A = arith.constant 0 : i32
      %dma_wait3A_64 = arith.constant 0 : i32
      %dma_wait3A_65 = tpu.memref_slice %arg18[%dma_wait3A, %dma_wait3A_64] : memref<80x128xf32, #tpu.memory_space<vmem>> -> memref<64x128xf32, #tpu.memory_space<vmem>>
      %dma_wait3A_66 = arith.constant 0 : i32
      %dma_wait3A_67 = tpu.memref_slice %arg8[%sub3A_37, %dma_wait3A_66] : memref<10000x128xf32, #tpu.memory_space<vmem_shared>> -> memref<64x128xf32, #tpu.memory_space<vmem_shared>>
      %dma_wait3A_68 = arith.constant 0 : i32
      %dma_wait3A_69 = tpu.memref_slice %arg8[%sub3A_37, %dma_wait3A_68] : memref<10000x128xf32, #tpu.memory_space<vmem_shared>> -> memref<64x128xf32, #tpu.memory_space<vmem_shared>>
      %dma_wait3A_70 = arith.constant 0 : i32
      %dma_wait3A_71 = arith.constant 0 : i32
      %dma_wait3A_72 = tpu.memref_slice %arg18[%dma_wait3A_70, %dma_wait3A_71] : memref<80x128xf32, #tpu.memory_space<vmem>> -> memref<64x128xf32, #tpu.memory_space<vmem>>
      tpu.wait_dma2 semaphore(%run_scoped3A : memref<!tpu.dma_semaphore, #tpu.memory_space<semaphore_mem>>) src(%dma_wait3A_72 : memref<64x128xf32, #tpu.memory_space<vmem>>) dst(%dma_wait3A_69 : memref<64x128xf32, #tpu.memory_space<vmem_shared>>)
      tpu.yield
    }) : () -> ()
    %eq3A = arith.constant 15 : i32
    %eq3A_38 = arith.cmpi eq, %arg1, %eq3A : i32
    %convert_element_type3A = arith.extui %eq3A_38 : i1 to i32
    %cond3A = arith.constant 0 : i32
    %cond3A_39 = arith.cmpi ne, %convert_element_type3A, %cond3A : i32
    scf.if %cond3A_39 {
      "tpu.region"() ({
        %run_scoped3A = tpu.sem_alloc : memref<!tpu.dma_semaphore, #tpu.memory_space<semaphore_mem>>
        %dma_start3A = arith.constant 0 : i32
        %dma_start3A_55 = arith.constant 0 : i32
        %dma_start3A_56 = tpu.memref_slice %arg18[%dma_start3A, %dma_start3A_55] : memref<80x128xf32, #tpu.memory_space<vmem>> -> memref<16x128xf32, #tpu.memory_space<vmem>>
        %dma_start3A_57 = arith.constant 9984 : i32
        %dma_start3A_58 = arith.constant 0 : i32
        %dma_start3A_59 = tpu.memref_slice %arg8[%dma_start3A_57, %dma_start3A_58] : memref<10000x128xf32, #tpu.memory_space<vmem_shared>> -> memref<16x128xf32, #tpu.memory_space<vmem_shared>>
        %dma_start3A_60 = arith.constant 9984 : i32
        %dma_start3A_61 = arith.constant 0 : i32
        %dma_start3A_62 = tpu.memref_slice %arg8[%dma_start3A_60, %dma_start3A_61] : memref<10000x128xf32, #tpu.memory_space<vmem_shared>> -> memref<16x128xf32, #tpu.memory_space<vmem_shared>>
        %dma_start3A_63 = arith.constant 0 : i32
        %dma_start3A_64 = arith.constant 0 : i32
        %dma_start3A_65 = tpu.memref_slice %arg18[%dma_start3A_63, %dma_start3A_64] : memref<80x128xf32, #tpu.memory_space<vmem>> -> memref<16x128xf32, #tpu.memory_space<vmem>>
        tpu.enqueue_dma source(%dma_start3A_65 : memref<16x128xf32, #tpu.memory_space<vmem>>) target(%dma_start3A_62 : memref<16x128xf32, #tpu.memory_space<vmem_shared>>) target_semaphore(%run_scoped3A : memref<!tpu.dma_semaphore, #tpu.memory_space<semaphore_mem>>)
        %dma_wait3A = arith.constant 0 : i32
        %dma_wait3A_66 = arith.constant 0 : i32
        %dma_wait3A_67 = tpu.memref_slice %arg18[%dma_wait3A, %dma_wait3A_66] : memref<80x128xf32, #tpu.memory_space<vmem>> -> memref<16x128xf32, #tpu.memory_space<vmem>>
        %dma_wait3A_68 = arith.constant 9984 : i32
        %dma_wait3A_69 = arith.constant 0 : i32
        %dma_wait3A_70 = tpu.memref_slice %arg8[%dma_wait3A_68, %dma_wait3A_69] : memref<10000x128xf32, #tpu.memory_space<vmem_shared>> -> memref<16x128xf32, #tpu.memory_space<vmem_shared>>
        %dma_wait3A_71 = arith.constant 9984 : i32
        %dma_wait3A_72 = arith.constant 0 : i32
        %dma_wait3A_73 = tpu.memref_slice %arg8[%dma_wait3A_71, %dma_wait3A_72] : memref<10000x128xf32, #tpu.memory_space<vmem_shared>> -> memref<16x128xf32, #tpu.memory_space<vmem_shared>>
        %dma_wait3A_74 = arith.constant 0 : i32
        %dma_wait3A_75 = arith.constant 0 : i32
        %dma_wait3A_76 = tpu.memref_slice %arg18[%dma_wait3A_74, %dma_wait3A_75] : memref<80x128xf32, #tpu.memory_space<vmem>> -> memref<16x128xf32, #tpu.memory_space<vmem>>
        tpu.wait_dma2 semaphore(%run_scoped3A : memref<!tpu.dma_semaphore, #tpu.memory_space<semaphore_mem>>) src(%dma_wait3A_76 : memref<16x128xf32, #tpu.memory_space<vmem>>) dst(%dma_wait3A_73 : memref<16x128xf32, #tpu.memory_space<vmem_shared>>)
        tpu.yield
      }) : () -> ()
    } else {
    }
    %barrier3A = arith.constant 0 : index
    tpu.barrier barrier_id(%barrier3A)
    %scan3A_40 = arith.constant 0 : i32
    %scan3A_41 = arith.constant 62 : i32
    %scan3A_42 = arith.addi %scan3A_40, %scan3A_41 : i32
    %scan3A_43 = arith.constant 1 : i32
    scf.for %scan3A_55 = %scan3A_40 to %scan3A_42 step %scan3A_43  : i32 {
      %mul3A_56 = arith.constant 1 : i32
      %mul3A_57 = arith.muli %scan3A_55, %mul3A_56 : i32
      %add3A_58 = arith.constant 0 : i32
      %add3A_59 = arith.addi %add3A_58, %mul3A_57 : i32
      %gt3A = arith.constant 0 : i32
      %gt3A_60 = arith.cmpi sgt, %add3A_59, %gt3A : i32
      %convert_element_type3A_61 = arith.extui %gt3A_60 : i1 to i32
      %cond3A_62 = arith.constant 0 : i32
      %cond3A_63 = arith.cmpi ne, %convert_element_type3A_61, %cond3A_62 : i32
      scf.if %cond3A_63 {
        %dma_wait3A_287 = arith.constant 0 : i32
        %dma_wait3A_288 = arith.constant 0 : i32
        %dma_wait3A_289 = tpu.memref_slice %arg8[%dma_wait3A_287, %dma_wait3A_288] : memref<10000x128xf32, #tpu.memory_space<vmem_shared>> -> memref<10000x128xf32, #tpu.memory_space<vmem_shared>>
        tpu.wait_indirect_dma semaphore(%arg21 : memref<!tpu.dma_semaphore, #tpu.memory_space<semaphore_mem>>) src(%arg16 : memref<80x128xf32, #tpu.memory_space<vmem>>) dst(%dma_wait3A_289 : memref<10000x128xf32, #tpu.memory_space<vmem_shared>>)
      } else {
      }
      %mul3A_64 = arith.constant 2 : i32
      %mul3A_65 = arith.muli %mul3A_64, %add3A_59 : i32
      %dma_start3A = arith.constant 0 : i32
      %dma_start3A_66 = tpu.memref_slice %arg4[%add3A, %mul3A_65, %dma_start3A] : memref<32x125x80xi32, #tpu.memory_space<hbm>> -> memref<1x1x80xi32, #tpu.memory_space<hbm>>
      %dma_start3A_67 = tpu.memref_squeeze %dma_start3A_66 : memref<1x1x80xi32, #tpu.memory_space<hbm>> -> memref<80xi32, #tpu.memory_space<hbm>>
      %dma_start3A_68 = arith.constant 0 : i32
      %dma_start3A_69 = tpu.memref_slice %arg4[%add3A, %mul3A_65, %dma_start3A_68] : memref<32x125x80xi32, #tpu.memory_space<hbm>> -> memref<1x1x80xi32, #tpu.memory_space<hbm>>
      %dma_start3A_70 = tpu.memref_squeeze %dma_start3A_69 : memref<1x1x80xi32, #tpu.memory_space<hbm>> -> memref<80xi32, #tpu.memory_space<hbm>>
      tpu.enqueue_dma source(%dma_start3A_70 : memref<80xi32, #tpu.memory_space<hbm>>) target(%arg10 : memref<80xi32, #tpu.memory_space<vmem>>) target_semaphore(%arg23 : memref<!tpu.dma_semaphore, #tpu.memory_space<semaphore_mem>>)
      %dma_start3A_71 = arith.constant 0 : i32
      %dma_start3A_72 = tpu.memref_slice %arg5[%add3A, %mul3A_65, %dma_start3A_71] : memref<32x125x80xi32, #tpu.memory_space<hbm>> -> memref<1x1x80xi32, #tpu.memory_space<hbm>>
      %dma_start3A_73 = tpu.memref_squeeze %dma_start3A_72 : memref<1x1x80xi32, #tpu.memory_space<hbm>> -> memref<80xi32, #tpu.memory_space<hbm>>
      %dma_start3A_74 = arith.constant 0 : i32
      %dma_start3A_75 = tpu.memref_slice %arg5[%add3A, %mul3A_65, %dma_start3A_74] : memref<32x125x80xi32, #tpu.memory_space<hbm>> -> memref<1x1x80xi32, #tpu.memory_space<hbm>>
      %dma_start3A_76 = tpu.memref_squeeze %dma_start3A_75 : memref<1x1x80xi32, #tpu.memory_space<hbm>> -> memref<80xi32, #tpu.memory_space<hbm>>
      tpu.enqueue_dma source(%dma_start3A_76 : memref<80xi32, #tpu.memory_space<hbm>>) target(%arg11 : memref<80xi32, #tpu.memory_space<vmem>>) target_semaphore(%arg24 : memref<!tpu.dma_semaphore, #tpu.memory_space<semaphore_mem>>)
      %dma_start3A_77 = arith.constant 0 : i32
      %dma_start3A_78 = tpu.memref_slice %arg6[%add3A, %mul3A_65, %dma_start3A_77] : memref<32x125x80xf32, #tpu.memory_space<hbm>> -> memref<1x1x80xf32, #tpu.memory_space<hbm>>
      %dma_start3A_79 = tpu.memref_squeeze %dma_start3A_78 : memref<1x1x80xf32, #tpu.memory_space<hbm>> -> memref<80xf32, #tpu.memory_space<hbm>>
      %dma_start3A_80 = arith.constant 0 : i32
      %dma_start3A_81 = tpu.memref_slice %arg6[%add3A, %mul3A_65, %dma_start3A_80] : memref<32x125x80xf32, #tpu.memory_space<hbm>> -> memref<1x1x80xf32, #tpu.memory_space<hbm>>
      %dma_start3A_82 = tpu.memref_squeeze %dma_start3A_81 : memref<1x1x80xf32, #tpu.memory_space<hbm>> -> memref<80xf32, #tpu.memory_space<hbm>>
      tpu.enqueue_dma source(%dma_start3A_82 : memref<80xf32, #tpu.memory_space<hbm>>) target(%arg13 : memref<80xf32, #tpu.memory_space<vmem>>) target_semaphore(%arg25 : memref<!tpu.dma_semaphore, #tpu.memory_space<semaphore_mem>>)
      %dma_wait3A = arith.constant 0 : i32
      %dma_wait3A_83 = tpu.memref_slice %arg4[%add3A, %mul3A_65, %dma_wait3A] : memref<32x125x80xi32, #tpu.memory_space<hbm>> -> memref<1x1x80xi32, #tpu.memory_space<hbm>>
      %dma_wait3A_84 = tpu.memref_squeeze %dma_wait3A_83 : memref<1x1x80xi32, #tpu.memory_space<hbm>> -> memref<80xi32, #tpu.memory_space<hbm>>
      %dma_wait3A_85 = arith.constant 0 : i32
      %dma_wait3A_86 = tpu.memref_slice %arg4[%add3A, %mul3A_65, %dma_wait3A_85] : memref<32x125x80xi32, #tpu.memory_space<hbm>> -> memref<1x1x80xi32, #tpu.memory_space<hbm>>
      %dma_wait3A_87 = tpu.memref_squeeze %dma_wait3A_86 : memref<1x1x80xi32, #tpu.memory_space<hbm>> -> memref<80xi32, #tpu.memory_space<hbm>>
      tpu.wait_dma2 semaphore(%arg23 : memref<!tpu.dma_semaphore, #tpu.memory_space<semaphore_mem>>) src(%dma_wait3A_87 : memref<80xi32, #tpu.memory_space<hbm>>) dst(%arg10 : memref<80xi32, #tpu.memory_space<vmem>>)
      %dma_wait3A_88 = arith.constant 0 : i32
      %dma_wait3A_89 = tpu.memref_slice %arg5[%add3A, %mul3A_65, %dma_wait3A_88] : memref<32x125x80xi32, #tpu.memory_space<hbm>> -> memref<1x1x80xi32, #tpu.memory_space<hbm>>
      %dma_wait3A_90 = tpu.memref_squeeze %dma_wait3A_89 : memref<1x1x80xi32, #tpu.memory_space<hbm>> -> memref<80xi32, #tpu.memory_space<hbm>>
      %dma_wait3A_91 = arith.constant 0 : i32
      %dma_wait3A_92 = tpu.memref_slice %arg5[%add3A, %mul3A_65, %dma_wait3A_91] : memref<32x125x80xi32, #tpu.memory_space<hbm>> -> memref<1x1x80xi32, #tpu.memory_space<hbm>>
      %dma_wait3A_93 = tpu.memref_squeeze %dma_wait3A_92 : memref<1x1x80xi32, #tpu.memory_space<hbm>> -> memref<80xi32, #tpu.memory_space<hbm>>
      tpu.wait_dma2 semaphore(%arg24 : memref<!tpu.dma_semaphore, #tpu.memory_space<semaphore_mem>>) src(%dma_wait3A_93 : memref<80xi32, #tpu.memory_space<hbm>>) dst(%arg11 : memref<80xi32, #tpu.memory_space<vmem>>)
      %dma_start3A_94 = arith.constant 0 : i32
      %dma_start3A_95 = arith.constant 0 : i32
      %dma_start3A_96 = tpu.memref_slice %arg2[%dma_start3A_94, %dma_start3A_95] : memref<10000x128xf32, #tpu.memory_space<hbm>> -> memref<10000x128xf32, #tpu.memory_space<hbm>>
      tpu.enqueue_indirect_dma source(%dma_start3A_96 : memref<10000x128xf32, #tpu.memory_space<hbm>>) target(%arg16 : memref<80x128xf32, #tpu.memory_space<vmem>>) offsets(%arg10 : memref<80xi32, #tpu.memory_space<vmem>>) semaphore(%arg19 : memref<!tpu.dma_semaphore, #tpu.memory_space<semaphore_mem>>)
      %dma_start3A_97 = arith.constant 0 : i32
      %dma_start3A_98 = arith.constant 0 : i32
      %dma_start3A_99 = tpu.memref_slice %arg2[%dma_start3A_97, %dma_start3A_98] : memref<10000x128xf32, #tpu.memory_space<hbm>> -> memref<10000x128xf32, #tpu.memory_space<hbm>>
      tpu.enqueue_indirect_dma source(%dma_start3A_99 : memref<10000x128xf32, #tpu.memory_space<hbm>>) target(%arg17 : memref<80x128xf32, #tpu.memory_space<vmem>>) offsets(%arg11 : memref<80xi32, #tpu.memory_space<vmem>>) semaphore(%arg20 : memref<!tpu.dma_semaphore, #tpu.memory_space<semaphore_mem>>)
      %dma_wait3A_100 = arith.constant 0 : i32
      %dma_wait3A_101 = tpu.memref_slice %arg6[%add3A, %mul3A_65, %dma_wait3A_100] : memref<32x125x80xf32, #tpu.memory_space<hbm>> -> memref<1x1x80xf32, #tpu.memory_space<hbm>>
      %dma_wait3A_102 = tpu.memref_squeeze %dma_wait3A_101 : memref<1x1x80xf32, #tpu.memory_space<hbm>> -> memref<80xf32, #tpu.memory_space<hbm>>
      %dma_wait3A_103 = arith.constant 0 : i32
      %dma_wait3A_104 = tpu.memref_slice %arg6[%add3A, %mul3A_65, %dma_wait3A_103] : memref<32x125x80xf32, #tpu.memory_space<hbm>> -> memref<1x1x80xf32, #tpu.memory_space<hbm>>
      %dma_wait3A_105 = tpu.memref_squeeze %dma_wait3A_104 : memref<1x1x80xf32, #tpu.memory_space<hbm>> -> memref<80xf32, #tpu.memory_space<hbm>>
      tpu.wait_dma2 semaphore(%arg25 : memref<!tpu.dma_semaphore, #tpu.memory_space<semaphore_mem>>) src(%dma_wait3A_105 : memref<80xf32, #tpu.memory_space<hbm>>) dst(%arg13 : memref<80xf32, #tpu.memory_space<vmem>>)
      %get3A = arith.constant 0 : index
      %get3A_106 = tpu.vector_load %arg10[%get3A] {strides = array<i32>} : memref<80xi32, #tpu.memory_space<vmem>>, vector<16xi32>,
      %get3A_107 = arith.constant 0 : index
      %get3A_108 = tpu.vector_load %arg11[%get3A_107] {strides = array<i32>} : memref<80xi32, #tpu.memory_space<vmem>>, vector<16xi32>,
      %gather3A = tpu.vector_load_idx %arg9[%get3A_106] : memref<10000xf32, #tpu.memory_space<vmem>>[vector<16xi32>], vector<16xf32>,
      %swap3A = arith.constant 0 : index
      %swap3A_109 = tpu.vector_load %arg14[%swap3A] {strides = array<i32>} : memref<80xf32, #tpu.memory_space<vmem>>, vector<16xf32>,
      tpu.vector_store %arg14[%swap3A], %gather3A {strides = array<i32>} : memref<80xf32, #tpu.memory_space<vmem>>, vector<16xf32>,
      %gather3A_110 = tpu.vector_load_idx %arg9[%get3A_108] : memref<10000xf32, #tpu.memory_space<vmem>>[vector<16xi32>], vector<16xf32>,
      %swap3A_111 = arith.constant 0 : index
      %swap3A_112 = tpu.vector_load %arg15[%swap3A_111] {strides = array<i32>} : memref<80xf32, #tpu.memory_space<vmem>>, vector<16xf32>,
      tpu.vector_store %arg15[%swap3A_111], %gather3A_110 {strides = array<i32>} : memref<80xf32, #tpu.memory_space<vmem>>, vector<16xf32>,
      %get3A_113 = arith.constant 16 : index
      %get3A_114 = tpu.vector_load %arg10[%get3A_113] {strides = array<i32>} : memref<80xi32, #tpu.memory_space<vmem>>, vector<16xi32>,
      %get3A_115 = arith.constant 16 : index
      %get3A_116 = tpu.vector_load %arg11[%get3A_115] {strides = array<i32>} : memref<80xi32, #tpu.memory_space<vmem>>, vector<16xi32>,
      %gather3A_117 = tpu.vector_load_idx %arg9[%get3A_114] : memref<10000xf32, #tpu.memory_space<vmem>>[vector<16xi32>], vector<16xf32>,
      %swap3A_118 = arith.constant 16 : index
      %swap3A_119 = tpu.vector_load %arg14[%swap3A_118] {strides = array<i32>} : memref<80xf32, #tpu.memory_space<vmem>>, vector<16xf32>,
      tpu.vector_store %arg14[%swap3A_118], %gather3A_117 {strides = array<i32>} : memref<80xf32, #tpu.memory_space<vmem>>, vector<16xf32>,
      %gather3A_120 = tpu.vector_load_idx %arg9[%get3A_116] : memref<10000xf32, #tpu.memory_space<vmem>>[vector<16xi32>], vector<16xf32>,
      %swap3A_121 = arith.constant 16 : index
      %swap3A_122 = tpu.vector_load %arg15[%swap3A_121] {strides = array<i32>} : memref<80xf32, #tpu.memory_space<vmem>>, vector<16xf32>,
      tpu.vector_store %arg15[%swap3A_121], %gather3A_120 {strides = array<i32>} : memref<80xf32, #tpu.memory_space<vmem>>, vector<16xf32>,
      %get3A_123 = arith.constant 32 : index
      %get3A_124 = tpu.vector_load %arg10[%get3A_123] {strides = array<i32>} : memref<80xi32, #tpu.memory_space<vmem>>, vector<16xi32>,
      %get3A_125 = arith.constant 32 : index
      %get3A_126 = tpu.vector_load %arg11[%get3A_125] {strides = array<i32>} : memref<80xi32, #tpu.memory_space<vmem>>, vector<16xi32>,
      %gather3A_127 = tpu.vector_load_idx %arg9[%get3A_124] : memref<10000xf32, #tpu.memory_space<vmem>>[vector<16xi32>], vector<16xf32>,
      %swap3A_128 = arith.constant 32 : index
      %swap3A_129 = tpu.vector_load %arg14[%swap3A_128] {strides = array<i32>} : memref<80xf32, #tpu.memory_space<vmem>>, vector<16xf32>,
      tpu.vector_store %arg14[%swap3A_128], %gather3A_127 {strides = array<i32>} : memref<80xf32, #tpu.memory_space<vmem>>, vector<16xf32>,
      %gather3A_130 = tpu.vector_load_idx %arg9[%get3A_126] : memref<10000xf32, #tpu.memory_space<vmem>>[vector<16xi32>], vector<16xf32>,
      %swap3A_131 = arith.constant 32 : index
      %swap3A_132 = tpu.vector_load %arg15[%swap3A_131] {strides = array<i32>} : memref<80xf32, #tpu.memory_space<vmem>>, vector<16xf32>,
      tpu.vector_store %arg15[%swap3A_131], %gather3A_130 {strides = array<i32>} : memref<80xf32, #tpu.memory_space<vmem>>, vector<16xf32>,
      %get3A_133 = arith.constant 48 : index
      %get3A_134 = tpu.vector_load %arg10[%get3A_133] {strides = array<i32>} : memref<80xi32, #tpu.memory_space<vmem>>, vector<16xi32>,
      %get3A_135 = arith.constant 48 : index
      %get3A_136 = tpu.vector_load %arg11[%get3A_135] {strides = array<i32>} : memref<80xi32, #tpu.memory_space<vmem>>, vector<16xi32>,
      %gather3A_137 = tpu.vector_load_idx %arg9[%get3A_134] : memref<10000xf32, #tpu.memory_space<vmem>>[vector<16xi32>], vector<16xf32>,
      %swap3A_138 = arith.constant 48 : index
      %swap3A_139 = tpu.vector_load %arg14[%swap3A_138] {strides = array<i32>} : memref<80xf32, #tpu.memory_space<vmem>>, vector<16xf32>,
      tpu.vector_store %arg14[%swap3A_138], %gather3A_137 {strides = array<i32>} : memref<80xf32, #tpu.memory_space<vmem>>, vector<16xf32>,
      %gather3A_140 = tpu.vector_load_idx %arg9[%get3A_136] : memref<10000xf32, #tpu.memory_space<vmem>>[vector<16xi32>], vector<16xf32>,
      %swap3A_141 = arith.constant 48 : index
      %swap3A_142 = tpu.vector_load %arg15[%swap3A_141] {strides = array<i32>} : memref<80xf32, #tpu.memory_space<vmem>>, vector<16xf32>,
      tpu.vector_store %arg15[%swap3A_141], %gather3A_140 {strides = array<i32>} : memref<80xf32, #tpu.memory_space<vmem>>, vector<16xf32>,
      %get3A_143 = arith.constant 64 : index
      %get3A_144 = tpu.vector_load %arg10[%get3A_143] {strides = array<i32>} : memref<80xi32, #tpu.memory_space<vmem>>, vector<16xi32>,
      %get3A_145 = arith.constant 64 : index
      %get3A_146 = tpu.vector_load %arg11[%get3A_145] {strides = array<i32>} : memref<80xi32, #tpu.memory_space<vmem>>, vector<16xi32>,
      %gather3A_147 = tpu.vector_load_idx %arg9[%get3A_144] : memref<10000xf32, #tpu.memory_space<vmem>>[vector<16xi32>], vector<16xf32>,
      %swap3A_148 = arith.constant 64 : index
      %swap3A_149 = tpu.vector_load %arg14[%swap3A_148] {strides = array<i32>} : memref<80xf32, #tpu.memory_space<vmem>>, vector<16xf32>,
      tpu.vector_store %arg14[%swap3A_148], %gather3A_147 {strides = array<i32>} : memref<80xf32, #tpu.memory_space<vmem>>, vector<16xf32>,
      %gather3A_150 = tpu.vector_load_idx %arg9[%get3A_146] : memref<10000xf32, #tpu.memory_space<vmem>>[vector<16xi32>], vector<16xf32>,
      %swap3A_151 = arith.constant 64 : index
      %swap3A_152 = tpu.vector_load %arg15[%swap3A_151] {strides = array<i32>} : memref<80xf32, #tpu.memory_space<vmem>>, vector<16xf32>,
      tpu.vector_store %arg15[%swap3A_151], %gather3A_150 {strides = array<i32>} : memref<80xf32, #tpu.memory_space<vmem>>, vector<16xf32>,
      %dma_wait3A_153 = arith.constant 0 : i32
      %dma_wait3A_154 = arith.constant 0 : i32
      %dma_wait3A_155 = tpu.memref_slice %arg2[%dma_wait3A_153, %dma_wait3A_154] : memref<10000x128xf32, #tpu.memory_space<hbm>> -> memref<10000x128xf32, #tpu.memory_space<hbm>>
      tpu.wait_indirect_dma semaphore(%arg19 : memref<!tpu.dma_semaphore, #tpu.memory_space<semaphore_mem>>) src(%dma_wait3A_155 : memref<10000x128xf32, #tpu.memory_space<hbm>>) dst(%arg16 : memref<80x128xf32, #tpu.memory_space<vmem>>)
      %dma_wait3A_156 = arith.constant 0 : i32
      %dma_wait3A_157 = arith.constant 0 : i32
      %dma_wait3A_158 = tpu.memref_slice %arg2[%dma_wait3A_156, %dma_wait3A_157] : memref<10000x128xf32, #tpu.memory_space<hbm>> -> memref<10000x128xf32, #tpu.memory_space<hbm>>
      tpu.wait_indirect_dma semaphore(%arg20 : memref<!tpu.dma_semaphore, #tpu.memory_space<semaphore_mem>>) src(%dma_wait3A_158 : memref<10000x128xf32, #tpu.memory_space<hbm>>) dst(%arg17 : memref<80x128xf32, #tpu.memory_space<vmem>>)
      %scan3A_159 = arith.constant 0 : i32
      %scan3A_160 = arith.constant 80 : i32
      %scan3A_161 = arith.addi %scan3A_159, %scan3A_160 : i32
      %scan3A_162 = arith.constant 1 : i32
      scf.for %scan3A_287 = %scan3A_159 to %scan3A_161 step %scan3A_162  : i32 {
        %mul3A_288 = arith.constant 1 : i32
        %mul3A_289 = arith.muli %scan3A_287, %mul3A_288 : i32
        %add3A_290 = arith.constant 0 : i32
        %add3A_291 = arith.addi %add3A_290, %mul3A_289 : i32
        %broadcast_in_dim3A = vector.broadcast %add3A_291 : i32 to vector<16xi32>
        %gather3A_292 = tpu.vector_load_idx %arg14[%broadcast_in_dim3A] : memref<80xf32, #tpu.memory_space<vmem>>[vector<16xi32>], vector<16xf32>,
        %gather3A_293 = tpu.vector_load_idx %arg15[%broadcast_in_dim3A] : memref<80xf32, #tpu.memory_space<vmem>>[vector<16xi32>], vector<16xf32>,
        %gather3A_294 = tpu.vector_load_idx %arg13[%broadcast_in_dim3A] : memref<80xf32, #tpu.memory_space<vmem>>[vector<16xi32>], vector<16xf32>,
        %get3A_295 = arith.index_cast %add3A_291 : i32 to index
        %get3A_296 = arith.constant 0 : index
        %get3A_297 = tpu.vector_load %arg16[%get3A_295, %get3A_296] {strides = array<i32>} : memref<80x128xf32, #tpu.memory_space<vmem>>, vector<16xf32>,
        %get3A_298 = arith.index_cast %add3A_291 : i32 to index
        %get3A_299 = arith.constant 16 : index
        %get3A_300 = tpu.vector_load %arg16[%get3A_298, %get3A_299] {strides = array<i32>} : memref<80x128xf32, #tpu.memory_space<vmem>>, vector<16xf32>,
        %get3A_301 = arith.index_cast %add3A_291 : i32 to index
        %get3A_302 = arith.constant 32 : index
        %get3A_303 = tpu.vector_load %arg16[%get3A_301, %get3A_302] {strides = array<i32>} : memref<80x128xf32, #tpu.memory_space<vmem>>, vector<16xf32>,
        %get3A_304 = arith.index_cast %add3A_291 : i32 to index
        %get3A_305 = arith.constant 48 : index
        %get3A_306 = tpu.vector_load %arg16[%get3A_304, %get3A_305] {strides = array<i32>} : memref<80x128xf32, #tpu.memory_space<vmem>>, vector<16xf32>,
        %get3A_307 = arith.index_cast %add3A_291 : i32 to index
        %get3A_308 = arith.constant 64 : index
        %get3A_309 = tpu.vector_load %arg16[%get3A_307, %get3A_308] {strides = array<i32>} : memref<80x128xf32, #tpu.memory_space<vmem>>, vector<16xf32>,
        %get3A_310 = arith.index_cast %add3A_291 : i32 to index
        %get3A_311 = arith.constant 80 : index
        %get3A_312 = tpu.vector_load %arg16[%get3A_310, %get3A_311] {strides = array<i32>} : memref<80x128xf32, #tpu.memory_space<vmem>>, vector<16xf32>,
        %get3A_313 = arith.index_cast %add3A_291 : i32 to index
        %get3A_314 = arith.constant 96 : index
        %get3A_315 = tpu.vector_load %arg16[%get3A_313, %get3A_314] {strides = array<i32>} : memref<80x128xf32, #tpu.memory_space<vmem>>, vector<16xf32>,
        %get3A_316 = arith.index_cast %add3A_291 : i32 to index
        %get3A_317 = arith.constant 112 : index
        %get3A_318 = tpu.vector_load %arg16[%get3A_316, %get3A_317] {strides = array<i32>} : memref<80x128xf32, #tpu.memory_space<vmem>>, vector<16xf32>,
        %get3A_319 = arith.index_cast %add3A_291 : i32 to index
        %get3A_320 = arith.constant 0 : index
        %get3A_321 = tpu.vector_load %arg17[%get3A_319, %get3A_320] {strides = array<i32>} : memref<80x128xf32, #tpu.memory_space<vmem>>, vector<16xf32>,
        %get3A_322 = arith.index_cast %add3A_291 : i32 to index
        %get3A_323 = arith.constant 16 : index
        %get3A_324 = tpu.vector_load %arg17[%get3A_322, %get3A_323] {strides = array<i32>} : memref<80x128xf32, #tpu.memory_space<vmem>>, vector<16xf32>,
        %get3A_325 = arith.index_cast %add3A_291 : i32 to index
        %get3A_326 = arith.constant 32 : index
        %get3A_327 = tpu.vector_load %arg17[%get3A_325, %get3A_326] {strides = array<i32>} : memref<80x128xf32, #tpu.memory_space<vmem>>, vector<16xf32>,
        %get3A_328 = arith.index_cast %add3A_291 : i32 to index
        %get3A_329 = arith.constant 48 : index
        %get3A_330 = tpu.vector_load %arg17[%get3A_328, %get3A_329] {strides = array<i32>} : memref<80x128xf32, #tpu.memory_space<vmem>>, vector<16xf32>,
        %get3A_331 = arith.index_cast %add3A_291 : i32 to index
        %get3A_332 = arith.constant 64 : index
        %get3A_333 = tpu.vector_load %arg17[%get3A_331, %get3A_332] {strides = array<i32>} : memref<80x128xf32, #tpu.memory_space<vmem>>, vector<16xf32>,
        %get3A_334 = arith.index_cast %add3A_291 : i32 to index
        %get3A_335 = arith.constant 80 : index
        %get3A_336 = tpu.vector_load %arg17[%get3A_334, %get3A_335] {strides = array<i32>} : memref<80x128xf32, #tpu.memory_space<vmem>>, vector<16xf32>,
        %get3A_337 = arith.index_cast %add3A_291 : i32 to index
        %get3A_338 = arith.constant 96 : index
        %get3A_339 = tpu.vector_load %arg17[%get3A_337, %get3A_338] {strides = array<i32>} : memref<80x128xf32, #tpu.memory_space<vmem>>, vector<16xf32>,
        %get3A_340 = arith.index_cast %add3A_291 : i32 to index
        %get3A_341 = arith.constant 112 : index
        %get3A_342 = tpu.vector_load %arg17[%get3A_340, %get3A_341] {strides = array<i32>} : memref<80x128xf32, #tpu.memory_space<vmem>>, vector<16xf32>,
        %broadcast_in_dim3A_343 = arith.constant 0.000000e+00 : f32
        %broadcast_in_dim3A_344 = vector.broadcast %broadcast_in_dim3A_343 : f32 to vector<16xf32>
        %mul3A_345 = arith.mulf %gather3A_293, %get3A_321 : vector<16xf32>
        %mul3A_346 = arith.mulf %gather3A_292, %get3A_297 : vector<16xf32>
        %sub3A_347 = arith.subf %mul3A_345, %mul3A_346 : vector<16xf32>
        %mul3A_348 = arith.mulf %sub3A_347, %sub3A_347 : vector<16xf32>
        %add3A_349 = arith.addf %broadcast_in_dim3A_344, %mul3A_348 : vector<16xf32>
        %mul3A_350 = arith.mulf %gather3A_293, %get3A_324 : vector<16xf32>
        %mul3A_351 = arith.mulf %gather3A_292, %get3A_300 : vector<16xf32>
        %sub3A_352 = arith.subf %mul3A_350, %mul3A_351 : vector<16xf32>
        %mul3A_353 = arith.mulf %sub3A_352, %sub3A_352 : vector<16xf32>
        %add3A_354 = arith.addf %add3A_349, %mul3A_353 : vector<16xf32>
        %mul3A_355 = arith.mulf %gather3A_293, %get3A_327 : vector<16xf32>
        %mul3A_356 = arith.mulf %gather3A_292, %get3A_303 : vector<16xf32>
        %sub3A_357 = arith.subf %mul3A_355, %mul3A_356 : vector<16xf32>
        %mul3A_358 = arith.mulf %sub3A_357, %sub3A_357 : vector<16xf32>
        %add3A_359 = arith.addf %add3A_354, %mul3A_358 : vector<16xf32>
        %mul3A_360 = arith.mulf %gather3A_293, %get3A_330 : vector<16xf32>
        %mul3A_361 = arith.mulf %gather3A_292, %get3A_306 : vector<16xf32>
        %sub3A_362 = arith.subf %mul3A_360, %mul3A_361 : vector<16xf32>
        %mul3A_363 = arith.mulf %sub3A_362, %sub3A_362 : vector<16xf32>
        %add3A_364 = arith.addf %add3A_359, %mul3A_363 : vector<16xf32>
        %mul3A_365 = arith.mulf %gather3A_293, %get3A_333 : vector<16xf32>
        %mul3A_366 = arith.mulf %gather3A_292, %get3A_309 : vector<16xf32>
        %sub3A_367 = arith.subf %mul3A_365, %mul3A_366 : vector<16xf32>
        %mul3A_368 = arith.mulf %sub3A_367, %sub3A_367 : vector<16xf32>
        %add3A_369 = arith.addf %add3A_364, %mul3A_368 : vector<16xf32>
        %mul3A_370 = arith.mulf %gather3A_293, %get3A_336 : vector<16xf32>
        %mul3A_371 = arith.mulf %gather3A_292, %get3A_312 : vector<16xf32>
        %sub3A_372 = arith.subf %mul3A_370, %mul3A_371 : vector<16xf32>
        %mul3A_373 = arith.mulf %sub3A_372, %sub3A_372 : vector<16xf32>
        %add3A_374 = arith.addf %add3A_369, %mul3A_373 : vector<16xf32>
        %mul3A_375 = arith.mulf %gather3A_293, %get3A_339 : vector<16xf32>
        %mul3A_376 = arith.mulf %gather3A_292, %get3A_315 : vector<16xf32>
        %sub3A_377 = arith.subf %mul3A_375, %mul3A_376 : vector<16xf32>
        %mul3A_378 = arith.mulf %sub3A_377, %sub3A_377 : vector<16xf32>
        %add3A_379 = arith.addf %add3A_374, %mul3A_378 : vector<16xf32>
        %mul3A_380 = arith.mulf %gather3A_293, %get3A_342 : vector<16xf32>
        %mul3A_381 = arith.mulf %gather3A_292, %get3A_318 : vector<16xf32>
        %sub3A_382 = arith.subf %mul3A_380, %mul3A_381 : vector<16xf32>
        %mul3A_383 = arith.mulf %sub3A_382, %sub3A_382 : vector<16xf32>
        %add3A_384 = arith.addf %add3A_379, %mul3A_383 : vector<16xf32>
        %reduce_sum3A = arith.constant true
        %reduce_sum3A_385 = vector.broadcast %reduce_sum3A : i1 to vector<16xi1>
        %reduce_sum3A_386 = tpu.scan <sum>, %add3A_384 masked %reduce_sum3A_385 : vector<16xf32>, vector<16xi1> -> vector<16xf32>
        %reduce_sum3A_387 = vector.extract %reduce_sum3A_386[15] : f32 from vector<16xf32>
        %broadcast_in_dim3A_388 = vector.broadcast %reduce_sum3A_387 : f32 to vector<16xf32>
        %max3A = arith.constant 9.99999968E-21 : f32
        %max3A_389 = vector.broadcast %max3A : f32 to vector<16xf32>
        %max3A_390 = arith.maximumf %broadcast_in_dim3A_388, %max3A_389 : vector<16xf32>
        %bitcast_convert_type3A = tpu.bitcast %max3A_390 : vector<16xf32> -> vector<16xi32>
        %shift_right_arithmetic3A = arith.constant 1 : i32
        %shift_right_arithmetic3A_391 = vector.broadcast %shift_right_arithmetic3A : i32 to vector<16xi32>
        %shift_right_arithmetic3A_392 = arith.shrsi %bitcast_convert_type3A, %shift_right_arithmetic3A_391 : vector<16xi32>
        %sub3A_393 = arith.constant 1597463007 : i32
        %sub3A_394 = vector.broadcast %sub3A_393 : i32 to vector<16xi32>
        %sub3A_395 = arith.subi %sub3A_394, %shift_right_arithmetic3A_392 : vector<16xi32>
        %bitcast_convert_type3A_396 = tpu.bitcast %sub3A_395 : vector<16xi32> -> vector<16xf32>
        %mul3A_397 = arith.constant 5.000000e-01 : f32
        %mul3A_398 = vector.broadcast %mul3A_397 : f32 to vector<16xf32>
        %mul3A_399 = arith.mulf %mul3A_398, %max3A_390 : vector<16xf32>
        %mul3A_400 = arith.mulf %mul3A_399, %bitcast_convert_type3A_396 : vector<16xf32>
        %mul3A_401 = arith.mulf %mul3A_400, %bitcast_convert_type3A_396 : vector<16xf32>
        %sub3A_402 = arith.constant 1.500000e+00 : f32
        %sub3A_403 = vector.broadcast %sub3A_402 : f32 to vector<16xf32>
        %sub3A_404 = arith.subf %sub3A_403, %mul3A_401 : vector<16xf32>
        %mul3A_405 = arith.mulf %bitcast_convert_type3A_396, %sub3A_404 : vector<16xf32>
        %mul3A_406 = arith.constant 5.000000e-01 : f32
        %mul3A_407 = vector.broadcast %mul3A_406 : f32 to vector<16xf32>
        %mul3A_408 = arith.mulf %mul3A_407, %max3A_390 : vector<16xf32>
        %mul3A_409 = arith.mulf %mul3A_408, %mul3A_405 : vector<16xf32>
        %mul3A_410 = arith.mulf %mul3A_409, %mul3A_405 : vector<16xf32>
        %sub3A_411 = arith.constant 1.500000e+00 : f32
        %sub3A_412 = vector.broadcast %sub3A_411 : f32 to vector<16xf32>
        %sub3A_413 = arith.subf %sub3A_412, %mul3A_410 : vector<16xf32>
        %mul3A_414 = arith.mulf %mul3A_405, %sub3A_413 : vector<16xf32>
        %mul3A_415 = arith.constant 5.000000e-01 : f32
        %mul3A_416 = vector.broadcast %mul3A_415 : f32 to vector<16xf32>
        %mul3A_417 = arith.mulf %mul3A_416, %max3A_390 : vector<16xf32>
        %mul3A_418 = arith.mulf %mul3A_417, %mul3A_414 : vector<16xf32>
        %mul3A_419 = arith.mulf %mul3A_418, %mul3A_414 : vector<16xf32>
        %sub3A_420 = arith.constant 1.500000e+00 : f32
        %sub3A_421 = vector.broadcast %sub3A_420 : f32 to vector<16xf32>
        %sub3A_422 = arith.subf %sub3A_421, %mul3A_419 : vector<16xf32>
        %mul3A_423 = arith.mulf %mul3A_414, %sub3A_422 : vector<16xf32>
        %mul3A_424 = arith.mulf %max3A_390, %mul3A_423 : vector<16xf32>
        %add3A_425 = arith.constant 9.99999974E-6 : f32
        %add3A_426 = vector.broadcast %add3A_425 : f32 to vector<16xf32>
        %add3A_427 = arith.addf %mul3A_424, %add3A_426 : vector<16xf32>
        %mul3A_428 = arith.constant 5.000000e-01 : f32
        %mul3A_429 = vector.broadcast %mul3A_428 : f32 to vector<16xf32>
        %mul3A_430 = arith.mulf %mul3A_429, %gather3A_294 : vector<16xf32>
        %div3A = arith.divf %mul3A_430, %add3A_427 : vector<16xf32>
        %mul3A_431 = arith.mulf %gather3A_292, %gather3A_293 : vector<16xf32>
        %sub3A_432 = arith.constant 1.000000e+00 : f32
        %sub3A_433 = vector.broadcast %sub3A_432 : f32 to vector<16xf32>
        %sub3A_434 = arith.subf %sub3A_433, %div3A : vector<16xf32>
        %mul3A_435 = arith.mulf %mul3A_431, %sub3A_434 : vector<16xf32>
        %mul3A_436 = arith.mulf %gather3A_292, %gather3A_292 : vector<16xf32>
        %mul3A_437 = arith.mulf %mul3A_436, %div3A : vector<16xf32>
        %mul3A_438 = arith.mulf %mul3A_435, %get3A_297 : vector<16xf32>
        %mul3A_439 = arith.mulf %mul3A_437, %get3A_321 : vector<16xf32>
        %add3A_440 = arith.addf %mul3A_438, %mul3A_439 : vector<16xf32>
        %swap3A_441 = arith.index_cast %add3A_291 : i32 to index
        %swap3A_442 = arith.constant 0 : index
        %swap3A_443 = tpu.vector_load %arg16[%swap3A_441, %swap3A_442] {strides = array<i32>} : memref<80x128xf32, #tpu.memory_space<vmem>>, vector<16xf32>,
        tpu.vector_store %arg16[%swap3A_441, %swap3A_442], %add3A_440 {strides = array<i32>} : memref<80x128xf32, #tpu.memory_space<vmem>>, vector<16xf32>,
        %mul3A_444 = arith.mulf %mul3A_435, %get3A_300 : vector<16xf32>
        %mul3A_445 = arith.mulf %mul3A_437, %get3A_324 : vector<16xf32>
        %add3A_446 = arith.addf %mul3A_444, %mul3A_445 : vector<16xf32>
        %swap3A_447 = arith.index_cast %add3A_291 : i32 to index
        %swap3A_448 = arith.constant 16 : index
        %swap3A_449 = tpu.vector_load %arg16[%swap3A_447, %swap3A_448] {strides = array<i32>} : memref<80x128xf32, #tpu.memory_space<vmem>>, vector<16xf32>,
        tpu.vector_store %arg16[%swap3A_447, %swap3A_448], %add3A_446 {strides = array<i32>} : memref<80x128xf32, #tpu.memory_space<vmem>>, vector<16xf32>,
        %mul3A_450 = arith.mulf %mul3A_435, %get3A_303 : vector<16xf32>
        %mul3A_451 = arith.mulf %mul3A_437, %get3A_327 : vector<16xf32>
        %add3A_452 = arith.addf %mul3A_450, %mul3A_451 : vector<16xf32>
        %swap3A_453 = arith.index_cast %add3A_291 : i32 to index
        %swap3A_454 = arith.constant 32 : index
        %swap3A_455 = tpu.vector_load %arg16[%swap3A_453, %swap3A_454] {strides = array<i32>} : memref<80x128xf32, #tpu.memory_space<vmem>>, vector<16xf32>,
        tpu.vector_store %arg16[%swap3A_453, %swap3A_454], %add3A_452 {strides = array<i32>} : memref<80x128xf32, #tpu.memory_space<vmem>>, vector<16xf32>,
        %mul3A_456 = arith.mulf %mul3A_435, %get3A_306 : vector<16xf32>
        %mul3A_457 = arith.mulf %mul3A_437, %get3A_330 : vector<16xf32>
        %add3A_458 = arith.addf %mul3A_456, %mul3A_457 : vector<16xf32>
        %swap3A_459 = arith.index_cast %add3A_291 : i32 to index
        %swap3A_460 = arith.constant 48 : index
        %swap3A_461 = tpu.vector_load %arg16[%swap3A_459, %swap3A_460] {strides = array<i32>} : memref<80x128xf32, #tpu.memory_space<vmem>>, vector<16xf32>,
        tpu.vector_store %arg16[%swap3A_459, %swap3A_460], %add3A_458 {strides = array<i32>} : memref<80x128xf32, #tpu.memory_space<vmem>>, vector<16xf32>,
        %mul3A_462 = arith.mulf %mul3A_435, %get3A_309 : vector<16xf32>
        %mul3A_463 = arith.mulf %mul3A_437, %get3A_333 : vector<16xf32>
        %add3A_464 = arith.addf %mul3A_462, %mul3A_463 : vector<16xf32>
        %swap3A_465 = arith.index_cast %add3A_291 : i32 to index
        %swap3A_466 = arith.constant 64 : index
        %swap3A_467 = tpu.vector_load %arg16[%swap3A_465, %swap3A_466] {strides = array<i32>} : memref<80x128xf32, #tpu.memory_space<vmem>>, vector<16xf32>,
        tpu.vector_store %arg16[%swap3A_465, %swap3A_466], %add3A_464 {strides = array<i32>} : memref<80x128xf32, #tpu.memory_space<vmem>>, vector<16xf32>,
        %mul3A_468 = arith.mulf %mul3A_435, %get3A_312 : vector<16xf32>
        %mul3A_469 = arith.mulf %mul3A_437, %get3A_336 : vector<16xf32>
        %add3A_470 = arith.addf %mul3A_468, %mul3A_469 : vector<16xf32>
        %swap3A_471 = arith.index_cast %add3A_291 : i32 to index
        %swap3A_472 = arith.constant 80 : index
        %swap3A_473 = tpu.vector_load %arg16[%swap3A_471, %swap3A_472] {strides = array<i32>} : memref<80x128xf32, #tpu.memory_space<vmem>>, vector<16xf32>,
        tpu.vector_store %arg16[%swap3A_471, %swap3A_472], %add3A_470 {strides = array<i32>} : memref<80x128xf32, #tpu.memory_space<vmem>>, vector<16xf32>,
        %mul3A_474 = arith.mulf %mul3A_435, %get3A_315 : vector<16xf32>
        %mul3A_475 = arith.mulf %mul3A_437, %get3A_339 : vector<16xf32>
        %add3A_476 = arith.addf %mul3A_474, %mul3A_475 : vector<16xf32>
        %swap3A_477 = arith.index_cast %add3A_291 : i32 to index
        %swap3A_478 = arith.constant 96 : index
        %swap3A_479 = tpu.vector_load %arg16[%swap3A_477, %swap3A_478] {strides = array<i32>} : memref<80x128xf32, #tpu.memory_space<vmem>>, vector<16xf32>,
        tpu.vector_store %arg16[%swap3A_477, %swap3A_478], %add3A_476 {strides = array<i32>} : memref<80x128xf32, #tpu.memory_space<vmem>>, vector<16xf32>,
        %mul3A_480 = arith.mulf %mul3A_435, %get3A_318 : vector<16xf32>
        %mul3A_481 = arith.mulf %mul3A_437, %get3A_342 : vector<16xf32>
        %add3A_482 = arith.addf %mul3A_480, %mul3A_481 : vector<16xf32>
        %swap3A_483 = arith.index_cast %add3A_291 : i32 to index
        %swap3A_484 = arith.constant 112 : index
        %swap3A_485 = tpu.vector_load %arg16[%swap3A_483, %swap3A_484] {strides = array<i32>} : memref<80x128xf32, #tpu.memory_space<vmem>>, vector<16xf32>,
        tpu.vector_store %arg16[%swap3A_483, %swap3A_484], %add3A_482 {strides = array<i32>} : memref<80x128xf32, #tpu.memory_space<vmem>>, vector<16xf32>,
      }
      %scan3A_163 = arith.constant 80 : i32
      %dma_start3A_164 = arith.constant 0 : i32
      %dma_start3A_165 = arith.constant 0 : i32
      %dma_start3A_166 = tpu.memref_slice %arg8[%dma_start3A_164, %dma_start3A_165] : memref<10000x128xf32, #tpu.memory_space<vmem_shared>> -> memref<10000x128xf32, #tpu.memory_space<vmem_shared>>
      tpu.enqueue_indirect_dma source(%arg16 : memref<80x128xf32, #tpu.memory_space<vmem>>) target(%dma_start3A_166 : memref<10000x128xf32, #tpu.memory_space<vmem_shared>>) offsets(%arg11 : memref<80xi32, #tpu.memory_space<vmem>>) semaphore(%arg21 : memref<!tpu.dma_semaphore, #tpu.memory_space<semaphore_mem>>) {add = true}
      %gt3A_167 = arith.constant 0 : i32
      %gt3A_168 = arith.cmpi sgt, %add3A_59, %gt3A_167 : i32
      %convert_element_type3A_169 = arith.extui %gt3A_168 : i1 to i32
      %cond3A_170 = arith.constant 0 : i32
      %cond3A_171 = arith.cmpi ne, %convert_element_type3A_169, %cond3A_170 : i32
      scf.if %cond3A_171 {
        %dma_wait3A_287 = arith.constant 0 : i32
        %dma_wait3A_288 = arith.constant 0 : i32
        %dma_wait3A_289 = tpu.memref_slice %arg8[%dma_wait3A_287, %dma_wait3A_288] : memref<10000x128xf32, #tpu.memory_space<vmem_shared>> -> memref<10000x128xf32, #tpu.memory_space<vmem_shared>>
        tpu.wait_indirect_dma semaphore(%arg22 : memref<!tpu.dma_semaphore, #tpu.memory_space<semaphore_mem>>) src(%arg18 : memref<80x128xf32, #tpu.memory_space<vmem>>) dst(%dma_wait3A_289 : memref<10000x128xf32, #tpu.memory_space<vmem_shared>>)
      } else {
      }
      %mul3A_172 = arith.constant 2 : i32
      %mul3A_173 = arith.muli %mul3A_172, %add3A_59 : i32
      %add3A_174 = arith.constant 1 : i32
      %add3A_175 = arith.addi %mul3A_173, %add3A_174 : i32
      %dma_start3A_176 = arith.constant 0 : i32
      %dma_start3A_177 = tpu.memref_slice %arg4[%add3A, %add3A_175, %dma_start3A_176] : memref<32x125x80xi32, #tpu.memory_space<hbm>> -> memref<1x1x80xi32, #tpu.memory_space<hbm>>
      %dma_start3A_178 = tpu.memref_squeeze %dma_start3A_177 : memref<1x1x80xi32, #tpu.memory_space<hbm>> -> memref<80xi32, #tpu.memory_space<hbm>>
      %dma_start3A_179 = arith.constant 0 : i32
      %dma_start3A_180 = tpu.memref_slice %arg4[%add3A, %add3A_175, %dma_start3A_179] : memref<32x125x80xi32, #tpu.memory_space<hbm>> -> memref<1x1x80xi32, #tpu.memory_space<hbm>>
      %dma_start3A_181 = tpu.memref_squeeze %dma_start3A_180 : memref<1x1x80xi32, #tpu.memory_space<hbm>> -> memref<80xi32, #tpu.memory_space<hbm>>
      tpu.enqueue_dma source(%dma_start3A_181 : memref<80xi32, #tpu.memory_space<hbm>>) target(%arg10 : memref<80xi32, #tpu.memory_space<vmem>>) target_semaphore(%arg23 : memref<!tpu.dma_semaphore, #tpu.memory_space<semaphore_mem>>)
      %dma_start3A_182 = arith.constant 0 : i32
      %dma_start3A_183 = tpu.memref_slice %arg5[%add3A, %add3A_175, %dma_start3A_182] : memref<32x125x80xi32, #tpu.memory_space<hbm>> -> memref<1x1x80xi32, #tpu.memory_space<hbm>>
      %dma_start3A_184 = tpu.memref_squeeze %dma_start3A_183 : memref<1x1x80xi32, #tpu.memory_space<hbm>> -> memref<80xi32, #tpu.memory_space<hbm>>
      %dma_start3A_185 = arith.constant 0 : i32
      %dma_start3A_186 = tpu.memref_slice %arg5[%add3A, %add3A_175, %dma_start3A_185] : memref<32x125x80xi32, #tpu.memory_space<hbm>> -> memref<1x1x80xi32, #tpu.memory_space<hbm>>
      %dma_start3A_187 = tpu.memref_squeeze %dma_start3A_186 : memref<1x1x80xi32, #tpu.memory_space<hbm>> -> memref<80xi32, #tpu.memory_space<hbm>>
      tpu.enqueue_dma source(%dma_start3A_187 : memref<80xi32, #tpu.memory_space<hbm>>) target(%arg12 : memref<80xi32, #tpu.memory_space<vmem>>) target_semaphore(%arg24 : memref<!tpu.dma_semaphore, #tpu.memory_space<semaphore_mem>>)
      %dma_start3A_188 = arith.constant 0 : i32
      %dma_start3A_189 = tpu.memref_slice %arg6[%add3A, %add3A_175, %dma_start3A_188] : memref<32x125x80xf32, #tpu.memory_space<hbm>> -> memref<1x1x80xf32, #tpu.memory_space<hbm>>
      %dma_start3A_190 = tpu.memref_squeeze %dma_start3A_189 : memref<1x1x80xf32, #tpu.memory_space<hbm>> -> memref<80xf32, #tpu.memory_space<hbm>>
      %dma_start3A_191 = arith.constant 0 : i32
      %dma_start3A_192 = tpu.memref_slice %arg6[%add3A, %add3A_175, %dma_start3A_191] : memref<32x125x80xf32, #tpu.memory_space<hbm>> -> memref<1x1x80xf32, #tpu.memory_space<hbm>>
      %dma_start3A_193 = tpu.memref_squeeze %dma_start3A_192 : memref<1x1x80xf32, #tpu.memory_space<hbm>> -> memref<80xf32, #tpu.memory_space<hbm>>
      tpu.enqueue_dma source(%dma_start3A_193 : memref<80xf32, #tpu.memory_space<hbm>>) target(%arg13 : memref<80xf32, #tpu.memory_space<vmem>>) target_semaphore(%arg25 : memref<!tpu.dma_semaphore, #tpu.memory_space<semaphore_mem>>)
      %dma_wait3A_194 = arith.constant 0 : i32
      %dma_wait3A_195 = tpu.memref_slice %arg4[%add3A, %add3A_175, %dma_wait3A_194] : memref<32x125x80xi32, #tpu.memory_space<hbm>> -> memref<1x1x80xi32, #tpu.memory_space<hbm>>
      %dma_wait3A_196 = tpu.memref_squeeze %dma_wait3A_195 : memref<1x1x80xi32, #tpu.memory_space<hbm>> -> memref<80xi32, #tpu.memory_space<hbm>>
      %dma_wait3A_197 = arith.constant 0 : i32
      %dma_wait3A_198 = tpu.memref_slice %arg4[%add3A, %add3A_175, %dma_wait3A_197] : memref<32x125x80xi32, #tpu.memory_space<hbm>> -> memref<1x1x80xi32, #tpu.memory_space<hbm>>
      %dma_wait3A_199 = tpu.memref_squeeze %dma_wait3A_198 : memref<1x1x80xi32, #tpu.memory_space<hbm>> -> memref<80xi32, #tpu.memory_space<hbm>>
      tpu.wait_dma2 semaphore(%arg23 : memref<!tpu.dma_semaphore, #tpu.memory_space<semaphore_mem>>) src(%dma_wait3A_199 : memref<80xi32, #tpu.memory_space<hbm>>) dst(%arg10 : memref<80xi32, #tpu.memory_space<vmem>>)
      %dma_wait3A_200 = arith.constant 0 : i32
      %dma_wait3A_201 = tpu.memref_slice %arg5[%add3A, %add3A_175, %dma_wait3A_200] : memref<32x125x80xi32, #tpu.memory_space<hbm>> -> memref<1x1x80xi32, #tpu.memory_space<hbm>>
      %dma_wait3A_202 = tpu.memref_squeeze %dma_wait3A_201 : memref<1x1x80xi32, #tpu.memory_space<hbm>> -> memref<80xi32, #tpu.memory_space<hbm>>
      %dma_wait3A_203 = arith.constant 0 : i32
      %dma_wait3A_204 = tpu.memref_slice %arg5[%add3A, %add3A_175, %dma_wait3A_203] : memref<32x125x80xi32, #tpu.memory_space<hbm>> -> memref<1x1x80xi32, #tpu.memory_space<hbm>>
      %dma_wait3A_205 = tpu.memref_squeeze %dma_wait3A_204 : memref<1x1x80xi32, #tpu.memory_space<hbm>> -> memref<80xi32, #tpu.memory_space<hbm>>
      tpu.wait_dma2 semaphore(%arg24 : memref<!tpu.dma_semaphore, #tpu.memory_space<semaphore_mem>>) src(%dma_wait3A_205 : memref<80xi32, #tpu.memory_space<hbm>>) dst(%arg12 : memref<80xi32, #tpu.memory_space<vmem>>)
      %dma_start3A_206 = arith.constant 0 : i32
      %dma_start3A_207 = arith.constant 0 : i32
      %dma_start3A_208 = tpu.memref_slice %arg2[%dma_start3A_206, %dma_start3A_207] : memref<10000x128xf32, #tpu.memory_space<hbm>> -> memref<10000x128xf32, #tpu.memory_space<hbm>>
      tpu.enqueue_indirect_dma source(%dma_start3A_208 : memref<10000x128xf32, #tpu.memory_space<hbm>>) target(%arg18 : memref<80x128xf32, #tpu.memory_space<vmem>>) offsets(%arg10 : memref<80xi32, #tpu.memory_space<vmem>>) semaphore(%arg19 : memref<!tpu.dma_semaphore, #tpu.memory_space<semaphore_mem>>)
      %dma_start3A_209 = arith.constant 0 : i32
      %dma_start3A_210 = arith.constant 0 : i32
      %dma_start3A_211 = tpu.memref_slice %arg2[%dma_start3A_209, %dma_start3A_210] : memref<10000x128xf32, #tpu.memory_space<hbm>> -> memref<10000x128xf32, #tpu.memory_space<hbm>>
      tpu.enqueue_indirect_dma source(%dma_start3A_211 : memref<10000x128xf32, #tpu.memory_space<hbm>>) target(%arg17 : memref<80x128xf32, #tpu.memory_space<vmem>>) offsets(%arg12 : memref<80xi32, #tpu.memory_space<vmem>>) semaphore(%arg20 : memref<!tpu.dma_semaphore, #tpu.memory_space<semaphore_mem>>)
      %dma_wait3A_212 = arith.constant 0 : i32
      %dma_wait3A_213 = tpu.memref_slice %arg6[%add3A, %add3A_175, %dma_wait3A_212] : memref<32x125x80xf32, #tpu.memory_space<hbm>> -> memref<1x1x80xf32, #tpu.memory_space<hbm>>
      %dma_wait3A_214 = tpu.memref_squeeze %dma_wait3A_213 : memref<1x1x80xf32, #tpu.memory_space<hbm>> -> memref<80xf32, #tpu.memory_space<hbm>>
      %dma_wait3A_215 = arith.constant 0 : i32
      %dma_wait3A_216 = tpu.memref_slice %arg6[%add3A, %add3A_175, %dma_wait3A_215] : memref<32x125x80xf32, #tpu.memory_space<hbm>> -> memref<1x1x80xf32, #tpu.memory_space<hbm>>
      %dma_wait3A_217 = tpu.memref_squeeze %dma_wait3A_216 : memref<1x1x80xf32, #tpu.memory_space<hbm>> -> memref<80xf32, #tpu.memory_space<hbm>>
      tpu.wait_dma2 semaphore(%arg25 : memref<!tpu.dma_semaphore, #tpu.memory_space<semaphore_mem>>) src(%dma_wait3A_217 : memref<80xf32, #tpu.memory_space<hbm>>) dst(%arg13 : memref<80xf32, #tpu.memory_space<vmem>>)
      %get3A_218 = arith.constant 0 : index
      %get3A_219 = tpu.vector_load %arg10[%get3A_218] {strides = array<i32>} : memref<80xi32, #tpu.memory_space<vmem>>, vector<16xi32>,
      %get3A_220 = arith.constant 0 : index
      %get3A_221 = tpu.vector_load %arg12[%get3A_220] {strides = array<i32>} : memref<80xi32, #tpu.memory_space<vmem>>, vector<16xi32>,
      %gather3A_222 = tpu.vector_load_idx %arg9[%get3A_219] : memref<10000xf32, #tpu.memory_space<vmem>>[vector<16xi32>], vector<16xf32>,
      %swap3A_223 = arith.constant 0 : index
      %swap3A_224 = tpu.vector_load %arg14[%swap3A_223] {strides = array<i32>} : memref<80xf32, #tpu.memory_space<vmem>>, vector<16xf32>,
      tpu.vector_store %arg14[%swap3A_223], %gather3A_222 {strides = array<i32>} : memref<80xf32, #tpu.memory_space<vmem>>, vector<16xf32>,
      %gather3A_225 = tpu.vector_load_idx %arg9[%get3A_221] : memref<10000xf32, #tpu.memory_space<vmem>>[vector<16xi32>], vector<16xf32>,
      %swap3A_226 = arith.constant 0 : index
      %swap3A_227 = tpu.vector_load %arg15[%swap3A_226] {strides = array<i32>} : memref<80xf32, #tpu.memory_space<vmem>>, vector<16xf32>,
      tpu.vector_store %arg15[%swap3A_226], %gather3A_225 {strides = array<i32>} : memref<80xf32, #tpu.memory_space<vmem>>, vector<16xf32>,
      %get3A_228 = arith.constant 16 : index
      %get3A_229 = tpu.vector_load %arg10[%get3A_228] {strides = array<i32>} : memref<80xi32, #tpu.memory_space<vmem>>, vector<16xi32>,
      %get3A_230 = arith.constant 16 : index
      %get3A_231 = tpu.vector_load %arg12[%get3A_230] {strides = array<i32>} : memref<80xi32, #tpu.memory_space<vmem>>, vector<16xi32>,
      %gather3A_232 = tpu.vector_load_idx %arg9[%get3A_229] : memref<10000xf32, #tpu.memory_space<vmem>>[vector<16xi32>], vector<16xf32>,
      %swap3A_233 = arith.constant 16 : index
      %swap3A_234 = tpu.vector_load %arg14[%swap3A_233] {strides = array<i32>} : memref<80xf32, #tpu.memory_space<vmem>>, vector<16xf32>,
      tpu.vector_store %arg14[%swap3A_233], %gather3A_232 {strides = array<i32>} : memref<80xf32, #tpu.memory_space<vmem>>, vector<16xf32>,
      %gather3A_235 = tpu.vector_load_idx %arg9[%get3A_231] : memref<10000xf32, #tpu.memory_space<vmem>>[vector<16xi32>], vector<16xf32>,
      %swap3A_236 = arith.constant 16 : index
      %swap3A_237 = tpu.vector_load %arg15[%swap3A_236] {strides = array<i32>} : memref<80xf32, #tpu.memory_space<vmem>>, vector<16xf32>,
      tpu.vector_store %arg15[%swap3A_236], %gather3A_235 {strides = array<i32>} : memref<80xf32, #tpu.memory_space<vmem>>, vector<16xf32>,
      %get3A_238 = arith.constant 32 : index
      %get3A_239 = tpu.vector_load %arg10[%get3A_238] {strides = array<i32>} : memref<80xi32, #tpu.memory_space<vmem>>, vector<16xi32>,
      %get3A_240 = arith.constant 32 : index
      %get3A_241 = tpu.vector_load %arg12[%get3A_240] {strides = array<i32>} : memref<80xi32, #tpu.memory_space<vmem>>, vector<16xi32>,
      %gather3A_242 = tpu.vector_load_idx %arg9[%get3A_239] : memref<10000xf32, #tpu.memory_space<vmem>>[vector<16xi32>], vector<16xf32>,
      %swap3A_243 = arith.constant 32 : index
      %swap3A_244 = tpu.vector_load %arg14[%swap3A_243] {strides = array<i32>} : memref<80xf32, #tpu.memory_space<vmem>>, vector<16xf32>,
      tpu.vector_store %arg14[%swap3A_243], %gather3A_242 {strides = array<i32>} : memref<80xf32, #tpu.memory_space<vmem>>, vector<16xf32>,
      %gather3A_245 = tpu.vector_load_idx %arg9[%get3A_241] : memref<10000xf32, #tpu.memory_space<vmem>>[vector<16xi32>], vector<16xf32>,
      %swap3A_246 = arith.constant 32 : index
      %swap3A_247 = tpu.vector_load %arg15[%swap3A_246] {strides = array<i32>} : memref<80xf32, #tpu.memory_space<vmem>>, vector<16xf32>,
      tpu.vector_store %arg15[%swap3A_246], %gather3A_245 {strides = array<i32>} : memref<80xf32, #tpu.memory_space<vmem>>, vector<16xf32>,
      %get3A_248 = arith.constant 48 : index
      %get3A_249 = tpu.vector_load %arg10[%get3A_248] {strides = array<i32>} : memref<80xi32, #tpu.memory_space<vmem>>, vector<16xi32>,
      %get3A_250 = arith.constant 48 : index
      %get3A_251 = tpu.vector_load %arg12[%get3A_250] {strides = array<i32>} : memref<80xi32, #tpu.memory_space<vmem>>, vector<16xi32>,
      %gather3A_252 = tpu.vector_load_idx %arg9[%get3A_249] : memref<10000xf32, #tpu.memory_space<vmem>>[vector<16xi32>], vector<16xf32>,
      %swap3A_253 = arith.constant 48 : index
      %swap3A_254 = tpu.vector_load %arg14[%swap3A_253] {strides = array<i32>} : memref<80xf32, #tpu.memory_space<vmem>>, vector<16xf32>,
      tpu.vector_store %arg14[%swap3A_253], %gather3A_252 {strides = array<i32>} : memref<80xf32, #tpu.memory_space<vmem>>, vector<16xf32>,
      %gather3A_255 = tpu.vector_load_idx %arg9[%get3A_251] : memref<10000xf32, #tpu.memory_space<vmem>>[vector<16xi32>], vector<16xf32>,
      %swap3A_256 = arith.constant 48 : index
      %swap3A_257 = tpu.vector_load %arg15[%swap3A_256] {strides = array<i32>} : memref<80xf32, #tpu.memory_space<vmem>>, vector<16xf32>,
      tpu.vector_store %arg15[%swap3A_256], %gather3A_255 {strides = array<i32>} : memref<80xf32, #tpu.memory_space<vmem>>, vector<16xf32>,
      %get3A_258 = arith.constant 64 : index
      %get3A_259 = tpu.vector_load %arg10[%get3A_258] {strides = array<i32>} : memref<80xi32, #tpu.memory_space<vmem>>, vector<16xi32>,
      %get3A_260 = arith.constant 64 : index
      %get3A_261 = tpu.vector_load %arg12[%get3A_260] {strides = array<i32>} : memref<80xi32, #tpu.memory_space<vmem>>, vector<16xi32>,
      %gather3A_262 = tpu.vector_load_idx %arg9[%get3A_259] : memref<10000xf32, #tpu.memory_space<vmem>>[vector<16xi32>], vector<16xf32>,
      %swap3A_263 = arith.constant 64 : index
      %swap3A_264 = tpu.vector_load %arg14[%swap3A_263] {strides = array<i32>} : memref<80xf32, #tpu.memory_space<vmem>>, vector<16xf32>,
      tpu.vector_store %arg14[%swap3A_263], %gather3A_262 {strides = array<i32>} : memref<80xf32, #tpu.memory_space<vmem>>, vector<16xf32>,
      %gather3A_265 = tpu.vector_load_idx %arg9[%get3A_261] : memref<10000xf32, #tpu.memory_space<vmem>>[vector<16xi32>], vector<16xf32>,
      %swap3A_266 = arith.constant 64 : index
      %swap3A_267 = tpu.vector_load %arg15[%swap3A_266] {strides = array<i32>} : memref<80xf32, #tpu.memory_space<vmem>>, vector<16xf32>,
      tpu.vector_store %arg15[%swap3A_266], %gather3A_265 {strides = array<i32>} : memref<80xf32, #tpu.memory_space<vmem>>, vector<16xf32>,
      %dma_wait3A_268 = arith.constant 0 : i32
      %dma_wait3A_269 = arith.constant 0 : i32
      %dma_wait3A_270 = tpu.memref_slice %arg2[%dma_wait3A_268, %dma_wait3A_269] : memref<10000x128xf32, #tpu.memory_space<hbm>> -> memref<10000x128xf32, #tpu.memory_space<hbm>>
      tpu.wait_indirect_dma semaphore(%arg19 : memref<!tpu.dma_semaphore, #tpu.memory_space<semaphore_mem>>) src(%dma_wait3A_270 : memref<10000x128xf32, #tpu.memory_space<hbm>>) dst(%arg18 : memref<80x128xf32, #tpu.memory_space<vmem>>)
      %dma_wait3A_271 = arith.constant 0 : i32
      %dma_wait3A_272 = arith.constant 0 : i32
      %dma_wait3A_273 = tpu.memref_slice %arg2[%dma_wait3A_271, %dma_wait3A_272] : memref<10000x128xf32, #tpu.memory_space<hbm>> -> memref<10000x128xf32, #tpu.memory_space<hbm>>
      tpu.wait_indirect_dma semaphore(%arg20 : memref<!tpu.dma_semaphore, #tpu.memory_space<semaphore_mem>>) src(%dma_wait3A_273 : memref<10000x128xf32, #tpu.memory_space<hbm>>) dst(%arg17 : memref<80x128xf32, #tpu.memory_space<vmem>>)
      %scan3A_274 = arith.constant 0 : i32
      %scan3A_275 = arith.constant 80 : i32
      %scan3A_276 = arith.addi %scan3A_274, %scan3A_275 : i32
      %scan3A_277 = arith.constant 1 : i32
      scf.for %scan3A_287 = %scan3A_274 to %scan3A_276 step %scan3A_277  : i32 {
        %mul3A_288 = arith.constant 1 : i32
        %mul3A_289 = arith.muli %scan3A_287, %mul3A_288 : i32
        %add3A_290 = arith.constant 0 : i32
        %add3A_291 = arith.addi %add3A_290, %mul3A_289 : i32
        %broadcast_in_dim3A = vector.broadcast %add3A_291 : i32 to vector<16xi32>
        %gather3A_292 = tpu.vector_load_idx %arg14[%broadcast_in_dim3A] : memref<80xf32, #tpu.memory_space<vmem>>[vector<16xi32>], vector<16xf32>,
        %gather3A_293 = tpu.vector_load_idx %arg15[%broadcast_in_dim3A] : memref<80xf32, #tpu.memory_space<vmem>>[vector<16xi32>], vector<16xf32>,
        %gather3A_294 = tpu.vector_load_idx %arg13[%broadcast_in_dim3A] : memref<80xf32, #tpu.memory_space<vmem>>[vector<16xi32>], vector<16xf32>,
        %get3A_295 = arith.index_cast %add3A_291 : i32 to index
        %get3A_296 = arith.constant 0 : index
        %get3A_297 = tpu.vector_load %arg18[%get3A_295, %get3A_296] {strides = array<i32>} : memref<80x128xf32, #tpu.memory_space<vmem>>, vector<16xf32>,
        %get3A_298 = arith.index_cast %add3A_291 : i32 to index
        %get3A_299 = arith.constant 16 : index
        %get3A_300 = tpu.vector_load %arg18[%get3A_298, %get3A_299] {strides = array<i32>} : memref<80x128xf32, #tpu.memory_space<vmem>>, vector<16xf32>,
        %get3A_301 = arith.index_cast %add3A_291 : i32 to index
        %get3A_302 = arith.constant 32 : index
        %get3A_303 = tpu.vector_load %arg18[%get3A_301, %get3A_302] {strides = array<i32>} : memref<80x128xf32, #tpu.memory_space<vmem>>, vector<16xf32>,
        %get3A_304 = arith.index_cast %add3A_291 : i32 to index
        %get3A_305 = arith.constant 48 : index
        %get3A_306 = tpu.vector_load %arg18[%get3A_304, %get3A_305] {strides = array<i32>} : memref<80x128xf32, #tpu.memory_space<vmem>>, vector<16xf32>,
        %get3A_307 = arith.index_cast %add3A_291 : i32 to index
        %get3A_308 = arith.constant 64 : index
        %get3A_309 = tpu.vector_load %arg18[%get3A_307, %get3A_308] {strides = array<i32>} : memref<80x128xf32, #tpu.memory_space<vmem>>, vector<16xf32>,
        %get3A_310 = arith.index_cast %add3A_291 : i32 to index
        %get3A_311 = arith.constant 80 : index
        %get3A_312 = tpu.vector_load %arg18[%get3A_310, %get3A_311] {strides = array<i32>} : memref<80x128xf32, #tpu.memory_space<vmem>>, vector<16xf32>,
        %get3A_313 = arith.index_cast %add3A_291 : i32 to index
        %get3A_314 = arith.constant 96 : index
        %get3A_315 = tpu.vector_load %arg18[%get3A_313, %get3A_314] {strides = array<i32>} : memref<80x128xf32, #tpu.memory_space<vmem>>, vector<16xf32>,
        %get3A_316 = arith.index_cast %add3A_291 : i32 to index
        %get3A_317 = arith.constant 112 : index
        %get3A_318 = tpu.vector_load %arg18[%get3A_316, %get3A_317] {strides = array<i32>} : memref<80x128xf32, #tpu.memory_space<vmem>>, vector<16xf32>,
        %get3A_319 = arith.index_cast %add3A_291 : i32 to index
        %get3A_320 = arith.constant 0 : index
        %get3A_321 = tpu.vector_load %arg17[%get3A_319, %get3A_320] {strides = array<i32>} : memref<80x128xf32, #tpu.memory_space<vmem>>, vector<16xf32>,
        %get3A_322 = arith.index_cast %add3A_291 : i32 to index
        %get3A_323 = arith.constant 16 : index
        %get3A_324 = tpu.vector_load %arg17[%get3A_322, %get3A_323] {strides = array<i32>} : memref<80x128xf32, #tpu.memory_space<vmem>>, vector<16xf32>,
        %get3A_325 = arith.index_cast %add3A_291 : i32 to index
        %get3A_326 = arith.constant 32 : index
        %get3A_327 = tpu.vector_load %arg17[%get3A_325, %get3A_326] {strides = array<i32>} : memref<80x128xf32, #tpu.memory_space<vmem>>, vector<16xf32>,
        %get3A_328 = arith.index_cast %add3A_291 : i32 to index
        %get3A_329 = arith.constant 48 : index
        %get3A_330 = tpu.vector_load %arg17[%get3A_328, %get3A_329] {strides = array<i32>} : memref<80x128xf32, #tpu.memory_space<vmem>>, vector<16xf32>,
        %get3A_331 = arith.index_cast %add3A_291 : i32 to index
        %get3A_332 = arith.constant 64 : index
        %get3A_333 = tpu.vector_load %arg17[%get3A_331, %get3A_332] {strides = array<i32>} : memref<80x128xf32, #tpu.memory_space<vmem>>, vector<16xf32>,
        %get3A_334 = arith.index_cast %add3A_291 : i32 to index
        %get3A_335 = arith.constant 80 : index
        %get3A_336 = tpu.vector_load %arg17[%get3A_334, %get3A_335] {strides = array<i32>} : memref<80x128xf32, #tpu.memory_space<vmem>>, vector<16xf32>,
        %get3A_337 = arith.index_cast %add3A_291 : i32 to index
        %get3A_338 = arith.constant 96 : index
        %get3A_339 = tpu.vector_load %arg17[%get3A_337, %get3A_338] {strides = array<i32>} : memref<80x128xf32, #tpu.memory_space<vmem>>, vector<16xf32>,
        %get3A_340 = arith.index_cast %add3A_291 : i32 to index
        %get3A_341 = arith.constant 112 : index
        %get3A_342 = tpu.vector_load %arg17[%get3A_340, %get3A_341] {strides = array<i32>} : memref<80x128xf32, #tpu.memory_space<vmem>>, vector<16xf32>,
        %broadcast_in_dim3A_343 = arith.constant 0.000000e+00 : f32
        %broadcast_in_dim3A_344 = vector.broadcast %broadcast_in_dim3A_343 : f32 to vector<16xf32>
        %mul3A_345 = arith.mulf %gather3A_293, %get3A_321 : vector<16xf32>
        %mul3A_346 = arith.mulf %gather3A_292, %get3A_297 : vector<16xf32>
        %sub3A_347 = arith.subf %mul3A_345, %mul3A_346 : vector<16xf32>
        %mul3A_348 = arith.mulf %sub3A_347, %sub3A_347 : vector<16xf32>
        %add3A_349 = arith.addf %broadcast_in_dim3A_344, %mul3A_348 : vector<16xf32>
        %mul3A_350 = arith.mulf %gather3A_293, %get3A_324 : vector<16xf32>
        %mul3A_351 = arith.mulf %gather3A_292, %get3A_300 : vector<16xf32>
        %sub3A_352 = arith.subf %mul3A_350, %mul3A_351 : vector<16xf32>
        %mul3A_353 = arith.mulf %sub3A_352, %sub3A_352 : vector<16xf32>
        %add3A_354 = arith.addf %add3A_349, %mul3A_353 : vector<16xf32>
        %mul3A_355 = arith.mulf %gather3A_293, %get3A_327 : vector<16xf32>
        %mul3A_356 = arith.mulf %gather3A_292, %get3A_303 : vector<16xf32>
        %sub3A_357 = arith.subf %mul3A_355, %mul3A_356 : vector<16xf32>
        %mul3A_358 = arith.mulf %sub3A_357, %sub3A_357 : vector<16xf32>
        %add3A_359 = arith.addf %add3A_354, %mul3A_358 : vector<16xf32>
        %mul3A_360 = arith.mulf %gather3A_293, %get3A_330 : vector<16xf32>
        %mul3A_361 = arith.mulf %gather3A_292, %get3A_306 : vector<16xf32>
        %sub3A_362 = arith.subf %mul3A_360, %mul3A_361 : vector<16xf32>
        %mul3A_363 = arith.mulf %sub3A_362, %sub3A_362 : vector<16xf32>
        %add3A_364 = arith.addf %add3A_359, %mul3A_363 : vector<16xf32>
        %mul3A_365 = arith.mulf %gather3A_293, %get3A_333 : vector<16xf32>
        %mul3A_366 = arith.mulf %gather3A_292, %get3A_309 : vector<16xf32>
        %sub3A_367 = arith.subf %mul3A_365, %mul3A_366 : vector<16xf32>
        %mul3A_368 = arith.mulf %sub3A_367, %sub3A_367 : vector<16xf32>
        %add3A_369 = arith.addf %add3A_364, %mul3A_368 : vector<16xf32>
        %mul3A_370 = arith.mulf %gather3A_293, %get3A_336 : vector<16xf32>
        %mul3A_371 = arith.mulf %gather3A_292, %get3A_312 : vector<16xf32>
        %sub3A_372 = arith.subf %mul3A_370, %mul3A_371 : vector<16xf32>
        %mul3A_373 = arith.mulf %sub3A_372, %sub3A_372 : vector<16xf32>
        %add3A_374 = arith.addf %add3A_369, %mul3A_373 : vector<16xf32>
        %mul3A_375 = arith.mulf %gather3A_293, %get3A_339 : vector<16xf32>
        %mul3A_376 = arith.mulf %gather3A_292, %get3A_315 : vector<16xf32>
        %sub3A_377 = arith.subf %mul3A_375, %mul3A_376 : vector<16xf32>
        %mul3A_378 = arith.mulf %sub3A_377, %sub3A_377 : vector<16xf32>
        %add3A_379 = arith.addf %add3A_374, %mul3A_378 : vector<16xf32>
        %mul3A_380 = arith.mulf %gather3A_293, %get3A_342 : vector<16xf32>
        %mul3A_381 = arith.mulf %gather3A_292, %get3A_318 : vector<16xf32>
        %sub3A_382 = arith.subf %mul3A_380, %mul3A_381 : vector<16xf32>
        %mul3A_383 = arith.mulf %sub3A_382, %sub3A_382 : vector<16xf32>
        %add3A_384 = arith.addf %add3A_379, %mul3A_383 : vector<16xf32>
        %reduce_sum3A = arith.constant true
        %reduce_sum3A_385 = vector.broadcast %reduce_sum3A : i1 to vector<16xi1>
        %reduce_sum3A_386 = tpu.scan <sum>, %add3A_384 masked %reduce_sum3A_385 : vector<16xf32>, vector<16xi1> -> vector<16xf32>
        %reduce_sum3A_387 = vector.extract %reduce_sum3A_386[15] : f32 from vector<16xf32>
        %broadcast_in_dim3A_388 = vector.broadcast %reduce_sum3A_387 : f32 to vector<16xf32>
        %max3A = arith.constant 9.99999968E-21 : f32
        %max3A_389 = vector.broadcast %max3A : f32 to vector<16xf32>
        %max3A_390 = arith.maximumf %broadcast_in_dim3A_388, %max3A_389 : vector<16xf32>
        %bitcast_convert_type3A = tpu.bitcast %max3A_390 : vector<16xf32> -> vector<16xi32>
        %shift_right_arithmetic3A = arith.constant 1 : i32
        %shift_right_arithmetic3A_391 = vector.broadcast %shift_right_arithmetic3A : i32 to vector<16xi32>
        %shift_right_arithmetic3A_392 = arith.shrsi %bitcast_convert_type3A, %shift_right_arithmetic3A_391 : vector<16xi32>
        %sub3A_393 = arith.constant 1597463007 : i32
        %sub3A_394 = vector.broadcast %sub3A_393 : i32 to vector<16xi32>
        %sub3A_395 = arith.subi %sub3A_394, %shift_right_arithmetic3A_392 : vector<16xi32>
        %bitcast_convert_type3A_396 = tpu.bitcast %sub3A_395 : vector<16xi32> -> vector<16xf32>
        %mul3A_397 = arith.constant 5.000000e-01 : f32
        %mul3A_398 = vector.broadcast %mul3A_397 : f32 to vector<16xf32>
        %mul3A_399 = arith.mulf %mul3A_398, %max3A_390 : vector<16xf32>
        %mul3A_400 = arith.mulf %mul3A_399, %bitcast_convert_type3A_396 : vector<16xf32>
        %mul3A_401 = arith.mulf %mul3A_400, %bitcast_convert_type3A_396 : vector<16xf32>
        %sub3A_402 = arith.constant 1.500000e+00 : f32
        %sub3A_403 = vector.broadcast %sub3A_402 : f32 to vector<16xf32>
        %sub3A_404 = arith.subf %sub3A_403, %mul3A_401 : vector<16xf32>
        %mul3A_405 = arith.mulf %bitcast_convert_type3A_396, %sub3A_404 : vector<16xf32>
        %mul3A_406 = arith.constant 5.000000e-01 : f32
        %mul3A_407 = vector.broadcast %mul3A_406 : f32 to vector<16xf32>
        %mul3A_408 = arith.mulf %mul3A_407, %max3A_390 : vector<16xf32>
        %mul3A_409 = arith.mulf %mul3A_408, %mul3A_405 : vector<16xf32>
        %mul3A_410 = arith.mulf %mul3A_409, %mul3A_405 : vector<16xf32>
        %sub3A_411 = arith.constant 1.500000e+00 : f32
        %sub3A_412 = vector.broadcast %sub3A_411 : f32 to vector<16xf32>
        %sub3A_413 = arith.subf %sub3A_412, %mul3A_410 : vector<16xf32>
        %mul3A_414 = arith.mulf %mul3A_405, %sub3A_413 : vector<16xf32>
        %mul3A_415 = arith.constant 5.000000e-01 : f32
        %mul3A_416 = vector.broadcast %mul3A_415 : f32 to vector<16xf32>
        %mul3A_417 = arith.mulf %mul3A_416, %max3A_390 : vector<16xf32>
        %mul3A_418 = arith.mulf %mul3A_417, %mul3A_414 : vector<16xf32>
        %mul3A_419 = arith.mulf %mul3A_418, %mul3A_414 : vector<16xf32>
        %sub3A_420 = arith.constant 1.500000e+00 : f32
        %sub3A_421 = vector.broadcast %sub3A_420 : f32 to vector<16xf32>
        %sub3A_422 = arith.subf %sub3A_421, %mul3A_419 : vector<16xf32>
        %mul3A_423 = arith.mulf %mul3A_414, %sub3A_422 : vector<16xf32>
        %mul3A_424 = arith.mulf %max3A_390, %mul3A_423 : vector<16xf32>
        %add3A_425 = arith.constant 9.99999974E-6 : f32
        %add3A_426 = vector.broadcast %add3A_425 : f32 to vector<16xf32>
        %add3A_427 = arith.addf %mul3A_424, %add3A_426 : vector<16xf32>
        %mul3A_428 = arith.constant 5.000000e-01 : f32
        %mul3A_429 = vector.broadcast %mul3A_428 : f32 to vector<16xf32>
        %mul3A_430 = arith.mulf %mul3A_429, %gather3A_294 : vector<16xf32>
        %div3A = arith.divf %mul3A_430, %add3A_427 : vector<16xf32>
        %mul3A_431 = arith.mulf %gather3A_292, %gather3A_293 : vector<16xf32>
        %sub3A_432 = arith.constant 1.000000e+00 : f32
        %sub3A_433 = vector.broadcast %sub3A_432 : f32 to vector<16xf32>
        %sub3A_434 = arith.subf %sub3A_433, %div3A : vector<16xf32>
        %mul3A_435 = arith.mulf %mul3A_431, %sub3A_434 : vector<16xf32>
        %mul3A_436 = arith.mulf %gather3A_292, %gather3A_292 : vector<16xf32>
        %mul3A_437 = arith.mulf %mul3A_436, %div3A : vector<16xf32>
        %mul3A_438 = arith.mulf %mul3A_435, %get3A_297 : vector<16xf32>
        %mul3A_439 = arith.mulf %mul3A_437, %get3A_321 : vector<16xf32>
        %add3A_440 = arith.addf %mul3A_438, %mul3A_439 : vector<16xf32>
        %swap3A_441 = arith.index_cast %add3A_291 : i32 to index
        %swap3A_442 = arith.constant 0 : index
        %swap3A_443 = tpu.vector_load %arg18[%swap3A_441, %swap3A_442] {strides = array<i32>} : memref<80x128xf32, #tpu.memory_space<vmem>>, vector<16xf32>,
        tpu.vector_store %arg18[%swap3A_441, %swap3A_442], %add3A_440 {strides = array<i32>} : memref<80x128xf32, #tpu.memory_space<vmem>>, vector<16xf32>,
        %mul3A_444 = arith.mulf %mul3A_435, %get3A_300 : vector<16xf32>
        %mul3A_445 = arith.mulf %mul3A_437, %get3A_324 : vector<16xf32>
        %add3A_446 = arith.addf %mul3A_444, %mul3A_445 : vector<16xf32>
        %swap3A_447 = arith.index_cast %add3A_291 : i32 to index
        %swap3A_448 = arith.constant 16 : index
        %swap3A_449 = tpu.vector_load %arg18[%swap3A_447, %swap3A_448] {strides = array<i32>} : memref<80x128xf32, #tpu.memory_space<vmem>>, vector<16xf32>,
        tpu.vector_store %arg18[%swap3A_447, %swap3A_448], %add3A_446 {strides = array<i32>} : memref<80x128xf32, #tpu.memory_space<vmem>>, vector<16xf32>,
        %mul3A_450 = arith.mulf %mul3A_435, %get3A_303 : vector<16xf32>
        %mul3A_451 = arith.mulf %mul3A_437, %get3A_327 : vector<16xf32>
        %add3A_452 = arith.addf %mul3A_450, %mul3A_451 : vector<16xf32>
        %swap3A_453 = arith.index_cast %add3A_291 : i32 to index
        %swap3A_454 = arith.constant 32 : index
        %swap3A_455 = tpu.vector_load %arg18[%swap3A_453, %swap3A_454] {strides = array<i32>} : memref<80x128xf32, #tpu.memory_space<vmem>>, vector<16xf32>,
        tpu.vector_store %arg18[%swap3A_453, %swap3A_454], %add3A_452 {strides = array<i32>} : memref<80x128xf32, #tpu.memory_space<vmem>>, vector<16xf32>,
        %mul3A_456 = arith.mulf %mul3A_435, %get3A_306 : vector<16xf32>
        %mul3A_457 = arith.mulf %mul3A_437, %get3A_330 : vector<16xf32>
        %add3A_458 = arith.addf %mul3A_456, %mul3A_457 : vector<16xf32>
        %swap3A_459 = arith.index_cast %add3A_291 : i32 to index
        %swap3A_460 = arith.constant 48 : index
        %swap3A_461 = tpu.vector_load %arg18[%swap3A_459, %swap3A_460] {strides = array<i32>} : memref<80x128xf32, #tpu.memory_space<vmem>>, vector<16xf32>,
        tpu.vector_store %arg18[%swap3A_459, %swap3A_460], %add3A_458 {strides = array<i32>} : memref<80x128xf32, #tpu.memory_space<vmem>>, vector<16xf32>,
        %mul3A_462 = arith.mulf %mul3A_435, %get3A_309 : vector<16xf32>
        %mul3A_463 = arith.mulf %mul3A_437, %get3A_333 : vector<16xf32>
        %add3A_464 = arith.addf %mul3A_462, %mul3A_463 : vector<16xf32>
        %swap3A_465 = arith.index_cast %add3A_291 : i32 to index
        %swap3A_466 = arith.constant 64 : index
        %swap3A_467 = tpu.vector_load %arg18[%swap3A_465, %swap3A_466] {strides = array<i32>} : memref<80x128xf32, #tpu.memory_space<vmem>>, vector<16xf32>,
        tpu.vector_store %arg18[%swap3A_465, %swap3A_466], %add3A_464 {strides = array<i32>} : memref<80x128xf32, #tpu.memory_space<vmem>>, vector<16xf32>,
        %mul3A_468 = arith.mulf %mul3A_435, %get3A_312 : vector<16xf32>
        %mul3A_469 = arith.mulf %mul3A_437, %get3A_336 : vector<16xf32>
        %add3A_470 = arith.addf %mul3A_468, %mul3A_469 : vector<16xf32>
        %swap3A_471 = arith.index_cast %add3A_291 : i32 to index
        %swap3A_472 = arith.constant 80 : index
        %swap3A_473 = tpu.vector_load %arg18[%swap3A_471, %swap3A_472] {strides = array<i32>} : memref<80x128xf32, #tpu.memory_space<vmem>>, vector<16xf32>,
        tpu.vector_store %arg18[%swap3A_471, %swap3A_472], %add3A_470 {strides = array<i32>} : memref<80x128xf32, #tpu.memory_space<vmem>>, vector<16xf32>,
        %mul3A_474 = arith.mulf %mul3A_435, %get3A_315 : vector<16xf32>
        %mul3A_475 = arith.mulf %mul3A_437, %get3A_339 : vector<16xf32>
        %add3A_476 = arith.addf %mul3A_474, %mul3A_475 : vector<16xf32>
        %swap3A_477 = arith.index_cast %add3A_291 : i32 to index
        %swap3A_478 = arith.constant 96 : index
        %swap3A_479 = tpu.vector_load %arg18[%swap3A_477, %swap3A_478] {strides = array<i32>} : memref<80x128xf32, #tpu.memory_space<vmem>>, vector<16xf32>,
        tpu.vector_store %arg18[%swap3A_477, %swap3A_478], %add3A_476 {strides = array<i32>} : memref<80x128xf32, #tpu.memory_space<vmem>>, vector<16xf32>,
        %mul3A_480 = arith.mulf %mul3A_435, %get3A_318 : vector<16xf32>
        %mul3A_481 = arith.mulf %mul3A_437, %get3A_342 : vector<16xf32>
        %add3A_482 = arith.addf %mul3A_480, %mul3A_481 : vector<16xf32>
        %swap3A_483 = arith.index_cast %add3A_291 : i32 to index
        %swap3A_484 = arith.constant 112 : index
        %swap3A_485 = tpu.vector_load %arg18[%swap3A_483, %swap3A_484] {strides = array<i32>} : memref<80x128xf32, #tpu.memory_space<vmem>>, vector<16xf32>,
        tpu.vector_store %arg18[%swap3A_483, %swap3A_484], %add3A_482 {strides = array<i32>} : memref<80x128xf32, #tpu.memory_space<vmem>>, vector<16xf32>,
      }
      %scan3A_278 = arith.constant 80 : i32
      %dma_start3A_279 = arith.constant 0 : i32
      %dma_start3A_280 = arith.constant 0 : i32
      %dma_start3A_281 = tpu.memref_slice %arg8[%dma_start3A_279, %dma_start3A_280] : memref<10000x128xf32, #tpu.memory_space<vmem_shared>> -> memref<10000x128xf32, #tpu.memory_space<vmem_shared>>
      tpu.enqueue_indirect_dma source(%arg18 : memref<80x128xf32, #tpu.memory_space<vmem>>) target(%dma_start3A_281 : memref<10000x128xf32, #tpu.memory_space<vmem_shared>>) offsets(%arg12 : memref<80xi32, #tpu.memory_space<vmem>>) semaphore(%arg22 : memref<!tpu.dma_semaphore, #tpu.memory_space<semaphore_mem>>) {add = true}
      %eq3A_282 = arith.constant 61 : i32
      %eq3A_283 = arith.cmpi eq, %add3A_59, %eq3A_282 : i32
      %convert_element_type3A_284 = arith.extui %eq3A_283 : i1 to i32
      %cond3A_285 = arith.constant 0 : i32
      %cond3A_286 = arith.cmpi ne, %convert_element_type3A_284, %cond3A_285 : i32
      scf.if %cond3A_286 {
        %dma_wait3A_287 = arith.constant 0 : i32
        %dma_wait3A_288 = arith.constant 0 : i32
        %dma_wait3A_289 = tpu.memref_slice %arg8[%dma_wait3A_287, %dma_wait3A_288] : memref<10000x128xf32, #tpu.memory_space<vmem_shared>> -> memref<10000x128xf32, #tpu.memory_space<vmem_shared>>
        tpu.wait_indirect_dma semaphore(%arg21 : memref<!tpu.dma_semaphore, #tpu.memory_space<semaphore_mem>>) src(%arg16 : memref<80x128xf32, #tpu.memory_space<vmem>>) dst(%dma_wait3A_289 : memref<10000x128xf32, #tpu.memory_space<vmem_shared>>)
        %mul3A_290 = arith.constant 2 : i32
        %mul3A_291 = arith.muli %mul3A_290, %add3A_59 : i32
        %add3A_292 = arith.constant 2 : i32
        %add3A_293 = arith.addi %mul3A_291, %add3A_292 : i32
        %dma_start3A_294 = arith.constant 0 : i32
        %dma_start3A_295 = tpu.memref_slice %arg4[%add3A, %add3A_293, %dma_start3A_294] : memref<32x125x80xi32, #tpu.memory_space<hbm>> -> memref<1x1x80xi32, #tpu.memory_space<hbm>>
        %dma_start3A_296 = tpu.memref_squeeze %dma_start3A_295 : memref<1x1x80xi32, #tpu.memory_space<hbm>> -> memref<80xi32, #tpu.memory_space<hbm>>
        %dma_start3A_297 = arith.constant 0 : i32
        %dma_start3A_298 = tpu.memref_slice %arg4[%add3A, %add3A_293, %dma_start3A_297] : memref<32x125x80xi32, #tpu.memory_space<hbm>> -> memref<1x1x80xi32, #tpu.memory_space<hbm>>
        %dma_start3A_299 = tpu.memref_squeeze %dma_start3A_298 : memref<1x1x80xi32, #tpu.memory_space<hbm>> -> memref<80xi32, #tpu.memory_space<hbm>>
        tpu.enqueue_dma source(%dma_start3A_299 : memref<80xi32, #tpu.memory_space<hbm>>) target(%arg10 : memref<80xi32, #tpu.memory_space<vmem>>) target_semaphore(%arg23 : memref<!tpu.dma_semaphore, #tpu.memory_space<semaphore_mem>>)
        %dma_start3A_300 = arith.constant 0 : i32
        %dma_start3A_301 = tpu.memref_slice %arg5[%add3A, %add3A_293, %dma_start3A_300] : memref<32x125x80xi32, #tpu.memory_space<hbm>> -> memref<1x1x80xi32, #tpu.memory_space<hbm>>
        %dma_start3A_302 = tpu.memref_squeeze %dma_start3A_301 : memref<1x1x80xi32, #tpu.memory_space<hbm>> -> memref<80xi32, #tpu.memory_space<hbm>>
        %dma_start3A_303 = arith.constant 0 : i32
        %dma_start3A_304 = tpu.memref_slice %arg5[%add3A, %add3A_293, %dma_start3A_303] : memref<32x125x80xi32, #tpu.memory_space<hbm>> -> memref<1x1x80xi32, #tpu.memory_space<hbm>>
        %dma_start3A_305 = tpu.memref_squeeze %dma_start3A_304 : memref<1x1x80xi32, #tpu.memory_space<hbm>> -> memref<80xi32, #tpu.memory_space<hbm>>
        tpu.enqueue_dma source(%dma_start3A_305 : memref<80xi32, #tpu.memory_space<hbm>>) target(%arg11 : memref<80xi32, #tpu.memory_space<vmem>>) target_semaphore(%arg24 : memref<!tpu.dma_semaphore, #tpu.memory_space<semaphore_mem>>)
        %dma_start3A_306 = arith.constant 0 : i32
        %dma_start3A_307 = tpu.memref_slice %arg6[%add3A, %add3A_293, %dma_start3A_306] : memref<32x125x80xf32, #tpu.memory_space<hbm>> -> memref<1x1x80xf32, #tpu.memory_space<hbm>>
        %dma_start3A_308 = tpu.memref_squeeze %dma_start3A_307 : memref<1x1x80xf32, #tpu.memory_space<hbm>> -> memref<80xf32, #tpu.memory_space<hbm>>
        %dma_start3A_309 = arith.constant 0 : i32
        %dma_start3A_310 = tpu.memref_slice %arg6[%add3A, %add3A_293, %dma_start3A_309] : memref<32x125x80xf32, #tpu.memory_space<hbm>> -> memref<1x1x80xf32, #tpu.memory_space<hbm>>
        %dma_start3A_311 = tpu.memref_squeeze %dma_start3A_310 : memref<1x1x80xf32, #tpu.memory_space<hbm>> -> memref<80xf32, #tpu.memory_space<hbm>>
        tpu.enqueue_dma source(%dma_start3A_311 : memref<80xf32, #tpu.memory_space<hbm>>) target(%arg13 : memref<80xf32, #tpu.memory_space<vmem>>) target_semaphore(%arg25 : memref<!tpu.dma_semaphore, #tpu.memory_space<semaphore_mem>>)
        %dma_wait3A_312 = arith.constant 0 : i32
        %dma_wait3A_313 = tpu.memref_slice %arg4[%add3A, %add3A_293, %dma_wait3A_312] : memref<32x125x80xi32, #tpu.memory_space<hbm>> -> memref<1x1x80xi32, #tpu.memory_space<hbm>>
        %dma_wait3A_314 = tpu.memref_squeeze %dma_wait3A_313 : memref<1x1x80xi32, #tpu.memory_space<hbm>> -> memref<80xi32, #tpu.memory_space<hbm>>
        %dma_wait3A_315 = arith.constant 0 : i32
        %dma_wait3A_316 = tpu.memref_slice %arg4[%add3A, %add3A_293, %dma_wait3A_315] : memref<32x125x80xi32, #tpu.memory_space<hbm>> -> memref<1x1x80xi32, #tpu.memory_space<hbm>>
        %dma_wait3A_317 = tpu.memref_squeeze %dma_wait3A_316 : memref<1x1x80xi32, #tpu.memory_space<hbm>> -> memref<80xi32, #tpu.memory_space<hbm>>
        tpu.wait_dma2 semaphore(%arg23 : memref<!tpu.dma_semaphore, #tpu.memory_space<semaphore_mem>>) src(%dma_wait3A_317 : memref<80xi32, #tpu.memory_space<hbm>>) dst(%arg10 : memref<80xi32, #tpu.memory_space<vmem>>)
        %dma_wait3A_318 = arith.constant 0 : i32
        %dma_wait3A_319 = tpu.memref_slice %arg5[%add3A, %add3A_293, %dma_wait3A_318] : memref<32x125x80xi32, #tpu.memory_space<hbm>> -> memref<1x1x80xi32, #tpu.memory_space<hbm>>
        %dma_wait3A_320 = tpu.memref_squeeze %dma_wait3A_319 : memref<1x1x80xi32, #tpu.memory_space<hbm>> -> memref<80xi32, #tpu.memory_space<hbm>>
        %dma_wait3A_321 = arith.constant 0 : i32
        %dma_wait3A_322 = tpu.memref_slice %arg5[%add3A, %add3A_293, %dma_wait3A_321] : memref<32x125x80xi32, #tpu.memory_space<hbm>> -> memref<1x1x80xi32, #tpu.memory_space<hbm>>
        %dma_wait3A_323 = tpu.memref_squeeze %dma_wait3A_322 : memref<1x1x80xi32, #tpu.memory_space<hbm>> -> memref<80xi32, #tpu.memory_space<hbm>>
        tpu.wait_dma2 semaphore(%arg24 : memref<!tpu.dma_semaphore, #tpu.memory_space<semaphore_mem>>) src(%dma_wait3A_323 : memref<80xi32, #tpu.memory_space<hbm>>) dst(%arg11 : memref<80xi32, #tpu.memory_space<vmem>>)
        %dma_start3A_324 = arith.constant 0 : i32
        %dma_start3A_325 = arith.constant 0 : i32
        %dma_start3A_326 = tpu.memref_slice %arg2[%dma_start3A_324, %dma_start3A_325] : memref<10000x128xf32, #tpu.memory_space<hbm>> -> memref<10000x128xf32, #tpu.memory_space<hbm>>
        tpu.enqueue_indirect_dma source(%dma_start3A_326 : memref<10000x128xf32, #tpu.memory_space<hbm>>) target(%arg16 : memref<80x128xf32, #tpu.memory_space<vmem>>) offsets(%arg10 : memref<80xi32, #tpu.memory_space<vmem>>) semaphore(%arg19 : memref<!tpu.dma_semaphore, #tpu.memory_space<semaphore_mem>>)
        %dma_start3A_327 = arith.constant 0 : i32
        %dma_start3A_328 = arith.constant 0 : i32
        %dma_start3A_329 = tpu.memref_slice %arg2[%dma_start3A_327, %dma_start3A_328] : memref<10000x128xf32, #tpu.memory_space<hbm>> -> memref<10000x128xf32, #tpu.memory_space<hbm>>
        tpu.enqueue_indirect_dma source(%dma_start3A_329 : memref<10000x128xf32, #tpu.memory_space<hbm>>) target(%arg17 : memref<80x128xf32, #tpu.memory_space<vmem>>) offsets(%arg11 : memref<80xi32, #tpu.memory_space<vmem>>) semaphore(%arg20 : memref<!tpu.dma_semaphore, #tpu.memory_space<semaphore_mem>>)
        %dma_wait3A_330 = arith.constant 0 : i32
        %dma_wait3A_331 = tpu.memref_slice %arg6[%add3A, %add3A_293, %dma_wait3A_330] : memref<32x125x80xf32, #tpu.memory_space<hbm>> -> memref<1x1x80xf32, #tpu.memory_space<hbm>>
        %dma_wait3A_332 = tpu.memref_squeeze %dma_wait3A_331 : memref<1x1x80xf32, #tpu.memory_space<hbm>> -> memref<80xf32, #tpu.memory_space<hbm>>
        %dma_wait3A_333 = arith.constant 0 : i32
        %dma_wait3A_334 = tpu.memref_slice %arg6[%add3A, %add3A_293, %dma_wait3A_333] : memref<32x125x80xf32, #tpu.memory_space<hbm>> -> memref<1x1x80xf32, #tpu.memory_space<hbm>>
        %dma_wait3A_335 = tpu.memref_squeeze %dma_wait3A_334 : memref<1x1x80xf32, #tpu.memory_space<hbm>> -> memref<80xf32, #tpu.memory_space<hbm>>
        tpu.wait_dma2 semaphore(%arg25 : memref<!tpu.dma_semaphore, #tpu.memory_space<semaphore_mem>>) src(%dma_wait3A_335 : memref<80xf32, #tpu.memory_space<hbm>>) dst(%arg13 : memref<80xf32, #tpu.memory_space<vmem>>)
        %get3A_336 = arith.constant 0 : index
        %get3A_337 = tpu.vector_load %arg10[%get3A_336] {strides = array<i32>} : memref<80xi32, #tpu.memory_space<vmem>>, vector<16xi32>,
        %get3A_338 = arith.constant 0 : index
        %get3A_339 = tpu.vector_load %arg11[%get3A_338] {strides = array<i32>} : memref<80xi32, #tpu.memory_space<vmem>>, vector<16xi32>,
        %gather3A_340 = tpu.vector_load_idx %arg9[%get3A_337] : memref<10000xf32, #tpu.memory_space<vmem>>[vector<16xi32>], vector<16xf32>,
        %swap3A_341 = arith.constant 0 : index
        %swap3A_342 = tpu.vector_load %arg14[%swap3A_341] {strides = array<i32>} : memref<80xf32, #tpu.memory_space<vmem>>, vector<16xf32>,
        tpu.vector_store %arg14[%swap3A_341], %gather3A_340 {strides = array<i32>} : memref<80xf32, #tpu.memory_space<vmem>>, vector<16xf32>,
        %gather3A_343 = tpu.vector_load_idx %arg9[%get3A_339] : memref<10000xf32, #tpu.memory_space<vmem>>[vector<16xi32>], vector<16xf32>,
        %swap3A_344 = arith.constant 0 : index
        %swap3A_345 = tpu.vector_load %arg15[%swap3A_344] {strides = array<i32>} : memref<80xf32, #tpu.memory_space<vmem>>, vector<16xf32>,
        tpu.vector_store %arg15[%swap3A_344], %gather3A_343 {strides = array<i32>} : memref<80xf32, #tpu.memory_space<vmem>>, vector<16xf32>,
        %get3A_346 = arith.constant 16 : index
        %get3A_347 = tpu.vector_load %arg10[%get3A_346] {strides = array<i32>} : memref<80xi32, #tpu.memory_space<vmem>>, vector<16xi32>,
        %get3A_348 = arith.constant 16 : index
        %get3A_349 = tpu.vector_load %arg11[%get3A_348] {strides = array<i32>} : memref<80xi32, #tpu.memory_space<vmem>>, vector<16xi32>,
        %gather3A_350 = tpu.vector_load_idx %arg9[%get3A_347] : memref<10000xf32, #tpu.memory_space<vmem>>[vector<16xi32>], vector<16xf32>,
        %swap3A_351 = arith.constant 16 : index
        %swap3A_352 = tpu.vector_load %arg14[%swap3A_351] {strides = array<i32>} : memref<80xf32, #tpu.memory_space<vmem>>, vector<16xf32>,
        tpu.vector_store %arg14[%swap3A_351], %gather3A_350 {strides = array<i32>} : memref<80xf32, #tpu.memory_space<vmem>>, vector<16xf32>,
        %gather3A_353 = tpu.vector_load_idx %arg9[%get3A_349] : memref<10000xf32, #tpu.memory_space<vmem>>[vector<16xi32>], vector<16xf32>,
        %swap3A_354 = arith.constant 16 : index
        %swap3A_355 = tpu.vector_load %arg15[%swap3A_354] {strides = array<i32>} : memref<80xf32, #tpu.memory_space<vmem>>, vector<16xf32>,
        tpu.vector_store %arg15[%swap3A_354], %gather3A_353 {strides = array<i32>} : memref<80xf32, #tpu.memory_space<vmem>>, vector<16xf32>,
        %get3A_356 = arith.constant 32 : index
        %get3A_357 = tpu.vector_load %arg10[%get3A_356] {strides = array<i32>} : memref<80xi32, #tpu.memory_space<vmem>>, vector<16xi32>,
        %get3A_358 = arith.constant 32 : index
        %get3A_359 = tpu.vector_load %arg11[%get3A_358] {strides = array<i32>} : memref<80xi32, #tpu.memory_space<vmem>>, vector<16xi32>,
        %gather3A_360 = tpu.vector_load_idx %arg9[%get3A_357] : memref<10000xf32, #tpu.memory_space<vmem>>[vector<16xi32>], vector<16xf32>,
        %swap3A_361 = arith.constant 32 : index
        %swap3A_362 = tpu.vector_load %arg14[%swap3A_361] {strides = array<i32>} : memref<80xf32, #tpu.memory_space<vmem>>, vector<16xf32>,
        tpu.vector_store %arg14[%swap3A_361], %gather3A_360 {strides = array<i32>} : memref<80xf32, #tpu.memory_space<vmem>>, vector<16xf32>,
        %gather3A_363 = tpu.vector_load_idx %arg9[%get3A_359] : memref<10000xf32, #tpu.memory_space<vmem>>[vector<16xi32>], vector<16xf32>,
        %swap3A_364 = arith.constant 32 : index
        %swap3A_365 = tpu.vector_load %arg15[%swap3A_364] {strides = array<i32>} : memref<80xf32, #tpu.memory_space<vmem>>, vector<16xf32>,
        tpu.vector_store %arg15[%swap3A_364], %gather3A_363 {strides = array<i32>} : memref<80xf32, #tpu.memory_space<vmem>>, vector<16xf32>,
        %get3A_366 = arith.constant 48 : index
        %get3A_367 = tpu.vector_load %arg10[%get3A_366] {strides = array<i32>} : memref<80xi32, #tpu.memory_space<vmem>>, vector<16xi32>,
        %get3A_368 = arith.constant 48 : index
        %get3A_369 = tpu.vector_load %arg11[%get3A_368] {strides = array<i32>} : memref<80xi32, #tpu.memory_space<vmem>>, vector<16xi32>,
        %gather3A_370 = tpu.vector_load_idx %arg9[%get3A_367] : memref<10000xf32, #tpu.memory_space<vmem>>[vector<16xi32>], vector<16xf32>,
        %swap3A_371 = arith.constant 48 : index
        %swap3A_372 = tpu.vector_load %arg14[%swap3A_371] {strides = array<i32>} : memref<80xf32, #tpu.memory_space<vmem>>, vector<16xf32>,
        tpu.vector_store %arg14[%swap3A_371], %gather3A_370 {strides = array<i32>} : memref<80xf32, #tpu.memory_space<vmem>>, vector<16xf32>,
        %gather3A_373 = tpu.vector_load_idx %arg9[%get3A_369] : memref<10000xf32, #tpu.memory_space<vmem>>[vector<16xi32>], vector<16xf32>,
        %swap3A_374 = arith.constant 48 : index
        %swap3A_375 = tpu.vector_load %arg15[%swap3A_374] {strides = array<i32>} : memref<80xf32, #tpu.memory_space<vmem>>, vector<16xf32>,
        tpu.vector_store %arg15[%swap3A_374], %gather3A_373 {strides = array<i32>} : memref<80xf32, #tpu.memory_space<vmem>>, vector<16xf32>,
        %get3A_376 = arith.constant 64 : index
        %get3A_377 = tpu.vector_load %arg10[%get3A_376] {strides = array<i32>} : memref<80xi32, #tpu.memory_space<vmem>>, vector<16xi32>,
        %get3A_378 = arith.constant 64 : index
        %get3A_379 = tpu.vector_load %arg11[%get3A_378] {strides = array<i32>} : memref<80xi32, #tpu.memory_space<vmem>>, vector<16xi32>,
        %gather3A_380 = tpu.vector_load_idx %arg9[%get3A_377] : memref<10000xf32, #tpu.memory_space<vmem>>[vector<16xi32>], vector<16xf32>,
        %swap3A_381 = arith.constant 64 : index
        %swap3A_382 = tpu.vector_load %arg14[%swap3A_381] {strides = array<i32>} : memref<80xf32, #tpu.memory_space<vmem>>, vector<16xf32>,
        tpu.vector_store %arg14[%swap3A_381], %gather3A_380 {strides = array<i32>} : memref<80xf32, #tpu.memory_space<vmem>>, vector<16xf32>,
        %gather3A_383 = tpu.vector_load_idx %arg9[%get3A_379] : memref<10000xf32, #tpu.memory_space<vmem>>[vector<16xi32>], vector<16xf32>,
        %swap3A_384 = arith.constant 64 : index
        %swap3A_385 = tpu.vector_load %arg15[%swap3A_384] {strides = array<i32>} : memref<80xf32, #tpu.memory_space<vmem>>, vector<16xf32>,
        tpu.vector_store %arg15[%swap3A_384], %gather3A_383 {strides = array<i32>} : memref<80xf32, #tpu.memory_space<vmem>>, vector<16xf32>,
        %dma_wait3A_386 = arith.constant 0 : i32
        %dma_wait3A_387 = arith.constant 0 : i32
        %dma_wait3A_388 = tpu.memref_slice %arg2[%dma_wait3A_386, %dma_wait3A_387] : memref<10000x128xf32, #tpu.memory_space<hbm>> -> memref<10000x128xf32, #tpu.memory_space<hbm>>
        tpu.wait_indirect_dma semaphore(%arg19 : memref<!tpu.dma_semaphore, #tpu.memory_space<semaphore_mem>>) src(%dma_wait3A_388 : memref<10000x128xf32, #tpu.memory_space<hbm>>) dst(%arg16 : memref<80x128xf32, #tpu.memory_space<vmem>>)
        %dma_wait3A_389 = arith.constant 0 : i32
        %dma_wait3A_390 = arith.constant 0 : i32
        %dma_wait3A_391 = tpu.memref_slice %arg2[%dma_wait3A_389, %dma_wait3A_390] : memref<10000x128xf32, #tpu.memory_space<hbm>> -> memref<10000x128xf32, #tpu.memory_space<hbm>>
        tpu.wait_indirect_dma semaphore(%arg20 : memref<!tpu.dma_semaphore, #tpu.memory_space<semaphore_mem>>) src(%dma_wait3A_391 : memref<10000x128xf32, #tpu.memory_space<hbm>>) dst(%arg17 : memref<80x128xf32, #tpu.memory_space<vmem>>)
        %scan3A_392 = arith.constant 0 : i32
        %scan3A_393 = arith.constant 80 : i32
        %scan3A_394 = arith.addi %scan3A_392, %scan3A_393 : i32
        %scan3A_395 = arith.constant 1 : i32
        scf.for %scan3A_406 = %scan3A_392 to %scan3A_394 step %scan3A_395  : i32 {
          %mul3A_407 = arith.constant 1 : i32
          %mul3A_408 = arith.muli %scan3A_406, %mul3A_407 : i32
          %add3A_409 = arith.constant 0 : i32
          %add3A_410 = arith.addi %add3A_409, %mul3A_408 : i32
          %broadcast_in_dim3A = vector.broadcast %add3A_410 : i32 to vector<16xi32>
          %gather3A_411 = tpu.vector_load_idx %arg14[%broadcast_in_dim3A] : memref<80xf32, #tpu.memory_space<vmem>>[vector<16xi32>], vector<16xf32>,
          %gather3A_412 = tpu.vector_load_idx %arg15[%broadcast_in_dim3A] : memref<80xf32, #tpu.memory_space<vmem>>[vector<16xi32>], vector<16xf32>,
          %gather3A_413 = tpu.vector_load_idx %arg13[%broadcast_in_dim3A] : memref<80xf32, #tpu.memory_space<vmem>>[vector<16xi32>], vector<16xf32>,
          %get3A_414 = arith.index_cast %add3A_410 : i32 to index
          %get3A_415 = arith.constant 0 : index
          %get3A_416 = tpu.vector_load %arg16[%get3A_414, %get3A_415] {strides = array<i32>} : memref<80x128xf32, #tpu.memory_space<vmem>>, vector<16xf32>,
          %get3A_417 = arith.index_cast %add3A_410 : i32 to index
          %get3A_418 = arith.constant 16 : index
          %get3A_419 = tpu.vector_load %arg16[%get3A_417, %get3A_418] {strides = array<i32>} : memref<80x128xf32, #tpu.memory_space<vmem>>, vector<16xf32>,
          %get3A_420 = arith.index_cast %add3A_410 : i32 to index
          %get3A_421 = arith.constant 32 : index
          %get3A_422 = tpu.vector_load %arg16[%get3A_420, %get3A_421] {strides = array<i32>} : memref<80x128xf32, #tpu.memory_space<vmem>>, vector<16xf32>,
          %get3A_423 = arith.index_cast %add3A_410 : i32 to index
          %get3A_424 = arith.constant 48 : index
          %get3A_425 = tpu.vector_load %arg16[%get3A_423, %get3A_424] {strides = array<i32>} : memref<80x128xf32, #tpu.memory_space<vmem>>, vector<16xf32>,
          %get3A_426 = arith.index_cast %add3A_410 : i32 to index
          %get3A_427 = arith.constant 64 : index
          %get3A_428 = tpu.vector_load %arg16[%get3A_426, %get3A_427] {strides = array<i32>} : memref<80x128xf32, #tpu.memory_space<vmem>>, vector<16xf32>,
          %get3A_429 = arith.index_cast %add3A_410 : i32 to index
          %get3A_430 = arith.constant 80 : index
          %get3A_431 = tpu.vector_load %arg16[%get3A_429, %get3A_430] {strides = array<i32>} : memref<80x128xf32, #tpu.memory_space<vmem>>, vector<16xf32>,
          %get3A_432 = arith.index_cast %add3A_410 : i32 to index
          %get3A_433 = arith.constant 96 : index
          %get3A_434 = tpu.vector_load %arg16[%get3A_432, %get3A_433] {strides = array<i32>} : memref<80x128xf32, #tpu.memory_space<vmem>>, vector<16xf32>,
          %get3A_435 = arith.index_cast %add3A_410 : i32 to index
          %get3A_436 = arith.constant 112 : index
          %get3A_437 = tpu.vector_load %arg16[%get3A_435, %get3A_436] {strides = array<i32>} : memref<80x128xf32, #tpu.memory_space<vmem>>, vector<16xf32>,
          %get3A_438 = arith.index_cast %add3A_410 : i32 to index
          %get3A_439 = arith.constant 0 : index
          %get3A_440 = tpu.vector_load %arg17[%get3A_438, %get3A_439] {strides = array<i32>} : memref<80x128xf32, #tpu.memory_space<vmem>>, vector<16xf32>,
          %get3A_441 = arith.index_cast %add3A_410 : i32 to index
          %get3A_442 = arith.constant 16 : index
          %get3A_443 = tpu.vector_load %arg17[%get3A_441, %get3A_442] {strides = array<i32>} : memref<80x128xf32, #tpu.memory_space<vmem>>, vector<16xf32>,
          %get3A_444 = arith.index_cast %add3A_410 : i32 to index
          %get3A_445 = arith.constant 32 : index
          %get3A_446 = tpu.vector_load %arg17[%get3A_444, %get3A_445] {strides = array<i32>} : memref<80x128xf32, #tpu.memory_space<vmem>>, vector<16xf32>,
          %get3A_447 = arith.index_cast %add3A_410 : i32 to index
          %get3A_448 = arith.constant 48 : index
          %get3A_449 = tpu.vector_load %arg17[%get3A_447, %get3A_448] {strides = array<i32>} : memref<80x128xf32, #tpu.memory_space<vmem>>, vector<16xf32>,
          %get3A_450 = arith.index_cast %add3A_410 : i32 to index
          %get3A_451 = arith.constant 64 : index
          %get3A_452 = tpu.vector_load %arg17[%get3A_450, %get3A_451] {strides = array<i32>} : memref<80x128xf32, #tpu.memory_space<vmem>>, vector<16xf32>,
          %get3A_453 = arith.index_cast %add3A_410 : i32 to index
          %get3A_454 = arith.constant 80 : index
          %get3A_455 = tpu.vector_load %arg17[%get3A_453, %get3A_454] {strides = array<i32>} : memref<80x128xf32, #tpu.memory_space<vmem>>, vector<16xf32>,
          %get3A_456 = arith.index_cast %add3A_410 : i32 to index
          %get3A_457 = arith.constant 96 : index
          %get3A_458 = tpu.vector_load %arg17[%get3A_456, %get3A_457] {strides = array<i32>} : memref<80x128xf32, #tpu.memory_space<vmem>>, vector<16xf32>,
          %get3A_459 = arith.index_cast %add3A_410 : i32 to index
          %get3A_460 = arith.constant 112 : index
          %get3A_461 = tpu.vector_load %arg17[%get3A_459, %get3A_460] {strides = array<i32>} : memref<80x128xf32, #tpu.memory_space<vmem>>, vector<16xf32>,
          %broadcast_in_dim3A_462 = arith.constant 0.000000e+00 : f32
          %broadcast_in_dim3A_463 = vector.broadcast %broadcast_in_dim3A_462 : f32 to vector<16xf32>
          %mul3A_464 = arith.mulf %gather3A_412, %get3A_440 : vector<16xf32>
          %mul3A_465 = arith.mulf %gather3A_411, %get3A_416 : vector<16xf32>
          %sub3A_466 = arith.subf %mul3A_464, %mul3A_465 : vector<16xf32>
          %mul3A_467 = arith.mulf %sub3A_466, %sub3A_466 : vector<16xf32>
          %add3A_468 = arith.addf %broadcast_in_dim3A_463, %mul3A_467 : vector<16xf32>
          %mul3A_469 = arith.mulf %gather3A_412, %get3A_443 : vector<16xf32>
          %mul3A_470 = arith.mulf %gather3A_411, %get3A_419 : vector<16xf32>
          %sub3A_471 = arith.subf %mul3A_469, %mul3A_470 : vector<16xf32>
          %mul3A_472 = arith.mulf %sub3A_471, %sub3A_471 : vector<16xf32>
          %add3A_473 = arith.addf %add3A_468, %mul3A_472 : vector<16xf32>
          %mul3A_474 = arith.mulf %gather3A_412, %get3A_446 : vector<16xf32>
          %mul3A_475 = arith.mulf %gather3A_411, %get3A_422 : vector<16xf32>
          %sub3A_476 = arith.subf %mul3A_474, %mul3A_475 : vector<16xf32>
          %mul3A_477 = arith.mulf %sub3A_476, %sub3A_476 : vector<16xf32>
          %add3A_478 = arith.addf %add3A_473, %mul3A_477 : vector<16xf32>
          %mul3A_479 = arith.mulf %gather3A_412, %get3A_449 : vector<16xf32>
          %mul3A_480 = arith.mulf %gather3A_411, %get3A_425 : vector<16xf32>
          %sub3A_481 = arith.subf %mul3A_479, %mul3A_480 : vector<16xf32>
          %mul3A_482 = arith.mulf %sub3A_481, %sub3A_481 : vector<16xf32>
          %add3A_483 = arith.addf %add3A_478, %mul3A_482 : vector<16xf32>
          %mul3A_484 = arith.mulf %gather3A_412, %get3A_452 : vector<16xf32>
          %mul3A_485 = arith.mulf %gather3A_411, %get3A_428 : vector<16xf32>
          %sub3A_486 = arith.subf %mul3A_484, %mul3A_485 : vector<16xf32>
          %mul3A_487 = arith.mulf %sub3A_486, %sub3A_486 : vector<16xf32>
          %add3A_488 = arith.addf %add3A_483, %mul3A_487 : vector<16xf32>
          %mul3A_489 = arith.mulf %gather3A_412, %get3A_455 : vector<16xf32>
          %mul3A_490 = arith.mulf %gather3A_411, %get3A_431 : vector<16xf32>
          %sub3A_491 = arith.subf %mul3A_489, %mul3A_490 : vector<16xf32>
          %mul3A_492 = arith.mulf %sub3A_491, %sub3A_491 : vector<16xf32>
          %add3A_493 = arith.addf %add3A_488, %mul3A_492 : vector<16xf32>
          %mul3A_494 = arith.mulf %gather3A_412, %get3A_458 : vector<16xf32>
          %mul3A_495 = arith.mulf %gather3A_411, %get3A_434 : vector<16xf32>
          %sub3A_496 = arith.subf %mul3A_494, %mul3A_495 : vector<16xf32>
          %mul3A_497 = arith.mulf %sub3A_496, %sub3A_496 : vector<16xf32>
          %add3A_498 = arith.addf %add3A_493, %mul3A_497 : vector<16xf32>
          %mul3A_499 = arith.mulf %gather3A_412, %get3A_461 : vector<16xf32>
          %mul3A_500 = arith.mulf %gather3A_411, %get3A_437 : vector<16xf32>
          %sub3A_501 = arith.subf %mul3A_499, %mul3A_500 : vector<16xf32>
          %mul3A_502 = arith.mulf %sub3A_501, %sub3A_501 : vector<16xf32>
          %add3A_503 = arith.addf %add3A_498, %mul3A_502 : vector<16xf32>
          %reduce_sum3A = arith.constant true
          %reduce_sum3A_504 = vector.broadcast %reduce_sum3A : i1 to vector<16xi1>
          %reduce_sum3A_505 = tpu.scan <sum>, %add3A_503 masked %reduce_sum3A_504 : vector<16xf32>, vector<16xi1> -> vector<16xf32>
          %reduce_sum3A_506 = vector.extract %reduce_sum3A_505[15] : f32 from vector<16xf32>
          %broadcast_in_dim3A_507 = vector.broadcast %reduce_sum3A_506 : f32 to vector<16xf32>
          %max3A = arith.constant 9.99999968E-21 : f32
          %max3A_508 = vector.broadcast %max3A : f32 to vector<16xf32>
          %max3A_509 = arith.maximumf %broadcast_in_dim3A_507, %max3A_508 : vector<16xf32>
          %bitcast_convert_type3A = tpu.bitcast %max3A_509 : vector<16xf32> -> vector<16xi32>
          %shift_right_arithmetic3A = arith.constant 1 : i32
          %shift_right_arithmetic3A_510 = vector.broadcast %shift_right_arithmetic3A : i32 to vector<16xi32>
          %shift_right_arithmetic3A_511 = arith.shrsi %bitcast_convert_type3A, %shift_right_arithmetic3A_510 : vector<16xi32>
          %sub3A_512 = arith.constant 1597463007 : i32
          %sub3A_513 = vector.broadcast %sub3A_512 : i32 to vector<16xi32>
          %sub3A_514 = arith.subi %sub3A_513, %shift_right_arithmetic3A_511 : vector<16xi32>
          %bitcast_convert_type3A_515 = tpu.bitcast %sub3A_514 : vector<16xi32> -> vector<16xf32>
          %mul3A_516 = arith.constant 5.000000e-01 : f32
          %mul3A_517 = vector.broadcast %mul3A_516 : f32 to vector<16xf32>
          %mul3A_518 = arith.mulf %mul3A_517, %max3A_509 : vector<16xf32>
          %mul3A_519 = arith.mulf %mul3A_518, %bitcast_convert_type3A_515 : vector<16xf32>
          %mul3A_520 = arith.mulf %mul3A_519, %bitcast_convert_type3A_515 : vector<16xf32>
          %sub3A_521 = arith.constant 1.500000e+00 : f32
          %sub3A_522 = vector.broadcast %sub3A_521 : f32 to vector<16xf32>
          %sub3A_523 = arith.subf %sub3A_522, %mul3A_520 : vector<16xf32>
          %mul3A_524 = arith.mulf %bitcast_convert_type3A_515, %sub3A_523 : vector<16xf32>
          %mul3A_525 = arith.constant 5.000000e-01 : f32
          %mul3A_526 = vector.broadcast %mul3A_525 : f32 to vector<16xf32>
          %mul3A_527 = arith.mulf %mul3A_526, %max3A_509 : vector<16xf32>
          %mul3A_528 = arith.mulf %mul3A_527, %mul3A_524 : vector<16xf32>
          %mul3A_529 = arith.mulf %mul3A_528, %mul3A_524 : vector<16xf32>
          %sub3A_530 = arith.constant 1.500000e+00 : f32
          %sub3A_531 = vector.broadcast %sub3A_530 : f32 to vector<16xf32>
          %sub3A_532 = arith.subf %sub3A_531, %mul3A_529 : vector<16xf32>
          %mul3A_533 = arith.mulf %mul3A_524, %sub3A_532 : vector<16xf32>
          %mul3A_534 = arith.constant 5.000000e-01 : f32
          %mul3A_535 = vector.broadcast %mul3A_534 : f32 to vector<16xf32>
          %mul3A_536 = arith.mulf %mul3A_535, %max3A_509 : vector<16xf32>
          %mul3A_537 = arith.mulf %mul3A_536, %mul3A_533 : vector<16xf32>
          %mul3A_538 = arith.mulf %mul3A_537, %mul3A_533 : vector<16xf32>
          %sub3A_539 = arith.constant 1.500000e+00 : f32
          %sub3A_540 = vector.broadcast %sub3A_539 : f32 to vector<16xf32>
          %sub3A_541 = arith.subf %sub3A_540, %mul3A_538 : vector<16xf32>
          %mul3A_542 = arith.mulf %mul3A_533, %sub3A_541 : vector<16xf32>
          %mul3A_543 = arith.mulf %max3A_509, %mul3A_542 : vector<16xf32>
          %add3A_544 = arith.constant 9.99999974E-6 : f32
          %add3A_545 = vector.broadcast %add3A_544 : f32 to vector<16xf32>
          %add3A_546 = arith.addf %mul3A_543, %add3A_545 : vector<16xf32>
          %mul3A_547 = arith.constant 5.000000e-01 : f32
          %mul3A_548 = vector.broadcast %mul3A_547 : f32 to vector<16xf32>
          %mul3A_549 = arith.mulf %mul3A_548, %gather3A_413 : vector<16xf32>
          %div3A = arith.divf %mul3A_549, %add3A_546 : vector<16xf32>
          %mul3A_550 = arith.mulf %gather3A_411, %gather3A_412 : vector<16xf32>
          %sub3A_551 = arith.constant 1.000000e+00 : f32
          %sub3A_552 = vector.broadcast %sub3A_551 : f32 to vector<16xf32>
          %sub3A_553 = arith.subf %sub3A_552, %div3A : vector<16xf32>
          %mul3A_554 = arith.mulf %mul3A_550, %sub3A_553 : vector<16xf32>
          %mul3A_555 = arith.mulf %gather3A_411, %gather3A_411 : vector<16xf32>
          %mul3A_556 = arith.mulf %mul3A_555, %div3A : vector<16xf32>
          %mul3A_557 = arith.mulf %mul3A_554, %get3A_416 : vector<16xf32>
          %mul3A_558 = arith.mulf %mul3A_556, %get3A_440 : vector<16xf32>
          %add3A_559 = arith.addf %mul3A_557, %mul3A_558 : vector<16xf32>
          %swap3A_560 = arith.index_cast %add3A_410 : i32 to index
          %swap3A_561 = arith.constant 0 : index
          %swap3A_562 = tpu.vector_load %arg16[%swap3A_560, %swap3A_561] {strides = array<i32>} : memref<80x128xf32, #tpu.memory_space<vmem>>, vector<16xf32>,
          tpu.vector_store %arg16[%swap3A_560, %swap3A_561], %add3A_559 {strides = array<i32>} : memref<80x128xf32, #tpu.memory_space<vmem>>, vector<16xf32>,
          %mul3A_563 = arith.mulf %mul3A_554, %get3A_419 : vector<16xf32>
          %mul3A_564 = arith.mulf %mul3A_556, %get3A_443 : vector<16xf32>
          %add3A_565 = arith.addf %mul3A_563, %mul3A_564 : vector<16xf32>
          %swap3A_566 = arith.index_cast %add3A_410 : i32 to index
          %swap3A_567 = arith.constant 16 : index
          %swap3A_568 = tpu.vector_load %arg16[%swap3A_566, %swap3A_567] {strides = array<i32>} : memref<80x128xf32, #tpu.memory_space<vmem>>, vector<16xf32>,
          tpu.vector_store %arg16[%swap3A_566, %swap3A_567], %add3A_565 {strides = array<i32>} : memref<80x128xf32, #tpu.memory_space<vmem>>, vector<16xf32>,
          %mul3A_569 = arith.mulf %mul3A_554, %get3A_422 : vector<16xf32>
          %mul3A_570 = arith.mulf %mul3A_556, %get3A_446 : vector<16xf32>
          %add3A_571 = arith.addf %mul3A_569, %mul3A_570 : vector<16xf32>
          %swap3A_572 = arith.index_cast %add3A_410 : i32 to index
          %swap3A_573 = arith.constant 32 : index
          %swap3A_574 = tpu.vector_load %arg16[%swap3A_572, %swap3A_573] {strides = array<i32>} : memref<80x128xf32, #tpu.memory_space<vmem>>, vector<16xf32>,
          tpu.vector_store %arg16[%swap3A_572, %swap3A_573], %add3A_571 {strides = array<i32>} : memref<80x128xf32, #tpu.memory_space<vmem>>, vector<16xf32>,
          %mul3A_575 = arith.mulf %mul3A_554, %get3A_425 : vector<16xf32>
          %mul3A_576 = arith.mulf %mul3A_556, %get3A_449 : vector<16xf32>
          %add3A_577 = arith.addf %mul3A_575, %mul3A_576 : vector<16xf32>
          %swap3A_578 = arith.index_cast %add3A_410 : i32 to index
          %swap3A_579 = arith.constant 48 : index
          %swap3A_580 = tpu.vector_load %arg16[%swap3A_578, %swap3A_579] {strides = array<i32>} : memref<80x128xf32, #tpu.memory_space<vmem>>, vector<16xf32>,
          tpu.vector_store %arg16[%swap3A_578, %swap3A_579], %add3A_577 {strides = array<i32>} : memref<80x128xf32, #tpu.memory_space<vmem>>, vector<16xf32>,
          %mul3A_581 = arith.mulf %mul3A_554, %get3A_428 : vector<16xf32>
          %mul3A_582 = arith.mulf %mul3A_556, %get3A_452 : vector<16xf32>
          %add3A_583 = arith.addf %mul3A_581, %mul3A_582 : vector<16xf32>
          %swap3A_584 = arith.index_cast %add3A_410 : i32 to index
          %swap3A_585 = arith.constant 64 : index
          %swap3A_586 = tpu.vector_load %arg16[%swap3A_584, %swap3A_585] {strides = array<i32>} : memref<80x128xf32, #tpu.memory_space<vmem>>, vector<16xf32>,
          tpu.vector_store %arg16[%swap3A_584, %swap3A_585], %add3A_583 {strides = array<i32>} : memref<80x128xf32, #tpu.memory_space<vmem>>, vector<16xf32>,
          %mul3A_587 = arith.mulf %mul3A_554, %get3A_431 : vector<16xf32>
          %mul3A_588 = arith.mulf %mul3A_556, %get3A_455 : vector<16xf32>
          %add3A_589 = arith.addf %mul3A_587, %mul3A_588 : vector<16xf32>
          %swap3A_590 = arith.index_cast %add3A_410 : i32 to index
          %swap3A_591 = arith.constant 80 : index
          %swap3A_592 = tpu.vector_load %arg16[%swap3A_590, %swap3A_591] {strides = array<i32>} : memref<80x128xf32, #tpu.memory_space<vmem>>, vector<16xf32>,
          tpu.vector_store %arg16[%swap3A_590, %swap3A_591], %add3A_589 {strides = array<i32>} : memref<80x128xf32, #tpu.memory_space<vmem>>, vector<16xf32>,
          %mul3A_593 = arith.mulf %mul3A_554, %get3A_434 : vector<16xf32>
          %mul3A_594 = arith.mulf %mul3A_556, %get3A_458 : vector<16xf32>
          %add3A_595 = arith.addf %mul3A_593, %mul3A_594 : vector<16xf32>
          %swap3A_596 = arith.index_cast %add3A_410 : i32 to index
          %swap3A_597 = arith.constant 96 : index
          %swap3A_598 = tpu.vector_load %arg16[%swap3A_596, %swap3A_597] {strides = array<i32>} : memref<80x128xf32, #tpu.memory_space<vmem>>, vector<16xf32>,
          tpu.vector_store %arg16[%swap3A_596, %swap3A_597], %add3A_595 {strides = array<i32>} : memref<80x128xf32, #tpu.memory_space<vmem>>, vector<16xf32>,
          %mul3A_599 = arith.mulf %mul3A_554, %get3A_437 : vector<16xf32>
          %mul3A_600 = arith.mulf %mul3A_556, %get3A_461 : vector<16xf32>
          %add3A_601 = arith.addf %mul3A_599, %mul3A_600 : vector<16xf32>
          %swap3A_602 = arith.index_cast %add3A_410 : i32 to index
          %swap3A_603 = arith.constant 112 : index
          %swap3A_604 = tpu.vector_load %arg16[%swap3A_602, %swap3A_603] {strides = array<i32>} : memref<80x128xf32, #tpu.memory_space<vmem>>, vector<16xf32>,
          tpu.vector_store %arg16[%swap3A_602, %swap3A_603], %add3A_601 {strides = array<i32>} : memref<80x128xf32, #tpu.memory_space<vmem>>, vector<16xf32>,
        }
        %scan3A_396 = arith.constant 80 : i32
        %dma_start3A_397 = arith.constant 0 : i32
        %dma_start3A_398 = arith.constant 0 : i32
        %dma_start3A_399 = tpu.memref_slice %arg8[%dma_start3A_397, %dma_start3A_398] : memref<10000x128xf32, #tpu.memory_space<vmem_shared>> -> memref<10000x128xf32, #tpu.memory_space<vmem_shared>>
        tpu.enqueue_indirect_dma source(%arg16 : memref<80x128xf32, #tpu.memory_space<vmem>>) target(%dma_start3A_399 : memref<10000x128xf32, #tpu.memory_space<vmem_shared>>) offsets(%arg11 : memref<80xi32, #tpu.memory_space<vmem>>) semaphore(%arg21 : memref<!tpu.dma_semaphore, #tpu.memory_space<semaphore_mem>>) {add = true}
        %dma_wait3A_400 = arith.constant 0 : i32
        %dma_wait3A_401 = arith.constant 0 : i32
        %dma_wait3A_402 = tpu.memref_slice %arg8[%dma_wait3A_400, %dma_wait3A_401] : memref<10000x128xf32, #tpu.memory_space<vmem_shared>> -> memref<10000x128xf32, #tpu.memory_space<vmem_shared>>
        tpu.wait_indirect_dma semaphore(%arg21 : memref<!tpu.dma_semaphore, #tpu.memory_space<semaphore_mem>>) src(%arg16 : memref<80x128xf32, #tpu.memory_space<vmem>>) dst(%dma_wait3A_402 : memref<10000x128xf32, #tpu.memory_space<vmem_shared>>)
        %dma_wait3A_403 = arith.constant 0 : i32
        %dma_wait3A_404 = arith.constant 0 : i32
        %dma_wait3A_405 = tpu.memref_slice %arg8[%dma_wait3A_403, %dma_wait3A_404] : memref<10000x128xf32, #tpu.memory_space<vmem_shared>> -> memref<10000x128xf32, #tpu.memory_space<vmem_shared>>
        tpu.wait_indirect_dma semaphore(%arg22 : memref<!tpu.dma_semaphore, #tpu.memory_space<semaphore_mem>>) src(%arg18 : memref<80x128xf32, #tpu.memory_space<vmem>>) dst(%dma_wait3A_405 : memref<10000x128xf32, #tpu.memory_space<vmem_shared>>)
      } else {
      }
    }
    %scan3A_44 = arith.constant 62 : i32
    %barrier3A_45 = arith.constant 0 : index
    tpu.barrier barrier_id(%barrier3A_45)
    %mul3A_46 = arith.constant 624 : i32
    %mul3A_47 = arith.muli %arg1, %mul3A_46 : i32
    %mul3A_48 = arith.constant 624 : i32
    %mul3A_49 = arith.muli %arg1, %mul3A_48 : i32
    "tpu.region"() ({
      %run_scoped3A = tpu.sem_alloc : memref<!tpu.dma_semaphore, #tpu.memory_space<semaphore_mem>>
      %dma_start3A = arith.constant 0 : i32
      %dma_start3A_55 = tpu.memref_slice %arg7[%arg0, %mul3A_49, %dma_start3A] : memref<2x10000x128xf32, #tpu.memory_space<hbm>> -> memref<1x624x128xf32, #tpu.memory_space<hbm>>
      %dma_start3A_56 = tpu.memref_squeeze %dma_start3A_55 : memref<1x624x128xf32, #tpu.memory_space<hbm>> -> memref<624x128xf32, #tpu.memory_space<hbm>>
      %dma_start3A_57 = arith.constant 0 : i32
      %dma_start3A_58 = tpu.memref_slice %arg8[%mul3A_47, %dma_start3A_57] : memref<10000x128xf32, #tpu.memory_space<vmem_shared>> -> memref<624x128xf32, #tpu.memory_space<vmem_shared>>
      tpu.enqueue_dma source(%dma_start3A_58 : memref<624x128xf32, #tpu.memory_space<vmem_shared>>) target(%dma_start3A_56 : memref<624x128xf32, #tpu.memory_space<hbm>>) target_semaphore(%run_scoped3A : memref<!tpu.dma_semaphore, #tpu.memory_space<semaphore_mem>>)
      %dma_wait3A = arith.constant 0 : i32
      %dma_wait3A_59 = tpu.memref_slice %arg7[%arg0, %mul3A_49, %dma_wait3A] : memref<2x10000x128xf32, #tpu.memory_space<hbm>> -> memref<1x624x128xf32, #tpu.memory_space<hbm>>
      %dma_wait3A_60 = tpu.memref_squeeze %dma_wait3A_59 : memref<1x624x128xf32, #tpu.memory_space<hbm>> -> memref<624x128xf32, #tpu.memory_space<hbm>>
      %dma_wait3A_61 = arith.constant 0 : i32
      %dma_wait3A_62 = tpu.memref_slice %arg8[%mul3A_47, %dma_wait3A_61] : memref<10000x128xf32, #tpu.memory_space<vmem_shared>> -> memref<624x128xf32, #tpu.memory_space<vmem_shared>>
      tpu.wait_dma2 semaphore(%run_scoped3A : memref<!tpu.dma_semaphore, #tpu.memory_space<semaphore_mem>>) src(%dma_wait3A_62 : memref<624x128xf32, #tpu.memory_space<vmem_shared>>) dst(%dma_wait3A_60 : memref<624x128xf32, #tpu.memory_space<hbm>>)
      tpu.yield
    }) : () -> ()
    %eq3A_50 = arith.constant 15 : i32
    %eq3A_51 = arith.cmpi eq, %arg1, %eq3A_50 : i32
    %convert_element_type3A_52 = arith.extui %eq3A_51 : i1 to i32
    %cond3A_53 = arith.constant 0 : i32
    %cond3A_54 = arith.cmpi ne, %convert_element_type3A_52, %cond3A_53 : i32
    scf.if %cond3A_54 {
      "tpu.region"() ({
        %run_scoped3A = tpu.sem_alloc : memref<!tpu.dma_semaphore, #tpu.memory_space<semaphore_mem>>
        %dma_start3A = arith.constant 9984 : i32
        %dma_start3A_55 = arith.constant 0 : i32
        %dma_start3A_56 = tpu.memref_slice %arg7[%arg0, %dma_start3A, %dma_start3A_55] : memref<2x10000x128xf32, #tpu.memory_space<hbm>> -> memref<1x16x128xf32, #tpu.memory_space<hbm>>
        %dma_start3A_57 = tpu.memref_squeeze %dma_start3A_56 : memref<1x16x128xf32, #tpu.memory_space<hbm>> -> memref<16x128xf32, #tpu.memory_space<hbm>>
        %dma_start3A_58 = arith.constant 9984 : i32
        %dma_start3A_59 = arith.constant 0 : i32
        %dma_start3A_60 = tpu.memref_slice %arg8[%dma_start3A_58, %dma_start3A_59] : memref<10000x128xf32, #tpu.memory_space<vmem_shared>> -> memref<16x128xf32, #tpu.memory_space<vmem_shared>>
        tpu.enqueue_dma source(%dma_start3A_60 : memref<16x128xf32, #tpu.memory_space<vmem_shared>>) target(%dma_start3A_57 : memref<16x128xf32, #tpu.memory_space<hbm>>) target_semaphore(%run_scoped3A : memref<!tpu.dma_semaphore, #tpu.memory_space<semaphore_mem>>)
        %dma_wait3A = arith.constant 9984 : i32
        %dma_wait3A_61 = arith.constant 0 : i32
        %dma_wait3A_62 = tpu.memref_slice %arg7[%arg0, %dma_wait3A, %dma_wait3A_61] : memref<2x10000x128xf32, #tpu.memory_space<hbm>> -> memref<1x16x128xf32, #tpu.memory_space<hbm>>
        %dma_wait3A_63 = tpu.memref_squeeze %dma_wait3A_62 : memref<1x16x128xf32, #tpu.memory_space<hbm>> -> memref<16x128xf32, #tpu.memory_space<hbm>>
        %dma_wait3A_64 = arith.constant 9984 : i32
        %dma_wait3A_65 = arith.constant 0 : i32
        %dma_wait3A_66 = tpu.memref_slice %arg8[%dma_wait3A_64, %dma_wait3A_65] : memref<10000x128xf32, #tpu.memory_space<vmem_shared>> -> memref<16x128xf32, #tpu.memory_space<vmem_shared>>
        tpu.wait_dma2 semaphore(%run_scoped3A : memref<!tpu.dma_semaphore, #tpu.memory_space<semaphore_mem>>) src(%dma_wait3A_66 : memref<16x128xf32, #tpu.memory_space<vmem_shared>>) dst(%dma_wait3A_63 : memref<16x128xf32, #tpu.memory_space<hbm>>)
        tpu.yield
      }) : () -> ()
    } else {
    }
    return
  }
}

#map = affine_map<(d0, d1) -> (0, 0)>
#map1 = affine_map<(d0, d1) -> (0)>
#map2 = affine_map<(d0, d1) -> (0, 0, 0)>
module attributes {stable_mosaic.version = 14 : i64} {
  func.func @_edge_body(%arg0: i32, %arg1: i32, %arg2: memref<10000x128xf32, #tpu.memory_space<hbm>>, %arg3: memref<10000xf32, #tpu.memory_space<hbm>>, %arg4: memref<32x125x80xi32, #tpu.memory_space<hbm>>, %arg5: memref<32x125x80xi32, #tpu.memory_space<hbm>>, %arg6: memref<32x125x80xf32, #tpu.memory_space<hbm>>, %arg7: memref<2x10000x128xf32, #tpu.memory_space<hbm>>, %arg8: memref<10000x128xf32, #tpu.memory_space<vmem_shared>>, %arg9: memref<10000xf32, #tpu.memory_space<vmem>>, %arg10: memref<80xi32, #tpu.memory_space<vmem>>, %arg11: memref<80xi32, #tpu.memory_space<vmem>>, %arg12: memref<80xi32, #tpu.memory_space<vmem>>, %arg13: memref<80xf32, #tpu.memory_space<vmem>>, %arg14: memref<80xf32, #tpu.memory_space<vmem>>, %arg15: memref<80xf32, #tpu.memory_space<vmem>>, %arg16: memref<80x128xf32, #tpu.memory_space<vmem>>, %arg17: memref<80x128xf32, #tpu.memory_space<vmem>>, %arg18: memref<80x128xf32, #tpu.memory_space<vmem>>, %arg19: memref<!tpu.dma_semaphore, #tpu.memory_space<semaphore_mem>>, %arg20: memref<!tpu.dma_semaphore, #tpu.memory_space<semaphore_mem>>, %arg21: memref<!tpu.dma_semaphore, #tpu.memory_space<semaphore_mem>>, %arg22: memref<!tpu.dma_semaphore, #tpu.memory_space<semaphore_mem>>, %arg23: memref<!tpu.dma_semaphore, #tpu.memory_space<semaphore_mem>>, %arg24: memref<!tpu.dma_semaphore, #tpu.memory_space<semaphore_mem>>, %arg25: memref<!tpu.dma_semaphore, #tpu.memory_space<semaphore_mem>>) attributes {dimension_semantics = [#tpu.dimension_semantics<core_parallel>, #tpu.dimension_semantics<subcore_parallel>], iteration_bounds = array<i64: 2, 16>, scalar_prefetch = 0 : i64, scratch_operands = 18 : i64, tpu.core_type = #tpu.core_type<sc_vector_subcore>, window_params = [{transform_indices = #map}, {transform_indices = #map1}, {transform_indices = #map2}, {transform_indices = #map2}, {transform_indices = #map2}, {transform_indices = #map2}]} {
    %mul3A = arith.constant 16 : i32
    %mul3A_0 = arith.muli %arg0, %mul3A : i32
    %add3A = arith.addi %mul3A_0, %arg1 : i32
    "tpu.region"() ({
      %run_scoped3A = tpu.sem_alloc : memref<!tpu.dma_semaphore, #tpu.memory_space<semaphore_mem>>
      tpu.enqueue_dma source(%arg3 : memref<10000xf32, #tpu.memory_space<hbm>>) target(%arg9 : memref<10000xf32, #tpu.memory_space<vmem>>) target_semaphore(%run_scoped3A : memref<!tpu.dma_semaphore, #tpu.memory_space<semaphore_mem>>)
      tpu.wait_dma2 semaphore(%run_scoped3A : memref<!tpu.dma_semaphore, #tpu.memory_space<semaphore_mem>>) src(%arg3 : memref<10000xf32, #tpu.memory_space<hbm>>) dst(%arg9 : memref<10000xf32, #tpu.memory_space<vmem>>)
      tpu.yield
    }) : () -> ()
    %scan3A = arith.constant 0 : i32
    %scan3A_1 = arith.constant 80 : i32
    %scan3A_2 = arith.addi %scan3A, %scan3A_1 : i32
    %scan3A_3 = arith.constant 1 : i32
    scf.for %scan3A_55 = %scan3A to %scan3A_2 step %scan3A_3  : i32 {
      %mul3A_56 = arith.constant 1 : i32
      %mul3A_57 = arith.muli %scan3A_55, %mul3A_56 : i32
      %add3A_58 = arith.constant 0 : i32
      %add3A_59 = arith.addi %add3A_58, %mul3A_57 : i32
      %broadcast_in_dim3A = arith.constant 0.000000e+00 : f32
      %broadcast_in_dim3A_60 = vector.broadcast %broadcast_in_dim3A : f32 to vector<16xf32>
      %swap3A = arith.index_cast %add3A_59 : i32 to index
      %swap3A_61 = arith.constant 0 : index
      %swap3A_62 = tpu.vector_load %arg18[%swap3A, %swap3A_61] {strides = array<i32>} : memref<80x128xf32, #tpu.memory_space<vmem>>, vector<16xf32>,
      tpu.vector_store %arg18[%swap3A, %swap3A_61], %broadcast_in_dim3A_60 {strides = array<i32>} : memref<80x128xf32, #tpu.memory_space<vmem>>, vector<16xf32>,
      %broadcast_in_dim3A_63 = arith.constant 0.000000e+00 : f32
      %broadcast_in_dim3A_64 = vector.broadcast %broadcast_in_dim3A_63 : f32 to vector<16xf32>
      %swap3A_65 = arith.index_cast %add3A_59 : i32 to index
      %swap3A_66 = arith.constant 16 : index
      %swap3A_67 = tpu.vector_load %arg18[%swap3A_65, %swap3A_66] {strides = array<i32>} : memref<80x128xf32, #tpu.memory_space<vmem>>, vector<16xf32>,
      tpu.vector_store %arg18[%swap3A_65, %swap3A_66], %broadcast_in_dim3A_64 {strides = array<i32>} : memref<80x128xf32, #tpu.memory_space<vmem>>, vector<16xf32>,
      %broadcast_in_dim3A_68 = arith.constant 0.000000e+00 : f32
      %broadcast_in_dim3A_69 = vector.broadcast %broadcast_in_dim3A_68 : f32 to vector<16xf32>
      %swap3A_70 = arith.index_cast %add3A_59 : i32 to index
      %swap3A_71 = arith.constant 32 : index
      %swap3A_72 = tpu.vector_load %arg18[%swap3A_70, %swap3A_71] {strides = array<i32>} : memref<80x128xf32, #tpu.memory_space<vmem>>, vector<16xf32>,
      tpu.vector_store %arg18[%swap3A_70, %swap3A_71], %broadcast_in_dim3A_69 {strides = array<i32>} : memref<80x128xf32, #tpu.memory_space<vmem>>, vector<16xf32>,
      %broadcast_in_dim3A_73 = arith.constant 0.000000e+00 : f32
      %broadcast_in_dim3A_74 = vector.broadcast %broadcast_in_dim3A_73 : f32 to vector<16xf32>
      %swap3A_75 = arith.index_cast %add3A_59 : i32 to index
      %swap3A_76 = arith.constant 48 : index
      %swap3A_77 = tpu.vector_load %arg18[%swap3A_75, %swap3A_76] {strides = array<i32>} : memref<80x128xf32, #tpu.memory_space<vmem>>, vector<16xf32>,
      tpu.vector_store %arg18[%swap3A_75, %swap3A_76], %broadcast_in_dim3A_74 {strides = array<i32>} : memref<80x128xf32, #tpu.memory_space<vmem>>, vector<16xf32>,
      %broadcast_in_dim3A_78 = arith.constant 0.000000e+00 : f32
      %broadcast_in_dim3A_79 = vector.broadcast %broadcast_in_dim3A_78 : f32 to vector<16xf32>
      %swap3A_80 = arith.index_cast %add3A_59 : i32 to index
      %swap3A_81 = arith.constant 64 : index
      %swap3A_82 = tpu.vector_load %arg18[%swap3A_80, %swap3A_81] {strides = array<i32>} : memref<80x128xf32, #tpu.memory_space<vmem>>, vector<16xf32>,
      tpu.vector_store %arg18[%swap3A_80, %swap3A_81], %broadcast_in_dim3A_79 {strides = array<i32>} : memref<80x128xf32, #tpu.memory_space<vmem>>, vector<16xf32>,
      %broadcast_in_dim3A_83 = arith.constant 0.000000e+00 : f32
      %broadcast_in_dim3A_84 = vector.broadcast %broadcast_in_dim3A_83 : f32 to vector<16xf32>
      %swap3A_85 = arith.index_cast %add3A_59 : i32 to index
      %swap3A_86 = arith.constant 80 : index
      %swap3A_87 = tpu.vector_load %arg18[%swap3A_85, %swap3A_86] {strides = array<i32>} : memref<80x128xf32, #tpu.memory_space<vmem>>, vector<16xf32>,
      tpu.vector_store %arg18[%swap3A_85, %swap3A_86], %broadcast_in_dim3A_84 {strides = array<i32>} : memref<80x128xf32, #tpu.memory_space<vmem>>, vector<16xf32>,
      %broadcast_in_dim3A_88 = arith.constant 0.000000e+00 : f32
      %broadcast_in_dim3A_89 = vector.broadcast %broadcast_in_dim3A_88 : f32 to vector<16xf32>
      %swap3A_90 = arith.index_cast %add3A_59 : i32 to index
      %swap3A_91 = arith.constant 96 : index
      %swap3A_92 = tpu.vector_load %arg18[%swap3A_90, %swap3A_91] {strides = array<i32>} : memref<80x128xf32, #tpu.memory_space<vmem>>, vector<16xf32>,
      tpu.vector_store %arg18[%swap3A_90, %swap3A_91], %broadcast_in_dim3A_89 {strides = array<i32>} : memref<80x128xf32, #tpu.memory_space<vmem>>, vector<16xf32>,
      %broadcast_in_dim3A_93 = arith.constant 0.000000e+00 : f32
      %broadcast_in_dim3A_94 = vector.broadcast %broadcast_in_dim3A_93 : f32 to vector<16xf32>
      %swap3A_95 = arith.index_cast %add3A_59 : i32 to index
      %swap3A_96 = arith.constant 112 : index
      %swap3A_97 = tpu.vector_load %arg18[%swap3A_95, %swap3A_96] {strides = array<i32>} : memref<80x128xf32, #tpu.memory_space<vmem>>, vector<16xf32>,
      tpu.vector_store %arg18[%swap3A_95, %swap3A_96], %broadcast_in_dim3A_94 {strides = array<i32>} : memref<80x128xf32, #tpu.memory_space<vmem>>, vector<16xf32>,
    }
    %scan3A_4 = arith.constant 80 : i32
    %mul3A_5 = arith.constant 624 : i32
    %mul3A_6 = arith.muli %arg1, %mul3A_5 : i32
    %add3A_7 = arith.constant 0 : i32
    %add3A_8 = arith.addi %mul3A_6, %add3A_7 : i32
    "tpu.region"() ({
      %run_scoped3A = tpu.sem_alloc : memref<!tpu.dma_semaphore, #tpu.memory_space<semaphore_mem>>
      %dma_start3A = arith.constant 0 : i32
      %dma_start3A_55 = tpu.memref_slice %arg8[%add3A_8, %dma_start3A] : memref<10000x128xf32, #tpu.memory_space<vmem_shared>> -> memref<80x128xf32, #tpu.memory_space<vmem_shared>>
      %dma_start3A_56 = arith.constant 0 : i32
      %dma_start3A_57 = tpu.memref_slice %arg8[%add3A_8, %dma_start3A_56] : memref<10000x128xf32, #tpu.memory_space<vmem_shared>> -> memref<80x128xf32, #tpu.memory_space<vmem_shared>>
      tpu.enqueue_dma source(%arg18 : memref<80x128xf32, #tpu.memory_space<vmem>>) target(%dma_start3A_57 : memref<80x128xf32, #tpu.memory_space<vmem_shared>>) target_semaphore(%run_scoped3A : memref<!tpu.dma_semaphore, #tpu.memory_space<semaphore_mem>>)
      %dma_wait3A = arith.constant 0 : i32
      %dma_wait3A_58 = tpu.memref_slice %arg8[%add3A_8, %dma_wait3A] : memref<10000x128xf32, #tpu.memory_space<vmem_shared>> -> memref<80x128xf32, #tpu.memory_space<vmem_shared>>
      %dma_wait3A_59 = arith.constant 0 : i32
      %dma_wait3A_60 = tpu.memref_slice %arg8[%add3A_8, %dma_wait3A_59] : memref<10000x128xf32, #tpu.memory_space<vmem_shared>> -> memref<80x128xf32, #tpu.memory_space<vmem_shared>>
      tpu.wait_dma2 semaphore(%run_scoped3A : memref<!tpu.dma_semaphore, #tpu.memory_space<semaphore_mem>>) src(%arg18 : memref<80x128xf32, #tpu.memory_space<vmem>>) dst(%dma_wait3A_60 : memref<80x128xf32, #tpu.memory_space<vmem_shared>>)
      tpu.yield
    }) : () -> ()
    %mul3A_9 = arith.constant 624 : i32
    %mul3A_10 = arith.muli %arg1, %mul3A_9 : i32
    %add3A_11 = arith.constant 80 : i32
    %add3A_12 = arith.addi %mul3A_10, %add3A_11 : i32
    "tpu.region"() ({
      %run_scoped3A = tpu.sem_alloc : memref<!tpu.dma_semaphore, #tpu.memory_space<semaphore_mem>>
      %dma_start3A = arith.constant 0 : i32
      %dma_start3A_55 = tpu.memref_slice %arg8[%add3A_12, %dma_start3A] : memref<10000x128xf32, #tpu.memory_space<vmem_shared>> -> memref<80x128xf32, #tpu.memory_space<vmem_shared>>
      %dma_start3A_56 = arith.constant 0 : i32
      %dma_start3A_57 = tpu.memref_slice %arg8[%add3A_12, %dma_start3A_56] : memref<10000x128xf32, #tpu.memory_space<vmem_shared>> -> memref<80x128xf32, #tpu.memory_space<vmem_shared>>
      tpu.enqueue_dma source(%arg18 : memref<80x128xf32, #tpu.memory_space<vmem>>) target(%dma_start3A_57 : memref<80x128xf32, #tpu.memory_space<vmem_shared>>) target_semaphore(%run_scoped3A : memref<!tpu.dma_semaphore, #tpu.memory_space<semaphore_mem>>)
      %dma_wait3A = arith.constant 0 : i32
      %dma_wait3A_58 = tpu.memref_slice %arg8[%add3A_12, %dma_wait3A] : memref<10000x128xf32, #tpu.memory_space<vmem_shared>> -> memref<80x128xf32, #tpu.memory_space<vmem_shared>>
      %dma_wait3A_59 = arith.constant 0 : i32
      %dma_wait3A_60 = tpu.memref_slice %arg8[%add3A_12, %dma_wait3A_59] : memref<10000x128xf32, #tpu.memory_space<vmem_shared>> -> memref<80x128xf32, #tpu.memory_space<vmem_shared>>
      tpu.wait_dma2 semaphore(%run_scoped3A : memref<!tpu.dma_semaphore, #tpu.memory_space<semaphore_mem>>) src(%arg18 : memref<80x128xf32, #tpu.memory_space<vmem>>) dst(%dma_wait3A_60 : memref<80x128xf32, #tpu.memory_space<vmem_shared>>)
      tpu.yield
    }) : () -> ()
    %mul3A_13 = arith.constant 624 : i32
    %mul3A_14 = arith.muli %arg1, %mul3A_13 : i32
    %add3A_15 = arith.constant 160 : i32
    %add3A_16 = arith.addi %mul3A_14, %add3A_15 : i32
    "tpu.region"() ({
      %run_scoped3A = tpu.sem_alloc : memref<!tpu.dma_semaphore, #tpu.memory_space<semaphore_mem>>
      %dma_start3A = arith.constant 0 : i32
      %dma_start3A_55 = tpu.memref_slice %arg8[%add3A_16, %dma_start3A] : memref<10000x128xf32, #tpu.memory_space<vmem_shared>> -> memref<80x128xf32, #tpu.memory_space<vmem_shared>>
      %dma_start3A_56 = arith.constant 0 : i32
      %dma_start3A_57 = tpu.memref_slice %arg8[%add3A_16, %dma_start3A_56] : memref<10000x128xf32, #tpu.memory_space<vmem_shared>> -> memref<80x128xf32, #tpu.memory_space<vmem_shared>>
      tpu.enqueue_dma source(%arg18 : memref<80x128xf32, #tpu.memory_space<vmem>>) target(%dma_start3A_57 : memref<80x128xf32, #tpu.memory_space<vmem_shared>>) target_semaphore(%run_scoped3A : memref<!tpu.dma_semaphore, #tpu.memory_space<semaphore_mem>>)
      %dma_wait3A = arith.constant 0 : i32
      %dma_wait3A_58 = tpu.memref_slice %arg8[%add3A_16, %dma_wait3A] : memref<10000x128xf32, #tpu.memory_space<vmem_shared>> -> memref<80x128xf32, #tpu.memory_space<vmem_shared>>
      %dma_wait3A_59 = arith.constant 0 : i32
      %dma_wait3A_60 = tpu.memref_slice %arg8[%add3A_16, %dma_wait3A_59] : memref<10000x128xf32, #tpu.memory_space<vmem_shared>> -> memref<80x128xf32, #tpu.memory_space<vmem_shared>>
      tpu.wait_dma2 semaphore(%run_scoped3A : memref<!tpu.dma_semaphore, #tpu.memory_space<semaphore_mem>>) src(%arg18 : memref<80x128xf32, #tpu.memory_space<vmem>>) dst(%dma_wait3A_60 : memref<80x128xf32, #tpu.memory_space<vmem_shared>>)
      tpu.yield
    }) : () -> ()
    %mul3A_17 = arith.constant 624 : i32
    %mul3A_18 = arith.muli %arg1, %mul3A_17 : i32
    %add3A_19 = arith.constant 240 : i32
    %add3A_20 = arith.addi %mul3A_18, %add3A_19 : i32
    "tpu.region"() ({
      %run_scoped3A = tpu.sem_alloc : memref<!tpu.dma_semaphore, #tpu.memory_space<semaphore_mem>>
      %dma_start3A = arith.constant 0 : i32
      %dma_start3A_55 = tpu.memref_slice %arg8[%add3A_20, %dma_start3A] : memref<10000x128xf32, #tpu.memory_space<vmem_shared>> -> memref<80x128xf32, #tpu.memory_space<vmem_shared>>
      %dma_start3A_56 = arith.constant 0 : i32
      %dma_start3A_57 = tpu.memref_slice %arg8[%add3A_20, %dma_start3A_56] : memref<10000x128xf32, #tpu.memory_space<vmem_shared>> -> memref<80x128xf32, #tpu.memory_space<vmem_shared>>
      tpu.enqueue_dma source(%arg18 : memref<80x128xf32, #tpu.memory_space<vmem>>) target(%dma_start3A_57 : memref<80x128xf32, #tpu.memory_space<vmem_shared>>) target_semaphore(%run_scoped3A : memref<!tpu.dma_semaphore, #tpu.memory_space<semaphore_mem>>)
      %dma_wait3A = arith.constant 0 : i32
      %dma_wait3A_58 = tpu.memref_slice %arg8[%add3A_20, %dma_wait3A] : memref<10000x128xf32, #tpu.memory_space<vmem_shared>> -> memref<80x128xf32, #tpu.memory_space<vmem_shared>>
      %dma_wait3A_59 = arith.constant 0 : i32
      %dma_wait3A_60 = tpu.memref_slice %arg8[%add3A_20, %dma_wait3A_59] : memref<10000x128xf32, #tpu.memory_space<vmem_shared>> -> memref<80x128xf32, #tpu.memory_space<vmem_shared>>
      tpu.wait_dma2 semaphore(%run_scoped3A : memref<!tpu.dma_semaphore, #tpu.memory_space<semaphore_mem>>) src(%arg18 : memref<80x128xf32, #tpu.memory_space<vmem>>) dst(%dma_wait3A_60 : memref<80x128xf32, #tpu.memory_space<vmem_shared>>)
      tpu.yield
    }) : () -> ()
    %mul3A_21 = arith.constant 624 : i32
    %mul3A_22 = arith.muli %arg1, %mul3A_21 : i32
    %add3A_23 = arith.constant 320 : i32
    %add3A_24 = arith.addi %mul3A_22, %add3A_23 : i32
    "tpu.region"() ({
      %run_scoped3A = tpu.sem_alloc : memref<!tpu.dma_semaphore, #tpu.memory_space<semaphore_mem>>
      %dma_start3A = arith.constant 0 : i32
      %dma_start3A_55 = tpu.memref_slice %arg8[%add3A_24, %dma_start3A] : memref<10000x128xf32, #tpu.memory_space<vmem_shared>> -> memref<80x128xf32, #tpu.memory_space<vmem_shared>>
      %dma_start3A_56 = arith.constant 0 : i32
      %dma_start3A_57 = tpu.memref_slice %arg8[%add3A_24, %dma_start3A_56] : memref<10000x128xf32, #tpu.memory_space<vmem_shared>> -> memref<80x128xf32, #tpu.memory_space<vmem_shared>>
      tpu.enqueue_dma source(%arg18 : memref<80x128xf32, #tpu.memory_space<vmem>>) target(%dma_start3A_57 : memref<80x128xf32, #tpu.memory_space<vmem_shared>>) target_semaphore(%run_scoped3A : memref<!tpu.dma_semaphore, #tpu.memory_space<semaphore_mem>>)
      %dma_wait3A = arith.constant 0 : i32
      %dma_wait3A_58 = tpu.memref_slice %arg8[%add3A_24, %dma_wait3A] : memref<10000x128xf32, #tpu.memory_space<vmem_shared>> -> memref<80x128xf32, #tpu.memory_space<vmem_shared>>
      %dma_wait3A_59 = arith.constant 0 : i32
      %dma_wait3A_60 = tpu.memref_slice %arg8[%add3A_24, %dma_wait3A_59] : memref<10000x128xf32, #tpu.memory_space<vmem_shared>> -> memref<80x128xf32, #tpu.memory_space<vmem_shared>>
      tpu.wait_dma2 semaphore(%run_scoped3A : memref<!tpu.dma_semaphore, #tpu.memory_space<semaphore_mem>>) src(%arg18 : memref<80x128xf32, #tpu.memory_space<vmem>>) dst(%dma_wait3A_60 : memref<80x128xf32, #tpu.memory_space<vmem_shared>>)
      tpu.yield
    }) : () -> ()
    %mul3A_25 = arith.constant 624 : i32
    %mul3A_26 = arith.muli %arg1, %mul3A_25 : i32
    %add3A_27 = arith.constant 400 : i32
    %add3A_28 = arith.addi %mul3A_26, %add3A_27 : i32
    "tpu.region"() ({
      %run_scoped3A = tpu.sem_alloc : memref<!tpu.dma_semaphore, #tpu.memory_space<semaphore_mem>>
      %dma_start3A = arith.constant 0 : i32
      %dma_start3A_55 = tpu.memref_slice %arg8[%add3A_28, %dma_start3A] : memref<10000x128xf32, #tpu.memory_space<vmem_shared>> -> memref<80x128xf32, #tpu.memory_space<vmem_shared>>
      %dma_start3A_56 = arith.constant 0 : i32
      %dma_start3A_57 = tpu.memref_slice %arg8[%add3A_28, %dma_start3A_56] : memref<10000x128xf32, #tpu.memory_space<vmem_shared>> -> memref<80x128xf32, #tpu.memory_space<vmem_shared>>
      tpu.enqueue_dma source(%arg18 : memref<80x128xf32, #tpu.memory_space<vmem>>) target(%dma_start3A_57 : memref<80x128xf32, #tpu.memory_space<vmem_shared>>) target_semaphore(%run_scoped3A : memref<!tpu.dma_semaphore, #tpu.memory_space<semaphore_mem>>)
      %dma_wait3A = arith.constant 0 : i32
      %dma_wait3A_58 = tpu.memref_slice %arg8[%add3A_28, %dma_wait3A] : memref<10000x128xf32, #tpu.memory_space<vmem_shared>> -> memref<80x128xf32, #tpu.memory_space<vmem_shared>>
      %dma_wait3A_59 = arith.constant 0 : i32
      %dma_wait3A_60 = tpu.memref_slice %arg8[%add3A_28, %dma_wait3A_59] : memref<10000x128xf32, #tpu.memory_space<vmem_shared>> -> memref<80x128xf32, #tpu.memory_space<vmem_shared>>
      tpu.wait_dma2 semaphore(%run_scoped3A : memref<!tpu.dma_semaphore, #tpu.memory_space<semaphore_mem>>) src(%arg18 : memref<80x128xf32, #tpu.memory_space<vmem>>) dst(%dma_wait3A_60 : memref<80x128xf32, #tpu.memory_space<vmem_shared>>)
      tpu.yield
    }) : () -> ()
    %mul3A_29 = arith.constant 624 : i32
    %mul3A_30 = arith.muli %arg1, %mul3A_29 : i32
    %add3A_31 = arith.constant 480 : i32
    %add3A_32 = arith.addi %mul3A_30, %add3A_31 : i32
    "tpu.region"() ({
      %run_scoped3A = tpu.sem_alloc : memref<!tpu.dma_semaphore, #tpu.memory_space<semaphore_mem>>
      %dma_start3A = arith.constant 0 : i32
      %dma_start3A_55 = tpu.memref_slice %arg8[%add3A_32, %dma_start3A] : memref<10000x128xf32, #tpu.memory_space<vmem_shared>> -> memref<80x128xf32, #tpu.memory_space<vmem_shared>>
      %dma_start3A_56 = arith.constant 0 : i32
      %dma_start3A_57 = tpu.memref_slice %arg8[%add3A_32, %dma_start3A_56] : memref<10000x128xf32, #tpu.memory_space<vmem_shared>> -> memref<80x128xf32, #tpu.memory_space<vmem_shared>>
      tpu.enqueue_dma source(%arg18 : memref<80x128xf32, #tpu.memory_space<vmem>>) target(%dma_start3A_57 : memref<80x128xf32, #tpu.memory_space<vmem_shared>>) target_semaphore(%run_scoped3A : memref<!tpu.dma_semaphore, #tpu.memory_space<semaphore_mem>>)
      %dma_wait3A = arith.constant 0 : i32
      %dma_wait3A_58 = tpu.memref_slice %arg8[%add3A_32, %dma_wait3A] : memref<10000x128xf32, #tpu.memory_space<vmem_shared>> -> memref<80x128xf32, #tpu.memory_space<vmem_shared>>
      %dma_wait3A_59 = arith.constant 0 : i32
      %dma_wait3A_60 = tpu.memref_slice %arg8[%add3A_32, %dma_wait3A_59] : memref<10000x128xf32, #tpu.memory_space<vmem_shared>> -> memref<80x128xf32, #tpu.memory_space<vmem_shared>>
      tpu.wait_dma2 semaphore(%run_scoped3A : memref<!tpu.dma_semaphore, #tpu.memory_space<semaphore_mem>>) src(%arg18 : memref<80x128xf32, #tpu.memory_space<vmem>>) dst(%dma_wait3A_60 : memref<80x128xf32, #tpu.memory_space<vmem_shared>>)
      tpu.yield
    }) : () -> ()
    %mul3A_33 = arith.constant 624 : i32
    %mul3A_34 = arith.muli %arg1, %mul3A_33 : i32
    %add3A_35 = arith.constant 624 : i32
    %add3A_36 = arith.addi %mul3A_34, %add3A_35 : i32
    %sub3A = arith.constant 64 : i32
    %sub3A_37 = arith.subi %add3A_36, %sub3A : i32
    "tpu.region"() ({
      %run_scoped3A = tpu.sem_alloc : memref<!tpu.dma_semaphore, #tpu.memory_space<semaphore_mem>>
      %dma_start3A = arith.constant 0 : i32
      %dma_start3A_55 = arith.constant 0 : i32
      %dma_start3A_56 = tpu.memref_slice %arg18[%dma_start3A, %dma_start3A_55] : memref<80x128xf32, #tpu.memory_space<vmem>> -> memref<64x128xf32, #tpu.memory_space<vmem>>
      %dma_start3A_57 = arith.constant 0 : i32
      %dma_start3A_58 = tpu.memref_slice %arg8[%sub3A_37, %dma_start3A_57] : memref<10000x128xf32, #tpu.memory_space<vmem_shared>> -> memref<64x128xf32, #tpu.memory_space<vmem_shared>>
      %dma_start3A_59 = arith.constant 0 : i32
      %dma_start3A_60 = tpu.memref_slice %arg8[%sub3A_37, %dma_start3A_59] : memref<10000x128xf32, #tpu.memory_space<vmem_shared>> -> memref<64x128xf32, #tpu.memory_space<vmem_shared>>
      %dma_start3A_61 = arith.constant 0 : i32
      %dma_start3A_62 = arith.constant 0 : i32
      %dma_start3A_63 = tpu.memref_slice %arg18[%dma_start3A_61, %dma_start3A_62] : memref<80x128xf32, #tpu.memory_space<vmem>> -> memref<64x128xf32, #tpu.memory_space<vmem>>
      tpu.enqueue_dma source(%dma_start3A_63 : memref<64x128xf32, #tpu.memory_space<vmem>>) target(%dma_start3A_60 : memref<64x128xf32, #tpu.memory_space<vmem_shared>>) target_semaphore(%run_scoped3A : memref<!tpu.dma_semaphore, #tpu.memory_space<semaphore_mem>>)
      %dma_wait3A = arith.constant 0 : i32
      %dma_wait3A_64 = arith.constant 0 : i32
      %dma_wait3A_65 = tpu.memref_slice %arg18[%dma_wait3A, %dma_wait3A_64] : memref<80x128xf32, #tpu.memory_space<vmem>> -> memref<64x128xf32, #tpu.memory_space<vmem>>
      %dma_wait3A_66 = arith.constant 0 : i32
      %dma_wait3A_67 = tpu.memref_slice %arg8[%sub3A_37, %dma_wait3A_66] : memref<10000x128xf32, #tpu.memory_space<vmem_shared>> -> memref<64x128xf32, #tpu.memory_space<vmem_shared>>
      %dma_wait3A_68 = arith.constant 0 : i32
      %dma_wait3A_69 = tpu.memref_slice %arg8[%sub3A_37, %dma_wait3A_68] : memref<10000x128xf32, #tpu.memory_space<vmem_shared>> -> memref<64x128xf32, #tpu.memory_space<vmem_shared>>
      %dma_wait3A_70 = arith.constant 0 : i32
      %dma_wait3A_71 = arith.constant 0 : i32
      %dma_wait3A_72 = tpu.memref_slice %arg18[%dma_wait3A_70, %dma_wait3A_71] : memref<80x128xf32, #tpu.memory_space<vmem>> -> memref<64x128xf32, #tpu.memory_space<vmem>>
      tpu.wait_dma2 semaphore(%run_scoped3A : memref<!tpu.dma_semaphore, #tpu.memory_space<semaphore_mem>>) src(%dma_wait3A_72 : memref<64x128xf32, #tpu.memory_space<vmem>>) dst(%dma_wait3A_69 : memref<64x128xf32, #tpu.memory_space<vmem_shared>>)
      tpu.yield
    }) : () -> ()
    %eq3A = arith.constant 15 : i32
    %eq3A_38 = arith.cmpi eq, %arg1, %eq3A : i32
    %convert_element_type3A = arith.extui %eq3A_38 : i1 to i32
    %cond3A = arith.constant 0 : i32
    %cond3A_39 = arith.cmpi ne, %convert_element_type3A, %cond3A : i32
    scf.if %cond3A_39 {
      "tpu.region"() ({
        %run_scoped3A = tpu.sem_alloc : memref<!tpu.dma_semaphore, #tpu.memory_space<semaphore_mem>>
        %dma_start3A = arith.constant 0 : i32
        %dma_start3A_55 = arith.constant 0 : i32
        %dma_start3A_56 = tpu.memref_slice %arg18[%dma_start3A, %dma_start3A_55] : memref<80x128xf32, #tpu.memory_space<vmem>> -> memref<16x128xf32, #tpu.memory_space<vmem>>
        %dma_start3A_57 = arith.constant 9984 : i32
        %dma_start3A_58 = arith.constant 0 : i32
        %dma_start3A_59 = tpu.memref_slice %arg8[%dma_start3A_57, %dma_start3A_58] : memref<10000x128xf32, #tpu.memory_space<vmem_shared>> -> memref<16x128xf32, #tpu.memory_space<vmem_shared>>
        %dma_start3A_60 = arith.constant 9984 : i32
        %dma_start3A_61 = arith.constant 0 : i32
        %dma_start3A_62 = tpu.memref_slice %arg8[%dma_start3A_60, %dma_start3A_61] : memref<10000x128xf32, #tpu.memory_space<vmem_shared>> -> memref<16x128xf32, #tpu.memory_space<vmem_shared>>
        %dma_start3A_63 = arith.constant 0 : i32
        %dma_start3A_64 = arith.constant 0 : i32
        %dma_start3A_65 = tpu.memref_slice %arg18[%dma_start3A_63, %dma_start3A_64] : memref<80x128xf32, #tpu.memory_space<vmem>> -> memref<16x128xf32, #tpu.memory_space<vmem>>
        tpu.enqueue_dma source(%dma_start3A_65 : memref<16x128xf32, #tpu.memory_space<vmem>>) target(%dma_start3A_62 : memref<16x128xf32, #tpu.memory_space<vmem_shared>>) target_semaphore(%run_scoped3A : memref<!tpu.dma_semaphore, #tpu.memory_space<semaphore_mem>>)
        %dma_wait3A = arith.constant 0 : i32
        %dma_wait3A_66 = arith.constant 0 : i32
        %dma_wait3A_67 = tpu.memref_slice %arg18[%dma_wait3A, %dma_wait3A_66] : memref<80x128xf32, #tpu.memory_space<vmem>> -> memref<16x128xf32, #tpu.memory_space<vmem>>
        %dma_wait3A_68 = arith.constant 9984 : i32
        %dma_wait3A_69 = arith.constant 0 : i32
        %dma_wait3A_70 = tpu.memref_slice %arg8[%dma_wait3A_68, %dma_wait3A_69] : memref<10000x128xf32, #tpu.memory_space<vmem_shared>> -> memref<16x128xf32, #tpu.memory_space<vmem_shared>>
        %dma_wait3A_71 = arith.constant 9984 : i32
        %dma_wait3A_72 = arith.constant 0 : i32
        %dma_wait3A_73 = tpu.memref_slice %arg8[%dma_wait3A_71, %dma_wait3A_72] : memref<10000x128xf32, #tpu.memory_space<vmem_shared>> -> memref<16x128xf32, #tpu.memory_space<vmem_shared>>
        %dma_wait3A_74 = arith.constant 0 : i32
        %dma_wait3A_75 = arith.constant 0 : i32
        %dma_wait3A_76 = tpu.memref_slice %arg18[%dma_wait3A_74, %dma_wait3A_75] : memref<80x128xf32, #tpu.memory_space<vmem>> -> memref<16x128xf32, #tpu.memory_space<vmem>>
        tpu.wait_dma2 semaphore(%run_scoped3A : memref<!tpu.dma_semaphore, #tpu.memory_space<semaphore_mem>>) src(%dma_wait3A_76 : memref<16x128xf32, #tpu.memory_space<vmem>>) dst(%dma_wait3A_73 : memref<16x128xf32, #tpu.memory_space<vmem_shared>>)
        tpu.yield
      }) : () -> ()
    } else {
    }
    %barrier3A = arith.constant 0 : index
    tpu.barrier barrier_id(%barrier3A)
    %scan3A_40 = arith.constant 0 : i32
    %scan3A_41 = arith.constant 62 : i32
    %scan3A_42 = arith.addi %scan3A_40, %scan3A_41 : i32
    %scan3A_43 = arith.constant 1 : i32
    scf.for %scan3A_55 = %scan3A_40 to %scan3A_42 step %scan3A_43  : i32 {
      %mul3A_56 = arith.constant 1 : i32
      %mul3A_57 = arith.muli %scan3A_55, %mul3A_56 : i32
      %add3A_58 = arith.constant 0 : i32
      %add3A_59 = arith.addi %add3A_58, %mul3A_57 : i32
      %gt3A = arith.constant 0 : i32
      %gt3A_60 = arith.cmpi sgt, %add3A_59, %gt3A : i32
      %convert_element_type3A_61 = arith.extui %gt3A_60 : i1 to i32
      %cond3A_62 = arith.constant 0 : i32
      %cond3A_63 = arith.cmpi ne, %convert_element_type3A_61, %cond3A_62 : i32
      scf.if %cond3A_63 {
        %dma_wait3A_287 = arith.constant 0 : i32
        %dma_wait3A_288 = arith.constant 0 : i32
        %dma_wait3A_289 = tpu.memref_slice %arg8[%dma_wait3A_287, %dma_wait3A_288] : memref<10000x128xf32, #tpu.memory_space<vmem_shared>> -> memref<10000x128xf32, #tpu.memory_space<vmem_shared>>
        tpu.wait_indirect_dma semaphore(%arg21 : memref<!tpu.dma_semaphore, #tpu.memory_space<semaphore_mem>>) src(%arg16 : memref<80x128xf32, #tpu.memory_space<vmem>>) dst(%dma_wait3A_289 : memref<10000x128xf32, #tpu.memory_space<vmem_shared>>)
      } else {
      }
      %mul3A_64 = arith.constant 2 : i32
      %mul3A_65 = arith.muli %mul3A_64, %add3A_59 : i32
      %dma_start3A = arith.constant 0 : i32
      %dma_start3A_66 = tpu.memref_slice %arg4[%add3A, %mul3A_65, %dma_start3A] : memref<32x125x80xi32, #tpu.memory_space<hbm>> -> memref<1x1x80xi32, #tpu.memory_space<hbm>>
      %dma_start3A_67 = tpu.memref_squeeze %dma_start3A_66 : memref<1x1x80xi32, #tpu.memory_space<hbm>> -> memref<80xi32, #tpu.memory_space<hbm>>
      %dma_start3A_68 = arith.constant 0 : i32
      %dma_start3A_69 = tpu.memref_slice %arg4[%add3A, %mul3A_65, %dma_start3A_68] : memref<32x125x80xi32, #tpu.memory_space<hbm>> -> memref<1x1x80xi32, #tpu.memory_space<hbm>>
      %dma_start3A_70 = tpu.memref_squeeze %dma_start3A_69 : memref<1x1x80xi32, #tpu.memory_space<hbm>> -> memref<80xi32, #tpu.memory_space<hbm>>
      tpu.enqueue_dma source(%dma_start3A_70 : memref<80xi32, #tpu.memory_space<hbm>>) target(%arg10 : memref<80xi32, #tpu.memory_space<vmem>>) target_semaphore(%arg23 : memref<!tpu.dma_semaphore, #tpu.memory_space<semaphore_mem>>)
      %dma_start3A_71 = arith.constant 0 : i32
      %dma_start3A_72 = tpu.memref_slice %arg5[%add3A, %mul3A_65, %dma_start3A_71] : memref<32x125x80xi32, #tpu.memory_space<hbm>> -> memref<1x1x80xi32, #tpu.memory_space<hbm>>
      %dma_start3A_73 = tpu.memref_squeeze %dma_start3A_72 : memref<1x1x80xi32, #tpu.memory_space<hbm>> -> memref<80xi32, #tpu.memory_space<hbm>>
      %dma_start3A_74 = arith.constant 0 : i32
      %dma_start3A_75 = tpu.memref_slice %arg5[%add3A, %mul3A_65, %dma_start3A_74] : memref<32x125x80xi32, #tpu.memory_space<hbm>> -> memref<1x1x80xi32, #tpu.memory_space<hbm>>
      %dma_start3A_76 = tpu.memref_squeeze %dma_start3A_75 : memref<1x1x80xi32, #tpu.memory_space<hbm>> -> memref<80xi32, #tpu.memory_space<hbm>>
      tpu.enqueue_dma source(%dma_start3A_76 : memref<80xi32, #tpu.memory_space<hbm>>) target(%arg11 : memref<80xi32, #tpu.memory_space<vmem>>) target_semaphore(%arg24 : memref<!tpu.dma_semaphore, #tpu.memory_space<semaphore_mem>>)
      %dma_start3A_77 = arith.constant 0 : i32
      %dma_start3A_78 = tpu.memref_slice %arg6[%add3A, %mul3A_65, %dma_start3A_77] : memref<32x125x80xf32, #tpu.memory_space<hbm>> -> memref<1x1x80xf32, #tpu.memory_space<hbm>>
      %dma_start3A_79 = tpu.memref_squeeze %dma_start3A_78 : memref<1x1x80xf32, #tpu.memory_space<hbm>> -> memref<80xf32, #tpu.memory_space<hbm>>
      %dma_start3A_80 = arith.constant 0 : i32
      %dma_start3A_81 = tpu.memref_slice %arg6[%add3A, %mul3A_65, %dma_start3A_80] : memref<32x125x80xf32, #tpu.memory_space<hbm>> -> memref<1x1x80xf32, #tpu.memory_space<hbm>>
      %dma_start3A_82 = tpu.memref_squeeze %dma_start3A_81 : memref<1x1x80xf32, #tpu.memory_space<hbm>> -> memref<80xf32, #tpu.memory_space<hbm>>
      tpu.enqueue_dma source(%dma_start3A_82 : memref<80xf32, #tpu.memory_space<hbm>>) target(%arg13 : memref<80xf32, #tpu.memory_space<vmem>>) target_semaphore(%arg25 : memref<!tpu.dma_semaphore, #tpu.memory_space<semaphore_mem>>)
      %dma_wait3A = arith.constant 0 : i32
      %dma_wait3A_83 = tpu.memref_slice %arg4[%add3A, %mul3A_65, %dma_wait3A] : memref<32x125x80xi32, #tpu.memory_space<hbm>> -> memref<1x1x80xi32, #tpu.memory_space<hbm>>
      %dma_wait3A_84 = tpu.memref_squeeze %dma_wait3A_83 : memref<1x1x80xi32, #tpu.memory_space<hbm>> -> memref<80xi32, #tpu.memory_space<hbm>>
      %dma_wait3A_85 = arith.constant 0 : i32
      %dma_wait3A_86 = tpu.memref_slice %arg4[%add3A, %mul3A_65, %dma_wait3A_85] : memref<32x125x80xi32, #tpu.memory_space<hbm>> -> memref<1x1x80xi32, #tpu.memory_space<hbm>>
      %dma_wait3A_87 = tpu.memref_squeeze %dma_wait3A_86 : memref<1x1x80xi32, #tpu.memory_space<hbm>> -> memref<80xi32, #tpu.memory_space<hbm>>
      tpu.wait_dma2 semaphore(%arg23 : memref<!tpu.dma_semaphore, #tpu.memory_space<semaphore_mem>>) src(%dma_wait3A_87 : memref<80xi32, #tpu.memory_space<hbm>>) dst(%arg10 : memref<80xi32, #tpu.memory_space<vmem>>)
      %dma_wait3A_88 = arith.constant 0 : i32
      %dma_wait3A_89 = tpu.memref_slice %arg5[%add3A, %mul3A_65, %dma_wait3A_88] : memref<32x125x80xi32, #tpu.memory_space<hbm>> -> memref<1x1x80xi32, #tpu.memory_space<hbm>>
      %dma_wait3A_90 = tpu.memref_squeeze %dma_wait3A_89 : memref<1x1x80xi32, #tpu.memory_space<hbm>> -> memref<80xi32, #tpu.memory_space<hbm>>
      %dma_wait3A_91 = arith.constant 0 : i32
      %dma_wait3A_92 = tpu.memref_slice %arg5[%add3A, %mul3A_65, %dma_wait3A_91] : memref<32x125x80xi32, #tpu.memory_space<hbm>> -> memref<1x1x80xi32, #tpu.memory_space<hbm>>
      %dma_wait3A_93 = tpu.memref_squeeze %dma_wait3A_92 : memref<1x1x80xi32, #tpu.memory_space<hbm>> -> memref<80xi32, #tpu.memory_space<hbm>>
      tpu.wait_dma2 semaphore(%arg24 : memref<!tpu.dma_semaphore, #tpu.memory_space<semaphore_mem>>) src(%dma_wait3A_93 : memref<80xi32, #tpu.memory_space<hbm>>) dst(%arg11 : memref<80xi32, #tpu.memory_space<vmem>>)
      %dma_start3A_94 = arith.constant 0 : i32
      %dma_start3A_95 = arith.constant 0 : i32
      %dma_start3A_96 = tpu.memref_slice %arg2[%dma_start3A_94, %dma_start3A_95] : memref<10000x128xf32, #tpu.memory_space<hbm>> -> memref<10000x128xf32, #tpu.memory_space<hbm>>
      tpu.enqueue_indirect_dma source(%dma_start3A_96 : memref<10000x128xf32, #tpu.memory_space<hbm>>) target(%arg16 : memref<80x128xf32, #tpu.memory_space<vmem>>) offsets(%arg10 : memref<80xi32, #tpu.memory_space<vmem>>) semaphore(%arg19 : memref<!tpu.dma_semaphore, #tpu.memory_space<semaphore_mem>>)
      %dma_start3A_97 = arith.constant 0 : i32
      %dma_start3A_98 = arith.constant 0 : i32
      %dma_start3A_99 = tpu.memref_slice %arg2[%dma_start3A_97, %dma_start3A_98] : memref<10000x128xf32, #tpu.memory_space<hbm>> -> memref<10000x128xf32, #tpu.memory_space<hbm>>
      tpu.enqueue_indirect_dma source(%dma_start3A_99 : memref<10000x128xf32, #tpu.memory_space<hbm>>) target(%arg17 : memref<80x128xf32, #tpu.memory_space<vmem>>) offsets(%arg11 : memref<80xi32, #tpu.memory_space<vmem>>) semaphore(%arg20 : memref<!tpu.dma_semaphore, #tpu.memory_space<semaphore_mem>>)
      %dma_wait3A_100 = arith.constant 0 : i32
      %dma_wait3A_101 = tpu.memref_slice %arg6[%add3A, %mul3A_65, %dma_wait3A_100] : memref<32x125x80xf32, #tpu.memory_space<hbm>> -> memref<1x1x80xf32, #tpu.memory_space<hbm>>
      %dma_wait3A_102 = tpu.memref_squeeze %dma_wait3A_101 : memref<1x1x80xf32, #tpu.memory_space<hbm>> -> memref<80xf32, #tpu.memory_space<hbm>>
      %dma_wait3A_103 = arith.constant 0 : i32
      %dma_wait3A_104 = tpu.memref_slice %arg6[%add3A, %mul3A_65, %dma_wait3A_103] : memref<32x125x80xf32, #tpu.memory_space<hbm>> -> memref<1x1x80xf32, #tpu.memory_space<hbm>>
      %dma_wait3A_105 = tpu.memref_squeeze %dma_wait3A_104 : memref<1x1x80xf32, #tpu.memory_space<hbm>> -> memref<80xf32, #tpu.memory_space<hbm>>
      tpu.wait_dma2 semaphore(%arg25 : memref<!tpu.dma_semaphore, #tpu.memory_space<semaphore_mem>>) src(%dma_wait3A_105 : memref<80xf32, #tpu.memory_space<hbm>>) dst(%arg13 : memref<80xf32, #tpu.memory_space<vmem>>)
      %get3A = arith.constant 0 : index
      %get3A_106 = tpu.vector_load %arg10[%get3A] {strides = array<i32>} : memref<80xi32, #tpu.memory_space<vmem>>, vector<16xi32>,
      %get3A_107 = arith.constant 0 : index
      %get3A_108 = tpu.vector_load %arg11[%get3A_107] {strides = array<i32>} : memref<80xi32, #tpu.memory_space<vmem>>, vector<16xi32>,
      %gather3A = tpu.vector_load_idx %arg9[%get3A_106] : memref<10000xf32, #tpu.memory_space<vmem>>[vector<16xi32>], vector<16xf32>,
      %swap3A = arith.constant 0 : index
      %swap3A_109 = tpu.vector_load %arg14[%swap3A] {strides = array<i32>} : memref<80xf32, #tpu.memory_space<vmem>>, vector<16xf32>,
      tpu.vector_store %arg14[%swap3A], %gather3A {strides = array<i32>} : memref<80xf32, #tpu.memory_space<vmem>>, vector<16xf32>,
      %gather3A_110 = tpu.vector_load_idx %arg9[%get3A_108] : memref<10000xf32, #tpu.memory_space<vmem>>[vector<16xi32>], vector<16xf32>,
      %swap3A_111 = arith.constant 0 : index
      %swap3A_112 = tpu.vector_load %arg15[%swap3A_111] {strides = array<i32>} : memref<80xf32, #tpu.memory_space<vmem>>, vector<16xf32>,
      tpu.vector_store %arg15[%swap3A_111], %gather3A_110 {strides = array<i32>} : memref<80xf32, #tpu.memory_space<vmem>>, vector<16xf32>,
      %get3A_113 = arith.constant 16 : index
      %get3A_114 = tpu.vector_load %arg10[%get3A_113] {strides = array<i32>} : memref<80xi32, #tpu.memory_space<vmem>>, vector<16xi32>,
      %get3A_115 = arith.constant 16 : index
      %get3A_116 = tpu.vector_load %arg11[%get3A_115] {strides = array<i32>} : memref<80xi32, #tpu.memory_space<vmem>>, vector<16xi32>,
      %gather3A_117 = tpu.vector_load_idx %arg9[%get3A_114] : memref<10000xf32, #tpu.memory_space<vmem>>[vector<16xi32>], vector<16xf32>,
      %swap3A_118 = arith.constant 16 : index
      %swap3A_119 = tpu.vector_load %arg14[%swap3A_118] {strides = array<i32>} : memref<80xf32, #tpu.memory_space<vmem>>, vector<16xf32>,
      tpu.vector_store %arg14[%swap3A_118], %gather3A_117 {strides = array<i32>} : memref<80xf32, #tpu.memory_space<vmem>>, vector<16xf32>,
      %gather3A_120 = tpu.vector_load_idx %arg9[%get3A_116] : memref<10000xf32, #tpu.memory_space<vmem>>[vector<16xi32>], vector<16xf32>,
      %swap3A_121 = arith.constant 16 : index
      %swap3A_122 = tpu.vector_load %arg15[%swap3A_121] {strides = array<i32>} : memref<80xf32, #tpu.memory_space<vmem>>, vector<16xf32>,
      tpu.vector_store %arg15[%swap3A_121], %gather3A_120 {strides = array<i32>} : memref<80xf32, #tpu.memory_space<vmem>>, vector<16xf32>,
      %get3A_123 = arith.constant 32 : index
      %get3A_124 = tpu.vector_load %arg10[%get3A_123] {strides = array<i32>} : memref<80xi32, #tpu.memory_space<vmem>>, vector<16xi32>,
      %get3A_125 = arith.constant 32 : index
      %get3A_126 = tpu.vector_load %arg11[%get3A_125] {strides = array<i32>} : memref<80xi32, #tpu.memory_space<vmem>>, vector<16xi32>,
      %gather3A_127 = tpu.vector_load_idx %arg9[%get3A_124] : memref<10000xf32, #tpu.memory_space<vmem>>[vector<16xi32>], vector<16xf32>,
      %swap3A_128 = arith.constant 32 : index
      %swap3A_129 = tpu.vector_load %arg14[%swap3A_128] {strides = array<i32>} : memref<80xf32, #tpu.memory_space<vmem>>, vector<16xf32>,
      tpu.vector_store %arg14[%swap3A_128], %gather3A_127 {strides = array<i32>} : memref<80xf32, #tpu.memory_space<vmem>>, vector<16xf32>,
      %gather3A_130 = tpu.vector_load_idx %arg9[%get3A_126] : memref<10000xf32, #tpu.memory_space<vmem>>[vector<16xi32>], vector<16xf32>,
      %swap3A_131 = arith.constant 32 : index
      %swap3A_132 = tpu.vector_load %arg15[%swap3A_131] {strides = array<i32>} : memref<80xf32, #tpu.memory_space<vmem>>, vector<16xf32>,
      tpu.vector_store %arg15[%swap3A_131], %gather3A_130 {strides = array<i32>} : memref<80xf32, #tpu.memory_space<vmem>>, vector<16xf32>,
      %get3A_133 = arith.constant 48 : index
      %get3A_134 = tpu.vector_load %arg10[%get3A_133] {strides = array<i32>} : memref<80xi32, #tpu.memory_space<vmem>>, vector<16xi32>,
      %get3A_135 = arith.constant 48 : index
      %get3A_136 = tpu.vector_load %arg11[%get3A_135] {strides = array<i32>} : memref<80xi32, #tpu.memory_space<vmem>>, vector<16xi32>,
      %gather3A_137 = tpu.vector_load_idx %arg9[%get3A_134] : memref<10000xf32, #tpu.memory_space<vmem>>[vector<16xi32>], vector<16xf32>,
      %swap3A_138 = arith.constant 48 : index
      %swap3A_139 = tpu.vector_load %arg14[%swap3A_138] {strides = array<i32>} : memref<80xf32, #tpu.memory_space<vmem>>, vector<16xf32>,
      tpu.vector_store %arg14[%swap3A_138], %gather3A_137 {strides = array<i32>} : memref<80xf32, #tpu.memory_space<vmem>>, vector<16xf32>,
      %gather3A_140 = tpu.vector_load_idx %arg9[%get3A_136] : memref<10000xf32, #tpu.memory_space<vmem>>[vector<16xi32>], vector<16xf32>,
      %swap3A_141 = arith.constant 48 : index
      %swap3A_142 = tpu.vector_load %arg15[%swap3A_141] {strides = array<i32>} : memref<80xf32, #tpu.memory_space<vmem>>, vector<16xf32>,
      tpu.vector_store %arg15[%swap3A_141], %gather3A_140 {strides = array<i32>} : memref<80xf32, #tpu.memory_space<vmem>>, vector<16xf32>,
      %get3A_143 = arith.constant 64 : index
      %get3A_144 = tpu.vector_load %arg10[%get3A_143] {strides = array<i32>} : memref<80xi32, #tpu.memory_space<vmem>>, vector<16xi32>,
      %get3A_145 = arith.constant 64 : index
      %get3A_146 = tpu.vector_load %arg11[%get3A_145] {strides = array<i32>} : memref<80xi32, #tpu.memory_space<vmem>>, vector<16xi32>,
      %gather3A_147 = tpu.vector_load_idx %arg9[%get3A_144] : memref<10000xf32, #tpu.memory_space<vmem>>[vector<16xi32>], vector<16xf32>,
      %swap3A_148 = arith.constant 64 : index
      %swap3A_149 = tpu.vector_load %arg14[%swap3A_148] {strides = array<i32>} : memref<80xf32, #tpu.memory_space<vmem>>, vector<16xf32>,
      tpu.vector_store %arg14[%swap3A_148], %gather3A_147 {strides = array<i32>} : memref<80xf32, #tpu.memory_space<vmem>>, vector<16xf32>,
      %gather3A_150 = tpu.vector_load_idx %arg9[%get3A_146] : memref<10000xf32, #tpu.memory_space<vmem>>[vector<16xi32>], vector<16xf32>,
      %swap3A_151 = arith.constant 64 : index
      %swap3A_152 = tpu.vector_load %arg15[%swap3A_151] {strides = array<i32>} : memref<80xf32, #tpu.memory_space<vmem>>, vector<16xf32>,
      tpu.vector_store %arg15[%swap3A_151], %gather3A_150 {strides = array<i32>} : memref<80xf32, #tpu.memory_space<vmem>>, vector<16xf32>,
      %dma_wait3A_153 = arith.constant 0 : i32
      %dma_wait3A_154 = arith.constant 0 : i32
      %dma_wait3A_155 = tpu.memref_slice %arg2[%dma_wait3A_153, %dma_wait3A_154] : memref<10000x128xf32, #tpu.memory_space<hbm>> -> memref<10000x128xf32, #tpu.memory_space<hbm>>
      tpu.wait_indirect_dma semaphore(%arg19 : memref<!tpu.dma_semaphore, #tpu.memory_space<semaphore_mem>>) src(%dma_wait3A_155 : memref<10000x128xf32, #tpu.memory_space<hbm>>) dst(%arg16 : memref<80x128xf32, #tpu.memory_space<vmem>>)
      %dma_wait3A_156 = arith.constant 0 : i32
      %dma_wait3A_157 = arith.constant 0 : i32
      %dma_wait3A_158 = tpu.memref_slice %arg2[%dma_wait3A_156, %dma_wait3A_157] : memref<10000x128xf32, #tpu.memory_space<hbm>> -> memref<10000x128xf32, #tpu.memory_space<hbm>>
      tpu.wait_indirect_dma semaphore(%arg20 : memref<!tpu.dma_semaphore, #tpu.memory_space<semaphore_mem>>) src(%dma_wait3A_158 : memref<10000x128xf32, #tpu.memory_space<hbm>>) dst(%arg17 : memref<80x128xf32, #tpu.memory_space<vmem>>)
      %scan3A_159 = arith.constant 0 : i32
      %scan3A_160 = arith.constant 80 : i32
      %scan3A_161 = arith.addi %scan3A_159, %scan3A_160 : i32
      %scan3A_162 = arith.constant 1 : i32
      scf.for %scan3A_287 = %scan3A_159 to %scan3A_161 step %scan3A_162  : i32 {
        %mul3A_288 = arith.constant 1 : i32
        %mul3A_289 = arith.muli %scan3A_287, %mul3A_288 : i32
        %add3A_290 = arith.constant 0 : i32
        %add3A_291 = arith.addi %add3A_290, %mul3A_289 : i32
        %broadcast_in_dim3A = vector.broadcast %add3A_291 : i32 to vector<16xi32>
        %gather3A_292 = tpu.vector_load_idx %arg14[%broadcast_in_dim3A] : memref<80xf32, #tpu.memory_space<vmem>>[vector<16xi32>], vector<16xf32>,
        %gather3A_293 = tpu.vector_load_idx %arg15[%broadcast_in_dim3A] : memref<80xf32, #tpu.memory_space<vmem>>[vector<16xi32>], vector<16xf32>,
        %gather3A_294 = tpu.vector_load_idx %arg13[%broadcast_in_dim3A] : memref<80xf32, #tpu.memory_space<vmem>>[vector<16xi32>], vector<16xf32>,
        %get3A_295 = arith.index_cast %add3A_291 : i32 to index
        %get3A_296 = arith.constant 0 : index
        %get3A_297 = tpu.vector_load %arg16[%get3A_295, %get3A_296] {strides = array<i32>} : memref<80x128xf32, #tpu.memory_space<vmem>>, vector<16xf32>,
        %get3A_298 = arith.index_cast %add3A_291 : i32 to index
        %get3A_299 = arith.constant 16 : index
        %get3A_300 = tpu.vector_load %arg16[%get3A_298, %get3A_299] {strides = array<i32>} : memref<80x128xf32, #tpu.memory_space<vmem>>, vector<16xf32>,
        %get3A_301 = arith.index_cast %add3A_291 : i32 to index
        %get3A_302 = arith.constant 32 : index
        %get3A_303 = tpu.vector_load %arg16[%get3A_301, %get3A_302] {strides = array<i32>} : memref<80x128xf32, #tpu.memory_space<vmem>>, vector<16xf32>,
        %get3A_304 = arith.index_cast %add3A_291 : i32 to index
        %get3A_305 = arith.constant 48 : index
        %get3A_306 = tpu.vector_load %arg16[%get3A_304, %get3A_305] {strides = array<i32>} : memref<80x128xf32, #tpu.memory_space<vmem>>, vector<16xf32>,
        %get3A_307 = arith.index_cast %add3A_291 : i32 to index
        %get3A_308 = arith.constant 64 : index
        %get3A_309 = tpu.vector_load %arg16[%get3A_307, %get3A_308] {strides = array<i32>} : memref<80x128xf32, #tpu.memory_space<vmem>>, vector<16xf32>,
        %get3A_310 = arith.index_cast %add3A_291 : i32 to index
        %get3A_311 = arith.constant 80 : index
        %get3A_312 = tpu.vector_load %arg16[%get3A_310, %get3A_311] {strides = array<i32>} : memref<80x128xf32, #tpu.memory_space<vmem>>, vector<16xf32>,
        %get3A_313 = arith.index_cast %add3A_291 : i32 to index
        %get3A_314 = arith.constant 96 : index
        %get3A_315 = tpu.vector_load %arg16[%get3A_313, %get3A_314] {strides = array<i32>} : memref<80x128xf32, #tpu.memory_space<vmem>>, vector<16xf32>,
        %get3A_316 = arith.index_cast %add3A_291 : i32 to index
        %get3A_317 = arith.constant 112 : index
        %get3A_318 = tpu.vector_load %arg16[%get3A_316, %get3A_317] {strides = array<i32>} : memref<80x128xf32, #tpu.memory_space<vmem>>, vector<16xf32>,
        %get3A_319 = arith.index_cast %add3A_291 : i32 to index
        %get3A_320 = arith.constant 0 : index
        %get3A_321 = tpu.vector_load %arg17[%get3A_319, %get3A_320] {strides = array<i32>} : memref<80x128xf32, #tpu.memory_space<vmem>>, vector<16xf32>,
        %get3A_322 = arith.index_cast %add3A_291 : i32 to index
        %get3A_323 = arith.constant 16 : index
        %get3A_324 = tpu.vector_load %arg17[%get3A_322, %get3A_323] {strides = array<i32>} : memref<80x128xf32, #tpu.memory_space<vmem>>, vector<16xf32>,
        %get3A_325 = arith.index_cast %add3A_291 : i32 to index
        %get3A_326 = arith.constant 32 : index
        %get3A_327 = tpu.vector_load %arg17[%get3A_325, %get3A_326] {strides = array<i32>} : memref<80x128xf32, #tpu.memory_space<vmem>>, vector<16xf32>,
        %get3A_328 = arith.index_cast %add3A_291 : i32 to index
        %get3A_329 = arith.constant 48 : index
        %get3A_330 = tpu.vector_load %arg17[%get3A_328, %get3A_329] {strides = array<i32>} : memref<80x128xf32, #tpu.memory_space<vmem>>, vector<16xf32>,
        %get3A_331 = arith.index_cast %add3A_291 : i32 to index
        %get3A_332 = arith.constant 64 : index
        %get3A_333 = tpu.vector_load %arg17[%get3A_331, %get3A_332] {strides = array<i32>} : memref<80x128xf32, #tpu.memory_space<vmem>>, vector<16xf32>,
        %get3A_334 = arith.index_cast %add3A_291 : i32 to index
        %get3A_335 = arith.constant 80 : index
        %get3A_336 = tpu.vector_load %arg17[%get3A_334, %get3A_335] {strides = array<i32>} : memref<80x128xf32, #tpu.memory_space<vmem>>, vector<16xf32>,
        %get3A_337 = arith.index_cast %add3A_291 : i32 to index
        %get3A_338 = arith.constant 96 : index
        %get3A_339 = tpu.vector_load %arg17[%get3A_337, %get3A_338] {strides = array<i32>} : memref<80x128xf32, #tpu.memory_space<vmem>>, vector<16xf32>,
        %get3A_340 = arith.index_cast %add3A_291 : i32 to index
        %get3A_341 = arith.constant 112 : index
        %get3A_342 = tpu.vector_load %arg17[%get3A_340, %get3A_341] {strides = array<i32>} : memref<80x128xf32, #tpu.memory_space<vmem>>, vector<16xf32>,
        %broadcast_in_dim3A_343 = arith.constant 0.000000e+00 : f32
        %broadcast_in_dim3A_344 = vector.broadcast %broadcast_in_dim3A_343 : f32 to vector<16xf32>
        %mul3A_345 = arith.mulf %gather3A_293, %get3A_321 : vector<16xf32>
        %mul3A_346 = arith.mulf %gather3A_292, %get3A_297 : vector<16xf32>
        %sub3A_347 = arith.subf %mul3A_345, %mul3A_346 : vector<16xf32>
        %mul3A_348 = arith.mulf %sub3A_347, %sub3A_347 : vector<16xf32>
        %add3A_349 = arith.addf %broadcast_in_dim3A_344, %mul3A_348 : vector<16xf32>
        %mul3A_350 = arith.mulf %gather3A_293, %get3A_324 : vector<16xf32>
        %mul3A_351 = arith.mulf %gather3A_292, %get3A_300 : vector<16xf32>
        %sub3A_352 = arith.subf %mul3A_350, %mul3A_351 : vector<16xf32>
        %mul3A_353 = arith.mulf %sub3A_352, %sub3A_352 : vector<16xf32>
        %add3A_354 = arith.addf %add3A_349, %mul3A_353 : vector<16xf32>
        %mul3A_355 = arith.mulf %gather3A_293, %get3A_327 : vector<16xf32>
        %mul3A_356 = arith.mulf %gather3A_292, %get3A_303 : vector<16xf32>
        %sub3A_357 = arith.subf %mul3A_355, %mul3A_356 : vector<16xf32>
        %mul3A_358 = arith.mulf %sub3A_357, %sub3A_357 : vector<16xf32>
        %add3A_359 = arith.addf %add3A_354, %mul3A_358 : vector<16xf32>
        %mul3A_360 = arith.mulf %gather3A_293, %get3A_330 : vector<16xf32>
        %mul3A_361 = arith.mulf %gather3A_292, %get3A_306 : vector<16xf32>
        %sub3A_362 = arith.subf %mul3A_360, %mul3A_361 : vector<16xf32>
        %mul3A_363 = arith.mulf %sub3A_362, %sub3A_362 : vector<16xf32>
        %add3A_364 = arith.addf %add3A_359, %mul3A_363 : vector<16xf32>
        %mul3A_365 = arith.mulf %gather3A_293, %get3A_333 : vector<16xf32>
        %mul3A_366 = arith.mulf %gather3A_292, %get3A_309 : vector<16xf32>
        %sub3A_367 = arith.subf %mul3A_365, %mul3A_366 : vector<16xf32>
        %mul3A_368 = arith.mulf %sub3A_367, %sub3A_367 : vector<16xf32>
        %add3A_369 = arith.addf %add3A_364, %mul3A_368 : vector<16xf32>
        %mul3A_370 = arith.mulf %gather3A_293, %get3A_336 : vector<16xf32>
        %mul3A_371 = arith.mulf %gather3A_292, %get3A_312 : vector<16xf32>
        %sub3A_372 = arith.subf %mul3A_370, %mul3A_371 : vector<16xf32>
        %mul3A_373 = arith.mulf %sub3A_372, %sub3A_372 : vector<16xf32>
        %add3A_374 = arith.addf %add3A_369, %mul3A_373 : vector<16xf32>
        %mul3A_375 = arith.mulf %gather3A_293, %get3A_339 : vector<16xf32>
        %mul3A_376 = arith.mulf %gather3A_292, %get3A_315 : vector<16xf32>
        %sub3A_377 = arith.subf %mul3A_375, %mul3A_376 : vector<16xf32>
        %mul3A_378 = arith.mulf %sub3A_377, %sub3A_377 : vector<16xf32>
        %add3A_379 = arith.addf %add3A_374, %mul3A_378 : vector<16xf32>
        %mul3A_380 = arith.mulf %gather3A_293, %get3A_342 : vector<16xf32>
        %mul3A_381 = arith.mulf %gather3A_292, %get3A_318 : vector<16xf32>
        %sub3A_382 = arith.subf %mul3A_380, %mul3A_381 : vector<16xf32>
        %mul3A_383 = arith.mulf %sub3A_382, %sub3A_382 : vector<16xf32>
        %add3A_384 = arith.addf %add3A_379, %mul3A_383 : vector<16xf32>
        %reduce_sum3A = arith.constant true
        %reduce_sum3A_385 = vector.broadcast %reduce_sum3A : i1 to vector<16xi1>
        %reduce_sum3A_386 = tpu.scan <sum>, %add3A_384 masked %reduce_sum3A_385 : vector<16xf32>, vector<16xi1> -> vector<16xf32>
        %reduce_sum3A_387 = vector.extract %reduce_sum3A_386[15] : f32 from vector<16xf32>
        %broadcast_in_dim3A_388 = vector.broadcast %reduce_sum3A_387 : f32 to vector<16xf32>
        %max3A = arith.constant 9.99999968E-21 : f32
        %max3A_389 = vector.broadcast %max3A : f32 to vector<16xf32>
        %max3A_390 = arith.maximumf %broadcast_in_dim3A_388, %max3A_389 : vector<16xf32>
        %bitcast_convert_type3A = tpu.bitcast %max3A_390 : vector<16xf32> -> vector<16xi32>
        %shift_right_arithmetic3A = arith.constant 1 : i32
        %shift_right_arithmetic3A_391 = vector.broadcast %shift_right_arithmetic3A : i32 to vector<16xi32>
        %shift_right_arithmetic3A_392 = arith.shrsi %bitcast_convert_type3A, %shift_right_arithmetic3A_391 : vector<16xi32>
        %sub3A_393 = arith.constant 1597463007 : i32
        %sub3A_394 = vector.broadcast %sub3A_393 : i32 to vector<16xi32>
        %sub3A_395 = arith.subi %sub3A_394, %shift_right_arithmetic3A_392 : vector<16xi32>
        %bitcast_convert_type3A_396 = tpu.bitcast %sub3A_395 : vector<16xi32> -> vector<16xf32>
        %mul3A_397 = arith.constant 5.000000e-01 : f32
        %mul3A_398 = vector.broadcast %mul3A_397 : f32 to vector<16xf32>
        %mul3A_399 = arith.mulf %mul3A_398, %max3A_390 : vector<16xf32>
        %mul3A_400 = arith.mulf %mul3A_399, %bitcast_convert_type3A_396 : vector<16xf32>
        %mul3A_401 = arith.mulf %mul3A_400, %bitcast_convert_type3A_396 : vector<16xf32>
        %sub3A_402 = arith.constant 1.500000e+00 : f32
        %sub3A_403 = vector.broadcast %sub3A_402 : f32 to vector<16xf32>
        %sub3A_404 = arith.subf %sub3A_403, %mul3A_401 : vector<16xf32>
        %mul3A_405 = arith.mulf %bitcast_convert_type3A_396, %sub3A_404 : vector<16xf32>
        %mul3A_406 = arith.constant 5.000000e-01 : f32
        %mul3A_407 = vector.broadcast %mul3A_406 : f32 to vector<16xf32>
        %mul3A_408 = arith.mulf %mul3A_407, %max3A_390 : vector<16xf32>
        %mul3A_409 = arith.mulf %mul3A_408, %mul3A_405 : vector<16xf32>
        %mul3A_410 = arith.mulf %mul3A_409, %mul3A_405 : vector<16xf32>
        %sub3A_411 = arith.constant 1.500000e+00 : f32
        %sub3A_412 = vector.broadcast %sub3A_411 : f32 to vector<16xf32>
        %sub3A_413 = arith.subf %sub3A_412, %mul3A_410 : vector<16xf32>
        %mul3A_414 = arith.mulf %mul3A_405, %sub3A_413 : vector<16xf32>
        %mul3A_415 = arith.constant 5.000000e-01 : f32
        %mul3A_416 = vector.broadcast %mul3A_415 : f32 to vector<16xf32>
        %mul3A_417 = arith.mulf %mul3A_416, %max3A_390 : vector<16xf32>
        %mul3A_418 = arith.mulf %mul3A_417, %mul3A_414 : vector<16xf32>
        %mul3A_419 = arith.mulf %mul3A_418, %mul3A_414 : vector<16xf32>
        %sub3A_420 = arith.constant 1.500000e+00 : f32
        %sub3A_421 = vector.broadcast %sub3A_420 : f32 to vector<16xf32>
        %sub3A_422 = arith.subf %sub3A_421, %mul3A_419 : vector<16xf32>
        %mul3A_423 = arith.mulf %mul3A_414, %sub3A_422 : vector<16xf32>
        %mul3A_424 = arith.mulf %max3A_390, %mul3A_423 : vector<16xf32>
        %add3A_425 = arith.constant 9.99999974E-6 : f32
        %add3A_426 = vector.broadcast %add3A_425 : f32 to vector<16xf32>
        %add3A_427 = arith.addf %mul3A_424, %add3A_426 : vector<16xf32>
        %mul3A_428 = arith.constant 5.000000e-01 : f32
        %mul3A_429 = vector.broadcast %mul3A_428 : f32 to vector<16xf32>
        %mul3A_430 = arith.mulf %mul3A_429, %gather3A_294 : vector<16xf32>
        %div3A = arith.divf %mul3A_430, %add3A_427 : vector<16xf32>
        %mul3A_431 = arith.mulf %gather3A_292, %gather3A_293 : vector<16xf32>
        %sub3A_432 = arith.constant 1.000000e+00 : f32
        %sub3A_433 = vector.broadcast %sub3A_432 : f32 to vector<16xf32>
        %sub3A_434 = arith.subf %sub3A_433, %div3A : vector<16xf32>
        %mul3A_435 = arith.mulf %mul3A_431, %sub3A_434 : vector<16xf32>
        %mul3A_436 = arith.mulf %gather3A_292, %gather3A_292 : vector<16xf32>
        %mul3A_437 = arith.mulf %mul3A_436, %div3A : vector<16xf32>
        %mul3A_438 = arith.mulf %mul3A_435, %get3A_297 : vector<16xf32>
        %mul3A_439 = arith.mulf %mul3A_437, %get3A_321 : vector<16xf32>
        %add3A_440 = arith.addf %mul3A_438, %mul3A_439 : vector<16xf32>
        %swap3A_441 = arith.index_cast %add3A_291 : i32 to index
        %swap3A_442 = arith.constant 0 : index
        %swap3A_443 = tpu.vector_load %arg16[%swap3A_441, %swap3A_442] {strides = array<i32>} : memref<80x128xf32, #tpu.memory_space<vmem>>, vector<16xf32>,
        tpu.vector_store %arg16[%swap3A_441, %swap3A_442], %add3A_440 {strides = array<i32>} : memref<80x128xf32, #tpu.memory_space<vmem>>, vector<16xf32>,
        %mul3A_444 = arith.mulf %mul3A_435, %get3A_300 : vector<16xf32>
        %mul3A_445 = arith.mulf %mul3A_437, %get3A_324 : vector<16xf32>
        %add3A_446 = arith.addf %mul3A_444, %mul3A_445 : vector<16xf32>
        %swap3A_447 = arith.index_cast %add3A_291 : i32 to index
        %swap3A_448 = arith.constant 16 : index
        %swap3A_449 = tpu.vector_load %arg16[%swap3A_447, %swap3A_448] {strides = array<i32>} : memref<80x128xf32, #tpu.memory_space<vmem>>, vector<16xf32>,
        tpu.vector_store %arg16[%swap3A_447, %swap3A_448], %add3A_446 {strides = array<i32>} : memref<80x128xf32, #tpu.memory_space<vmem>>, vector<16xf32>,
        %mul3A_450 = arith.mulf %mul3A_435, %get3A_303 : vector<16xf32>
        %mul3A_451 = arith.mulf %mul3A_437, %get3A_327 : vector<16xf32>
        %add3A_452 = arith.addf %mul3A_450, %mul3A_451 : vector<16xf32>
        %swap3A_453 = arith.index_cast %add3A_291 : i32 to index
        %swap3A_454 = arith.constant 32 : index
        %swap3A_455 = tpu.vector_load %arg16[%swap3A_453, %swap3A_454] {strides = array<i32>} : memref<80x128xf32, #tpu.memory_space<vmem>>, vector<16xf32>,
        tpu.vector_store %arg16[%swap3A_453, %swap3A_454], %add3A_452 {strides = array<i32>} : memref<80x128xf32, #tpu.memory_space<vmem>>, vector<16xf32>,
        %mul3A_456 = arith.mulf %mul3A_435, %get3A_306 : vector<16xf32>
        %mul3A_457 = arith.mulf %mul3A_437, %get3A_330 : vector<16xf32>
        %add3A_458 = arith.addf %mul3A_456, %mul3A_457 : vector<16xf32>
        %swap3A_459 = arith.index_cast %add3A_291 : i32 to index
        %swap3A_460 = arith.constant 48 : index
        %swap3A_461 = tpu.vector_load %arg16[%swap3A_459, %swap3A_460] {strides = array<i32>} : memref<80x128xf32, #tpu.memory_space<vmem>>, vector<16xf32>,
        tpu.vector_store %arg16[%swap3A_459, %swap3A_460], %add3A_458 {strides = array<i32>} : memref<80x128xf32, #tpu.memory_space<vmem>>, vector<16xf32>,
        %mul3A_462 = arith.mulf %mul3A_435, %get3A_309 : vector<16xf32>
        %mul3A_463 = arith.mulf %mul3A_437, %get3A_333 : vector<16xf32>
        %add3A_464 = arith.addf %mul3A_462, %mul3A_463 : vector<16xf32>
        %swap3A_465 = arith.index_cast %add3A_291 : i32 to index
        %swap3A_466 = arith.constant 64 : index
        %swap3A_467 = tpu.vector_load %arg16[%swap3A_465, %swap3A_466] {strides = array<i32>} : memref<80x128xf32, #tpu.memory_space<vmem>>, vector<16xf32>,
        tpu.vector_store %arg16[%swap3A_465, %swap3A_466], %add3A_464 {strides = array<i32>} : memref<80x128xf32, #tpu.memory_space<vmem>>, vector<16xf32>,
        %mul3A_468 = arith.mulf %mul3A_435, %get3A_312 : vector<16xf32>
        %mul3A_469 = arith.mulf %mul3A_437, %get3A_336 : vector<16xf32>
        %add3A_470 = arith.addf %mul3A_468, %mul3A_469 : vector<16xf32>
        %swap3A_471 = arith.index_cast %add3A_291 : i32 to index
        %swap3A_472 = arith.constant 80 : index
        %swap3A_473 = tpu.vector_load %arg16[%swap3A_471, %swap3A_472] {strides = array<i32>} : memref<80x128xf32, #tpu.memory_space<vmem>>, vector<16xf32>,
        tpu.vector_store %arg16[%swap3A_471, %swap3A_472], %add3A_470 {strides = array<i32>} : memref<80x128xf32, #tpu.memory_space<vmem>>, vector<16xf32>,
        %mul3A_474 = arith.mulf %mul3A_435, %get3A_315 : vector<16xf32>
        %mul3A_475 = arith.mulf %mul3A_437, %get3A_339 : vector<16xf32>
        %add3A_476 = arith.addf %mul3A_474, %mul3A_475 : vector<16xf32>
        %swap3A_477 = arith.index_cast %add3A_291 : i32 to index
        %swap3A_478 = arith.constant 96 : index
        %swap3A_479 = tpu.vector_load %arg16[%swap3A_477, %swap3A_478] {strides = array<i32>} : memref<80x128xf32, #tpu.memory_space<vmem>>, vector<16xf32>,
        tpu.vector_store %arg16[%swap3A_477, %swap3A_478], %add3A_476 {strides = array<i32>} : memref<80x128xf32, #tpu.memory_space<vmem>>, vector<16xf32>,
        %mul3A_480 = arith.mulf %mul3A_435, %get3A_318 : vector<16xf32>
        %mul3A_481 = arith.mulf %mul3A_437, %get3A_342 : vector<16xf32>
        %add3A_482 = arith.addf %mul3A_480, %mul3A_481 : vector<16xf32>
        %swap3A_483 = arith.index_cast %add3A_291 : i32 to index
        %swap3A_484 = arith.constant 112 : index
        %swap3A_485 = tpu.vector_load %arg16[%swap3A_483, %swap3A_484] {strides = array<i32>} : memref<80x128xf32, #tpu.memory_space<vmem>>, vector<16xf32>,
        tpu.vector_store %arg16[%swap3A_483, %swap3A_484], %add3A_482 {strides = array<i32>} : memref<80x128xf32, #tpu.memory_space<vmem>>, vector<16xf32>,
      }
      %scan3A_163 = arith.constant 80 : i32
      %dma_start3A_164 = arith.constant 0 : i32
      %dma_start3A_165 = arith.constant 0 : i32
      %dma_start3A_166 = tpu.memref_slice %arg8[%dma_start3A_164, %dma_start3A_165] : memref<10000x128xf32, #tpu.memory_space<vmem_shared>> -> memref<10000x128xf32, #tpu.memory_space<vmem_shared>>
      tpu.enqueue_indirect_dma source(%arg16 : memref<80x128xf32, #tpu.memory_space<vmem>>) target(%dma_start3A_166 : memref<10000x128xf32, #tpu.memory_space<vmem_shared>>) offsets(%arg11 : memref<80xi32, #tpu.memory_space<vmem>>) semaphore(%arg21 : memref<!tpu.dma_semaphore, #tpu.memory_space<semaphore_mem>>) {add = true}
      %gt3A_167 = arith.constant 0 : i32
      %gt3A_168 = arith.cmpi sgt, %add3A_59, %gt3A_167 : i32
      %convert_element_type3A_169 = arith.extui %gt3A_168 : i1 to i32
      %cond3A_170 = arith.constant 0 : i32
      %cond3A_171 = arith.cmpi ne, %convert_element_type3A_169, %cond3A_170 : i32
      scf.if %cond3A_171 {
        %dma_wait3A_287 = arith.constant 0 : i32
        %dma_wait3A_288 = arith.constant 0 : i32
        %dma_wait3A_289 = tpu.memref_slice %arg8[%dma_wait3A_287, %dma_wait3A_288] : memref<10000x128xf32, #tpu.memory_space<vmem_shared>> -> memref<10000x128xf32, #tpu.memory_space<vmem_shared>>
        tpu.wait_indirect_dma semaphore(%arg22 : memref<!tpu.dma_semaphore, #tpu.memory_space<semaphore_mem>>) src(%arg18 : memref<80x128xf32, #tpu.memory_space<vmem>>) dst(%dma_wait3A_289 : memref<10000x128xf32, #tpu.memory_space<vmem_shared>>)
      } else {
      }
      %mul3A_172 = arith.constant 2 : i32
      %mul3A_173 = arith.muli %mul3A_172, %add3A_59 : i32
      %add3A_174 = arith.constant 1 : i32
      %add3A_175 = arith.addi %mul3A_173, %add3A_174 : i32
      %dma_start3A_176 = arith.constant 0 : i32
      %dma_start3A_177 = tpu.memref_slice %arg4[%add3A, %add3A_175, %dma_start3A_176] : memref<32x125x80xi32, #tpu.memory_space<hbm>> -> memref<1x1x80xi32, #tpu.memory_space<hbm>>
      %dma_start3A_178 = tpu.memref_squeeze %dma_start3A_177 : memref<1x1x80xi32, #tpu.memory_space<hbm>> -> memref<80xi32, #tpu.memory_space<hbm>>
      %dma_start3A_179 = arith.constant 0 : i32
      %dma_start3A_180 = tpu.memref_slice %arg4[%add3A, %add3A_175, %dma_start3A_179] : memref<32x125x80xi32, #tpu.memory_space<hbm>> -> memref<1x1x80xi32, #tpu.memory_space<hbm>>
      %dma_start3A_181 = tpu.memref_squeeze %dma_start3A_180 : memref<1x1x80xi32, #tpu.memory_space<hbm>> -> memref<80xi32, #tpu.memory_space<hbm>>
      tpu.enqueue_dma source(%dma_start3A_181 : memref<80xi32, #tpu.memory_space<hbm>>) target(%arg10 : memref<80xi32, #tpu.memory_space<vmem>>) target_semaphore(%arg23 : memref<!tpu.dma_semaphore, #tpu.memory_space<semaphore_mem>>)
      %dma_start3A_182 = arith.constant 0 : i32
      %dma_start3A_183 = tpu.memref_slice %arg5[%add3A, %add3A_175, %dma_start3A_182] : memref<32x125x80xi32, #tpu.memory_space<hbm>> -> memref<1x1x80xi32, #tpu.memory_space<hbm>>
      %dma_start3A_184 = tpu.memref_squeeze %dma_start3A_183 : memref<1x1x80xi32, #tpu.memory_space<hbm>> -> memref<80xi32, #tpu.memory_space<hbm>>
      %dma_start3A_185 = arith.constant 0 : i32
      %dma_start3A_186 = tpu.memref_slice %arg5[%add3A, %add3A_175, %dma_start3A_185] : memref<32x125x80xi32, #tpu.memory_space<hbm>> -> memref<1x1x80xi32, #tpu.memory_space<hbm>>
      %dma_start3A_187 = tpu.memref_squeeze %dma_start3A_186 : memref<1x1x80xi32, #tpu.memory_space<hbm>> -> memref<80xi32, #tpu.memory_space<hbm>>
      tpu.enqueue_dma source(%dma_start3A_187 : memref<80xi32, #tpu.memory_space<hbm>>) target(%arg12 : memref<80xi32, #tpu.memory_space<vmem>>) target_semaphore(%arg24 : memref<!tpu.dma_semaphore, #tpu.memory_space<semaphore_mem>>)
      %dma_start3A_188 = arith.constant 0 : i32
      %dma_start3A_189 = tpu.memref_slice %arg6[%add3A, %add3A_175, %dma_start3A_188] : memref<32x125x80xf32, #tpu.memory_space<hbm>> -> memref<1x1x80xf32, #tpu.memory_space<hbm>>
      %dma_start3A_190 = tpu.memref_squeeze %dma_start3A_189 : memref<1x1x80xf32, #tpu.memory_space<hbm>> -> memref<80xf32, #tpu.memory_space<hbm>>
      %dma_start3A_191 = arith.constant 0 : i32
      %dma_start3A_192 = tpu.memref_slice %arg6[%add3A, %add3A_175, %dma_start3A_191] : memref<32x125x80xf32, #tpu.memory_space<hbm>> -> memref<1x1x80xf32, #tpu.memory_space<hbm>>
      %dma_start3A_193 = tpu.memref_squeeze %dma_start3A_192 : memref<1x1x80xf32, #tpu.memory_space<hbm>> -> memref<80xf32, #tpu.memory_space<hbm>>
      tpu.enqueue_dma source(%dma_start3A_193 : memref<80xf32, #tpu.memory_space<hbm>>) target(%arg13 : memref<80xf32, #tpu.memory_space<vmem>>) target_semaphore(%arg25 : memref<!tpu.dma_semaphore, #tpu.memory_space<semaphore_mem>>)
      %dma_wait3A_194 = arith.constant 0 : i32
      %dma_wait3A_195 = tpu.memref_slice %arg4[%add3A, %add3A_175, %dma_wait3A_194] : memref<32x125x80xi32, #tpu.memory_space<hbm>> -> memref<1x1x80xi32, #tpu.memory_space<hbm>>
      %dma_wait3A_196 = tpu.memref_squeeze %dma_wait3A_195 : memref<1x1x80xi32, #tpu.memory_space<hbm>> -> memref<80xi32, #tpu.memory_space<hbm>>
      %dma_wait3A_197 = arith.constant 0 : i32
      %dma_wait3A_198 = tpu.memref_slice %arg4[%add3A, %add3A_175, %dma_wait3A_197] : memref<32x125x80xi32, #tpu.memory_space<hbm>> -> memref<1x1x80xi32, #tpu.memory_space<hbm>>
      %dma_wait3A_199 = tpu.memref_squeeze %dma_wait3A_198 : memref<1x1x80xi32, #tpu.memory_space<hbm>> -> memref<80xi32, #tpu.memory_space<hbm>>
      tpu.wait_dma2 semaphore(%arg23 : memref<!tpu.dma_semaphore, #tpu.memory_space<semaphore_mem>>) src(%dma_wait3A_199 : memref<80xi32, #tpu.memory_space<hbm>>) dst(%arg10 : memref<80xi32, #tpu.memory_space<vmem>>)
      %dma_wait3A_200 = arith.constant 0 : i32
      %dma_wait3A_201 = tpu.memref_slice %arg5[%add3A, %add3A_175, %dma_wait3A_200] : memref<32x125x80xi32, #tpu.memory_space<hbm>> -> memref<1x1x80xi32, #tpu.memory_space<hbm>>
      %dma_wait3A_202 = tpu.memref_squeeze %dma_wait3A_201 : memref<1x1x80xi32, #tpu.memory_space<hbm>> -> memref<80xi32, #tpu.memory_space<hbm>>
      %dma_wait3A_203 = arith.constant 0 : i32
      %dma_wait3A_204 = tpu.memref_slice %arg5[%add3A, %add3A_175, %dma_wait3A_203] : memref<32x125x80xi32, #tpu.memory_space<hbm>> -> memref<1x1x80xi32, #tpu.memory_space<hbm>>
      %dma_wait3A_205 = tpu.memref_squeeze %dma_wait3A_204 : memref<1x1x80xi32, #tpu.memory_space<hbm>> -> memref<80xi32, #tpu.memory_space<hbm>>
      tpu.wait_dma2 semaphore(%arg24 : memref<!tpu.dma_semaphore, #tpu.memory_space<semaphore_mem>>) src(%dma_wait3A_205 : memref<80xi32, #tpu.memory_space<hbm>>) dst(%arg12 : memref<80xi32, #tpu.memory_space<vmem>>)
      %dma_start3A_206 = arith.constant 0 : i32
      %dma_start3A_207 = arith.constant 0 : i32
      %dma_start3A_208 = tpu.memref_slice %arg2[%dma_start3A_206, %dma_start3A_207] : memref<10000x128xf32, #tpu.memory_space<hbm>> -> memref<10000x128xf32, #tpu.memory_space<hbm>>
      tpu.enqueue_indirect_dma source(%dma_start3A_208 : memref<10000x128xf32, #tpu.memory_space<hbm>>) target(%arg18 : memref<80x128xf32, #tpu.memory_space<vmem>>) offsets(%arg10 : memref<80xi32, #tpu.memory_space<vmem>>) semaphore(%arg19 : memref<!tpu.dma_semaphore, #tpu.memory_space<semaphore_mem>>)
      %dma_start3A_209 = arith.constant 0 : i32
      %dma_start3A_210 = arith.constant 0 : i32
      %dma_start3A_211 = tpu.memref_slice %arg2[%dma_start3A_209, %dma_start3A_210] : memref<10000x128xf32, #tpu.memory_space<hbm>> -> memref<10000x128xf32, #tpu.memory_space<hbm>>
      tpu.enqueue_indirect_dma source(%dma_start3A_211 : memref<10000x128xf32, #tpu.memory_space<hbm>>) target(%arg17 : memref<80x128xf32, #tpu.memory_space<vmem>>) offsets(%arg12 : memref<80xi32, #tpu.memory_space<vmem>>) semaphore(%arg20 : memref<!tpu.dma_semaphore, #tpu.memory_space<semaphore_mem>>)
      %dma_wait3A_212 = arith.constant 0 : i32
      %dma_wait3A_213 = tpu.memref_slice %arg6[%add3A, %add3A_175, %dma_wait3A_212] : memref<32x125x80xf32, #tpu.memory_space<hbm>> -> memref<1x1x80xf32, #tpu.memory_space<hbm>>
      %dma_wait3A_214 = tpu.memref_squeeze %dma_wait3A_213 : memref<1x1x80xf32, #tpu.memory_space<hbm>> -> memref<80xf32, #tpu.memory_space<hbm>>
      %dma_wait3A_215 = arith.constant 0 : i32
      %dma_wait3A_216 = tpu.memref_slice %arg6[%add3A, %add3A_175, %dma_wait3A_215] : memref<32x125x80xf32, #tpu.memory_space<hbm>> -> memref<1x1x80xf32, #tpu.memory_space<hbm>>
      %dma_wait3A_217 = tpu.memref_squeeze %dma_wait3A_216 : memref<1x1x80xf32, #tpu.memory_space<hbm>> -> memref<80xf32, #tpu.memory_space<hbm>>
      tpu.wait_dma2 semaphore(%arg25 : memref<!tpu.dma_semaphore, #tpu.memory_space<semaphore_mem>>) src(%dma_wait3A_217 : memref<80xf32, #tpu.memory_space<hbm>>) dst(%arg13 : memref<80xf32, #tpu.memory_space<vmem>>)
      %get3A_218 = arith.constant 0 : index
      %get3A_219 = tpu.vector_load %arg10[%get3A_218] {strides = array<i32>} : memref<80xi32, #tpu.memory_space<vmem>>, vector<16xi32>,
      %get3A_220 = arith.constant 0 : index
      %get3A_221 = tpu.vector_load %arg12[%get3A_220] {strides = array<i32>} : memref<80xi32, #tpu.memory_space<vmem>>, vector<16xi32>,
      %gather3A_222 = tpu.vector_load_idx %arg9[%get3A_219] : memref<10000xf32, #tpu.memory_space<vmem>>[vector<16xi32>], vector<16xf32>,
      %swap3A_223 = arith.constant 0 : index
      %swap3A_224 = tpu.vector_load %arg14[%swap3A_223] {strides = array<i32>} : memref<80xf32, #tpu.memory_space<vmem>>, vector<16xf32>,
      tpu.vector_store %arg14[%swap3A_223], %gather3A_222 {strides = array<i32>} : memref<80xf32, #tpu.memory_space<vmem>>, vector<16xf32>,
      %gather3A_225 = tpu.vector_load_idx %arg9[%get3A_221] : memref<10000xf32, #tpu.memory_space<vmem>>[vector<16xi32>], vector<16xf32>,
      %swap3A_226 = arith.constant 0 : index
      %swap3A_227 = tpu.vector_load %arg15[%swap3A_226] {strides = array<i32>} : memref<80xf32, #tpu.memory_space<vmem>>, vector<16xf32>,
      tpu.vector_store %arg15[%swap3A_226], %gather3A_225 {strides = array<i32>} : memref<80xf32, #tpu.memory_space<vmem>>, vector<16xf32>,
      %get3A_228 = arith.constant 16 : index
      %get3A_229 = tpu.vector_load %arg10[%get3A_228] {strides = array<i32>} : memref<80xi32, #tpu.memory_space<vmem>>, vector<16xi32>,
      %get3A_230 = arith.constant 16 : index
      %get3A_231 = tpu.vector_load %arg12[%get3A_230] {strides = array<i32>} : memref<80xi32, #tpu.memory_space<vmem>>, vector<16xi32>,
      %gather3A_232 = tpu.vector_load_idx %arg9[%get3A_229] : memref<10000xf32, #tpu.memory_space<vmem>>[vector<16xi32>], vector<16xf32>,
      %swap3A_233 = arith.constant 16 : index
      %swap3A_234 = tpu.vector_load %arg14[%swap3A_233] {strides = array<i32>} : memref<80xf32, #tpu.memory_space<vmem>>, vector<16xf32>,
      tpu.vector_store %arg14[%swap3A_233], %gather3A_232 {strides = array<i32>} : memref<80xf32, #tpu.memory_space<vmem>>, vector<16xf32>,
      %gather3A_235 = tpu.vector_load_idx %arg9[%get3A_231] : memref<10000xf32, #tpu.memory_space<vmem>>[vector<16xi32>], vector<16xf32>,
      %swap3A_236 = arith.constant 16 : index
      %swap3A_237 = tpu.vector_load %arg15[%swap3A_236] {strides = array<i32>} : memref<80xf32, #tpu.memory_space<vmem>>, vector<16xf32>,
      tpu.vector_store %arg15[%swap3A_236], %gather3A_235 {strides = array<i32>} : memref<80xf32, #tpu.memory_space<vmem>>, vector<16xf32>,
      %get3A_238 = arith.constant 32 : index
      %get3A_239 = tpu.vector_load %arg10[%get3A_238] {strides = array<i32>} : memref<80xi32, #tpu.memory_space<vmem>>, vector<16xi32>,
      %get3A_240 = arith.constant 32 : index
      %get3A_241 = tpu.vector_load %arg12[%get3A_240] {strides = array<i32>} : memref<80xi32, #tpu.memory_space<vmem>>, vector<16xi32>,
      %gather3A_242 = tpu.vector_load_idx %arg9[%get3A_239] : memref<10000xf32, #tpu.memory_space<vmem>>[vector<16xi32>], vector<16xf32>,
      %swap3A_243 = arith.constant 32 : index
      %swap3A_244 = tpu.vector_load %arg14[%swap3A_243] {strides = array<i32>} : memref<80xf32, #tpu.memory_space<vmem>>, vector<16xf32>,
      tpu.vector_store %arg14[%swap3A_243], %gather3A_242 {strides = array<i32>} : memref<80xf32, #tpu.memory_space<vmem>>, vector<16xf32>,
      %gather3A_245 = tpu.vector_load_idx %arg9[%get3A_241] : memref<10000xf32, #tpu.memory_space<vmem>>[vector<16xi32>], vector<16xf32>,
      %swap3A_246 = arith.constant 32 : index
      %swap3A_247 = tpu.vector_load %arg15[%swap3A_246] {strides = array<i32>} : memref<80xf32, #tpu.memory_space<vmem>>, vector<16xf32>,
      tpu.vector_store %arg15[%swap3A_246], %gather3A_245 {strides = array<i32>} : memref<80xf32, #tpu.memory_space<vmem>>, vector<16xf32>,
      %get3A_248 = arith.constant 48 : index
      %get3A_249 = tpu.vector_load %arg10[%get3A_248] {strides = array<i32>} : memref<80xi32, #tpu.memory_space<vmem>>, vector<16xi32>,
      %get3A_250 = arith.constant 48 : index
      %get3A_251 = tpu.vector_load %arg12[%get3A_250] {strides = array<i32>} : memref<80xi32, #tpu.memory_space<vmem>>, vector<16xi32>,
      %gather3A_252 = tpu.vector_load_idx %arg9[%get3A_249] : memref<10000xf32, #tpu.memory_space<vmem>>[vector<16xi32>], vector<16xf32>,
      %swap3A_253 = arith.constant 48 : index
      %swap3A_254 = tpu.vector_load %arg14[%swap3A_253] {strides = array<i32>} : memref<80xf32, #tpu.memory_space<vmem>>, vector<16xf32>,
      tpu.vector_store %arg14[%swap3A_253], %gather3A_252 {strides = array<i32>} : memref<80xf32, #tpu.memory_space<vmem>>, vector<16xf32>,
      %gather3A_255 = tpu.vector_load_idx %arg9[%get3A_251] : memref<10000xf32, #tpu.memory_space<vmem>>[vector<16xi32>], vector<16xf32>,
      %swap3A_256 = arith.constant 48 : index
      %swap3A_257 = tpu.vector_load %arg15[%swap3A_256] {strides = array<i32>} : memref<80xf32, #tpu.memory_space<vmem>>, vector<16xf32>,
      tpu.vector_store %arg15[%swap3A_256], %gather3A_255 {strides = array<i32>} : memref<80xf32, #tpu.memory_space<vmem>>, vector<16xf32>,
      %get3A_258 = arith.constant 64 : index
      %get3A_259 = tpu.vector_load %arg10[%get3A_258] {strides = array<i32>} : memref<80xi32, #tpu.memory_space<vmem>>, vector<16xi32>,
      %get3A_260 = arith.constant 64 : index
      %get3A_261 = tpu.vector_load %arg12[%get3A_260] {strides = array<i32>} : memref<80xi32, #tpu.memory_space<vmem>>, vector<16xi32>,
      %gather3A_262 = tpu.vector_load_idx %arg9[%get3A_259] : memref<10000xf32, #tpu.memory_space<vmem>>[vector<16xi32>], vector<16xf32>,
      %swap3A_263 = arith.constant 64 : index
      %swap3A_264 = tpu.vector_load %arg14[%swap3A_263] {strides = array<i32>} : memref<80xf32, #tpu.memory_space<vmem>>, vector<16xf32>,
      tpu.vector_store %arg14[%swap3A_263], %gather3A_262 {strides = array<i32>} : memref<80xf32, #tpu.memory_space<vmem>>, vector<16xf32>,
      %gather3A_265 = tpu.vector_load_idx %arg9[%get3A_261] : memref<10000xf32, #tpu.memory_space<vmem>>[vector<16xi32>], vector<16xf32>,
      %swap3A_266 = arith.constant 64 : index
      %swap3A_267 = tpu.vector_load %arg15[%swap3A_266] {strides = array<i32>} : memref<80xf32, #tpu.memory_space<vmem>>, vector<16xf32>,
      tpu.vector_store %arg15[%swap3A_266], %gather3A_265 {strides = array<i32>} : memref<80xf32, #tpu.memory_space<vmem>>, vector<16xf32>,
      %dma_wait3A_268 = arith.constant 0 : i32
      %dma_wait3A_269 = arith.constant 0 : i32
      %dma_wait3A_270 = tpu.memref_slice %arg2[%dma_wait3A_268, %dma_wait3A_269] : memref<10000x128xf32, #tpu.memory_space<hbm>> -> memref<10000x128xf32, #tpu.memory_space<hbm>>
      tpu.wait_indirect_dma semaphore(%arg19 : memref<!tpu.dma_semaphore, #tpu.memory_space<semaphore_mem>>) src(%dma_wait3A_270 : memref<10000x128xf32, #tpu.memory_space<hbm>>) dst(%arg18 : memref<80x128xf32, #tpu.memory_space<vmem>>)
      %dma_wait3A_271 = arith.constant 0 : i32
      %dma_wait3A_272 = arith.constant 0 : i32
      %dma_wait3A_273 = tpu.memref_slice %arg2[%dma_wait3A_271, %dma_wait3A_272] : memref<10000x128xf32, #tpu.memory_space<hbm>> -> memref<10000x128xf32, #tpu.memory_space<hbm>>
      tpu.wait_indirect_dma semaphore(%arg20 : memref<!tpu.dma_semaphore, #tpu.memory_space<semaphore_mem>>) src(%dma_wait3A_273 : memref<10000x128xf32, #tpu.memory_space<hbm>>) dst(%arg17 : memref<80x128xf32, #tpu.memory_space<vmem>>)
      %scan3A_274 = arith.constant 0 : i32
      %scan3A_275 = arith.constant 80 : i32
      %scan3A_276 = arith.addi %scan3A_274, %scan3A_275 : i32
      %scan3A_277 = arith.constant 1 : i32
      scf.for %scan3A_287 = %scan3A_274 to %scan3A_276 step %scan3A_277  : i32 {
        %mul3A_288 = arith.constant 1 : i32
        %mul3A_289 = arith.muli %scan3A_287, %mul3A_288 : i32
        %add3A_290 = arith.constant 0 : i32
        %add3A_291 = arith.addi %add3A_290, %mul3A_289 : i32
        %broadcast_in_dim3A = vector.broadcast %add3A_291 : i32 to vector<16xi32>
        %gather3A_292 = tpu.vector_load_idx %arg14[%broadcast_in_dim3A] : memref<80xf32, #tpu.memory_space<vmem>>[vector<16xi32>], vector<16xf32>,
        %gather3A_293 = tpu.vector_load_idx %arg15[%broadcast_in_dim3A] : memref<80xf32, #tpu.memory_space<vmem>>[vector<16xi32>], vector<16xf32>,
        %gather3A_294 = tpu.vector_load_idx %arg13[%broadcast_in_dim3A] : memref<80xf32, #tpu.memory_space<vmem>>[vector<16xi32>], vector<16xf32>,
        %get3A_295 = arith.index_cast %add3A_291 : i32 to index
        %get3A_296 = arith.constant 0 : index
        %get3A_297 = tpu.vector_load %arg18[%get3A_295, %get3A_296] {strides = array<i32>} : memref<80x128xf32, #tpu.memory_space<vmem>>, vector<16xf32>,
        %get3A_298 = arith.index_cast %add3A_291 : i32 to index
        %get3A_299 = arith.constant 16 : index
        %get3A_300 = tpu.vector_load %arg18[%get3A_298, %get3A_299] {strides = array<i32>} : memref<80x128xf32, #tpu.memory_space<vmem>>, vector<16xf32>,
        %get3A_301 = arith.index_cast %add3A_291 : i32 to index
        %get3A_302 = arith.constant 32 : index
        %get3A_303 = tpu.vector_load %arg18[%get3A_301, %get3A_302] {strides = array<i32>} : memref<80x128xf32, #tpu.memory_space<vmem>>, vector<16xf32>,
        %get3A_304 = arith.index_cast %add3A_291 : i32 to index
        %get3A_305 = arith.constant 48 : index
        %get3A_306 = tpu.vector_load %arg18[%get3A_304, %get3A_305] {strides = array<i32>} : memref<80x128xf32, #tpu.memory_space<vmem>>, vector<16xf32>,
        %get3A_307 = arith.index_cast %add3A_291 : i32 to index
        %get3A_308 = arith.constant 64 : index
        %get3A_309 = tpu.vector_load %arg18[%get3A_307, %get3A_308] {strides = array<i32>} : memref<80x128xf32, #tpu.memory_space<vmem>>, vector<16xf32>,
        %get3A_310 = arith.index_cast %add3A_291 : i32 to index
        %get3A_311 = arith.constant 80 : index
        %get3A_312 = tpu.vector_load %arg18[%get3A_310, %get3A_311] {strides = array<i32>} : memref<80x128xf32, #tpu.memory_space<vmem>>, vector<16xf32>,
        %get3A_313 = arith.index_cast %add3A_291 : i32 to index
        %get3A_314 = arith.constant 96 : index
        %get3A_315 = tpu.vector_load %arg18[%get3A_313, %get3A_314] {strides = array<i32>} : memref<80x128xf32, #tpu.memory_space<vmem>>, vector<16xf32>,
        %get3A_316 = arith.index_cast %add3A_291 : i32 to index
        %get3A_317 = arith.constant 112 : index
        %get3A_318 = tpu.vector_load %arg18[%get3A_316, %get3A_317] {strides = array<i32>} : memref<80x128xf32, #tpu.memory_space<vmem>>, vector<16xf32>,
        %get3A_319 = arith.index_cast %add3A_291 : i32 to index
        %get3A_320 = arith.constant 0 : index
        %get3A_321 = tpu.vector_load %arg17[%get3A_319, %get3A_320] {strides = array<i32>} : memref<80x128xf32, #tpu.memory_space<vmem>>, vector<16xf32>,
        %get3A_322 = arith.index_cast %add3A_291 : i32 to index
        %get3A_323 = arith.constant 16 : index
        %get3A_324 = tpu.vector_load %arg17[%get3A_322, %get3A_323] {strides = array<i32>} : memref<80x128xf32, #tpu.memory_space<vmem>>, vector<16xf32>,
        %get3A_325 = arith.index_cast %add3A_291 : i32 to index
        %get3A_326 = arith.constant 32 : index
        %get3A_327 = tpu.vector_load %arg17[%get3A_325, %get3A_326] {strides = array<i32>} : memref<80x128xf32, #tpu.memory_space<vmem>>, vector<16xf32>,
        %get3A_328 = arith.index_cast %add3A_291 : i32 to index
        %get3A_329 = arith.constant 48 : index
        %get3A_330 = tpu.vector_load %arg17[%get3A_328, %get3A_329] {strides = array<i32>} : memref<80x128xf32, #tpu.memory_space<vmem>>, vector<16xf32>,
        %get3A_331 = arith.index_cast %add3A_291 : i32 to index
        %get3A_332 = arith.constant 64 : index
        %get3A_333 = tpu.vector_load %arg17[%get3A_331, %get3A_332] {strides = array<i32>} : memref<80x128xf32, #tpu.memory_space<vmem>>, vector<16xf32>,
        %get3A_334 = arith.index_cast %add3A_291 : i32 to index
        %get3A_335 = arith.constant 80 : index
        %get3A_336 = tpu.vector_load %arg17[%get3A_334, %get3A_335] {strides = array<i32>} : memref<80x128xf32, #tpu.memory_space<vmem>>, vector<16xf32>,
        %get3A_337 = arith.index_cast %add3A_291 : i32 to index
        %get3A_338 = arith.constant 96 : index
        %get3A_339 = tpu.vector_load %arg17[%get3A_337, %get3A_338] {strides = array<i32>} : memref<80x128xf32, #tpu.memory_space<vmem>>, vector<16xf32>,
        %get3A_340 = arith.index_cast %add3A_291 : i32 to index
        %get3A_341 = arith.constant 112 : index
        %get3A_342 = tpu.vector_load %arg17[%get3A_340, %get3A_341] {strides = array<i32>} : memref<80x128xf32, #tpu.memory_space<vmem>>, vector<16xf32>,
        %broadcast_in_dim3A_343 = arith.constant 0.000000e+00 : f32
        %broadcast_in_dim3A_344 = vector.broadcast %broadcast_in_dim3A_343 : f32 to vector<16xf32>
        %mul3A_345 = arith.mulf %gather3A_293, %get3A_321 : vector<16xf32>
        %mul3A_346 = arith.mulf %gather3A_292, %get3A_297 : vector<16xf32>
        %sub3A_347 = arith.subf %mul3A_345, %mul3A_346 : vector<16xf32>
        %mul3A_348 = arith.mulf %sub3A_347, %sub3A_347 : vector<16xf32>
        %add3A_349 = arith.addf %broadcast_in_dim3A_344, %mul3A_348 : vector<16xf32>
        %mul3A_350 = arith.mulf %gather3A_293, %get3A_324 : vector<16xf32>
        %mul3A_351 = arith.mulf %gather3A_292, %get3A_300 : vector<16xf32>
        %sub3A_352 = arith.subf %mul3A_350, %mul3A_351 : vector<16xf32>
        %mul3A_353 = arith.mulf %sub3A_352, %sub3A_352 : vector<16xf32>
        %add3A_354 = arith.addf %add3A_349, %mul3A_353 : vector<16xf32>
        %mul3A_355 = arith.mulf %gather3A_293, %get3A_327 : vector<16xf32>
        %mul3A_356 = arith.mulf %gather3A_292, %get3A_303 : vector<16xf32>
        %sub3A_357 = arith.subf %mul3A_355, %mul3A_356 : vector<16xf32>
        %mul3A_358 = arith.mulf %sub3A_357, %sub3A_357 : vector<16xf32>
        %add3A_359 = arith.addf %add3A_354, %mul3A_358 : vector<16xf32>
        %mul3A_360 = arith.mulf %gather3A_293, %get3A_330 : vector<16xf32>
        %mul3A_361 = arith.mulf %gather3A_292, %get3A_306 : vector<16xf32>
        %sub3A_362 = arith.subf %mul3A_360, %mul3A_361 : vector<16xf32>
        %mul3A_363 = arith.mulf %sub3A_362, %sub3A_362 : vector<16xf32>
        %add3A_364 = arith.addf %add3A_359, %mul3A_363 : vector<16xf32>
        %mul3A_365 = arith.mulf %gather3A_293, %get3A_333 : vector<16xf32>
        %mul3A_366 = arith.mulf %gather3A_292, %get3A_309 : vector<16xf32>
        %sub3A_367 = arith.subf %mul3A_365, %mul3A_366 : vector<16xf32>
        %mul3A_368 = arith.mulf %sub3A_367, %sub3A_367 : vector<16xf32>
        %add3A_369 = arith.addf %add3A_364, %mul3A_368 : vector<16xf32>
        %mul3A_370 = arith.mulf %gather3A_293, %get3A_336 : vector<16xf32>
        %mul3A_371 = arith.mulf %gather3A_292, %get3A_312 : vector<16xf32>
        %sub3A_372 = arith.subf %mul3A_370, %mul3A_371 : vector<16xf32>
        %mul3A_373 = arith.mulf %sub3A_372, %sub3A_372 : vector<16xf32>
        %add3A_374 = arith.addf %add3A_369, %mul3A_373 : vector<16xf32>
        %mul3A_375 = arith.mulf %gather3A_293, %get3A_339 : vector<16xf32>
        %mul3A_376 = arith.mulf %gather3A_292, %get3A_315 : vector<16xf32>
        %sub3A_377 = arith.subf %mul3A_375, %mul3A_376 : vector<16xf32>
        %mul3A_378 = arith.mulf %sub3A_377, %sub3A_377 : vector<16xf32>
        %add3A_379 = arith.addf %add3A_374, %mul3A_378 : vector<16xf32>
        %mul3A_380 = arith.mulf %gather3A_293, %get3A_342 : vector<16xf32>
        %mul3A_381 = arith.mulf %gather3A_292, %get3A_318 : vector<16xf32>
        %sub3A_382 = arith.subf %mul3A_380, %mul3A_381 : vector<16xf32>
        %mul3A_383 = arith.mulf %sub3A_382, %sub3A_382 : vector<16xf32>
        %add3A_384 = arith.addf %add3A_379, %mul3A_383 : vector<16xf32>
        %reduce_sum3A = arith.constant true
        %reduce_sum3A_385 = vector.broadcast %reduce_sum3A : i1 to vector<16xi1>
        %reduce_sum3A_386 = tpu.scan <sum>, %add3A_384 masked %reduce_sum3A_385 : vector<16xf32>, vector<16xi1> -> vector<16xf32>
        %reduce_sum3A_387 = vector.extract %reduce_sum3A_386[15] : f32 from vector<16xf32>
        %broadcast_in_dim3A_388 = vector.broadcast %reduce_sum3A_387 : f32 to vector<16xf32>
        %max3A = arith.constant 9.99999968E-21 : f32
        %max3A_389 = vector.broadcast %max3A : f32 to vector<16xf32>
        %max3A_390 = arith.maximumf %broadcast_in_dim3A_388, %max3A_389 : vector<16xf32>
        %bitcast_convert_type3A = tpu.bitcast %max3A_390 : vector<16xf32> -> vector<16xi32>
        %shift_right_arithmetic3A = arith.constant 1 : i32
        %shift_right_arithmetic3A_391 = vector.broadcast %shift_right_arithmetic3A : i32 to vector<16xi32>
        %shift_right_arithmetic3A_392 = arith.shrsi %bitcast_convert_type3A, %shift_right_arithmetic3A_391 : vector<16xi32>
        %sub3A_393 = arith.constant 1597463007 : i32
        %sub3A_394 = vector.broadcast %sub3A_393 : i32 to vector<16xi32>
        %sub3A_395 = arith.subi %sub3A_394, %shift_right_arithmetic3A_392 : vector<16xi32>
        %bitcast_convert_type3A_396 = tpu.bitcast %sub3A_395 : vector<16xi32> -> vector<16xf32>
        %mul3A_397 = arith.constant 5.000000e-01 : f32
        %mul3A_398 = vector.broadcast %mul3A_397 : f32 to vector<16xf32>
        %mul3A_399 = arith.mulf %mul3A_398, %max3A_390 : vector<16xf32>
        %mul3A_400 = arith.mulf %mul3A_399, %bitcast_convert_type3A_396 : vector<16xf32>
        %mul3A_401 = arith.mulf %mul3A_400, %bitcast_convert_type3A_396 : vector<16xf32>
        %sub3A_402 = arith.constant 1.500000e+00 : f32
        %sub3A_403 = vector.broadcast %sub3A_402 : f32 to vector<16xf32>
        %sub3A_404 = arith.subf %sub3A_403, %mul3A_401 : vector<16xf32>
        %mul3A_405 = arith.mulf %bitcast_convert_type3A_396, %sub3A_404 : vector<16xf32>
        %mul3A_406 = arith.constant 5.000000e-01 : f32
        %mul3A_407 = vector.broadcast %mul3A_406 : f32 to vector<16xf32>
        %mul3A_408 = arith.mulf %mul3A_407, %max3A_390 : vector<16xf32>
        %mul3A_409 = arith.mulf %mul3A_408, %mul3A_405 : vector<16xf32>
        %mul3A_410 = arith.mulf %mul3A_409, %mul3A_405 : vector<16xf32>
        %sub3A_411 = arith.constant 1.500000e+00 : f32
        %sub3A_412 = vector.broadcast %sub3A_411 : f32 to vector<16xf32>
        %sub3A_413 = arith.subf %sub3A_412, %mul3A_410 : vector<16xf32>
        %mul3A_414 = arith.mulf %mul3A_405, %sub3A_413 : vector<16xf32>
        %mul3A_415 = arith.constant 5.000000e-01 : f32
        %mul3A_416 = vector.broadcast %mul3A_415 : f32 to vector<16xf32>
        %mul3A_417 = arith.mulf %mul3A_416, %max3A_390 : vector<16xf32>
        %mul3A_418 = arith.mulf %mul3A_417, %mul3A_414 : vector<16xf32>
        %mul3A_419 = arith.mulf %mul3A_418, %mul3A_414 : vector<16xf32>
        %sub3A_420 = arith.constant 1.500000e+00 : f32
        %sub3A_421 = vector.broadcast %sub3A_420 : f32 to vector<16xf32>
        %sub3A_422 = arith.subf %sub3A_421, %mul3A_419 : vector<16xf32>
        %mul3A_423 = arith.mulf %mul3A_414, %sub3A_422 : vector<16xf32>
        %mul3A_424 = arith.mulf %max3A_390, %mul3A_423 : vector<16xf32>
        %add3A_425 = arith.constant 9.99999974E-6 : f32
        %add3A_426 = vector.broadcast %add3A_425 : f32 to vector<16xf32>
        %add3A_427 = arith.addf %mul3A_424, %add3A_426 : vector<16xf32>
        %mul3A_428 = arith.constant 5.000000e-01 : f32
        %mul3A_429 = vector.broadcast %mul3A_428 : f32 to vector<16xf32>
        %mul3A_430 = arith.mulf %mul3A_429, %gather3A_294 : vector<16xf32>
        %div3A = arith.divf %mul3A_430, %add3A_427 : vector<16xf32>
        %mul3A_431 = arith.mulf %gather3A_292, %gather3A_293 : vector<16xf32>
        %sub3A_432 = arith.constant 1.000000e+00 : f32
        %sub3A_433 = vector.broadcast %sub3A_432 : f32 to vector<16xf32>
        %sub3A_434 = arith.subf %sub3A_433, %div3A : vector<16xf32>
        %mul3A_435 = arith.mulf %mul3A_431, %sub3A_434 : vector<16xf32>
        %mul3A_436 = arith.mulf %gather3A_292, %gather3A_292 : vector<16xf32>
        %mul3A_437 = arith.mulf %mul3A_436, %div3A : vector<16xf32>
        %mul3A_438 = arith.mulf %mul3A_435, %get3A_297 : vector<16xf32>
        %mul3A_439 = arith.mulf %mul3A_437, %get3A_321 : vector<16xf32>
        %add3A_440 = arith.addf %mul3A_438, %mul3A_439 : vector<16xf32>
        %swap3A_441 = arith.index_cast %add3A_291 : i32 to index
        %swap3A_442 = arith.constant 0 : index
        %swap3A_443 = tpu.vector_load %arg18[%swap3A_441, %swap3A_442] {strides = array<i32>} : memref<80x128xf32, #tpu.memory_space<vmem>>, vector<16xf32>,
        tpu.vector_store %arg18[%swap3A_441, %swap3A_442], %add3A_440 {strides = array<i32>} : memref<80x128xf32, #tpu.memory_space<vmem>>, vector<16xf32>,
        %mul3A_444 = arith.mulf %mul3A_435, %get3A_300 : vector<16xf32>
        %mul3A_445 = arith.mulf %mul3A_437, %get3A_324 : vector<16xf32>
        %add3A_446 = arith.addf %mul3A_444, %mul3A_445 : vector<16xf32>
        %swap3A_447 = arith.index_cast %add3A_291 : i32 to index
        %swap3A_448 = arith.constant 16 : index
        %swap3A_449 = tpu.vector_load %arg18[%swap3A_447, %swap3A_448] {strides = array<i32>} : memref<80x128xf32, #tpu.memory_space<vmem>>, vector<16xf32>,
        tpu.vector_store %arg18[%swap3A_447, %swap3A_448], %add3A_446 {strides = array<i32>} : memref<80x128xf32, #tpu.memory_space<vmem>>, vector<16xf32>,
        %mul3A_450 = arith.mulf %mul3A_435, %get3A_303 : vector<16xf32>
        %mul3A_451 = arith.mulf %mul3A_437, %get3A_327 : vector<16xf32>
        %add3A_452 = arith.addf %mul3A_450, %mul3A_451 : vector<16xf32>
        %swap3A_453 = arith.index_cast %add3A_291 : i32 to index
        %swap3A_454 = arith.constant 32 : index
        %swap3A_455 = tpu.vector_load %arg18[%swap3A_453, %swap3A_454] {strides = array<i32>} : memref<80x128xf32, #tpu.memory_space<vmem>>, vector<16xf32>,
        tpu.vector_store %arg18[%swap3A_453, %swap3A_454], %add3A_452 {strides = array<i32>} : memref<80x128xf32, #tpu.memory_space<vmem>>, vector<16xf32>,
        %mul3A_456 = arith.mulf %mul3A_435, %get3A_306 : vector<16xf32>
        %mul3A_457 = arith.mulf %mul3A_437, %get3A_330 : vector<16xf32>
        %add3A_458 = arith.addf %mul3A_456, %mul3A_457 : vector<16xf32>
        %swap3A_459 = arith.index_cast %add3A_291 : i32 to index
        %swap3A_460 = arith.constant 48 : index
        %swap3A_461 = tpu.vector_load %arg18[%swap3A_459, %swap3A_460] {strides = array<i32>} : memref<80x128xf32, #tpu.memory_space<vmem>>, vector<16xf32>,
        tpu.vector_store %arg18[%swap3A_459, %swap3A_460], %add3A_458 {strides = array<i32>} : memref<80x128xf32, #tpu.memory_space<vmem>>, vector<16xf32>,
        %mul3A_462 = arith.mulf %mul3A_435, %get3A_309 : vector<16xf32>
        %mul3A_463 = arith.mulf %mul3A_437, %get3A_333 : vector<16xf32>
        %add3A_464 = arith.addf %mul3A_462, %mul3A_463 : vector<16xf32>
        %swap3A_465 = arith.index_cast %add3A_291 : i32 to index
        %swap3A_466 = arith.constant 64 : index
        %swap3A_467 = tpu.vector_load %arg18[%swap3A_465, %swap3A_466] {strides = array<i32>} : memref<80x128xf32, #tpu.memory_space<vmem>>, vector<16xf32>,
        tpu.vector_store %arg18[%swap3A_465, %swap3A_466], %add3A_464 {strides = array<i32>} : memref<80x128xf32, #tpu.memory_space<vmem>>, vector<16xf32>,
        %mul3A_468 = arith.mulf %mul3A_435, %get3A_312 : vector<16xf32>
        %mul3A_469 = arith.mulf %mul3A_437, %get3A_336 : vector<16xf32>
        %add3A_470 = arith.addf %mul3A_468, %mul3A_469 : vector<16xf32>
        %swap3A_471 = arith.index_cast %add3A_291 : i32 to index
        %swap3A_472 = arith.constant 80 : index
        %swap3A_473 = tpu.vector_load %arg18[%swap3A_471, %swap3A_472] {strides = array<i32>} : memref<80x128xf32, #tpu.memory_space<vmem>>, vector<16xf32>,
        tpu.vector_store %arg18[%swap3A_471, %swap3A_472], %add3A_470 {strides = array<i32>} : memref<80x128xf32, #tpu.memory_space<vmem>>, vector<16xf32>,
        %mul3A_474 = arith.mulf %mul3A_435, %get3A_315 : vector<16xf32>
        %mul3A_475 = arith.mulf %mul3A_437, %get3A_339 : vector<16xf32>
        %add3A_476 = arith.addf %mul3A_474, %mul3A_475 : vector<16xf32>
        %swap3A_477 = arith.index_cast %add3A_291 : i32 to index
        %swap3A_478 = arith.constant 96 : index
        %swap3A_479 = tpu.vector_load %arg18[%swap3A_477, %swap3A_478] {strides = array<i32>} : memref<80x128xf32, #tpu.memory_space<vmem>>, vector<16xf32>,
        tpu.vector_store %arg18[%swap3A_477, %swap3A_478], %add3A_476 {strides = array<i32>} : memref<80x128xf32, #tpu.memory_space<vmem>>, vector<16xf32>,
        %mul3A_480 = arith.mulf %mul3A_435, %get3A_318 : vector<16xf32>
        %mul3A_481 = arith.mulf %mul3A_437, %get3A_342 : vector<16xf32>
        %add3A_482 = arith.addf %mul3A_480, %mul3A_481 : vector<16xf32>
        %swap3A_483 = arith.index_cast %add3A_291 : i32 to index
        %swap3A_484 = arith.constant 112 : index
        %swap3A_485 = tpu.vector_load %arg18[%swap3A_483, %swap3A_484] {strides = array<i32>} : memref<80x128xf32, #tpu.memory_space<vmem>>, vector<16xf32>,
        tpu.vector_store %arg18[%swap3A_483, %swap3A_484], %add3A_482 {strides = array<i32>} : memref<80x128xf32, #tpu.memory_space<vmem>>, vector<16xf32>,
      }
      %scan3A_278 = arith.constant 80 : i32
      %dma_start3A_279 = arith.constant 0 : i32
      %dma_start3A_280 = arith.constant 0 : i32
      %dma_start3A_281 = tpu.memref_slice %arg8[%dma_start3A_279, %dma_start3A_280] : memref<10000x128xf32, #tpu.memory_space<vmem_shared>> -> memref<10000x128xf32, #tpu.memory_space<vmem_shared>>
      tpu.enqueue_indirect_dma source(%arg18 : memref<80x128xf32, #tpu.memory_space<vmem>>) target(%dma_start3A_281 : memref<10000x128xf32, #tpu.memory_space<vmem_shared>>) offsets(%arg12 : memref<80xi32, #tpu.memory_space<vmem>>) semaphore(%arg22 : memref<!tpu.dma_semaphore, #tpu.memory_space<semaphore_mem>>) {add = true}
      %eq3A_282 = arith.constant 61 : i32
      %eq3A_283 = arith.cmpi eq, %add3A_59, %eq3A_282 : i32
      %convert_element_type3A_284 = arith.extui %eq3A_283 : i1 to i32
      %cond3A_285 = arith.constant 0 : i32
      %cond3A_286 = arith.cmpi ne, %convert_element_type3A_284, %cond3A_285 : i32
      scf.if %cond3A_286 {
        %dma_wait3A_287 = arith.constant 0 : i32
        %dma_wait3A_288 = arith.constant 0 : i32
        %dma_wait3A_289 = tpu.memref_slice %arg8[%dma_wait3A_287, %dma_wait3A_288] : memref<10000x128xf32, #tpu.memory_space<vmem_shared>> -> memref<10000x128xf32, #tpu.memory_space<vmem_shared>>
        tpu.wait_indirect_dma semaphore(%arg21 : memref<!tpu.dma_semaphore, #tpu.memory_space<semaphore_mem>>) src(%arg16 : memref<80x128xf32, #tpu.memory_space<vmem>>) dst(%dma_wait3A_289 : memref<10000x128xf32, #tpu.memory_space<vmem_shared>>)
        %mul3A_290 = arith.constant 2 : i32
        %mul3A_291 = arith.muli %mul3A_290, %add3A_59 : i32
        %add3A_292 = arith.constant 2 : i32
        %add3A_293 = arith.addi %mul3A_291, %add3A_292 : i32
        %dma_start3A_294 = arith.constant 0 : i32
        %dma_start3A_295 = tpu.memref_slice %arg4[%add3A, %add3A_293, %dma_start3A_294] : memref<32x125x80xi32, #tpu.memory_space<hbm>> -> memref<1x1x80xi32, #tpu.memory_space<hbm>>
        %dma_start3A_296 = tpu.memref_squeeze %dma_start3A_295 : memref<1x1x80xi32, #tpu.memory_space<hbm>> -> memref<80xi32, #tpu.memory_space<hbm>>
        %dma_start3A_297 = arith.constant 0 : i32
        %dma_start3A_298 = tpu.memref_slice %arg4[%add3A, %add3A_293, %dma_start3A_297] : memref<32x125x80xi32, #tpu.memory_space<hbm>> -> memref<1x1x80xi32, #tpu.memory_space<hbm>>
        %dma_start3A_299 = tpu.memref_squeeze %dma_start3A_298 : memref<1x1x80xi32, #tpu.memory_space<hbm>> -> memref<80xi32, #tpu.memory_space<hbm>>
        tpu.enqueue_dma source(%dma_start3A_299 : memref<80xi32, #tpu.memory_space<hbm>>) target(%arg10 : memref<80xi32, #tpu.memory_space<vmem>>) target_semaphore(%arg23 : memref<!tpu.dma_semaphore, #tpu.memory_space<semaphore_mem>>)
        %dma_start3A_300 = arith.constant 0 : i32
        %dma_start3A_301 = tpu.memref_slice %arg5[%add3A, %add3A_293, %dma_start3A_300] : memref<32x125x80xi32, #tpu.memory_space<hbm>> -> memref<1x1x80xi32, #tpu.memory_space<hbm>>
        %dma_start3A_302 = tpu.memref_squeeze %dma_start3A_301 : memref<1x1x80xi32, #tpu.memory_space<hbm>> -> memref<80xi32, #tpu.memory_space<hbm>>
        %dma_start3A_303 = arith.constant 0 : i32
        %dma_start3A_304 = tpu.memref_slice %arg5[%add3A, %add3A_293, %dma_start3A_303] : memref<32x125x80xi32, #tpu.memory_space<hbm>> -> memref<1x1x80xi32, #tpu.memory_space<hbm>>
        %dma_start3A_305 = tpu.memref_squeeze %dma_start3A_304 : memref<1x1x80xi32, #tpu.memory_space<hbm>> -> memref<80xi32, #tpu.memory_space<hbm>>
        tpu.enqueue_dma source(%dma_start3A_305 : memref<80xi32, #tpu.memory_space<hbm>>) target(%arg11 : memref<80xi32, #tpu.memory_space<vmem>>) target_semaphore(%arg24 : memref<!tpu.dma_semaphore, #tpu.memory_space<semaphore_mem>>)
        %dma_start3A_306 = arith.constant 0 : i32
        %dma_start3A_307 = tpu.memref_slice %arg6[%add3A, %add3A_293, %dma_start3A_306] : memref<32x125x80xf32, #tpu.memory_space<hbm>> -> memref<1x1x80xf32, #tpu.memory_space<hbm>>
        %dma_start3A_308 = tpu.memref_squeeze %dma_start3A_307 : memref<1x1x80xf32, #tpu.memory_space<hbm>> -> memref<80xf32, #tpu.memory_space<hbm>>
        %dma_start3A_309 = arith.constant 0 : i32
        %dma_start3A_310 = tpu.memref_slice %arg6[%add3A, %add3A_293, %dma_start3A_309] : memref<32x125x80xf32, #tpu.memory_space<hbm>> -> memref<1x1x80xf32, #tpu.memory_space<hbm>>
        %dma_start3A_311 = tpu.memref_squeeze %dma_start3A_310 : memref<1x1x80xf32, #tpu.memory_space<hbm>> -> memref<80xf32, #tpu.memory_space<hbm>>
        tpu.enqueue_dma source(%dma_start3A_311 : memref<80xf32, #tpu.memory_space<hbm>>) target(%arg13 : memref<80xf32, #tpu.memory_space<vmem>>) target_semaphore(%arg25 : memref<!tpu.dma_semaphore, #tpu.memory_space<semaphore_mem>>)
        %dma_wait3A_312 = arith.constant 0 : i32
        %dma_wait3A_313 = tpu.memref_slice %arg4[%add3A, %add3A_293, %dma_wait3A_312] : memref<32x125x80xi32, #tpu.memory_space<hbm>> -> memref<1x1x80xi32, #tpu.memory_space<hbm>>
        %dma_wait3A_314 = tpu.memref_squeeze %dma_wait3A_313 : memref<1x1x80xi32, #tpu.memory_space<hbm>> -> memref<80xi32, #tpu.memory_space<hbm>>
        %dma_wait3A_315 = arith.constant 0 : i32
        %dma_wait3A_316 = tpu.memref_slice %arg4[%add3A, %add3A_293, %dma_wait3A_315] : memref<32x125x80xi32, #tpu.memory_space<hbm>> -> memref<1x1x80xi32, #tpu.memory_space<hbm>>
        %dma_wait3A_317 = tpu.memref_squeeze %dma_wait3A_316 : memref<1x1x80xi32, #tpu.memory_space<hbm>> -> memref<80xi32, #tpu.memory_space<hbm>>
        tpu.wait_dma2 semaphore(%arg23 : memref<!tpu.dma_semaphore, #tpu.memory_space<semaphore_mem>>) src(%dma_wait3A_317 : memref<80xi32, #tpu.memory_space<hbm>>) dst(%arg10 : memref<80xi32, #tpu.memory_space<vmem>>)
        %dma_wait3A_318 = arith.constant 0 : i32
        %dma_wait3A_319 = tpu.memref_slice %arg5[%add3A, %add3A_293, %dma_wait3A_318] : memref<32x125x80xi32, #tpu.memory_space<hbm>> -> memref<1x1x80xi32, #tpu.memory_space<hbm>>
        %dma_wait3A_320 = tpu.memref_squeeze %dma_wait3A_319 : memref<1x1x80xi32, #tpu.memory_space<hbm>> -> memref<80xi32, #tpu.memory_space<hbm>>
        %dma_wait3A_321 = arith.constant 0 : i32
        %dma_wait3A_322 = tpu.memref_slice %arg5[%add3A, %add3A_293, %dma_wait3A_321] : memref<32x125x80xi32, #tpu.memory_space<hbm>> -> memref<1x1x80xi32, #tpu.memory_space<hbm>>
        %dma_wait3A_323 = tpu.memref_squeeze %dma_wait3A_322 : memref<1x1x80xi32, #tpu.memory_space<hbm>> -> memref<80xi32, #tpu.memory_space<hbm>>
        tpu.wait_dma2 semaphore(%arg24 : memref<!tpu.dma_semaphore, #tpu.memory_space<semaphore_mem>>) src(%dma_wait3A_323 : memref<80xi32, #tpu.memory_space<hbm>>) dst(%arg11 : memref<80xi32, #tpu.memory_space<vmem>>)
        %dma_start3A_324 = arith.constant 0 : i32
        %dma_start3A_325 = arith.constant 0 : i32
        %dma_start3A_326 = tpu.memref_slice %arg2[%dma_start3A_324, %dma_start3A_325] : memref<10000x128xf32, #tpu.memory_space<hbm>> -> memref<10000x128xf32, #tpu.memory_space<hbm>>
        tpu.enqueue_indirect_dma source(%dma_start3A_326 : memref<10000x128xf32, #tpu.memory_space<hbm>>) target(%arg16 : memref<80x128xf32, #tpu.memory_space<vmem>>) offsets(%arg10 : memref<80xi32, #tpu.memory_space<vmem>>) semaphore(%arg19 : memref<!tpu.dma_semaphore, #tpu.memory_space<semaphore_mem>>)
        %dma_start3A_327 = arith.constant 0 : i32
        %dma_start3A_328 = arith.constant 0 : i32
        %dma_start3A_329 = tpu.memref_slice %arg2[%dma_start3A_327, %dma_start3A_328] : memref<10000x128xf32, #tpu.memory_space<hbm>> -> memref<10000x128xf32, #tpu.memory_space<hbm>>
        tpu.enqueue_indirect_dma source(%dma_start3A_329 : memref<10000x128xf32, #tpu.memory_space<hbm>>) target(%arg17 : memref<80x128xf32, #tpu.memory_space<vmem>>) offsets(%arg11 : memref<80xi32, #tpu.memory_space<vmem>>) semaphore(%arg20 : memref<!tpu.dma_semaphore, #tpu.memory_space<semaphore_mem>>)
        %dma_wait3A_330 = arith.constant 0 : i32
        %dma_wait3A_331 = tpu.memref_slice %arg6[%add3A, %add3A_293, %dma_wait3A_330] : memref<32x125x80xf32, #tpu.memory_space<hbm>> -> memref<1x1x80xf32, #tpu.memory_space<hbm>>
        %dma_wait3A_332 = tpu.memref_squeeze %dma_wait3A_331 : memref<1x1x80xf32, #tpu.memory_space<hbm>> -> memref<80xf32, #tpu.memory_space<hbm>>
        %dma_wait3A_333 = arith.constant 0 : i32
        %dma_wait3A_334 = tpu.memref_slice %arg6[%add3A, %add3A_293, %dma_wait3A_333] : memref<32x125x80xf32, #tpu.memory_space<hbm>> -> memref<1x1x80xf32, #tpu.memory_space<hbm>>
        %dma_wait3A_335 = tpu.memref_squeeze %dma_wait3A_334 : memref<1x1x80xf32, #tpu.memory_space<hbm>> -> memref<80xf32, #tpu.memory_space<hbm>>
        tpu.wait_dma2 semaphore(%arg25 : memref<!tpu.dma_semaphore, #tpu.memory_space<semaphore_mem>>) src(%dma_wait3A_335 : memref<80xf32, #tpu.memory_space<hbm>>) dst(%arg13 : memref<80xf32, #tpu.memory_space<vmem>>)
        %get3A_336 = arith.constant 0 : index
        %get3A_337 = tpu.vector_load %arg10[%get3A_336] {strides = array<i32>} : memref<80xi32, #tpu.memory_space<vmem>>, vector<16xi32>,
        %get3A_338 = arith.constant 0 : index
        %get3A_339 = tpu.vector_load %arg11[%get3A_338] {strides = array<i32>} : memref<80xi32, #tpu.memory_space<vmem>>, vector<16xi32>,
        %gather3A_340 = tpu.vector_load_idx %arg9[%get3A_337] : memref<10000xf32, #tpu.memory_space<vmem>>[vector<16xi32>], vector<16xf32>,
        %swap3A_341 = arith.constant 0 : index
        %swap3A_342 = tpu.vector_load %arg14[%swap3A_341] {strides = array<i32>} : memref<80xf32, #tpu.memory_space<vmem>>, vector<16xf32>,
        tpu.vector_store %arg14[%swap3A_341], %gather3A_340 {strides = array<i32>} : memref<80xf32, #tpu.memory_space<vmem>>, vector<16xf32>,
        %gather3A_343 = tpu.vector_load_idx %arg9[%get3A_339] : memref<10000xf32, #tpu.memory_space<vmem>>[vector<16xi32>], vector<16xf32>,
        %swap3A_344 = arith.constant 0 : index
        %swap3A_345 = tpu.vector_load %arg15[%swap3A_344] {strides = array<i32>} : memref<80xf32, #tpu.memory_space<vmem>>, vector<16xf32>,
        tpu.vector_store %arg15[%swap3A_344], %gather3A_343 {strides = array<i32>} : memref<80xf32, #tpu.memory_space<vmem>>, vector<16xf32>,
        %get3A_346 = arith.constant 16 : index
        %get3A_347 = tpu.vector_load %arg10[%get3A_346] {strides = array<i32>} : memref<80xi32, #tpu.memory_space<vmem>>, vector<16xi32>,
        %get3A_348 = arith.constant 16 : index
        %get3A_349 = tpu.vector_load %arg11[%get3A_348] {strides = array<i32>} : memref<80xi32, #tpu.memory_space<vmem>>, vector<16xi32>,
        %gather3A_350 = tpu.vector_load_idx %arg9[%get3A_347] : memref<10000xf32, #tpu.memory_space<vmem>>[vector<16xi32>], vector<16xf32>,
        %swap3A_351 = arith.constant 16 : index
        %swap3A_352 = tpu.vector_load %arg14[%swap3A_351] {strides = array<i32>} : memref<80xf32, #tpu.memory_space<vmem>>, vector<16xf32>,
        tpu.vector_store %arg14[%swap3A_351], %gather3A_350 {strides = array<i32>} : memref<80xf32, #tpu.memory_space<vmem>>, vector<16xf32>,
        %gather3A_353 = tpu.vector_load_idx %arg9[%get3A_349] : memref<10000xf32, #tpu.memory_space<vmem>>[vector<16xi32>], vector<16xf32>,
        %swap3A_354 = arith.constant 16 : index
        %swap3A_355 = tpu.vector_load %arg15[%swap3A_354] {strides = array<i32>} : memref<80xf32, #tpu.memory_space<vmem>>, vector<16xf32>,
        tpu.vector_store %arg15[%swap3A_354], %gather3A_353 {strides = array<i32>} : memref<80xf32, #tpu.memory_space<vmem>>, vector<16xf32>,
        %get3A_356 = arith.constant 32 : index
        %get3A_357 = tpu.vector_load %arg10[%get3A_356] {strides = array<i32>} : memref<80xi32, #tpu.memory_space<vmem>>, vector<16xi32>,
        %get3A_358 = arith.constant 32 : index
        %get3A_359 = tpu.vector_load %arg11[%get3A_358] {strides = array<i32>} : memref<80xi32, #tpu.memory_space<vmem>>, vector<16xi32>,
        %gather3A_360 = tpu.vector_load_idx %arg9[%get3A_357] : memref<10000xf32, #tpu.memory_space<vmem>>[vector<16xi32>], vector<16xf32>,
        %swap3A_361 = arith.constant 32 : index
        %swap3A_362 = tpu.vector_load %arg14[%swap3A_361] {strides = array<i32>} : memref<80xf32, #tpu.memory_space<vmem>>, vector<16xf32>,
        tpu.vector_store %arg14[%swap3A_361], %gather3A_360 {strides = array<i32>} : memref<80xf32, #tpu.memory_space<vmem>>, vector<16xf32>,
        %gather3A_363 = tpu.vector_load_idx %arg9[%get3A_359] : memref<10000xf32, #tpu.memory_space<vmem>>[vector<16xi32>], vector<16xf32>,
        %swap3A_364 = arith.constant 32 : index
        %swap3A_365 = tpu.vector_load %arg15[%swap3A_364] {strides = array<i32>} : memref<80xf32, #tpu.memory_space<vmem>>, vector<16xf32>,
        tpu.vector_store %arg15[%swap3A_364], %gather3A_363 {strides = array<i32>} : memref<80xf32, #tpu.memory_space<vmem>>, vector<16xf32>,
        %get3A_366 = arith.constant 48 : index
        %get3A_367 = tpu.vector_load %arg10[%get3A_366] {strides = array<i32>} : memref<80xi32, #tpu.memory_space<vmem>>, vector<16xi32>,
        %get3A_368 = arith.constant 48 : index
        %get3A_369 = tpu.vector_load %arg11[%get3A_368] {strides = array<i32>} : memref<80xi32, #tpu.memory_space<vmem>>, vector<16xi32>,
        %gather3A_370 = tpu.vector_load_idx %arg9[%get3A_367] : memref<10000xf32, #tpu.memory_space<vmem>>[vector<16xi32>], vector<16xf32>,
        %swap3A_371 = arith.constant 48 : index
        %swap3A_372 = tpu.vector_load %arg14[%swap3A_371] {strides = array<i32>} : memref<80xf32, #tpu.memory_space<vmem>>, vector<16xf32>,
        tpu.vector_store %arg14[%swap3A_371], %gather3A_370 {strides = array<i32>} : memref<80xf32, #tpu.memory_space<vmem>>, vector<16xf32>,
        %gather3A_373 = tpu.vector_load_idx %arg9[%get3A_369] : memref<10000xf32, #tpu.memory_space<vmem>>[vector<16xi32>], vector<16xf32>,
        %swap3A_374 = arith.constant 48 : index
        %swap3A_375 = tpu.vector_load %arg15[%swap3A_374] {strides = array<i32>} : memref<80xf32, #tpu.memory_space<vmem>>, vector<16xf32>,
        tpu.vector_store %arg15[%swap3A_374], %gather3A_373 {strides = array<i32>} : memref<80xf32, #tpu.memory_space<vmem>>, vector<16xf32>,
        %get3A_376 = arith.constant 64 : index
        %get3A_377 = tpu.vector_load %arg10[%get3A_376] {strides = array<i32>} : memref<80xi32, #tpu.memory_space<vmem>>, vector<16xi32>,
        %get3A_378 = arith.constant 64 : index
        %get3A_379 = tpu.vector_load %arg11[%get3A_378] {strides = array<i32>} : memref<80xi32, #tpu.memory_space<vmem>>, vector<16xi32>,
        %gather3A_380 = tpu.vector_load_idx %arg9[%get3A_377] : memref<10000xf32, #tpu.memory_space<vmem>>[vector<16xi32>], vector<16xf32>,
        %swap3A_381 = arith.constant 64 : index
        %swap3A_382 = tpu.vector_load %arg14[%swap3A_381] {strides = array<i32>} : memref<80xf32, #tpu.memory_space<vmem>>, vector<16xf32>,
        tpu.vector_store %arg14[%swap3A_381], %gather3A_380 {strides = array<i32>} : memref<80xf32, #tpu.memory_space<vmem>>, vector<16xf32>,
        %gather3A_383 = tpu.vector_load_idx %arg9[%get3A_379] : memref<10000xf32, #tpu.memory_space<vmem>>[vector<16xi32>], vector<16xf32>,
        %swap3A_384 = arith.constant 64 : index
        %swap3A_385 = tpu.vector_load %arg15[%swap3A_384] {strides = array<i32>} : memref<80xf32, #tpu.memory_space<vmem>>, vector<16xf32>,
        tpu.vector_store %arg15[%swap3A_384], %gather3A_383 {strides = array<i32>} : memref<80xf32, #tpu.memory_space<vmem>>, vector<16xf32>,
        %dma_wait3A_386 = arith.constant 0 : i32
        %dma_wait3A_387 = arith.constant 0 : i32
        %dma_wait3A_388 = tpu.memref_slice %arg2[%dma_wait3A_386, %dma_wait3A_387] : memref<10000x128xf32, #tpu.memory_space<hbm>> -> memref<10000x128xf32, #tpu.memory_space<hbm>>
        tpu.wait_indirect_dma semaphore(%arg19 : memref<!tpu.dma_semaphore, #tpu.memory_space<semaphore_mem>>) src(%dma_wait3A_388 : memref<10000x128xf32, #tpu.memory_space<hbm>>) dst(%arg16 : memref<80x128xf32, #tpu.memory_space<vmem>>)
        %dma_wait3A_389 = arith.constant 0 : i32
        %dma_wait3A_390 = arith.constant 0 : i32
        %dma_wait3A_391 = tpu.memref_slice %arg2[%dma_wait3A_389, %dma_wait3A_390] : memref<10000x128xf32, #tpu.memory_space<hbm>> -> memref<10000x128xf32, #tpu.memory_space<hbm>>
        tpu.wait_indirect_dma semaphore(%arg20 : memref<!tpu.dma_semaphore, #tpu.memory_space<semaphore_mem>>) src(%dma_wait3A_391 : memref<10000x128xf32, #tpu.memory_space<hbm>>) dst(%arg17 : memref<80x128xf32, #tpu.memory_space<vmem>>)
        %scan3A_392 = arith.constant 0 : i32
        %scan3A_393 = arith.constant 80 : i32
        %scan3A_394 = arith.addi %scan3A_392, %scan3A_393 : i32
        %scan3A_395 = arith.constant 1 : i32
        scf.for %scan3A_406 = %scan3A_392 to %scan3A_394 step %scan3A_395  : i32 {
          %mul3A_407 = arith.constant 1 : i32
          %mul3A_408 = arith.muli %scan3A_406, %mul3A_407 : i32
          %add3A_409 = arith.constant 0 : i32
          %add3A_410 = arith.addi %add3A_409, %mul3A_408 : i32
          %broadcast_in_dim3A = vector.broadcast %add3A_410 : i32 to vector<16xi32>
          %gather3A_411 = tpu.vector_load_idx %arg14[%broadcast_in_dim3A] : memref<80xf32, #tpu.memory_space<vmem>>[vector<16xi32>], vector<16xf32>,
          %gather3A_412 = tpu.vector_load_idx %arg15[%broadcast_in_dim3A] : memref<80xf32, #tpu.memory_space<vmem>>[vector<16xi32>], vector<16xf32>,
          %gather3A_413 = tpu.vector_load_idx %arg13[%broadcast_in_dim3A] : memref<80xf32, #tpu.memory_space<vmem>>[vector<16xi32>], vector<16xf32>,
          %get3A_414 = arith.index_cast %add3A_410 : i32 to index
          %get3A_415 = arith.constant 0 : index
          %get3A_416 = tpu.vector_load %arg16[%get3A_414, %get3A_415] {strides = array<i32>} : memref<80x128xf32, #tpu.memory_space<vmem>>, vector<16xf32>,
          %get3A_417 = arith.index_cast %add3A_410 : i32 to index
          %get3A_418 = arith.constant 16 : index
          %get3A_419 = tpu.vector_load %arg16[%get3A_417, %get3A_418] {strides = array<i32>} : memref<80x128xf32, #tpu.memory_space<vmem>>, vector<16xf32>,
          %get3A_420 = arith.index_cast %add3A_410 : i32 to index
          %get3A_421 = arith.constant 32 : index
          %get3A_422 = tpu.vector_load %arg16[%get3A_420, %get3A_421] {strides = array<i32>} : memref<80x128xf32, #tpu.memory_space<vmem>>, vector<16xf32>,
          %get3A_423 = arith.index_cast %add3A_410 : i32 to index
          %get3A_424 = arith.constant 48 : index
          %get3A_425 = tpu.vector_load %arg16[%get3A_423, %get3A_424] {strides = array<i32>} : memref<80x128xf32, #tpu.memory_space<vmem>>, vector<16xf32>,
          %get3A_426 = arith.index_cast %add3A_410 : i32 to index
          %get3A_427 = arith.constant 64 : index
          %get3A_428 = tpu.vector_load %arg16[%get3A_426, %get3A_427] {strides = array<i32>} : memref<80x128xf32, #tpu.memory_space<vmem>>, vector<16xf32>,
          %get3A_429 = arith.index_cast %add3A_410 : i32 to index
          %get3A_430 = arith.constant 80 : index
          %get3A_431 = tpu.vector_load %arg16[%get3A_429, %get3A_430] {strides = array<i32>} : memref<80x128xf32, #tpu.memory_space<vmem>>, vector<16xf32>,
          %get3A_432 = arith.index_cast %add3A_410 : i32 to index
          %get3A_433 = arith.constant 96 : index
          %get3A_434 = tpu.vector_load %arg16[%get3A_432, %get3A_433] {strides = array<i32>} : memref<80x128xf32, #tpu.memory_space<vmem>>, vector<16xf32>,
          %get3A_435 = arith.index_cast %add3A_410 : i32 to index
          %get3A_436 = arith.constant 112 : index
          %get3A_437 = tpu.vector_load %arg16[%get3A_435, %get3A_436] {strides = array<i32>} : memref<80x128xf32, #tpu.memory_space<vmem>>, vector<16xf32>,
          %get3A_438 = arith.index_cast %add3A_410 : i32 to index
          %get3A_439 = arith.constant 0 : index
          %get3A_440 = tpu.vector_load %arg17[%get3A_438, %get3A_439] {strides = array<i32>} : memref<80x128xf32, #tpu.memory_space<vmem>>, vector<16xf32>,
          %get3A_441 = arith.index_cast %add3A_410 : i32 to index
          %get3A_442 = arith.constant 16 : index
          %get3A_443 = tpu.vector_load %arg17[%get3A_441, %get3A_442] {strides = array<i32>} : memref<80x128xf32, #tpu.memory_space<vmem>>, vector<16xf32>,
          %get3A_444 = arith.index_cast %add3A_410 : i32 to index
          %get3A_445 = arith.constant 32 : index
          %get3A_446 = tpu.vector_load %arg17[%get3A_444, %get3A_445] {strides = array<i32>} : memref<80x128xf32, #tpu.memory_space<vmem>>, vector<16xf32>,
          %get3A_447 = arith.index_cast %add3A_410 : i32 to index
          %get3A_448 = arith.constant 48 : index
          %get3A_449 = tpu.vector_load %arg17[%get3A_447, %get3A_448] {strides = array<i32>} : memref<80x128xf32, #tpu.memory_space<vmem>>, vector<16xf32>,
          %get3A_450 = arith.index_cast %add3A_410 : i32 to index
          %get3A_451 = arith.constant 64 : index
          %get3A_452 = tpu.vector_load %arg17[%get3A_450, %get3A_451] {strides = array<i32>} : memref<80x128xf32, #tpu.memory_space<vmem>>, vector<16xf32>,
          %get3A_453 = arith.index_cast %add3A_410 : i32 to index
          %get3A_454 = arith.constant 80 : index
          %get3A_455 = tpu.vector_load %arg17[%get3A_453, %get3A_454] {strides = array<i32>} : memref<80x128xf32, #tpu.memory_space<vmem>>, vector<16xf32>,
          %get3A_456 = arith.index_cast %add3A_410 : i32 to index
          %get3A_457 = arith.constant 96 : index
          %get3A_458 = tpu.vector_load %arg17[%get3A_456, %get3A_457] {strides = array<i32>} : memref<80x128xf32, #tpu.memory_space<vmem>>, vector<16xf32>,
          %get3A_459 = arith.index_cast %add3A_410 : i32 to index
          %get3A_460 = arith.constant 112 : index
          %get3A_461 = tpu.vector_load %arg17[%get3A_459, %get3A_460] {strides = array<i32>} : memref<80x128xf32, #tpu.memory_space<vmem>>, vector<16xf32>,
          %broadcast_in_dim3A_462 = arith.constant 0.000000e+00 : f32
          %broadcast_in_dim3A_463 = vector.broadcast %broadcast_in_dim3A_462 : f32 to vector<16xf32>
          %mul3A_464 = arith.mulf %gather3A_412, %get3A_440 : vector<16xf32>
          %mul3A_465 = arith.mulf %gather3A_411, %get3A_416 : vector<16xf32>
          %sub3A_466 = arith.subf %mul3A_464, %mul3A_465 : vector<16xf32>
          %mul3A_467 = arith.mulf %sub3A_466, %sub3A_466 : vector<16xf32>
          %add3A_468 = arith.addf %broadcast_in_dim3A_463, %mul3A_467 : vector<16xf32>
          %mul3A_469 = arith.mulf %gather3A_412, %get3A_443 : vector<16xf32>
          %mul3A_470 = arith.mulf %gather3A_411, %get3A_419 : vector<16xf32>
          %sub3A_471 = arith.subf %mul3A_469, %mul3A_470 : vector<16xf32>
          %mul3A_472 = arith.mulf %sub3A_471, %sub3A_471 : vector<16xf32>
          %add3A_473 = arith.addf %add3A_468, %mul3A_472 : vector<16xf32>
          %mul3A_474 = arith.mulf %gather3A_412, %get3A_446 : vector<16xf32>
          %mul3A_475 = arith.mulf %gather3A_411, %get3A_422 : vector<16xf32>
          %sub3A_476 = arith.subf %mul3A_474, %mul3A_475 : vector<16xf32>
          %mul3A_477 = arith.mulf %sub3A_476, %sub3A_476 : vector<16xf32>
          %add3A_478 = arith.addf %add3A_473, %mul3A_477 : vector<16xf32>
          %mul3A_479 = arith.mulf %gather3A_412, %get3A_449 : vector<16xf32>
          %mul3A_480 = arith.mulf %gather3A_411, %get3A_425 : vector<16xf32>
          %sub3A_481 = arith.subf %mul3A_479, %mul3A_480 : vector<16xf32>
          %mul3A_482 = arith.mulf %sub3A_481, %sub3A_481 : vector<16xf32>
          %add3A_483 = arith.addf %add3A_478, %mul3A_482 : vector<16xf32>
          %mul3A_484 = arith.mulf %gather3A_412, %get3A_452 : vector<16xf32>
          %mul3A_485 = arith.mulf %gather3A_411, %get3A_428 : vector<16xf32>
          %sub3A_486 = arith.subf %mul3A_484, %mul3A_485 : vector<16xf32>
          %mul3A_487 = arith.mulf %sub3A_486, %sub3A_486 : vector<16xf32>
          %add3A_488 = arith.addf %add3A_483, %mul3A_487 : vector<16xf32>
          %mul3A_489 = arith.mulf %gather3A_412, %get3A_455 : vector<16xf32>
          %mul3A_490 = arith.mulf %gather3A_411, %get3A_431 : vector<16xf32>
          %sub3A_491 = arith.subf %mul3A_489, %mul3A_490 : vector<16xf32>
          %mul3A_492 = arith.mulf %sub3A_491, %sub3A_491 : vector<16xf32>
          %add3A_493 = arith.addf %add3A_488, %mul3A_492 : vector<16xf32>
          %mul3A_494 = arith.mulf %gather3A_412, %get3A_458 : vector<16xf32>
          %mul3A_495 = arith.mulf %gather3A_411, %get3A_434 : vector<16xf32>
          %sub3A_496 = arith.subf %mul3A_494, %mul3A_495 : vector<16xf32>
          %mul3A_497 = arith.mulf %sub3A_496, %sub3A_496 : vector<16xf32>
          %add3A_498 = arith.addf %add3A_493, %mul3A_497 : vector<16xf32>
          %mul3A_499 = arith.mulf %gather3A_412, %get3A_461 : vector<16xf32>
          %mul3A_500 = arith.mulf %gather3A_411, %get3A_437 : vector<16xf32>
          %sub3A_501 = arith.subf %mul3A_499, %mul3A_500 : vector<16xf32>
          %mul3A_502 = arith.mulf %sub3A_501, %sub3A_501 : vector<16xf32>
          %add3A_503 = arith.addf %add3A_498, %mul3A_502 : vector<16xf32>
          %reduce_sum3A = arith.constant true
          %reduce_sum3A_504 = vector.broadcast %reduce_sum3A : i1 to vector<16xi1>
          %reduce_sum3A_505 = tpu.scan <sum>, %add3A_503 masked %reduce_sum3A_504 : vector<16xf32>, vector<16xi1> -> vector<16xf32>
          %reduce_sum3A_506 = vector.extract %reduce_sum3A_505[15] : f32 from vector<16xf32>
          %broadcast_in_dim3A_507 = vector.broadcast %reduce_sum3A_506 : f32 to vector<16xf32>
          %max3A = arith.constant 9.99999968E-21 : f32
          %max3A_508 = vector.broadcast %max3A : f32 to vector<16xf32>
          %max3A_509 = arith.maximumf %broadcast_in_dim3A_507, %max3A_508 : vector<16xf32>
          %bitcast_convert_type3A = tpu.bitcast %max3A_509 : vector<16xf32> -> vector<16xi32>
          %shift_right_arithmetic3A = arith.constant 1 : i32
          %shift_right_arithmetic3A_510 = vector.broadcast %shift_right_arithmetic3A : i32 to vector<16xi32>
          %shift_right_arithmetic3A_511 = arith.shrsi %bitcast_convert_type3A, %shift_right_arithmetic3A_510 : vector<16xi32>
          %sub3A_512 = arith.constant 1597463007 : i32
          %sub3A_513 = vector.broadcast %sub3A_512 : i32 to vector<16xi32>
          %sub3A_514 = arith.subi %sub3A_513, %shift_right_arithmetic3A_511 : vector<16xi32>
          %bitcast_convert_type3A_515 = tpu.bitcast %sub3A_514 : vector<16xi32> -> vector<16xf32>
          %mul3A_516 = arith.constant 5.000000e-01 : f32
          %mul3A_517 = vector.broadcast %mul3A_516 : f32 to vector<16xf32>
          %mul3A_518 = arith.mulf %mul3A_517, %max3A_509 : vector<16xf32>
          %mul3A_519 = arith.mulf %mul3A_518, %bitcast_convert_type3A_515 : vector<16xf32>
          %mul3A_520 = arith.mulf %mul3A_519, %bitcast_convert_type3A_515 : vector<16xf32>
          %sub3A_521 = arith.constant 1.500000e+00 : f32
          %sub3A_522 = vector.broadcast %sub3A_521 : f32 to vector<16xf32>
          %sub3A_523 = arith.subf %sub3A_522, %mul3A_520 : vector<16xf32>
          %mul3A_524 = arith.mulf %bitcast_convert_type3A_515, %sub3A_523 : vector<16xf32>
          %mul3A_525 = arith.constant 5.000000e-01 : f32
          %mul3A_526 = vector.broadcast %mul3A_525 : f32 to vector<16xf32>
          %mul3A_527 = arith.mulf %mul3A_526, %max3A_509 : vector<16xf32>
          %mul3A_528 = arith.mulf %mul3A_527, %mul3A_524 : vector<16xf32>
          %mul3A_529 = arith.mulf %mul3A_528, %mul3A_524 : vector<16xf32>
          %sub3A_530 = arith.constant 1.500000e+00 : f32
          %sub3A_531 = vector.broadcast %sub3A_530 : f32 to vector<16xf32>
          %sub3A_532 = arith.subf %sub3A_531, %mul3A_529 : vector<16xf32>
          %mul3A_533 = arith.mulf %mul3A_524, %sub3A_532 : vector<16xf32>
          %mul3A_534 = arith.constant 5.000000e-01 : f32
          %mul3A_535 = vector.broadcast %mul3A_534 : f32 to vector<16xf32>
          %mul3A_536 = arith.mulf %mul3A_535, %max3A_509 : vector<16xf32>
          %mul3A_537 = arith.mulf %mul3A_536, %mul3A_533 : vector<16xf32>
          %mul3A_538 = arith.mulf %mul3A_537, %mul3A_533 : vector<16xf32>
          %sub3A_539 = arith.constant 1.500000e+00 : f32
          %sub3A_540 = vector.broadcast %sub3A_539 : f32 to vector<16xf32>
          %sub3A_541 = arith.subf %sub3A_540, %mul3A_538 : vector<16xf32>
          %mul3A_542 = arith.mulf %mul3A_533, %sub3A_541 : vector<16xf32>
          %mul3A_543 = arith.mulf %max3A_509, %mul3A_542 : vector<16xf32>
          %add3A_544 = arith.constant 9.99999974E-6 : f32
          %add3A_545 = vector.broadcast %add3A_544 : f32 to vector<16xf32>
          %add3A_546 = arith.addf %mul3A_543, %add3A_545 : vector<16xf32>
          %mul3A_547 = arith.constant 5.000000e-01 : f32
          %mul3A_548 = vector.broadcast %mul3A_547 : f32 to vector<16xf32>
          %mul3A_549 = arith.mulf %mul3A_548, %gather3A_413 : vector<16xf32>
          %div3A = arith.divf %mul3A_549, %add3A_546 : vector<16xf32>
          %mul3A_550 = arith.mulf %gather3A_411, %gather3A_412 : vector<16xf32>
          %sub3A_551 = arith.constant 1.000000e+00 : f32
          %sub3A_552 = vector.broadcast %sub3A_551 : f32 to vector<16xf32>
          %sub3A_553 = arith.subf %sub3A_552, %div3A : vector<16xf32>
          %mul3A_554 = arith.mulf %mul3A_550, %sub3A_553 : vector<16xf32>
          %mul3A_555 = arith.mulf %gather3A_411, %gather3A_411 : vector<16xf32>
          %mul3A_556 = arith.mulf %mul3A_555, %div3A : vector<16xf32>
          %mul3A_557 = arith.mulf %mul3A_554, %get3A_416 : vector<16xf32>
          %mul3A_558 = arith.mulf %mul3A_556, %get3A_440 : vector<16xf32>
          %add3A_559 = arith.addf %mul3A_557, %mul3A_558 : vector<16xf32>
          %swap3A_560 = arith.index_cast %add3A_410 : i32 to index
          %swap3A_561 = arith.constant 0 : index
          %swap3A_562 = tpu.vector_load %arg16[%swap3A_560, %swap3A_561] {strides = array<i32>} : memref<80x128xf32, #tpu.memory_space<vmem>>, vector<16xf32>,
          tpu.vector_store %arg16[%swap3A_560, %swap3A_561], %add3A_559 {strides = array<i32>} : memref<80x128xf32, #tpu.memory_space<vmem>>, vector<16xf32>,
          %mul3A_563 = arith.mulf %mul3A_554, %get3A_419 : vector<16xf32>
          %mul3A_564 = arith.mulf %mul3A_556, %get3A_443 : vector<16xf32>
          %add3A_565 = arith.addf %mul3A_563, %mul3A_564 : vector<16xf32>
          %swap3A_566 = arith.index_cast %add3A_410 : i32 to index
          %swap3A_567 = arith.constant 16 : index
          %swap3A_568 = tpu.vector_load %arg16[%swap3A_566, %swap3A_567] {strides = array<i32>} : memref<80x128xf32, #tpu.memory_space<vmem>>, vector<16xf32>,
          tpu.vector_store %arg16[%swap3A_566, %swap3A_567], %add3A_565 {strides = array<i32>} : memref<80x128xf32, #tpu.memory_space<vmem>>, vector<16xf32>,
          %mul3A_569 = arith.mulf %mul3A_554, %get3A_422 : vector<16xf32>
          %mul3A_570 = arith.mulf %mul3A_556, %get3A_446 : vector<16xf32>
          %add3A_571 = arith.addf %mul3A_569, %mul3A_570 : vector<16xf32>
          %swap3A_572 = arith.index_cast %add3A_410 : i32 to index
          %swap3A_573 = arith.constant 32 : index
          %swap3A_574 = tpu.vector_load %arg16[%swap3A_572, %swap3A_573] {strides = array<i32>} : memref<80x128xf32, #tpu.memory_space<vmem>>, vector<16xf32>,
          tpu.vector_store %arg16[%swap3A_572, %swap3A_573], %add3A_571 {strides = array<i32>} : memref<80x128xf32, #tpu.memory_space<vmem>>, vector<16xf32>,
          %mul3A_575 = arith.mulf %mul3A_554, %get3A_425 : vector<16xf32>
          %mul3A_576 = arith.mulf %mul3A_556, %get3A_449 : vector<16xf32>
          %add3A_577 = arith.addf %mul3A_575, %mul3A_576 : vector<16xf32>
          %swap3A_578 = arith.index_cast %add3A_410 : i32 to index
          %swap3A_579 = arith.constant 48 : index
          %swap3A_580 = tpu.vector_load %arg16[%swap3A_578, %swap3A_579] {strides = array<i32>} : memref<80x128xf32, #tpu.memory_space<vmem>>, vector<16xf32>,
          tpu.vector_store %arg16[%swap3A_578, %swap3A_579], %add3A_577 {strides = array<i32>} : memref<80x128xf32, #tpu.memory_space<vmem>>, vector<16xf32>,
          %mul3A_581 = arith.mulf %mul3A_554, %get3A_428 : vector<16xf32>
          %mul3A_582 = arith.mulf %mul3A_556, %get3A_452 : vector<16xf32>
          %add3A_583 = arith.addf %mul3A_581, %mul3A_582 : vector<16xf32>
          %swap3A_584 = arith.index_cast %add3A_410 : i32 to index
          %swap3A_585 = arith.constant 64 : index
          %swap3A_586 = tpu.vector_load %arg16[%swap3A_584, %swap3A_585] {strides = array<i32>} : memref<80x128xf32, #tpu.memory_space<vmem>>, vector<16xf32>,
          tpu.vector_store %arg16[%swap3A_584, %swap3A_585], %add3A_583 {strides = array<i32>} : memref<80x128xf32, #tpu.memory_space<vmem>>, vector<16xf32>,
          %mul3A_587 = arith.mulf %mul3A_554, %get3A_431 : vector<16xf32>
          %mul3A_588 = arith.mulf %mul3A_556, %get3A_455 : vector<16xf32>
          %add3A_589 = arith.addf %mul3A_587, %mul3A_588 : vector<16xf32>
          %swap3A_590 = arith.index_cast %add3A_410 : i32 to index
          %swap3A_591 = arith.constant 80 : index
          %swap3A_592 = tpu.vector_load %arg16[%swap3A_590, %swap3A_591] {strides = array<i32>} : memref<80x128xf32, #tpu.memory_space<vmem>>, vector<16xf32>,
          tpu.vector_store %arg16[%swap3A_590, %swap3A_591], %add3A_589 {strides = array<i32>} : memref<80x128xf32, #tpu.memory_space<vmem>>, vector<16xf32>,
          %mul3A_593 = arith.mulf %mul3A_554, %get3A_434 : vector<16xf32>
          %mul3A_594 = arith.mulf %mul3A_556, %get3A_458 : vector<16xf32>
          %add3A_595 = arith.addf %mul3A_593, %mul3A_594 : vector<16xf32>
          %swap3A_596 = arith.index_cast %add3A_410 : i32 to index
          %swap3A_597 = arith.constant 96 : index
          %swap3A_598 = tpu.vector_load %arg16[%swap3A_596, %swap3A_597] {strides = array<i32>} : memref<80x128xf32, #tpu.memory_space<vmem>>, vector<16xf32>,
          tpu.vector_store %arg16[%swap3A_596, %swap3A_597], %add3A_595 {strides = array<i32>} : memref<80x128xf32, #tpu.memory_space<vmem>>, vector<16xf32>,
          %mul3A_599 = arith.mulf %mul3A_554, %get3A_437 : vector<16xf32>
          %mul3A_600 = arith.mulf %mul3A_556, %get3A_461 : vector<16xf32>
          %add3A_601 = arith.addf %mul3A_599, %mul3A_600 : vector<16xf32>
          %swap3A_602 = arith.index_cast %add3A_410 : i32 to index
          %swap3A_603 = arith.constant 112 : index
          %swap3A_604 = tpu.vector_load %arg16[%swap3A_602, %swap3A_603] {strides = array<i32>} : memref<80x128xf32, #tpu.memory_space<vmem>>, vector<16xf32>,
          tpu.vector_store %arg16[%swap3A_602, %swap3A_603], %add3A_601 {strides = array<i32>} : memref<80x128xf32, #tpu.memory_space<vmem>>, vector<16xf32>,
        }
        %scan3A_396 = arith.constant 80 : i32
        %dma_start3A_397 = arith.constant 0 : i32
        %dma_start3A_398 = arith.constant 0 : i32
        %dma_start3A_399 = tpu.memref_slice %arg8[%dma_start3A_397, %dma_start3A_398] : memref<10000x128xf32, #tpu.memory_space<vmem_shared>> -> memref<10000x128xf32, #tpu.memory_space<vmem_shared>>
        tpu.enqueue_indirect_dma source(%arg16 : memref<80x128xf32, #tpu.memory_space<vmem>>) target(%dma_start3A_399 : memref<10000x128xf32, #tpu.memory_space<vmem_shared>>) offsets(%arg11 : memref<80xi32, #tpu.memory_space<vmem>>) semaphore(%arg21 : memref<!tpu.dma_semaphore, #tpu.memory_space<semaphore_mem>>) {add = true}
        %dma_wait3A_400 = arith.constant 0 : i32
        %dma_wait3A_401 = arith.constant 0 : i32
        %dma_wait3A_402 = tpu.memref_slice %arg8[%dma_wait3A_400, %dma_wait3A_401] : memref<10000x128xf32, #tpu.memory_space<vmem_shared>> -> memref<10000x128xf32, #tpu.memory_space<vmem_shared>>
        tpu.wait_indirect_dma semaphore(%arg21 : memref<!tpu.dma_semaphore, #tpu.memory_space<semaphore_mem>>) src(%arg16 : memref<80x128xf32, #tpu.memory_space<vmem>>) dst(%dma_wait3A_402 : memref<10000x128xf32, #tpu.memory_space<vmem_shared>>)
        %dma_wait3A_403 = arith.constant 0 : i32
        %dma_wait3A_404 = arith.constant 0 : i32
        %dma_wait3A_405 = tpu.memref_slice %arg8[%dma_wait3A_403, %dma_wait3A_404] : memref<10000x128xf32, #tpu.memory_space<vmem_shared>> -> memref<10000x128xf32, #tpu.memory_space<vmem_shared>>
        tpu.wait_indirect_dma semaphore(%arg22 : memref<!tpu.dma_semaphore, #tpu.memory_space<semaphore_mem>>) src(%arg18 : memref<80x128xf32, #tpu.memory_space<vmem>>) dst(%dma_wait3A_405 : memref<10000x128xf32, #tpu.memory_space<vmem_shared>>)
      } else {
      }
    }
    %scan3A_44 = arith.constant 62 : i32
    %barrier3A_45 = arith.constant 0 : index
    tpu.barrier barrier_id(%barrier3A_45)
    %mul3A_46 = arith.constant 624 : i32
    %mul3A_47 = arith.muli %arg1, %mul3A_46 : i32
    %mul3A_48 = arith.constant 624 : i32
    %mul3A_49 = arith.muli %arg1, %mul3A_48 : i32
    "tpu.region"() ({
      %run_scoped3A = tpu.sem_alloc : memref<!tpu.dma_semaphore, #tpu.memory_space<semaphore_mem>>
      %dma_start3A = arith.constant 0 : i32
      %dma_start3A_55 = tpu.memref_slice %arg7[%arg0, %mul3A_49, %dma_start3A] : memref<2x10000x128xf32, #tpu.memory_space<hbm>> -> memref<1x624x128xf32, #tpu.memory_space<hbm>>
      %dma_start3A_56 = tpu.memref_squeeze %dma_start3A_55 : memref<1x624x128xf32, #tpu.memory_space<hbm>> -> memref<624x128xf32, #tpu.memory_space<hbm>>
      %dma_start3A_57 = arith.constant 0 : i32
      %dma_start3A_58 = tpu.memref_slice %arg8[%mul3A_47, %dma_start3A_57] : memref<10000x128xf32, #tpu.memory_space<vmem_shared>> -> memref<624x128xf32, #tpu.memory_space<vmem_shared>>
      tpu.enqueue_dma source(%dma_start3A_58 : memref<624x128xf32, #tpu.memory_space<vmem_shared>>) target(%dma_start3A_56 : memref<624x128xf32, #tpu.memory_space<hbm>>) target_semaphore(%run_scoped3A : memref<!tpu.dma_semaphore, #tpu.memory_space<semaphore_mem>>)
      %dma_wait3A = arith.constant 0 : i32
      %dma_wait3A_59 = tpu.memref_slice %arg7[%arg0, %mul3A_49, %dma_wait3A] : memref<2x10000x128xf32, #tpu.memory_space<hbm>> -> memref<1x624x128xf32, #tpu.memory_space<hbm>>
      %dma_wait3A_60 = tpu.memref_squeeze %dma_wait3A_59 : memref<1x624x128xf32, #tpu.memory_space<hbm>> -> memref<624x128xf32, #tpu.memory_space<hbm>>
      %dma_wait3A_61 = arith.constant 0 : i32
      %dma_wait3A_62 = tpu.memref_slice %arg8[%mul3A_47, %dma_wait3A_61] : memref<10000x128xf32, #tpu.memory_space<vmem_shared>> -> memref<624x128xf32, #tpu.memory_space<vmem_shared>>
      tpu.wait_dma2 semaphore(%run_scoped3A : memref<!tpu.dma_semaphore, #tpu.memory_space<semaphore_mem>>) src(%dma_wait3A_62 : memref<624x128xf32, #tpu.memory_space<vmem_shared>>) dst(%dma_wait3A_60 : memref<624x128xf32, #tpu.memory_space<hbm>>)
      tpu.yield
    }) : () -> ()
    %eq3A_50 = arith.constant 15 : i32
    %eq3A_51 = arith.cmpi eq, %arg1, %eq3A_50 : i32
    %convert_element_type3A_52 = arith.extui %eq3A_51 : i1 to i32
    %cond3A_53 = arith.constant 0 : i32
    %cond3A_54 = arith.cmpi ne, %convert_element_type3A_52, %cond3A_53 : i32
    scf.if %cond3A_54 {
      "tpu.region"() ({
        %run_scoped3A = tpu.sem_alloc : memref<!tpu.dma_semaphore, #tpu.memory_space<semaphore_mem>>
        %dma_start3A = arith.constant 9984 : i32
        %dma_start3A_55 = arith.constant 0 : i32
        %dma_start3A_56 = tpu.memref_slice %arg7[%arg0, %dma_start3A, %dma_start3A_55] : memref<2x10000x128xf32, #tpu.memory_space<hbm>> -> memref<1x16x128xf32, #tpu.memory_space<hbm>>
        %dma_start3A_57 = tpu.memref_squeeze %dma_start3A_56 : memref<1x16x128xf32, #tpu.memory_space<hbm>> -> memref<16x128xf32, #tpu.memory_space<hbm>>
        %dma_start3A_58 = arith.constant 9984 : i32
        %dma_start3A_59 = arith.constant 0 : i32
        %dma_start3A_60 = tpu.memref_slice %arg8[%dma_start3A_58, %dma_start3A_59] : memref<10000x128xf32, #tpu.memory_space<vmem_shared>> -> memref<16x128xf32, #tpu.memory_space<vmem_shared>>
        tpu.enqueue_dma source(%dma_start3A_60 : memref<16x128xf32, #tpu.memory_space<vmem_shared>>) target(%dma_start3A_57 : memref<16x128xf32, #tpu.memory_space<hbm>>) target_semaphore(%run_scoped3A : memref<!tpu.dma_semaphore, #tpu.memory_space<semaphore_mem>>)
        %dma_wait3A = arith.constant 9984 : i32
        %dma_wait3A_61 = arith.constant 0 : i32
        %dma_wait3A_62 = tpu.memref_slice %arg7[%arg0, %dma_wait3A, %dma_wait3A_61] : memref<2x10000x128xf32, #tpu.memory_space<hbm>> -> memref<1x16x128xf32, #tpu.memory_space<hbm>>
        %dma_wait3A_63 = tpu.memref_squeeze %dma_wait3A_62 : memref<1x16x128xf32, #tpu.memory_space<hbm>> -> memref<16x128xf32, #tpu.memory_space<hbm>>
        %dma_wait3A_64 = arith.constant 9984 : i32
        %dma_wait3A_65 = arith.constant 0 : i32
        %dma_wait3A_66 = tpu.memref_slice %arg8[%dma_wait3A_64, %dma_wait3A_65] : memref<10000x128xf32, #tpu.memory_space<vmem_shared>> -> memref<16x128xf32, #tpu.memory_space<vmem_shared>>
        tpu.wait_dma2 semaphore(%run_scoped3A : memref<!tpu.dma_semaphore, #tpu.memory_space<semaphore_mem>>) src(%dma_wait3A_66 : memref<16x128xf32, #tpu.memory_space<vmem_shared>>) dst(%dma_wait3A_63 : memref<16x128xf32, #tpu.memory_space<hbm>>)
        tpu.yield
      }) : () -> ()
    } else {
    }
    return
  }
}

module attributes {stable_mosaic.version = 14 : i64} {
  func.func @_k1_body(%arg0: i32, %arg1: memref<2000x128xf32, #tpu.memory_space<vmem>>, %arg2: memref<128x128xf32, #tpu.memory_space<vmem>>, %arg3: memref<1x128xf32, #tpu.memory_space<vmem>>, %arg4: memref<5x2000xf32, #tpu.memory_space<vmem>>, %arg5: memref<5x2000xf32, #tpu.memory_space<vmem>>, %arg6: memref<2000x128xf32, #tpu.memory_space<vmem>>, %arg7: memref<5x2000xf32, #tpu.memory_space<vmem>>) attributes {dimension_semantics = [#tpu.dimension_semantics<arbitrary>], iteration_bounds = array<i64: 5>, scalar_prefetch = 0 : i64, scratch_operands = 0 : i64, tpu.core_type = #tpu.core_type<tc>, window_params = [{transform_indices = @transform_0, window_bounds = array<i64: 2000, 128>}, {pipeline_mode = #tpu.pipeline_mode<synchronous>, transform_indices = @transform_1, window_bounds = array<i64: 128, 128>}, {pipeline_mode = #tpu.pipeline_mode<synchronous>, transform_indices = @transform_2, window_bounds = array<i64: 1, 128>}, {pipeline_mode = #tpu.pipeline_mode<synchronous>, transform_indices = @transform_3, window_bounds = array<i64: 5, 2000>}, {pipeline_mode = #tpu.pipeline_mode<synchronous>, transform_indices = @transform_4, window_bounds = array<i64: 5, 2000>}, {transform_indices = @transform_5, window_bounds = array<i64: 2000, 128>}, {pipeline_mode = #tpu.pipeline_mode<synchronous>, transform_indices = @transform_6, window_bounds = array<i64: 5, 2000>}]} {
    %get3A = arith.constant 0 : index
    %get3A_0 = arith.constant 0 : index
    %get3A_1 = vector.load %arg1[%get3A, %get3A_0] : memref<2000x128xf32, #tpu.memory_space<vmem>>, vector<2000x128xf32>
    %get3A_2 = arith.constant 0 : index
    %get3A_3 = arith.constant 0 : index
    %get3A_4 = vector.load %arg2[%get3A_2, %get3A_3] : memref<128x128xf32, #tpu.memory_space<vmem>>, vector<128x128xf32>
    %dot_general3A = arith.constant dense<0.000000e+00> : vector<2000x128xf32>
    %dot_general3A_5 = tpu.matmul %get3A_1, %get3A_4, %dot_general3A {dimension_numbers = #tpu.dot_dimension_numbers<[1], [0], [0], [1], [0, 0, 1, 1], [], []>, transpose_lhs_hint = false} : vector<2000x128xf32>, vector<128x128xf32>, vector<2000x128xf32> -> vector<2000x128xf32>
    %get3A_6 = arith.constant 0 : index
    %get3A_7 = arith.constant 0 : index
    %get3A_8 = vector.load %arg3[%get3A_6, %get3A_7] : memref<1x128xf32, #tpu.memory_space<vmem>>, vector<1x128xf32>
    %add3A = vector.broadcast %get3A_8 : vector<1x128xf32> to vector<2000x128xf32>
    %add3A_9 = arith.addf %dot_general3A_5, %add3A : vector<2000x128xf32>
    %swap3A = arith.constant 0 : index
    %swap3A_10 = arith.constant 0 : index
    %swap3A_11 = vector.load %arg6[%swap3A, %swap3A_10] : memref<2000x128xf32, #tpu.memory_space<vmem>>, vector<2000x128xf32>
    tpu.vector_store %arg6[%swap3A, %swap3A_10], %add3A_9 {strides = array<i32>} : memref<2000x128xf32, #tpu.memory_space<vmem>>, vector<2000x128xf32>,
    %get3A_12 = arith.constant 0 : index
    %get3A_13 = arith.constant 0 : index
    %get3A_14 = vector.load %arg4[%get3A_12, %get3A_13] : memref<5x2000xf32, #tpu.memory_space<vmem>>, vector<5x2000xf32>
    %get3A_15 = arith.constant 0 : index
    %get3A_16 = arith.constant 0 : index
    %get3A_17 = vector.load %arg5[%get3A_15, %get3A_16] : memref<5x2000xf32, #tpu.memory_space<vmem>>, vector<5x2000xf32>
    %add3A_18 = arith.addf %get3A_14, %get3A_17 : vector<5x2000xf32>
    %gt3A = arith.constant 0.000000e+00 : f32
    %gt3A_19 = vector.broadcast %gt3A : f32 to vector<5x2000xf32>
    %gt3A_20 = arith.cmpf ogt, %add3A_18, %gt3A_19 : vector<5x2000xf32>
    %max3A = arith.constant 1.000000e+00 : f32
    %max3A_21 = vector.broadcast %max3A : f32 to vector<5x2000xf32>
    %max3A_22 = arith.maximumf %add3A_18, %max3A_21 : vector<5x2000xf32>
    %rsqrt3A = math.rsqrt %max3A_22 : vector<5x2000xf32>
    %jit3A = arith.constant 0.000000e+00 : f32
    %broadcast_in_dim3A = vector.broadcast %jit3A : f32 to vector<5x2000xf32>
    %select_n3A = arith.select %gt3A_20, %rsqrt3A, %broadcast_in_dim3A : vector<5x2000xi1>, vector<5x2000xf32>
    %swap3A_23 = arith.constant 0 : index
    %swap3A_24 = arith.constant 0 : index
    %swap3A_25 = vector.load %arg7[%swap3A_23, %swap3A_24] : memref<5x2000xf32, #tpu.memory_space<vmem>>, vector<5x2000xf32>
    tpu.vector_store %arg7[%swap3A_23, %swap3A_24], %select_n3A {strides = array<i32>} : memref<5x2000xf32, #tpu.memory_space<vmem>>, vector<5x2000xf32>,
    return
  }
  func.func @transform_0(%arg0: i32) -> (i32, i32) {
    %c0_i32 = arith.constant 0 : i32
    %c0_i32_0 = arith.constant 0 : i32
    return %arg0, %c0_i32 : i32, i32
  }
  func.func @transform_1(%arg0: i32) -> (i32, i32) {
    %c0_i32 = arith.constant 0 : i32
    %c0_i32_0 = arith.constant 0 : i32
    %c0_i32_1 = arith.constant 0 : i32
    return %c0_i32, %c0_i32_0 : i32, i32
  }
  func.func @transform_2(%arg0: i32) -> (i32, i32) {
    %c0_i32 = arith.constant 0 : i32
    %c0_i32_0 = arith.constant 0 : i32
    %c0_i32_1 = arith.constant 0 : i32
    return %c0_i32, %c0_i32_0 : i32, i32
  }
  func.func @transform_3(%arg0: i32) -> (i32, i32) {
    %c0_i32 = arith.constant 0 : i32
    %c0_i32_0 = arith.constant 0 : i32
    %c0_i32_1 = arith.constant 0 : i32
    return %c0_i32, %c0_i32_0 : i32, i32
  }
  func.func @transform_4(%arg0: i32) -> (i32, i32) {
    %c0_i32 = arith.constant 0 : i32
    %c0_i32_0 = arith.constant 0 : i32
    %c0_i32_1 = arith.constant 0 : i32
    return %c0_i32, %c0_i32_0 : i32, i32
  }
  func.func @transform_5(%arg0: i32) -> (i32, i32) {
    %c0_i32 = arith.constant 0 : i32
    %c0_i32_0 = arith.constant 0 : i32
    return %arg0, %c0_i32 : i32, i32
  }
  func.func @transform_6(%arg0: i32) -> (i32, i32) {
    %c0_i32 = arith.constant 0 : i32
    %c0_i32_0 = arith.constant 0 : i32
    %c0_i32_1 = arith.constant 0 : i32
    return %c0_i32, %c0_i32_0 : i32, i32
  }
}

module attributes {stable_mosaic.version = 14 : i64} {
  func.func @_k2_body(%arg0: i32, %arg1: memref<2000x128xf32, #tpu.memory_space<vmem>>, %arg2: memref<128x128xf32, #tpu.memory_space<vmem>>, %arg3: memref<128x128xf32, #tpu.memory_space<vmem>>) attributes {dimension_semantics = [#tpu.dimension_semantics<arbitrary>], iteration_bounds = array<i64: 5>, scalar_prefetch = 0 : i64, scratch_operands = 1 : i64, tpu.core_type = #tpu.core_type<tc>, window_params = [{transform_indices = @transform_0, window_bounds = array<i64: 2000, 128>}, {pipeline_mode = #tpu.pipeline_mode<synchronous>, transform_indices = @transform_1, window_bounds = array<i64: 128, 128>}]} {
    %eq3A = arith.constant 0 : i32
    %eq3A_0 = arith.cmpi eq, %arg0, %eq3A : i32
    %convert_element_type3A = arith.extui %eq3A_0 : i1 to i32
    %cond3A = arith.constant 0 : i32
    %cond3A_1 = arith.cmpi ne, %convert_element_type3A, %cond3A : i32
    scf.if %cond3A_1 {
      %broadcast_in_dim3A = arith.constant 0.000000e+00 : f32
      %broadcast_in_dim3A_15 = vector.broadcast %broadcast_in_dim3A : f32 to vector<128x128xf32>
      %swap3A_16 = arith.constant 0 : index
      %swap3A_17 = arith.constant 0 : index
      %swap3A_18 = vector.load %arg3[%swap3A_16, %swap3A_17] : memref<128x128xf32, #tpu.memory_space<vmem>>, vector<128x128xf32>
      tpu.vector_store %arg3[%swap3A_16, %swap3A_17], %broadcast_in_dim3A_15 {strides = array<i32>} : memref<128x128xf32, #tpu.memory_space<vmem>>, vector<128x128xf32>,
    } else {
    }
    %get3A = arith.constant 0 : index
    %get3A_2 = arith.constant 0 : index
    %get3A_3 = vector.load %arg1[%get3A, %get3A_2] : memref<2000x128xf32, #tpu.memory_space<vmem>>, vector<2000x128xf32>
    %get3A_4 = arith.constant 0 : index
    %get3A_5 = arith.constant 0 : index
    %get3A_6 = vector.load %arg3[%get3A_4, %get3A_5] : memref<128x128xf32, #tpu.memory_space<vmem>>, vector<128x128xf32>
    %dot_general3A = arith.constant dense<0.000000e+00> : vector<128x128xf32>
    %dot_general3A_7 = tpu.matmul %get3A_3, %get3A_3, %dot_general3A {dimension_numbers = #tpu.dot_dimension_numbers<[0], [0], [1], [1], [0, 1, 1, 1], [], []>, transpose_lhs_hint = false} : vector<2000x128xf32>, vector<2000x128xf32>, vector<128x128xf32> -> vector<128x128xf32>
    %add3A = arith.addf %get3A_6, %dot_general3A_7 : vector<128x128xf32>
    %swap3A = arith.constant 0 : index
    %swap3A_8 = arith.constant 0 : index
    %swap3A_9 = vector.load %arg3[%swap3A, %swap3A_8] : memref<128x128xf32, #tpu.memory_space<vmem>>, vector<128x128xf32>
    tpu.vector_store %arg3[%swap3A, %swap3A_8], %add3A {strides = array<i32>} : memref<128x128xf32, #tpu.memory_space<vmem>>, vector<128x128xf32>,
    %eq3A_10 = arith.constant 4 : i32
    %eq3A_11 = arith.cmpi eq, %arg0, %eq3A_10 : i32
    %convert_element_type3A_12 = arith.extui %eq3A_11 : i1 to i32
    %cond3A_13 = arith.constant 0 : i32
    %cond3A_14 = arith.cmpi ne, %convert_element_type3A_12, %cond3A_13 : i32
    scf.if %cond3A_14 {
      %get3A_15 = arith.constant 0 : index
      %get3A_16 = arith.constant 0 : index
      %get3A_17 = vector.load %arg3[%get3A_15, %get3A_16] : memref<128x128xf32, #tpu.memory_space<vmem>>, vector<128x128xf32>
      %iota3A = tpu.iota {dimensions = array<i32: 0>} : vector<128x128xi32>
      %iota3A_18 = tpu.iota {dimensions = array<i32: 1>} : vector<128x128xi32>
      %eq3A_19 = arith.cmpi eq, %iota3A, %iota3A_18 : vector<128x128xi32>
      %jit3A = arith.constant 0.000000e+00 : f32
      %broadcast_in_dim3A = vector.broadcast %jit3A : f32 to vector<128x128xf32>
      %select_n3A = arith.select %eq3A_19, %get3A_17, %broadcast_in_dim3A : vector<128x128xi1>, vector<128x128xf32>
      %reduce_sum3A = arith.constant dense<0.000000e+00> : vector<128xf32>
      %reduce_sum3A_20 = vector.multi_reduction <add>, %select_n3A, %reduce_sum3A [1] : vector<128x128xf32> to vector<128xf32>
      %broadcast_in_dim3A_21 = vector.shape_cast %reduce_sum3A_20 : vector<128xf32> to vector<128x1xf32>
      %reduce_sum3A_22 = arith.constant dense<0.000000e+00> : vector<128xf32>
      %reduce_sum3A_23 = vector.multi_reduction <add>, %select_n3A, %reduce_sum3A_22 [0] : vector<128x128xf32> to vector<128xf32>
      %broadcast_in_dim3A_24 = vector.shape_cast %reduce_sum3A_23 : vector<128xf32> to vector<1x128xf32>
      %sqrt3A = math.sqrt %broadcast_in_dim3A_21 : vector<128x1xf32>
      %max3A = arith.constant 9.99999996E-13 : f32
      %max3A_25 = vector.broadcast %max3A : f32 to vector<128x1xf32>
      %max3A_26 = arith.maximumf %sqrt3A, %max3A_25 : vector<128x1xf32>
      %div3A = arith.constant 1.000000e+00 : f32
      %div3A_27 = vector.broadcast %div3A : f32 to vector<128x1xf32>
      %div3A_28 = arith.divf %div3A_27, %max3A_26 : vector<128x1xf32>
      %sqrt3A_29 = math.sqrt %broadcast_in_dim3A_24 : vector<1x128xf32>
      %max3A_30 = arith.constant 9.99999996E-13 : f32
      %max3A_31 = vector.broadcast %max3A_30 : f32 to vector<1x128xf32>
      %max3A_32 = arith.maximumf %sqrt3A_29, %max3A_31 : vector<1x128xf32>
      %div3A_33 = arith.constant 1.000000e+00 : f32
      %div3A_34 = vector.broadcast %div3A_33 : f32 to vector<1x128xf32>
      %div3A_35 = arith.divf %div3A_34, %max3A_32 : vector<1x128xf32>
      %mul3A = arith.mulf %div3A_28, %div3A_28 : vector<128x1xf32>
      %mul3A_36 = vector.broadcast %mul3A : vector<128x1xf32> to vector<128x128xf32>
      %mul3A_37 = arith.mulf %mul3A_36, %get3A_17 : vector<128x128xf32>
      %mul3A_38 = vector.broadcast %div3A_35 : vector<1x128xf32> to vector<128x128xf32>
      %mul3A_39 = arith.mulf %mul3A_37, %mul3A_38 : vector<128x128xf32>
      %swap3A_40 = arith.constant 0 : index
      %swap3A_41 = arith.constant 0 : index
      %swap3A_42 = vector.load %arg2[%swap3A_40, %swap3A_41] : memref<128x128xf32, #tpu.memory_space<vmem>>, vector<128x128xf32>
      tpu.vector_store %arg2[%swap3A_40, %swap3A_41], %mul3A_39 {strides = array<i32>} : memref<128x128xf32, #tpu.memory_space<vmem>>, vector<128x128xf32>,
    } else {
    }
    return
  }
  func.func @transform_0(%arg0: i32) -> (i32, i32) {
    %c0_i32 = arith.constant 0 : i32
    %c0_i32_0 = arith.constant 0 : i32
    return %arg0, %c0_i32 : i32, i32
  }
  func.func @transform_1(%arg0: i32) -> (i32, i32) {
    %c0_i32 = arith.constant 0 : i32
    %c0_i32_0 = arith.constant 0 : i32
    %c0_i32_1 = arith.constant 0 : i32
    return %c0_i32, %c0_i32_0 : i32, i32
  }
}

module attributes {stable_mosaic.version = 14 : i64} {
  func.func @_k3_body(%arg0: i32, %arg1: memref<2000x128xf32, #tpu.memory_space<vmem>>, %arg2: memref<2000x128xf32, #tpu.memory_space<vmem>>, %arg3: memref<128x128xf32, #tpu.memory_space<vmem>>, %arg4: memref<2x2000x128xf32, #tpu.memory_space<vmem>>, %arg5: memref<2000x128xf32, #tpu.memory_space<vmem>>) attributes {dimension_semantics = [#tpu.dimension_semantics<arbitrary>], iteration_bounds = array<i64: 5>, scalar_prefetch = 0 : i64, scratch_operands = 0 : i64, tpu.core_type = #tpu.core_type<tc>, window_params = [{transform_indices = @transform_0, window_bounds = array<i64: 2000, 128>}, {transform_indices = @transform_1, window_bounds = array<i64: 2000, 128>}, {pipeline_mode = #tpu.pipeline_mode<synchronous>, transform_indices = @transform_2, window_bounds = array<i64: 128, 128>}, {transform_indices = @transform_3, window_bounds = array<i64: 2, 2000, 128>}, {transform_indices = @transform_4, window_bounds = array<i64: 2000, 128>}]} {
    %get3A = arith.constant 0 : index
    %get3A_0 = arith.constant 0 : index
    %get3A_1 = vector.load %arg2[%get3A, %get3A_0] : memref<2000x128xf32, #tpu.memory_space<vmem>>, vector<2000x128xf32>
    %mul3A = arith.constant 1.000000e-01 : f32
    %mul3A_2 = vector.broadcast %mul3A : f32 to vector<2000x128xf32>
    %mul3A_3 = arith.mulf %mul3A_2, %get3A_1 : vector<2000x128xf32>
    %get3A_4 = arith.constant 0 : index
    %get3A_5 = arith.constant 0 : index
    %get3A_6 = vector.load %arg1[%get3A_4, %get3A_5] : memref<2000x128xf32, #tpu.memory_space<vmem>>, vector<2000x128xf32>
    %get3A_7 = arith.constant 0 : index
    %get3A_8 = arith.constant 0 : index
    %get3A_9 = vector.load %arg3[%get3A_7, %get3A_8] : memref<128x128xf32, #tpu.memory_space<vmem>>, vector<128x128xf32>
    %dot_general3A = arith.constant dense<0.000000e+00> : vector<2000x128xf32>
    %dot_general3A_10 = tpu.matmul %get3A_6, %get3A_9, %dot_general3A {dimension_numbers = #tpu.dot_dimension_numbers<[1], [0], [0], [1], [0, 0, 1, 1], [], []>, transpose_lhs_hint = false} : vector<2000x128xf32>, vector<128x128xf32>, vector<2000x128xf32> -> vector<2000x128xf32>
    %mul3A_11 = arith.constant 1.000000e-01 : f32
    %mul3A_12 = vector.broadcast %mul3A_11 : f32 to vector<2000x128xf32>
    %mul3A_13 = arith.mulf %mul3A_12, %dot_general3A_10 : vector<2000x128xf32>
    %sub3A = arith.subf %mul3A_3, %mul3A_13 : vector<2000x128xf32>
    %get3A_14 = arith.constant 0 : index
    %get3A_15 = arith.constant 0 : index
    %get3A_16 = arith.constant 0 : index
    %get3A_17 = vector.load %arg4[%get3A_14, %get3A_15, %get3A_16] : memref<2x2000x128xf32, #tpu.memory_space<vmem>>, vector<1x2000x128xf32>
    %get3A_18 = vector.shape_cast %get3A_17 : vector<1x2000x128xf32> to vector<2000x128xf32>
    %add3A = arith.addf %sub3A, %get3A_18 : vector<2000x128xf32>
    %get3A_19 = arith.constant 1 : index
    %get3A_20 = arith.constant 0 : index
    %get3A_21 = arith.constant 0 : index
    %get3A_22 = vector.load %arg4[%get3A_19, %get3A_20, %get3A_21] : memref<2x2000x128xf32, #tpu.memory_space<vmem>>, vector<1x2000x128xf32>
    %get3A_23 = vector.shape_cast %get3A_22 : vector<1x2000x128xf32> to vector<2000x128xf32>
    %add3A_24 = arith.addf %add3A, %get3A_23 : vector<2000x128xf32>
    %max3A = arith.constant 0.000000e+00 : f32
    %max3A_25 = vector.broadcast %max3A : f32 to vector<2000x128xf32>
    %max3A_26 = arith.maximumf %add3A_24, %max3A_25 : vector<2000x128xf32>
    %swap3A = arith.constant 0 : index
    %swap3A_27 = arith.constant 0 : index
    %swap3A_28 = vector.load %arg5[%swap3A, %swap3A_27] : memref<2000x128xf32, #tpu.memory_space<vmem>>, vector<2000x128xf32>
    tpu.vector_store %arg5[%swap3A, %swap3A_27], %max3A_26 {strides = array<i32>} : memref<2000x128xf32, #tpu.memory_space<vmem>>, vector<2000x128xf32>,
    return
  }
  func.func @transform_0(%arg0: i32) -> (i32, i32) {
    %c0_i32 = arith.constant 0 : i32
    %c0_i32_0 = arith.constant 0 : i32
    return %arg0, %c0_i32 : i32, i32
  }
  func.func @transform_1(%arg0: i32) -> (i32, i32) {
    %c0_i32 = arith.constant 0 : i32
    %c0_i32_0 = arith.constant 0 : i32
    return %arg0, %c0_i32 : i32, i32
  }
  func.func @transform_2(%arg0: i32) -> (i32, i32) {
    %c0_i32 = arith.constant 0 : i32
    %c0_i32_0 = arith.constant 0 : i32
    %c0_i32_1 = arith.constant 0 : i32
    return %c0_i32, %c0_i32_0 : i32, i32
  }
  func.func @transform_3(%arg0: i32) -> (i32, i32, i32) {
    %c0_i32 = arith.constant 0 : i32
    %c0_i32_0 = arith.constant 0 : i32
    %c0_i32_1 = arith.constant 0 : i32
    return %c0_i32, %arg0, %c0_i32_0 : i32, i32, i32
  }
  func.func @transform_4(%arg0: i32) -> (i32, i32) {
    %c0_i32 = arith.constant 0 : i32
    %c0_i32_0 = arith.constant 0 : i32
    return %arg0, %c0_i32 : i32, i32
  }
}

module attributes {stable_mosaic.version = 14 : i64} {
  func.func @_k3_body(%arg0: i32, %arg1: memref<2000x128xf32, #tpu.memory_space<vmem>>, %arg2: memref<2000x128xf32, #tpu.memory_space<vmem>>, %arg3: memref<128x128xf32, #tpu.memory_space<vmem>>, %arg4: memref<2x2000x128xf32, #tpu.memory_space<vmem>>, %arg5: memref<2000x128xf32, #tpu.memory_space<vmem>>) attributes {dimension_semantics = [#tpu.dimension_semantics<arbitrary>], iteration_bounds = array<i64: 5>, scalar_prefetch = 0 : i64, scratch_operands = 0 : i64, tpu.core_type = #tpu.core_type<tc>, window_params = [{transform_indices = @transform_0, window_bounds = array<i64: 2000, 128>}, {transform_indices = @transform_1, window_bounds = array<i64: 2000, 128>}, {pipeline_mode = #tpu.pipeline_mode<synchronous>, transform_indices = @transform_2, window_bounds = array<i64: 128, 128>}, {transform_indices = @transform_3, window_bounds = array<i64: 2, 2000, 128>}, {transform_indices = @transform_4, window_bounds = array<i64: 2000, 128>}]} {
    %get3A = arith.constant 0 : index
    %get3A_0 = arith.constant 0 : index
    %get3A_1 = vector.load %arg2[%get3A, %get3A_0] : memref<2000x128xf32, #tpu.memory_space<vmem>>, vector<2000x128xf32>
    %mul3A = arith.constant 1.000000e-01 : f32
    %mul3A_2 = vector.broadcast %mul3A : f32 to vector<2000x128xf32>
    %mul3A_3 = arith.mulf %mul3A_2, %get3A_1 : vector<2000x128xf32>
    %get3A_4 = arith.constant 0 : index
    %get3A_5 = arith.constant 0 : index
    %get3A_6 = vector.load %arg1[%get3A_4, %get3A_5] : memref<2000x128xf32, #tpu.memory_space<vmem>>, vector<2000x128xf32>
    %get3A_7 = arith.constant 0 : index
    %get3A_8 = arith.constant 0 : index
    %get3A_9 = vector.load %arg3[%get3A_7, %get3A_8] : memref<128x128xf32, #tpu.memory_space<vmem>>, vector<128x128xf32>
    %dot_general3A = arith.constant dense<0.000000e+00> : vector<2000x128xf32>
    %dot_general3A_10 = tpu.matmul %get3A_6, %get3A_9, %dot_general3A {dimension_numbers = #tpu.dot_dimension_numbers<[1], [0], [0], [1], [0, 0, 1, 1], [], []>, transpose_lhs_hint = false} : vector<2000x128xf32>, vector<128x128xf32>, vector<2000x128xf32> -> vector<2000x128xf32>
    %mul3A_11 = arith.constant 1.000000e-01 : f32
    %mul3A_12 = vector.broadcast %mul3A_11 : f32 to vector<2000x128xf32>
    %mul3A_13 = arith.mulf %mul3A_12, %dot_general3A_10 : vector<2000x128xf32>
    %sub3A = arith.subf %mul3A_3, %mul3A_13 : vector<2000x128xf32>
    %get3A_14 = arith.constant 0 : index
    %get3A_15 = arith.constant 0 : index
    %get3A_16 = arith.constant 0 : index
    %get3A_17 = vector.load %arg4[%get3A_14, %get3A_15, %get3A_16] : memref<2x2000x128xf32, #tpu.memory_space<vmem>>, vector<1x2000x128xf32>
    %get3A_18 = vector.shape_cast %get3A_17 : vector<1x2000x128xf32> to vector<2000x128xf32>
    %add3A = arith.addf %sub3A, %get3A_18 : vector<2000x128xf32>
    %get3A_19 = arith.constant 1 : index
    %get3A_20 = arith.constant 0 : index
    %get3A_21 = arith.constant 0 : index
    %get3A_22 = vector.load %arg4[%get3A_19, %get3A_20, %get3A_21] : memref<2x2000x128xf32, #tpu.memory_space<vmem>>, vector<1x2000x128xf32>
    %get3A_23 = vector.shape_cast %get3A_22 : vector<1x2000x128xf32> to vector<2000x128xf32>
    %add3A_24 = arith.addf %add3A, %get3A_23 : vector<2000x128xf32>
    %max3A = arith.constant 0.000000e+00 : f32
    %max3A_25 = vector.broadcast %max3A : f32 to vector<2000x128xf32>
    %max3A_26 = arith.maximumf %add3A_24, %max3A_25 : vector<2000x128xf32>
    %swap3A = arith.constant 0 : index
    %swap3A_27 = arith.constant 0 : index
    %swap3A_28 = vector.load %arg5[%swap3A, %swap3A_27] : memref<2000x128xf32, #tpu.memory_space<vmem>>, vector<2000x128xf32>
    tpu.vector_store %arg5[%swap3A, %swap3A_27], %max3A_26 {strides = array<i32>} : memref<2000x128xf32, #tpu.memory_space<vmem>>, vector<2000x128xf32>,
    return
  }
  func.func @transform_0(%arg0: i32) -> (i32, i32) {
    %c0_i32 = arith.constant 0 : i32
    %c0_i32_0 = arith.constant 0 : i32
    return %arg0, %c0_i32 : i32, i32
  }
  func.func @transform_1(%arg0: i32) -> (i32, i32) {
    %c0_i32 = arith.constant 0 : i32
    %c0_i32_0 = arith.constant 0 : i32
    return %arg0, %c0_i32 : i32, i32
  }
  func.func @transform_2(%arg0: i32) -> (i32, i32) {
    %c0_i32 = arith.constant 0 : i32
    %c0_i32_0 = arith.constant 0 : i32
    %c0_i32_1 = arith.constant 0 : i32
    return %c0_i32, %c0_i32_0 : i32, i32
  }
  func.func @transform_3(%arg0: i32) -> (i32, i32, i32) {
    %c0_i32 = arith.constant 0 : i32
    %c0_i32_0 = arith.constant 0 : i32
    %c0_i32_1 = arith.constant 0 : i32
    return %c0_i32, %arg0, %c0_i32_0 : i32, i32, i32
  }
  func.func @transform_4(%arg0: i32) -> (i32, i32) {
    %c0_i32 = arith.constant 0 : i32
    %c0_i32_0 = arith.constant 0 : i32
    return %arg0, %c0_i32 : i32, i32
  }
}

module attributes {stable_mosaic.version = 14 : i64} {
  func.func @_mm_body(%arg0: i32, %arg1: memref<2000x128xf32, #tpu.memory_space<vmem>>, %arg2: memref<128x128xf32, #tpu.memory_space<vmem>>, %arg3: memref<1x128xf32, #tpu.memory_space<vmem>>, %arg4: memref<2000x128xf32, #tpu.memory_space<vmem>>) attributes {dimension_semantics = [#tpu.dimension_semantics<arbitrary>], iteration_bounds = array<i64: 5>, scalar_prefetch = 0 : i64, scratch_operands = 0 : i64, tpu.core_type = #tpu.core_type<tc>, window_params = [{transform_indices = @transform_0, window_bounds = array<i64: 2000, 128>}, {pipeline_mode = #tpu.pipeline_mode<synchronous>, transform_indices = @transform_1, window_bounds = array<i64: 128, 128>}, {pipeline_mode = #tpu.pipeline_mode<synchronous>, transform_indices = @transform_2, window_bounds = array<i64: 1, 128>}, {transform_indices = @transform_3, window_bounds = array<i64: 2000, 128>}]} {
    %get3A = arith.constant 0 : index
    %get3A_0 = arith.constant 0 : index
    %get3A_1 = vector.load %arg1[%get3A, %get3A_0] : memref<2000x128xf32, #tpu.memory_space<vmem>>, vector<2000x128xf32>
    %get3A_2 = arith.constant 0 : index
    %get3A_3 = arith.constant 0 : index
    %get3A_4 = vector.load %arg2[%get3A_2, %get3A_3] : memref<128x128xf32, #tpu.memory_space<vmem>>, vector<128x128xf32>
    %dot_general3A = arith.constant dense<0.000000e+00> : vector<2000x128xf32>
    %dot_general3A_5 = tpu.matmul %get3A_1, %get3A_4, %dot_general3A {dimension_numbers = #tpu.dot_dimension_numbers<[1], [0], [0], [1], [0, 0, 1, 1], [], []>, transpose_lhs_hint = false} : vector<2000x128xf32>, vector<128x128xf32>, vector<2000x128xf32> -> vector<2000x128xf32>
    %get3A_6 = arith.constant 0 : index
    %get3A_7 = arith.constant 0 : index
    %get3A_8 = vector.load %arg3[%get3A_6, %get3A_7] : memref<1x128xf32, #tpu.memory_space<vmem>>, vector<1x128xf32>
    %add3A = vector.broadcast %get3A_8 : vector<1x128xf32> to vector<2000x128xf32>
    %add3A_9 = arith.addf %dot_general3A_5, %add3A : vector<2000x128xf32>
    %swap3A = arith.constant 0 : index
    %swap3A_10 = arith.constant 0 : index
    %swap3A_11 = vector.load %arg4[%swap3A, %swap3A_10] : memref<2000x128xf32, #tpu.memory_space<vmem>>, vector<2000x128xf32>
    tpu.vector_store %arg4[%swap3A, %swap3A_10], %add3A_9 {strides = array<i32>} : memref<2000x128xf32, #tpu.memory_space<vmem>>, vector<2000x128xf32>,
    return
  }
  func.func @transform_0(%arg0: i32) -> (i32, i32) {
    %c0_i32 = arith.constant 0 : i32
    %c0_i32_0 = arith.constant 0 : i32
    return %arg0, %c0_i32 : i32, i32
  }
  func.func @transform_1(%arg0: i32) -> (i32, i32) {
    %c0_i32 = arith.constant 0 : i32
    %c0_i32_0 = arith.constant 0 : i32
    %c0_i32_1 = arith.constant 0 : i32
    return %c0_i32, %c0_i32_0 : i32, i32
  }
  func.func @transform_2(%arg0: i32) -> (i32, i32) {
    %c0_i32 = arith.constant 0 : i32
    %c0_i32_0 = arith.constant 0 : i32
    %c0_i32_1 = arith.constant 0 : i32
    return %c0_i32, %c0_i32_0 : i32, i32
  }
  func.func @transform_3(%arg0: i32) -> (i32, i32) {
    %c0_i32 = arith.constant 0 : i32
    %c0_i32_0 = arith.constant 0 : i32
    return %arg0, %c0_i32 : i32, i32
  }
}

</mosaic_0001>

<sc_bundles>
// kernel: kernel.11.cloned.1.call-start
scs
__scs_entry_jumppad:
0x0: {  	(pc) =	sbr.rel $0x88, $3  }
0x1: {  	(tag) =	ssettag $0x0;
	lr =	simm.s32 $0x1  }
0x2: {  	[smem:$0x3F9A] =	sst lr;
	_ =	strace $0xD0000000  }
0x3: {  	_ = 	snop  }
0x4: {  	_ = 	snop  }
0x5: {  	_ = 	snop  }
0x6: {  	_ = 	snop  }
0x7: {  	_ = 	snop  }
__scs_overlays_trampoline_lowered:
0x8: {  	[smem:$0x3FA9] =	sst s0  }
0x9: {  	[smem:$0x3FAA] =	sst s1  }
0xa: {  	[smem:$0x3FAB] =	sst s2  }
0xb: {  	[smem:$0x3FAC] =	sst s3  }
0xc: {  	[smem:$0x3FAD] =	sst s4  }
0xd: {  	[smem:$0x3FAE] =	sst s5  }
0xe: {  	[smem:$0x3FAF] =	sst s6  }
0xf: {  	[smem:$0x3FB0] =	sst s7  }
0x10: {  	[smem:$0x3FB1] =	sst s8  }
0x11: {  	[smem:$0x3FB2] =	sst s9;
	s0 =	simm.s32 @!p0 $0x0  }
0x12: {  	s1 =	sld [smem:$0x3F98];
	s0 =	simm.s32 @p0 $0x1  }
0x13: {  	[smem:$0x3FB3] =	sst s0;
	s0 =	simm.s32 @!p1 $0x0  }
0x14: {  	s2 =	sld [smem:$0x3F97];
	s0 =	simm.s32 @p1 $0x1  }
0x15: {  	[smem:$0x3FB4] =	sst s0;
	s0 =	simm.s32 @!p2 $0x0  }
0x16: {  	s3 =	sld [smem:$0x3FDB];
	s0 =	simm.s32 @p2 $0x1  }
0x17: {  	s4 =	simm.s32 $0x1BF5;
	[smem:$0x3FB6] =	sst s0  }
0x18: {  	s0 =	sld [smem:$0x3F99];
	_ =	swait.ge [sflag:s4], $0x0  }
0x19: {  	s7 =	sld [smem:$0x3F9A]  }
0x1a: {  	s8 =	sadd.s32 $0xFFFFE003, lr  }
0x1b: {  	s9 =	sadd.s32 $0xFFFFFEF7, lr;
	s5 =	simm.s32 $0xFFFFFFFF;
	p2 =	slt.u32 s8, $0xFFFFF086  }
0x1c: {  	p1 =	slt.u32 s9, $0xF7A;
	s5 =	simm.s32 @!p2 $0x0  }
0x1d: {  	s5 =	simm.s32 @p1 $0x1;
	p0 =	seq.s32 s7, s2  }
0x1e: {  	s7 =	smul.u32 @!p0 $0xF7A, s2;
	p2 =	seq.s32 @!p0 s5, $0x0  }
0x1f: {  	s9 =	smul.u32 $0xF7A, s1;
	s8 =	simm.s32 @!p0 $0x1BF5;
	p2 =	por !p2, p0  }
0x20: {  	[sflag:s8] =	ssyncset.s32 @!p0 $0xFFFFF086;
	s6 =	sadd.s32 @!p0 s3, s7;
	s7 =	simm.s32 @!p0 $0x108  }
0x21: {  	s3 =	sadd.s32 s3, s9;
	s6 =	sadd.s32 @!p0 $0x88, s6;
	s7 =	simm.s32 @p2 $0x1082  }
0x22: {  	[simem:s7], [sflag:s8] =	dma.local @!p0 [hbm:s6], $0xF7A  }
0x23: {  	s9 =	sor.u32 $0xD0000000, s2;
	s6 =	simm.s32 $0x108;
	_ =	swait.ge @!p0 [sflag:s8], $0x0  }
0x24: {  	s3 =	sadd.s32 $0x88, s3;
	s6 =	simm.s32 @!p1 $0x1082;
	[sflag:s4] =	ssyncset.s32 $0xFFFFF086  }
0x25: {  	[simem:s6], [sflag:s4] =	dma.local [hbm:s3], $0xF7A  }
0x26: {  	[smem:$0x3F9A] =	sst s1;
	(tag) =	ssettag s2;
	_ =	strace s9  }
0x27: {  	s1 =	sld [smem:$0x3FAA]  }
0x28: {  	s2 =	sld [smem:$0x3FAB]  }
0x29: {  	s4 =	sld [smem:$0x3FAD]  }
0x2a: {  	p0 =	seq.s32 s5, $0x0;
	s5 =	sld [smem:$0x3FAE]  }
0x2b: {  	s6 =	sld [smem:$0x3FAF]  }
0x2c: {  	s7 =	sld [smem:$0x3FB0]  }
0x2d: {  	s3 =	simm.s32 $0x108;
	s8 =	sld [smem:$0x3FB1]  }
0x2e: {  	s3 =	simm.s32 @!p0 $0x1082;
	s9 =	sld [smem:$0x3FB2]  }
0x2f: {  	lr =	sadd.s32 s0, s3;
	s0 =	sld [smem:$0x3FA9]  }
0x30: {  	s3 =	sld [smem:$0x3FAC]  }
0x31: {  	[smem:$0x3FB5] =	sst s10  }
0x32: {  	s10 =	sld [smem:$0x3FB3];
	_ =	sdelay $0x3  }
0x33: {  	p0 =	seq.s32 s10, $0x1;
	s10 =	sld [smem:$0x3FB5];
	_ =	sdelay $0x3  }
0x34: {  	[smem:$0x3FB5] =	sst s10  }
0x35: {  	s10 =	sld [smem:$0x3FB4];
	_ =	sdelay $0x3  }
0x36: {  	p1 =	seq.s32 s10, $0x1;
	s10 =	sld [smem:$0x3FB5];
	_ =	sdelay $0x3  }
0x37: {  	[smem:$0x3FB5] =	sst s10  }
0x38: {  	s10 =	sld [smem:$0x3FB6]  }
0x39: {  	_ = 	snop;
	(pc) =	sbr.ind lr, $3  }
0x3a: {  	_ = 	snop  }
0x3b: {  	_ = 	snop  }
0x3c: {  	p2 =	seq.s32 s10, $0x1;
	s10 =	sld [smem:$0x3FB5]  }
0x3d: {  	_ =	shalt  }
0x3e: {  	_ =	shalt  }
0x3f: {  	_ =	shalt  }
0x40: {  	_ =	shalt  }
0x41: {  	_ =	shalt  }
0x42: {  	_ =	shalt  }
0x43: {  	_ =	shalt  }
0x44: {  	_ =	shalt  }
0x45: {  	_ =	shalt  }
0x46: {  	_ =	shalt  }
0x47: {  	_ =	shalt  }
0x48: {  	_ =	shalt  }
0x49: {  	_ =	shalt  }
0x4a: {  	_ =	shalt  }
0x4b: {  	_ =	shalt  }
0x4c: {  	_ =	shalt  }
0x4d: {  	_ =	shalt  }
0x4e: {  	_ =	shalt  }
0x4f: {  	_ =	shalt  }
0x50: {  	_ =	shalt  }
0x51: {  	_ =	shalt  }
0x52: {  	_ =	shalt  }
0x53: {  	_ =	shalt  }
0x54: {  	_ =	shalt  }
0x55: {  	_ =	shalt  }
0x56: {  	_ =	shalt  }
0x57: {  	_ =	shalt  }
0x58: {  	_ =	shalt  }
0x59: {  	_ =	shalt  }
0x5a: {  	_ =	shalt  }
0x5b: {  	_ =	shalt  }
0x5c: {  	_ =	shalt  }
0x5d: {  	_ =	shalt  }
0x5e: {  	_ =	shalt  }
0x5f: {  	_ =	shalt  }
0x60: {  	_ =	shalt  }
0x61: {  	_ =	shalt  }
0x62: {  	_ =	shalt  }
0x63: {  	_ =	shalt  }
0x64: {  	_ =	shalt  }
0x65: {  	_ =	shalt  }
0x66: {  	_ =	shalt  }
0x67: {  	_ =	shalt  }
0x68: {  	_ =	shalt  }
0x69: {  	_ =	shalt  }
0x6a: {  	_ =	shalt  }
0x6b: {  	_ =	shalt  }
0x6c: {  	_ =	shalt  }
0x6d: {  	_ =	shalt  }
0x6e: {  	_ =	shalt  }
0x6f: {  	_ =	shalt  }
0x70: {  	_ =	shalt  }
0x71: {  	_ =	shalt  }
0x72: {  	_ =	shalt  }
0x73: {  	_ =	shalt  }
0x74: {  	_ =	shalt  }
0x75: {  	_ =	shalt  }
0x76: {  	_ =	shalt  }
0x77: {  	_ =	shalt  }
0x78: {  	_ =	shalt  }
0x79: {  	_ =	shalt  }
0x7a: {  	_ =	shalt  }
0x7b: {  	_ =	shalt  }
0x7c: {  	_ =	shalt  }
0x7d: {  	_ =	shalt  }
0x7e: {  	_ =	shalt  }
0x7f: {  	_ =	shalt  }
0x80: {  	_ =	shalt  }
0x81: {  	_ =	shalt  }
0x82: {  	_ =	shalt  }
0x83: {  	_ =	shalt  }
0x84: {  	_ =	shalt  }
0x85: {  	_ =	shalt  }
0x86: {  	_ =	shalt  }
0x87: {  	_ =	shalt  }
.Lfunc_end0:
.L_simem_size_0:
called_computation_lowered:
.L_overlay_start_0:
0x88: {  	s2 =	sld [smem:$0x3FD9]  }
0x89: {  	s3 =	sld [smem:$0x3FFE];
	_ =	sdelay $0x1  }
0x8a: {  	s1 =	srdreg.scid  }
0x8b: {  	s0 =	sand.u32 $0x1, s1  }
0x8c: {  	s17 =	sshll.u32 s0, $0xA;
	s2 =	sadd.s32 s3, s2  }
0x8d: {  	s2 =	sadd.s32 s2, s17  }
0x8e: {  	[smem:$0x3FC1] =	sst s2  }
0x8f: {  	_ = 	snop  }
0x90: {  	s2 =	sld [smem:$0x3FD0];
	(tm) =	ssettm $0x1  }
0x91: {  	s18 =	sld [smem:$0x3FFB];
	_ =	sdelay $0x3  }
0x92: {  	_ =	strace s18  }
0x93: {  	s3 =	sld [smem:$0x3FFC];
	_ =	sdelay $0x3  }
0x94: {  	_ =	strace s3  }
0x95: {  	s3 =	sld [smem:$0x3FFD];
	_ =	sdelay $0x3  }
0x96: {  	_ =	strace s3  }
0x97: {  	_ =	strace $0x8FFFFFFF  }
0x98: {  	s19 =	sld [smem:$0x3FDB];
	_ =	sdelay $0x1  }
0x99: {  	s4 =	simm.s32 $_scs_section_size  }
0x9a: {  	s5 =	simm.s32 $_size__tile_overlayer_lowered;
	s6 =	simm.s32 $_tile_overlayer_lowered  }
0x9b: {  	s22 =	simm.s32 $0x1BFF;
	s21 =	sshll.u32 s6, $0x1;
	s3 =	sadd.s32 s4, s19  }
0x9c: {  	s7 =	simm.s32 $0x0;
	s20 =	sshll.u32 s5, $0x1;
	s5 =	sadd.s32 s21, s3  }
0x9d: {  	[timem:s7], [sflag:s22] =	dma.local [hbm:s5], s20  }
0x9e: {  	_ =	swait.ge [sflag:s22], s20  }
0x9f: {  	s4 =	ssub.s32 $0x0, s20;
	[sflag:s22] =	ssyncset.done $0x0  }
0xa0: {  	[sflag:s22] =	ssyncadd.s32 s4;
	_ =	sdelay $0x1  }
0xa1: {  	s23 =	simm.s32 $0x1B8B  }
0xa2: {  	_ =	swait.ge [sflag:s23], $0x1  }
0xa3: {  	[sflag:s23] =	ssyncset.done $0x0  }
0xa4: {  	s25 =	simm.s32 $0x1B8E;
	s24 =	sld [smem:$0x3FFE];
	[sflag:s23] =	ssyncadd.s32 $0xFFFFFFFF  }
0xa5: {  	s26 =	simm.s32 $execute0_lowered;
	[smem:$0x3FD2] =	sst s25  }
0xa6: {  	s5 =	sshll.u32 s26, $0x1;
	_ =	strace $0x80000046;
	[dreg:$0x1] =	wrdreg $0xFFFFFFFF  }
0xa7: {  	s28 =	simm.s32 $_size_execute0_lowered;
	s3 =	sadd.s32 s3, s5;
	[dreg:$0x0] =	wrdreg $0x0  }
0xa8: {  	s5 =	sshll.u32 s28, $0x1;
	[dreg:$0x2] =	wrdreg s3  }
0xa9: {  	[dreg:$0x3] =	wrdreg s5  }
0xaa: {  	[dreg:$0x4] =	wrdreg $0xC0  }
0xab: {  	_ =	task [dreg:s7], $0x5FFFF  }
0xac: {  	[dreg:$0x1] =	wrdreg $0xFFFFFFFF  }
0xad: {  	[dreg:$0x0] =	wrdreg $0x60  }
0xae: {  	[dreg:$0x2] =	wrdreg s24  }
0xaf: {  	[dreg:$0x3] =	wrdreg s2  }
0xb0: {  	[dreg:$0x4] =	wrdreg $0x0  }
0xb1: {  	[dreg:$0x5] =	wrdreg $0x9  }
0xb2: {  	_ =	task.clear_ibuf [dreg:s7], $0x6FFFF;
	_ =	strace $0x90000046  }
0xb3: {  	s29 =	simm.s32 $0x9;
	_ =	strace $0x80000048  }
0xb4: {  	_ =	swait.ge [sflag:s29], $0x1  }
0xb5: {  	[sflag:s29] =	ssyncadd.s32 $0xFFFFFFFF  }
0xb6: {  	_ =	strace $0x90000048  }
0xb7: {  	_ =	sfence  }
0xb8: {  	s30 =	sld [smem:$0x0];
	_ =	sdelay $0x2  }
0xb9: {  	s31 =	sshll.u32 s1, $0xD;
	s1 =	sshrl.u32 s1, $0x2  }
0xba: {  	s3 =	sand.u32 $0x4000, s31;
	s1 =	sadd.s32 s1, s30  }
0xbb: {  	s0 =	sor.u32 s3, s0;
	s1 =	sshll.u32 s1, $0x11  }
0xbc: {  	s0 =	sor.u32 s1, s0  }
0xbd: {  	s0 =	sadd.s32 $0x8F2B, s0  }
0xbe: {  	[sflag:s0] =	ssyncadd.remote.s32 $0x1  }
0xbf: {  	_ =	sfence.sel $0xFFFF  }
0xc0: {  	[dreg:$0x0] =	wrdreg $0xFFFFFFFF;
	(pc) =	sbr.abs _section_cstart, $3  }
0xc1: {  	[dreg:$0x1] =	wrdreg $0xFFFFFFFF  }
0xc2: {  	_ =	task.clear_ibuf [dreg:s7], $0x2FFFF;
	_ =	strace $0x9FFFFFFF  }
0xc3: {  	(tm) =	ssettm $0x7FFFFFFF  }
tec
execute0_lowered:
.L_overlay_start_1:
0x0: {  	(tag) =	ssettag $0x1  }
0x1: {  	s4 =	rddreg [dreg:$0x0]  }
0x2: {  	s1 =	rddreg [dreg:$0x1]  }
0x3: {  	s2 =	rddreg [dreg:$0x2]  }
0x4: {  	s0 =	rddreg [dreg:$0x3];
	s3 =	simm.s32 $0x0;
	s5 =	srdreg.scid  }
0x5: {  	s12 =	stileid.u32;
	s11 =	simm.s32 $0x4278;
	[smem:$0x7FF] =	sst s3  }
0x6: {  	s6 =	sand.u32 $0x1, s5;
	s31 =	sshll.u32 s12, $0xB;
	p0 =	seq.s32 s12, $0x0  }
0x7: {  	_ =	strace $0x80000047;
	s7 =	ssub.s32 $0x2, s6;
	s5 =	sadd.s32 s31, s4  }
0x8: {  	s4 =	sadd.s32 $0x12600, s4;
	s9 =	sshll.u32 s6, $0xF;
	p1 =	seq.s32 s6, $0x1  }
0x9: {  	s10 =	sor.u32 s6, s12;
	s8 =	sshrl.u32 s7, $0x1;
	s5 =	sadd.s32 s9, s5  }
0xa: {  	p0 =	por !p0, !p1;
	s9 =	simm.s32 $0x278;
	p2 =	sne.s32 s10, $0x0  }
0xb: {  	s10 =	simm.s32 $0x50;
	s7 =	ssub.s32 s7, s8;
	s5 =	sadd.s32 $0x2600, s5  }
0xc: {  	p1 =	por !p0, !p0;
	p0 =	sne.s32 s12, $0x0;
	s8 =	simm.s32 $0x1  }
0xd: {  	s12 =	sshll.u32 @!p2 s12, $0x6;
	s13 =	sshrl.u32 @!p2 s2, $0x3;
	s6 =	smax.u32 s7, $0x1  }
0xe: {  	v0 =	vimm.f32 $1.000000000e+00;
	v1 =	vimm.f32 $0.0e+00;
	s7 =	simm.s32 $0x42F8;
	s12 =	sor.u32 @!p2 $0x1C01, s12;
	s14 =	sshrl.u32 @p1 s2, $0x3  }
.LBB2_1:
.Ltmp0:
0xf: {  	[tilespmem:$0x4278] =	vst v0;
	(pc) =	sbr.rel @p0 .LBB2_5-.Ltmp0, $4  }
0x10: {  	[tilespmem:$0x4288] =	vst v0  }
0x11: {  	[tilespmem:$0x4298] =	vst v0  }
0x12: {  	[tilespmem:$0x42A8] =	vst v0  }
0x13: {  	[tilespmem:$0x42B8] =	vst v0  }
0x14: {  	s15 =	simm.s32 $0x40;
	s16 =	simm.s32 $0x0  }
.LBB2_3:
0x15: {  	p3 =	sne.s32 s15, $0x9C00;
	[tilespmem:s16+$0x42F8] =	vst v1;
	s16 =	smov.u32 s15;
	s15 =	sadd.s32 $0x40, s15  }
.Ltmp1:
0x16: {  	(pc) =	sbr.rel @p3 .LBB2_3-.Ltmp1, $2  }
0x17: {  	_ =	sdelay $0x2  }
0x18: {  	s16 =	sshra.s32 s16, $0x2  }
0x19: {  	[tilespmem:s16+$0x42F8] =	vst v1  }
0x1a: {  	[spmem:s2] =	stream.linear.scatter [tilespmem:s7], [sflag:$0x1], $0x2780, $0x38;
	[tilespmem:$0x6A78] =	vst v63  }
0x1b: {  	_ =	swait.ge [sflag:s8], $0x2780  }
0x1c: {  	[sflag:s8] =	ssyncset.done $0x0  }
0x1d: {  	[sflag:s8] =	ssyncadd.s32 $0xFFFFD880  }
.LBB2_5:
0x1e: {  	s15 =	simm.s32 $0x0  }
0x1f: {  	[tilespmem:s9], [sflag:$0x1] =	stream.linear.gather [hbm4b:s5+s15], $0x3E80, $0x38;
	[tilespmem:$0x6A78] =	vst v63  }
0x20: {  	_ =	swait.ge [sflag:s8], $0x3E80  }
0x21: {  	[sflag:s8] =	ssyncset.done $0x0  }
0x22: {  	[sflag:s8] =	ssyncadd.s32 $0xFFFFC180  }
0x23: {  	s31 =	simm.s32 $0x278;
	[bflag:$0x0] =	sbarrier.arrive $0xFFFF  }
0x24: {  	[spmem:s2] =	stream.indirect.scatter.add.f32 [tilespmem:s11], [sflag:$0x1], $0x1, s31, s10, $0xb8;
	[tilespmem:$0x6A78] =	vst v63  }
0x25: {  	s15 =	simm.s32 $0x200;
	_ =	swait.ge [sflag:s8], $0x50  }
.LBB2_6:
0x26: {  	s16 =	sshra.s32 s15, $0x2;
	[sflag:s8] =	ssyncset.done $0x0;
	p3 =	sne.s32 s15, $0xF800  }
.Ltmp2:
0x27: {  	s16 =	sadd.s32 $0x278, s16;
	[sflag:s8] =	ssyncadd.s32 $0xFFFFFFB0;
	(pc) =	sbr.rel @p3 .LBB2_6-.Ltmp2, $3  }
0x28: {  	[spmem:s2] =	stream.indirect.scatter.add.f32 [tilespmem:s11], [sflag:$0x1], $0x1, s16, s10, $0xb8;
	[tilespmem:$0x6A78] =	vst v63  }
0x29: {  	s15 =	sadd.s32 $0x200, s15;
	_ =	sdelay $0x1  }
0x2a: {  	_ =	swait.ge [sflag:s8], $0x50  }
0x2b: {  	[sflag:s8] =	ssyncset.done $0x0  }
0x2c: {  	[sflag:s8] =	ssyncadd.s32 $0xFFFFFFB0  }
0x2d: {  	s15 =	simm.s32 @!p2 $0x1;
	[bflag:$0x0] =	sbarrier.arrive $0xFFFF  }
0x2e: {  	[hbm:s1], [sflag:s12] =	dma.local @!p2 [spmem:s13], $0x4F0  }
0x2f: {  	_ =	swait.ge @!p2 [sflag:s15], $0x4F0  }
0x30: {  	s3 =	sadd.s32 $0x1, s3;
	[sflag:s15] =	ssyncset.done @!p2 $0x0  }
0x31: {  	p3 =	sne.s32 s3, s6;
	[sflag:s15] =	ssyncadd.s32 @!p2 $0xFFFFFB10;
	s15 =	simm.s32 @p1 $0x1C01  }
0x32: {  	[hbm:s4], [sflag:s15] =	dma.local @p1 [spmem:s14], $0x4F0  }
.Ltmp3:
0x33: {  	_ = 	snop;
	(pc) =	sbr.rel @p3 .LBB2_1-.Ltmp3, $4  }
0x34: {  	s15 =	simm.s32 @p1 $0x1  }
0x35: {  	_ =	swait.ge @p1 [sflag:s15], $0x4F0  }
0x36: {  	[sflag:s15] =	ssyncset.done @p1 $0x0  }
0x37: {  	[sflag:s15] =	ssyncadd.s32 @p1 $0xFFFFFB10  }
0x38: {  	_ =	sfence.sel $0x180000  }
0x39: {  	[bflag:$0x0] =	sbarrier.arrive $0xFFFF  }
0x3a: {  	_ =	strace $0x90000047  }
0x3b: {  	s0 =	sadd.s32 @!p0 $0x100000, s0;
	[bflag:$0x2] =	sbarrier.arrive $0xFFFF  }
0x3c: {  	[sflag:s0] =	ssyncadd.tile.s32 @!p0 $0x1;
	_ =	shalt  }
.Lfunc_end2:
_tile_overlayer_lowered:
.L_overlay_start_2:
0x3d: {  	(tag) =	ssettag $0x2  }
0x3e: {  	s0 =	rddreg [dreg:$0x0];
	s2 =	stileid.u32  }
0x3f: {  	s1 =	rddreg [dreg:$0x1];
	p0 =	sne.s32 s2, $0x0  }
0x40: {  	s3 =	rddreg [dreg:$0x2];
	[bflag:$0x3] =	sbarrier.arrive $0xFFFF;
	s2 =	simm.s32 @!p0 $0x1C01  }
0x41: {  	[timem:s3], [sflag:s2] =	dma.local @!p0 [hbm:s0], s1  }
0x42: {  	s0 =	simm.s32 @!p0 $0x1  }
0x43: {  	_ =	swait.ge @!p0 [sflag:s0], s1  }
0x44: {  	s1 =	ssub.s32 @!p0 $0x0, s1;
	[sflag:s0] =	ssyncset.done @!p0 $0x0  }
0x45: {  	[sflag:s0] =	ssyncadd.s32 @!p0 s1  }
0x46: {  	[bflag:$0x3] =	sbarrier.arrive $0xFFFF  }
0x47: {  	_ =	shalt  }

// kernel: kernel.14.cloned.1.call-start
scs
__scs_entry_jumppad:
0x0: {  	(pc) =	sbr.rel $0x88, $3  }
0x1: {  	(tag) =	ssettag $0x0;
	lr =	simm.s32 $0x1  }
0x2: {  	[smem:$0x3F9A] =	sst lr;
	_ =	strace $0xD0000000  }
0x3: {  	_ = 	snop  }
0x4: {  	_ = 	snop  }
0x5: {  	_ = 	snop  }
0x6: {  	_ = 	snop  }
0x7: {  	_ = 	snop  }
__scs_overlays_trampoline_lowered:
0x8: {  	[smem:$0x3FA9] =	sst s0  }
0x9: {  	[smem:$0x3FAA] =	sst s1  }
0xa: {  	[smem:$0x3FAB] =	sst s2  }
0xb: {  	[smem:$0x3FAC] =	sst s3  }
0xc: {  	[smem:$0x3FAD] =	sst s4  }
0xd: {  	[smem:$0x3FAE] =	sst s5  }
0xe: {  	[smem:$0x3FAF] =	sst s6  }
0xf: {  	[smem:$0x3FB0] =	sst s7  }
0x10: {  	[smem:$0x3FB1] =	sst s8  }
0x11: {  	[smem:$0x3FB2] =	sst s9;
	s0 =	simm.s32 @!p0 $0x0  }
0x12: {  	s1 =	sld [smem:$0x3F98];
	s0 =	simm.s32 @p0 $0x1  }
0x13: {  	[smem:$0x3FB3] =	sst s0;
	s0 =	simm.s32 @!p1 $0x0  }
0x14: {  	s2 =	sld [smem:$0x3F97];
	s0 =	simm.s32 @p1 $0x1  }
0x15: {  	[smem:$0x3FB4] =	sst s0;
	s0 =	simm.s32 @!p2 $0x0  }
0x16: {  	s3 =	sld [smem:$0x3FDB];
	s0 =	simm.s32 @p2 $0x1  }
0x17: {  	s4 =	simm.s32 $0x1BF5;
	[smem:$0x3FB6] =	sst s0  }
0x18: {  	s0 =	sld [smem:$0x3F99];
	_ =	swait.ge [sflag:s4], $0x0  }
0x19: {  	s7 =	sld [smem:$0x3F9A]  }
0x1a: {  	s8 =	sadd.s32 $0xFFFFE003, lr  }
0x1b: {  	s9 =	sadd.s32 $0xFFFFFEF7, lr;
	s5 =	simm.s32 $0xFFFFFFFF;
	p2 =	slt.u32 s8, $0xFFFFF086  }
0x1c: {  	p1 =	slt.u32 s9, $0xF7A;
	s5 =	simm.s32 @!p2 $0x0  }
0x1d: {  	s5 =	simm.s32 @p1 $0x1;
	p0 =	seq.s32 s7, s2  }
0x1e: {  	s7 =	smul.u32 @!p0 $0xF7A, s2;
	p2 =	seq.s32 @!p0 s5, $0x0  }
0x1f: {  	s9 =	smul.u32 $0xF7A, s1;
	s8 =	simm.s32 @!p0 $0x1BF5;
	p2 =	por !p2, p0  }
0x20: {  	[sflag:s8] =	ssyncset.s32 @!p0 $0xFFFFF086;
	s6 =	sadd.s32 @!p0 s3, s7;
	s7 =	simm.s32 @!p0 $0x108  }
0x21: {  	s3 =	sadd.s32 s3, s9;
	s6 =	sadd.s32 @!p0 $0x88, s6;
	s7 =	simm.s32 @p2 $0x1082  }
0x22: {  	[simem:s7], [sflag:s8] =	dma.local @!p0 [hbm:s6], $0xF7A  }
0x23: {  	s9 =	sor.u32 $0xD0000000, s2;
	s6 =	simm.s32 $0x108;
	_ =	swait.ge @!p0 [sflag:s8], $0x0  }
0x24: {  	s3 =	sadd.s32 $0x88, s3;
	s6 =	simm.s32 @!p1 $0x1082;
	[sflag:s4] =	ssyncset.s32 $0xFFFFF086  }
0x25: {  	[simem:s6], [sflag:s4] =	dma.local [hbm:s3], $0xF7A  }
0x26: {  	[smem:$0x3F9A] =	sst s1;
	(tag) =	ssettag s2;
	_ =	strace s9  }
0x27: {  	s1 =	sld [smem:$0x3FAA]  }
0x28: {  	s2 =	sld [smem:$0x3FAB]  }
0x29: {  	s4 =	sld [smem:$0x3FAD]  }
0x2a: {  	p0 =	seq.s32 s5, $0x0;
	s5 =	sld [smem:$0x3FAE]  }
0x2b: {  	s6 =	sld [smem:$0x3FAF]  }
0x2c: {  	s7 =	sld [smem:$0x3FB0]  }
0x2d: {  	s3 =	simm.s32 $0x108;
	s8 =	sld [smem:$0x3FB1]  }
0x2e: {  	s3 =	simm.s32 @!p0 $0x1082;
	s9 =	sld [smem:$0x3FB2]  }
0x2f: {  	lr =	sadd.s32 s0, s3;
	s0 =	sld [smem:$0x3FA9]  }
0x30: {  	s3 =	sld [smem:$0x3FAC]  }
0x31: {  	[smem:$0x3FB5] =	sst s10  }
0x32: {  	s10 =	sld [smem:$0x3FB3];
	_ =	sdelay $0x3  }
0x33: {  	p0 =	seq.s32 s10, $0x1;
	s10 =	sld [smem:$0x3FB5];
	_ =	sdelay $0x3  }
0x34: {  	[smem:$0x3FB5] =	sst s10  }
0x35: {  	s10 =	sld [smem:$0x3FB4];
	_ =	sdelay $0x3  }
0x36: {  	p1 =	seq.s32 s10, $0x1;
	s10 =	sld [smem:$0x3FB5];
	_ =	sdelay $0x3  }
0x37: {  	[smem:$0x3FB5] =	sst s10  }
0x38: {  	s10 =	sld [smem:$0x3FB6]  }
0x39: {  	_ = 	snop;
	(pc) =	sbr.ind lr, $3  }
0x3a: {  	_ = 	snop  }
0x3b: {  	_ = 	snop  }
0x3c: {  	p2 =	seq.s32 s10, $0x1;
	s10 =	sld [smem:$0x3FB5]  }
0x3d: {  	_ =	shalt  }
0x3e: {  	_ =	shalt  }
0x3f: {  	_ =	shalt  }
0x40: {  	_ =	shalt  }
0x41: {  	_ =	shalt  }
0x42: {  	_ =	shalt  }
0x43: {  	_ =	shalt  }
0x44: {  	_ =	shalt  }
0x45: {  	_ =	shalt  }
0x46: {  	_ =	shalt  }
0x47: {  	_ =	shalt  }
0x48: {  	_ =	shalt  }
0x49: {  	_ =	shalt  }
0x4a: {  	_ =	shalt  }
0x4b: {  	_ =	shalt  }
0x4c: {  	_ =	shalt  }
0x4d: {  	_ =	shalt  }
0x4e: {  	_ =	shalt  }
0x4f: {  	_ =	shalt  }
0x50: {  	_ =	shalt  }
0x51: {  	_ =	shalt  }
0x52: {  	_ =	shalt  }
0x53: {  	_ =	shalt  }
0x54: {  	_ =	shalt  }
0x55: {  	_ =	shalt  }
0x56: {  	_ =	shalt  }
0x57: {  	_ =	shalt  }
0x58: {  	_ =	shalt  }
0x59: {  	_ =	shalt  }
0x5a: {  	_ =	shalt  }
0x5b: {  	_ =	shalt  }
0x5c: {  	_ =	shalt  }
0x5d: {  	_ =	shalt  }
0x5e: {  	_ =	shalt  }
0x5f: {  	_ =	shalt  }
0x60: {  	_ =	shalt  }
0x61: {  	_ =	shalt  }
0x62: {  	_ =	shalt  }
0x63: {  	_ =	shalt  }
0x64: {  	_ =	shalt  }
0x65: {  	_ =	shalt  }
0x66: {  	_ =	shalt  }
0x67: {  	_ =	shalt  }
0x68: {  	_ =	shalt  }
0x69: {  	_ =	shalt  }
0x6a: {  	_ =	shalt  }
0x6b: {  	_ =	shalt  }
0x6c: {  	_ =	shalt  }
0x6d: {  	_ =	shalt  }
0x6e: {  	_ =	shalt  }
0x6f: {  	_ =	shalt  }
0x70: {  	_ =	shalt  }
0x71: {  	_ =	shalt  }
0x72: {  	_ =	shalt  }
0x73: {  	_ =	shalt  }
0x74: {  	_ =	shalt  }
0x75: {  	_ =	shalt  }
0x76: {  	_ =	shalt  }
0x77: {  	_ =	shalt  }
0x78: {  	_ =	shalt  }
0x79: {  	_ =	shalt  }
0x7a: {  	_ =	shalt  }
0x7b: {  	_ =	shalt  }
0x7c: {  	_ =	shalt  }
0x7d: {  	_ =	shalt  }
0x7e: {  	_ =	shalt  }
0x7f: {  	_ =	shalt  }
0x80: {  	_ =	shalt  }
0x81: {  	_ =	shalt  }
0x82: {  	_ =	shalt  }
0x83: {  	_ =	shalt  }
0x84: {  	_ =	shalt  }
0x85: {  	_ =	shalt  }
0x86: {  	_ =	shalt  }
0x87: {  	_ =	shalt  }
.Lfunc_end0:
.L_simem_size_0:
called_computation.1_lowered:
.L_overlay_start_0:
0x88: {  	s2 =	sld [smem:$0x3FD9]  }
0x89: {  	s3 =	sld [smem:$0x3FFE];
	_ =	sdelay $0x1  }
0x8a: {  	s1 =	srdreg.scid  }
0x8b: {  	s0 =	sand.u32 $0x1, s1  }
0x8c: {  	s17 =	sshll.u32 s0, $0xA;
	s2 =	sadd.s32 s3, s2  }
0x8d: {  	s2 =	sadd.s32 s2, s17  }
0x8e: {  	[smem:$0x3FC1] =	sst s2  }
0x8f: {  	_ = 	snop  }
0x90: {  	s2 =	sld [smem:$0x3FD0];
	(tm) =	ssettm $0x1  }
0x91: {  	s18 =	sld [smem:$0x3FFB];
	_ =	sdelay $0x3  }
0x92: {  	_ =	strace s18  }
0x93: {  	s3 =	sld [smem:$0x3FFC];
	_ =	sdelay $0x3  }
0x94: {  	_ =	strace s3  }
0x95: {  	s3 =	sld [smem:$0x3FFD];
	_ =	sdelay $0x3  }
0x96: {  	_ =	strace s3  }
0x97: {  	_ =	strace $0x8FFFFFFF  }
0x98: {  	s19 =	sld [smem:$0x3FDB];
	_ =	sdelay $0x1  }
0x99: {  	s4 =	simm.s32 $_scs_section_size  }
0x9a: {  	s5 =	simm.s32 $_size__tile_overlayer_lowered;
	s6 =	simm.s32 $_tile_overlayer_lowered  }
0x9b: {  	s22 =	simm.s32 $0x1BFF;
	s21 =	sshll.u32 s6, $0x1;
	s3 =	sadd.s32 s4, s19  }
0x9c: {  	s7 =	simm.s32 $0x0;
	s20 =	sshll.u32 s5, $0x1;
	s5 =	sadd.s32 s21, s3  }
0x9d: {  	[timem:s7], [sflag:s22] =	dma.local [hbm:s5], s20  }
0x9e: {  	_ =	swait.ge [sflag:s22], s20  }
0x9f: {  	s4 =	ssub.s32 $0x0, s20;
	[sflag:s22] =	ssyncset.done $0x0  }
0xa0: {  	[sflag:s22] =	ssyncadd.s32 s4;
	_ =	sdelay $0x1  }
0xa1: {  	s23 =	simm.s32 $0x1B8B  }
0xa2: {  	_ =	swait.ge [sflag:s23], $0x1  }
0xa3: {  	[sflag:s23] =	ssyncset.done $0x0  }
0xa4: {  	s25 =	simm.s32 $0x1B8E;
	s24 =	sld [smem:$0x3FFE];
	[sflag:s23] =	ssyncadd.s32 $0xFFFFFFFF  }
0xa5: {  	s26 =	simm.s32 $execute0_lowered;
	[smem:$0x3FD2] =	sst s25  }
0xa6: {  	s5 =	sshll.u32 s26, $0x1;
	_ =	strace $0x80000049;
	[dreg:$0x1] =	wrdreg $0xFFFFFFFF  }
0xa7: {  	s28 =	simm.s32 $_size_execute0_lowered;
	s3 =	sadd.s32 s3, s5;
	[dreg:$0x0] =	wrdreg $0x0  }
0xa8: {  	s5 =	sshll.u32 s28, $0x1;
	[dreg:$0x2] =	wrdreg s3  }
0xa9: {  	[dreg:$0x3] =	wrdreg s5  }
0xaa: {  	[dreg:$0x4] =	wrdreg $0xC0  }
0xab: {  	_ =	task [dreg:s7], $0x5FFFF  }
0xac: {  	[dreg:$0x1] =	wrdreg $0xFFFFFFFF  }
0xad: {  	[dreg:$0x0] =	wrdreg $0x60  }
0xae: {  	[dreg:$0x2] =	wrdreg s2  }
0xaf: {  	[dreg:$0x3] =	wrdreg s24  }
0xb0: {  	[dreg:$0x4] =	wrdreg $0x0  }
0xb1: {  	[dreg:$0x5] =	wrdreg $0x9  }
0xb2: {  	_ =	task.clear_ibuf [dreg:s7], $0x6FFFF;
	_ =	strace $0x90000049  }
0xb3: {  	s29 =	simm.s32 $0x9;
	_ =	strace $0x8000004B  }
0xb4: {  	_ =	swait.ge [sflag:s29], $0x1  }
0xb5: {  	[sflag:s29] =	ssyncadd.s32 $0xFFFFFFFF  }
0xb6: {  	_ =	strace $0x9000004B  }
0xb7: {  	_ =	sfence  }
0xb8: {  	s30 =	sld [smem:$0x0];
	_ =	sdelay $0x2  }
0xb9: {  	s31 =	sshll.u32 s1, $0xD;
	s1 =	sshrl.u32 s1, $0x2  }
0xba: {  	s3 =	sand.u32 $0x4000, s31;
	s1 =	sadd.s32 s1, s30  }
0xbb: {  	s0 =	sor.u32 s3, s0;
	s1 =	sshll.u32 s1, $0x11  }
0xbc: {  	s0 =	sor.u32 s1, s0  }
0xbd: {  	s0 =	sadd.s32 $0x8F2B, s0  }
0xbe: {  	[sflag:s0] =	ssyncadd.remote.s32 $0x1  }
0xbf: {  	_ =	sfence.sel $0xFFFF  }
0xc0: {  	[dreg:$0x0] =	wrdreg $0xFFFFFFFF;
	(pc) =	sbr.abs _section_cstart, $3  }
0xc1: {  	[dreg:$0x1] =	wrdreg $0xFFFFFFFF  }
0xc2: {  	_ =	task.clear_ibuf [dreg:s7], $0x2FFFF;
	_ =	strace $0x9FFFFFFF  }
0xc3: {  	(tm) =	ssettm $0x7FFFFFFF  }
tec
execute0_lowered:
.L_overlay_start_1:
0x0: {  	(tag) =	ssettag $0x1  }
0x1: {  	s1 =	rddreg [dreg:$0x0]  }
0x2: {  	s0 =	rddreg [dreg:$0x1]  }
0x3: {  	s3 =	rddreg [dreg:$0x2];
	s2 =	simm.s32 $0x0;
	s10 =	stileid.u32  }
0x4: {  	s24 =	srdreg.scid;
	s28 =	simm.s32 $0x1B300;
	s29 =	simm.s32 $0x16000  }
0x5: {  	s30 =	simm.s32 $0x16080;
	s31 =	simm.s32 $0x16180;
	[smem:$0x7FF] =	sst s2  }
0x6: {  	s4 =	smul.u32 $0x4E000, s10;
	s5 =	sadd.s32 $0x12600, s0;
	s6 =	sadd.s32 $0x12C00, s0  }
0x7: {  	s2 =	sand.u32 $0x1, s24;
	s7 =	sadd.s32 $0x2600, s0;
	s8 =	sadd.s32 $0x22C00, s0  }
0x8: {  	s0 =	sadd.s32 $0x32C00, s0;
	s13 =	sshll.u32 s10, $0xE;
	s18 =	smul.u32 $0x13800, s10  }
0x9: {  	s20 =	sadd.s32 $0x138000, s3;
	p0 =	sne.s32 s10, $0xF;
	_ =	strace $0x8000004A  }
0xa: {  	[dreg:$0x4] =	wrdreg s5;
	s25 =	ssub.s32 $0x2, s2;
	s4 =	sshrl.u32 s4, $0x2  }
0xb: {  	[dreg:$0xd] =	wrdreg s20;
	s9 =	sshrl.u32 s25, $0x1;
	s19 =	sadd.s32 s4, s3  }
0xc: {  	s26 =	ssub.s32 s25, s9;
	s9 =	sadd.s32 $0x2800, s19;
	[dreg:$0x5] =	wrdreg s19  }
0xd: {  	s10 =	simm.s32 $0x18B00;
	s11 =	sadd.s32 $0x5000, s19;
	[dreg:$0x6] =	wrdreg s9  }
0xe: {  	s12 =	sshll.u32 s2, $0x12;
	s14 =	sadd.s32 $0xA000, s19;
	[dreg:$0x7] =	wrdreg s11  }
0xf: {  	s2 =	smul.u32 $0x138800, s2;
	s15 =	sadd.s32 $0xC800, s19;
	[dreg:$0x9] =	wrdreg s14  }
0x10: {  	s4 =	simm.s32 $0x6;
	s17 =	sadd.s32 $0xF000, s19;
	[dreg:$0xa] =	wrdreg s15  }
0x11: {  	s21 =	sadd.s32 $0x11800, s19;
	s26 =	smax.u32 s26, $0x1;
	[dreg:$0xb] =	wrdreg s17  }
0x12: {  	s11 =	sadd.s32 $0x7800, s19;
	s14 =	sor.u32 s13, s12;
	[dreg:$0xc] =	wrdreg s21  }
0x13: {  	s9 =	sadd.s32 s18, s2;
	s2 =	sshrl.u32 s2, $0x3;
	[dreg:$0x13] =	wrdreg s26  }
0x14: {  	s26 =	simm.s32 $0x8;
	s12 =	simm.s32 $0x1;
	s13 =	simm.s32 $0x2  }
0x15: {  	s15 =	simm.s32 $0x16200;
	s17 =	simm.s32 $0x16100;
	s21 =	simm.s32 $0x0  }
0x16: {  	[dreg:$0x8] =	wrdreg s11;
	s16 =	sshrl.u32 s14, $0x3;
	s24 =	sshrl.u32 s9, $0x3  }
0x17: {  	s2 =	sadd.s32 s0, s2;
	s11 =	simm.s32 $0x7;
	s0 =	sadd.s32 s0, s24  }
0x18: {  	s5 =	sor.u32 $0x7C0, s16;
	s25 =	sadd.s32 $0x27000, s2;
	[dreg:$0x11] =	wrdreg s0  }
0x19: {  	s2 =	simm.s32 $0x50;
	s22 =	sadd.s32 s6, s5;
	[dreg:$0x12] =	wrdreg s25  }
0x1a: {  	s16 =	simm.s32 $0x16280;
	s23 =	sadd.s32 s7, s5;
	[dreg:$0xe] =	wrdreg s22  }
0x1b: {  	s5 =	sadd.s32 s8, s5;
	s25 =	simm.s32 $0x13880;
	[dreg:$0xf] =	wrdreg s23  }
0x1c: {  	v0 =	vimm.f32 $0.0e+00;
	s0 =	simm.s32 $0x5;
	[dreg:$0x10] =	wrdreg s5;
	s5 =	simm.s32 $0x16300  }
.LBB2_1:
0x1d: {  	[dreg:$0x14] =	wrdreg s21  }
0x1e: {  	s9 =	simm.s32 $0x0;
	s18 =	rddreg [dreg:$0x4]  }
0x1f: {  	[tilespmem:s25], [sflag:$0x8] =	stream.linear.gather [hbm4b:s18+s9], $0x2780, $0x38;
	[tilespmem:$0x1DB00] =	vst v63  }
0x20: {  	_ =	swait.ge [sflag:s26], $0x2780  }
0x21: {  	[sflag:s26] =	ssyncset.done $0x0  }
0x22: {  	s9 =	simm.s32 $0x0;
	s18 =	simm.s32 $0x200;
	[sflag:s26] =	ssyncadd.s32 $0xFFFFD880  }
.LBB2_2:
0x23: {  	p1 =	sne.s32 s18, $0x9E00;
	[tilespmem:s9+$0x1B370] =	vst v0  }
0x24: {  	[tilespmem:s9+$0x1B300] =	vst v0  }
0x25: {  	[tilespmem:s9+$0x1B310] =	vst v0  }
.Ltmp0:
0x26: {  	[tilespmem:s9+$0x1B320] =	vst v0;
	(pc) =	sbr.rel @p1 .LBB2_2-.Ltmp0, $4  }
0x27: {  	[tilespmem:s9+$0x1B330] =	vst v0  }
0x28: {  	[tilespmem:s9+$0x1B340] =	vst v0  }
0x29: {  	[tilespmem:s9+$0x1B350] =	vst v0  }
0x2a: {  	[tilespmem:s9+$0x1B360] =	vst v0;
	s9 =	sshra.s32 s18, $0x2;
	s18 =	sadd.s32 $0x200, s18  }
0x2b: {  	[tilespmem:s9+$0x1B370] =	vst v0  }
0x2c: {  	[tilespmem:s9+$0x1B300] =	vst v0  }
0x2d: {  	[tilespmem:s9+$0x1B310] =	vst v0  }
0x2e: {  	[tilespmem:s9+$0x1B320] =	vst v0  }
0x2f: {  	[tilespmem:s9+$0x1B330] =	vst v0  }
0x30: {  	[tilespmem:s9+$0x1B340] =	vst v0  }
0x31: {  	[tilespmem:s9+$0x1B350] =	vst v0  }
0x32: {  	[tilespmem:s9+$0x1B360] =	vst v0  }
0x33: {  	[spmem:s19] =	stream.linear.scatter [tilespmem:s28], [sflag:$0x8], $0x2800, $0x38;
	[tilespmem:$0x1DB00] =	vst v63  }
0x34: {  	_ =	swait.ge [sflag:s26], $0x2800  }
0x35: {  	[sflag:s26] =	ssyncset.done $0x0  }
0x36: {  	s24 =	rddreg [dreg:$0x6];
	[sflag:s26] =	ssyncadd.s32 $0xFFFFD800  }
0x37: {  	[spmem:s24] =	stream.linear.scatter [tilespmem:s28], [sflag:$0x8], $0x2800, $0x38;
	[tilespmem:$0x1DB00] =	vst v63  }
0x38: {  	_ =	swait.ge [sflag:s26], $0x2800  }
0x39: {  	[sflag:s26] =	ssyncset.done $0x0  }
0x3a: {  	s18 =	rddreg [dreg:$0x7];
	[sflag:s26] =	ssyncadd.s32 $0xFFFFD800  }
0x3b: {  	[spmem:s18] =	stream.linear.scatter [tilespmem:s28], [sflag:$0x8], $0x2800, $0x38;
	[tilespmem:$0x1DB00] =	vst v63  }
0x3c: {  	_ =	swait.ge [sflag:s26], $0x2800  }
0x3d: {  	[sflag:s26] =	ssyncset.done $0x0  }
0x3e: {  	s19 =	rddreg [dreg:$0x8];
	[sflag:s26] =	ssyncadd.s32 $0xFFFFD800  }
0x3f: {  	[spmem:s19] =	stream.linear.scatter [tilespmem:s28], [sflag:$0x8], $0x2800, $0x38;
	[tilespmem:$0x1DB00] =	vst v63  }
0x40: {  	_ =	swait.ge [sflag:s26], $0x2800  }
0x41: {  	[sflag:s26] =	ssyncset.done $0x0  }
0x42: {  	s21 =	rddreg [dreg:$0x9];
	[sflag:s26] =	ssyncadd.s32 $0xFFFFD800  }
0x43: {  	[spmem:s21] =	stream.linear.scatter [tilespmem:s28], [sflag:$0x8], $0x2800, $0x38;
	[tilespmem:$0x1DB00] =	vst v63  }
0x44: {  	_ =	swait.ge [sflag:s26], $0x2800  }
0x45: {  	[sflag:s26] =	ssyncset.done $0x0  }
0x46: {  	s22 =	rddreg [dreg:$0xa];
	[sflag:s26] =	ssyncadd.s32 $0xFFFFD800  }
0x47: {  	[spmem:s22] =	stream.linear.scatter [tilespmem:s28], [sflag:$0x8], $0x2800, $0x38;
	[tilespmem:$0x1DB00] =	vst v63  }
0x48: {  	_ =	swait.ge [sflag:s26], $0x2800  }
0x49: {  	[sflag:s26] =	ssyncset.done $0x0  }
0x4a: {  	s23 =	rddreg [dreg:$0xb];
	[sflag:s26] =	ssyncadd.s32 $0xFFFFD800  }
0x4b: {  	[spmem:s23] =	stream.linear.scatter [tilespmem:s28], [sflag:$0x8], $0x2800, $0x38;
	[tilespmem:$0x1DB00] =	vst v63  }
0x4c: {  	_ =	swait.ge [sflag:s26], $0x2800  }
0x4d: {  	[sflag:s26] =	ssyncset.done $0x0  }
0x4e: {  	s24 =	rddreg [dreg:$0xc];
	[sflag:s26] =	ssyncadd.s32 $0xFFFFD800  }
0x4f: {  	[spmem:s24] =	stream.linear.scatter [tilespmem:s28], [sflag:$0x8], $0x2000, $0x38;
	[tilespmem:$0x1DB00] =	vst v63  }
0x50: {  	_ =	swait.ge [sflag:s26], $0x2000  }
0x51: {  	[sflag:s26] =	ssyncset.done $0x0  }
0x52: {  	s9 =	simm.s32 @!p0 $0x1B300;
	[sflag:s26] =	ssyncadd.s32 $0xFFFFE000  }
0x53: {  	[spmem:s20] =	stream.linear.scatter @!p0 [tilespmem:s9], [sflag:$0x8], $0x800, $0x38;
	[tilespmem:$0x1DB00] =	vst v63  }
0x54: {  	s9 =	simm.s32 @!p0 $0x8  }
0x55: {  	_ =	swait.ge @!p0 [sflag:s9], $0x800  }
0x56: {  	[sflag:s9] =	ssyncset.done @!p0 $0x0  }
0x57: {  	[sflag:s9] =	ssyncadd.s32 @!p0 $0xFFFFF800  }
0x58: {  	s22 =	simm.s32 $0x0;
	s23 =	simm.s32 $0x0;
	[bflag:$0x0] =	sbarrier.arrive $0xFFFF  }
.LBB2_4:
0x59: {  	p1 =	seq.s32 s23, $0x0  }
0x5a: {  	s18 =	sshll.u32 s23, $0x8;
	s9 =	simm.s32 @!p1 $0x3  }
0x5b: {  	s18 =	sor.u32 s14, s18;
	_ =	swait.ge @!p1 [sflag:s9], $0x2800  }
0x5c: {  	s24 =	sshrl.u32 s18, $0x3;
	[sflag:s9] =	ssyncset.done @!p1 $0x0  }
0x5d: {  	s19 =	sadd.s32 s6, s24;
	[sflag:s9] =	ssyncadd.s32 @!p1 $0xFFFFD800  }
0x5e: {  	[tilespmem:s29], [sflag:$0x5] =	stream.linear.gather [hbm4b:s19+s22], $0x80, $0x38;
	[tilespmem:$0x1DB00] =	vst v63  }
0x5f: {  	s20 =	sadd.s32 s7, s24  }
0x60: {  	[tilespmem:s30], [sflag:$0x6] =	stream.linear.gather [hbm4b:s20+s22], $0x80, $0x38;
	[tilespmem:$0x1DB00] =	vst v63  }
0x61: {  	s21 =	sadd.s32 s8, s24  }
0x62: {  	[tilespmem:s31], [sflag:$0x7] =	stream.linear.gather [hbm4b:s21+s22], $0x80, $0x38;
	[tilespmem:$0x1DB00] =	vst v63  }
0x63: {  	_ =	swait.ge [sflag:s0], $0x80  }
0x64: {  	[sflag:s0] =	ssyncset.done $0x0  }
0x65: {  	[sflag:s0] =	ssyncadd.s32 $0xFFFFFF80  }
0x66: {  	_ =	swait.ge [sflag:s4], $0x80  }
0x67: {  	[sflag:s4] =	ssyncset.done $0x0  }
0x68: {  	[sflag:s4] =	ssyncadd.s32 $0xFFFFFF80  }
0x69: {  	[tilespmem:s5], [sflag:$0x1] =	stream.indirect.gather [hbm4b:s1+s2], $0x80, s29, s2, $0xb8;
	[tilespmem:$0x1DB00] =	vst v63  }
0x6a: {  	_ = 	snop  }
0x6b: {  	[tilespmem:s10], [sflag:$0x2] =	stream.indirect.gather [hbm4b:s1+s2], $0x80, s30, s2, $0xb8;
	[tilespmem:$0x1DB00] =	vst v63  }
0x6c: {  	_ =	swait.ge [sflag:s11], $0x80  }
0x6d: {  	[sflag:s11] =	ssyncset.done $0x0  }
0x6e: {  	[sflag:s11] =	ssyncadd.s32 $0xFFFFFF80  }
0x6f: {  	v1 =	vld [tilespmem:$0x16000];
	_ =	sdelay $0x5  }
0x70: {  	v2 =	vld [tilespmem:$0x16080];
	_ =	sdelay $0x1  }
0x71: {  	v1 =	vld.idx.msk [tilespmem:v1+s25+$0x0], $0xffff;
	_ =	sdelay $0x3  }
0x72: {  	v3 =	vld [tilespmem:$0x16010]  }
0x73: {  	[tilespmem:$0x16200] =	vst v1  }
0x74: {  	v1 =	vld.idx.msk [tilespmem:v2+s25+$0x0], $0xffff;
	_ =	sdelay $0x3  }
0x75: {  	v2 =	vld [tilespmem:$0x16090]  }
0x76: {  	[tilespmem:$0x16280] =	vst v1  }
0x77: {  	v1 =	vld.idx.msk [tilespmem:v3+s25+$0x0], $0xffff;
	_ =	sdelay $0x3  }
0x78: {  	v3 =	vld [tilespmem:$0x16020]  }
0x79: {  	[tilespmem:$0x16210] =	vst v1  }
0x7a: {  	v1 =	vld.idx.msk [tilespmem:v2+s25+$0x0], $0xffff;
	_ =	sdelay $0x3  }
0x7b: {  	v2 =	vld [tilespmem:$0x160A0]  }
0x7c: {  	[tilespmem:$0x16290] =	vst v1  }
0x7d: {  	v1 =	vld.idx.msk [tilespmem:v3+s25+$0x0], $0xffff;
	_ =	sdelay $0x3  }
0x7e: {  	v3 =	vld [tilespmem:$0x16030]  }
0x7f: {  	[tilespmem:$0x16220] =	vst v1  }
0x80: {  	v1 =	vld.idx.msk [tilespmem:v2+s25+$0x0], $0xffff;
	_ =	sdelay $0x3  }
0x81: {  	v2 =	vld [tilespmem:$0x160B0]  }
0x82: {  	[tilespmem:$0x162A0] =	vst v1  }
0x83: {  	v1 =	vld.idx.msk [tilespmem:v3+s25+$0x0], $0xffff;
	_ =	sdelay $0x3  }
0x84: {  	v3 =	vld [tilespmem:$0x16040]  }
0x85: {  	[tilespmem:$0x16230] =	vst v1  }
0x86: {  	v1 =	vld.idx.msk [tilespmem:v2+s25+$0x0], $0xffff;
	_ =	sdelay $0x3  }
0x87: {  	v2 =	vld [tilespmem:$0x160C0]  }
0x88: {  	[tilespmem:$0x162B0] =	vst v1  }
0x89: {  	v1 =	vld.idx.msk [tilespmem:v3+s25+$0x0], $0xffff;
	_ =	sdelay $0x4  }
0x8a: {  	[tilespmem:$0x16240] =	vst v1  }
0x8b: {  	v1 =	vld.idx.msk [tilespmem:v2+s25+$0x0], $0xffff;
	_ =	sdelay $0x4  }
0x8c: {  	[tilespmem:$0x162C0] =	vst v1  }
0x8d: {  	_ =	swait.ge [sflag:s12], $0x2800  }
0x8e: {  	[sflag:s12] =	ssyncset.done $0x0  }
0x8f: {  	[sflag:s12] =	ssyncadd.s32 $0xFFFFD800  }
0x90: {  	_ =	swait.ge [sflag:s13], $0x2800  }
0x91: {  	v2 =	vmov s22;
	[sflag:s13] =	ssyncset.done $0x0  }
0x92: {  	s20 =	simm.s32 $0x16340;
	[sflag:s13] =	ssyncadd.s32 $0xFFFFD800  }
0x93: {  	v1 =	vld [tilespmem:s20+$0xFFFFFFF0]  }
0x94: {  	v4 =	vld [tilespmem:s20+$0xFFFFFFD0]  }
0x95: {  	v5 =	vld [tilespmem:s20+$0xFFFFFFC0]  }
0x96: {  	s18 =	simm.s32 $0x18B40;
	v17 =	vld.idx.msk [tilespmem:v2+s15+$0x0], $0xffff  }
0x97: {  	v6 =	vld [tilespmem:s18+$0xFFFFFFC0]  }
0x98: {  	v19 =	vld.idx.msk [tilespmem:v2+s16+$0x0], $0xffff  }
0x99: {  	v9 =	vld [tilespmem:s18+$0xFFFFFFD0]  }
0x9a: {  	v16 =	vld [tilespmem:s18+$0xFFFFFFE0]  }
0x9b: {  	v7 =	vld [tilespmem:s20+$0xFFFFFFE0]  }
0x9c: {  	v12 =	vld [tilespmem:s18+$0xFFFFFFF0]  }
0x9d: {  	v3 =	vld [tilespmem:s20+$0x0];
	v11 =	vmul.f32 v5, v17;
	v13 =	vmul.f32 v4, v17  }
0x9e: {  	v15 =	vld [tilespmem:s18+$0x0];
	v14 =	vmul.f32 v6, v19;
	v18 =	vmul.f32 v9, v19  }
0x9f: {  	v8 =	vld [tilespmem:s20+$0x20];
	v20 =	vmul.f32 v16, v19  }
0xa0: {  	v10 =	vld [tilespmem:s18+$0x10];
	v21 =	vmul.f32 v7, v17;
	v11 =	vsub.f32 v14, v11;
	v14 =	vsub.f32 v18, v13  }
0xa1: {  	v22 =	vmul.f32 v12, v19;
	v23 =	vmul.f32 v1, v17;
	v13 =	vld [tilespmem:s20+$0x10]  }
0xa2: {  	v18 =	vld [tilespmem:s18+$0x20];
	v20 =	vsub.f32 v20, v21;
	v21 =	vmul.f32 v11, v11;
	v24 =	vmul.f32 v14, v14  }
0xa3: {  	v25 =	vmul.f32 v3, v17;
	v26 =	vmul.f32 v15, v19;
	v11 =	vld [tilespmem:s18+$0x30]  }
0xa4: {  	v22 =	vsub.f32 v22, v23;
	v14 =	vld [tilespmem:s20+$0x30];
	v20 =	vmul.f32 v20, v20;
	v21 =	vadd.f32 v24, v21  }
0xa5: {  	v60 =	vmul.f32 v10, v19;
	v23 =	vsub.f32 v26, v25  }
0xa6: {  	v61 =	vmul.f32 v13, v17;
	v20 =	vadd.f32 v20, v21;
	v21 =	vmul.f32 v22, v22  }
0xa7: {  	v62 =	vmul.f32 v18, v19;
	v22 =	vmul.f32 v8, v17  }
0xa8: {  	v24 =	vsub.f32 v60, v61;
	v20 =	vadd.f32 v21, v20;
	v21 =	vmul.f32 v23, v23  }
0xa9: {  	v63 =	vmul.f32 v14, v17;
	v23 =	vmul.f32 v11, v19  }
0xaa: {  	v22 =	vsub.f32 v62, v22;
	v20 =	vadd.f32 v21, v20;
	v21 =	vmul.f32 v24, v24;
	_ =	sdelay $0x1  }
0xab: {  	v23 =	vsub.f32 v23, v63;
	v20 =	vadd.f32 v21, v20;
	v21 =	vmul.f32 v22, v22;
	_ =	sdelay $0x1  }
0xac: {  	v20 =	vadd.f32 v21, v20;
	v21 =	vmul.f32 v23, v23;
	_ =	sdelay $0x1  }
0xad: {  	v20 =	vadd.f32 v21, v20;
	_ =	sdelay $0x1  }
0xae: {  	(xrf2) =	vadd.scan.msk.f32 $0xffff, v20;
	_ =	sdelay $0x9  }
0xaf: {  	v20, _, _ =	vpop (xrf2)  }
0xb0: {  	v20 =	vmax.f32 v20, $9.999999680e-21  }
0xb1: {  	v20 =	vbroadcast v20, $0xF;
	_ =	sdelay $0x1  }
0xb2: {  	v21 =	vshra.s32 v20, $0x1;
	v22 =	vmul.f32 $5.000000000e-01, v20  }
0xb3: {  	v21 =	vsub.s32 $0x5F3759DF, v21  }
0xb4: {  	v23 =	vmul.f32 v21, v22;
	_ =	sdelay $0x1  }
0xb5: {  	v23 =	vmul.f32 v21, v23;
	_ =	sdelay $0x1  }
0xb6: {  	v23 =	vsub.f32 $1.500000000e+00, v23;
	_ =	sdelay $0x1  }
0xb7: {  	v21 =	vmul.f32 v21, v23;
	_ =	sdelay $0x1  }
0xb8: {  	v23 =	vmul.f32 v21, v22;
	_ =	sdelay $0x1  }
0xb9: {  	v23 =	vmul.f32 v23, v21;
	_ =	sdelay $0x1  }
0xba: {  	v23 =	vsub.f32 $1.500000000e+00, v23;
	_ =	sdelay $0x1  }
0xbb: {  	v21 =	vmul.f32 v23, v21;
	_ =	sdelay $0x1  }
0xbc: {  	s9 =	simm.s32 $0x16340;
	s19 =	simm.s32 $0x1;
	v19 =	vmul.f32 v19, v17;
	v22 =	vmul.f32 v21, v22  }
.LBB2_5:
0xbd: {  	p2 =	sne.s32 s19, $0x4F;
	s18 =	sadd.s32 $0x80, s18;
	s20 =	sadd.s32 $0x80, s20  }
0xbe: {  	s21 =	smov.u32 s19;
	s19 =	sadd.s32 $0x1, s19;
	v22 =	vmul.f32 v22, v21;
	_ =	sdelay $0x1  }
0xbf: {  	v22 =	vsub.f32 $1.500000000e+00, v22;
	_ =	sdelay $0x1  }
0xc0: {  	v21 =	vmul.f32 v22, v21;
	_ =	sdelay $0x1  }
0xc1: {  	v22 =	vmov s21;
	v20 =	vmul.f32 v21, v20;
	_ =	sdelay $0x1  }
0xc2: {  	v20 =	vadd.f32 $9.999999740e-06, v20;
	_ =	sdelay $0x1  }
0xc3: {  	(erf) = vrcp.f32 v20;
	_ =	sdelay $0x1  }
0xc4: {  	v20 =	vld.idx.msk [tilespmem:v2+s31+$0x0], $0xffff;
	v2 =	vmov v22;
	_ =	sdelay $0x5  }
0xc5: {  	v20 =	vmul.f32 $5.000000000e-01, v20  }
0xc6: {  	v21 =	vpop (erf)  }
0xc7: {  	v17 =	vmul.f32 v17, v17;
	v20 =	vmul.f32 v21, v20;
	_ =	sdelay $0x1  }
0xc8: {  	v21 =	vsub.f32 $1.000000000e+00, v20;
	v17 =	vmul.f32 v20, v17;
	_ =	sdelay $0x1  }
0xc9: {  	v19 =	vmul.f32 v21, v19;
	v12 =	vmul.f32 v17, v12  }
0xca: {  	v15 =	vmul.f32 v17, v15;
	v11 =	vmul.f32 v17, v11  }
0xcb: {  	v16 =	vmul.f32 v17, v16;
	v7 =	vmul.f32 v19, v7  }
0xcc: {  	v18 =	vmul.f32 v17, v18;
	v8 =	vmul.f32 v19, v8  }
0xcd: {  	v9 =	vmul.f32 v17, v9;
	v4 =	vmul.f32 v19, v4;
	v7 =	vadd.f32 v7, v16  }
0xce: {  	v5 =	vmul.f32 v19, v5;
	v8 =	vadd.f32 v8, v18  }
0xcf: {  	v6 =	vmul.f32 v17, v6;
	v1 =	vmul.f32 v19, v1;
	v4 =	vadd.f32 v4, v9;
	[tilespmem:s9+$0xFFFFFFE0] =	vst v7  }
0xd0: {  	v9 =	vmul.f32 v17, v10;
	v7 =	vmul.f32 v19, v13;
	[tilespmem:s9+$0x20] =	vst v8  }
0xd1: {  	v3 =	vmul.f32 v19, v3;
	v5 =	vadd.f32 v5, v6;
	v6 =	vadd.f32 v1, v12  }
0xd2: {  	v1 =	vld [tilespmem:s20+$0xFFFFFFF0];
	[tilespmem:s9+$0xFFFFFFD0] =	vst v4;
	v4 =	vadd.f32 v7, v9;
	v9 =	vmul.f32 v19, v14  }
0xd3: {  	v3 =	vadd.f32 v3, v15;
	v7 =	vld [tilespmem:s20+$0xFFFFFFE0];
	[tilespmem:s9+$0xFFFFFFC0] =	vst v5  }
0xd4: {  	v8 =	vld [tilespmem:s20+$0x20];
	[tilespmem:s9+$0x10] =	vst v4;
	v9 =	vadd.f32 v9, v11  }
0xd5: {  	v4 =	vld [tilespmem:s20+$0xFFFFFFD0];
	[tilespmem:s9+$0x0] =	vst v3  }
0xd6: {  	v3 =	vld [tilespmem:s20+$0x0];
	[tilespmem:s9+$0xFFFFFFF0] =	vst v6  }
0xd7: {  	v5 =	vld [tilespmem:s20+$0xFFFFFFC0];
	[tilespmem:s9+$0x30] =	vst v9;
	s9 =	smov.u32 s20  }
0xd8: {  	v11 =	vld [tilespmem:s18+$0x30]  }
0xd9: {  	v17 =	vld.idx.msk [tilespmem:v2+s15+$0x0], $0xffff  }
0xda: {  	v6 =	vld [tilespmem:s18+$0xFFFFFFC0]  }
0xdb: {  	v19 =	vld.idx.msk [tilespmem:v2+s16+$0x0], $0xffff  }
0xdc: {  	v9 =	vld [tilespmem:s18+$0xFFFFFFD0]  }
0xdd: {  	v16 =	vld [tilespmem:s18+$0xFFFFFFE0]  }
0xde: {  	v15 =	vld [tilespmem:s18+$0x0]  }
0xdf: {  	v20 =	vmul.f32 v5, v17;
	v21 =	vmul.f32 v3, v17;
	v12 =	vld [tilespmem:s18+$0xFFFFFFF0]  }
0xe0: {  	v22 =	vmul.f32 v4, v17;
	v23 =	vmul.f32 v8, v17;
	v13 =	vld [tilespmem:s20+$0x10]  }
0xe1: {  	v24 =	vmul.f32 v6, v19;
	v10 =	vld [tilespmem:s18+$0x10];
	v25 =	vmul.f32 v9, v19  }
0xe2: {  	v27 =	vmul.f32 v7, v17;
	v18 =	vld [tilespmem:s18+$0x20];
	v26 =	vmul.f32 v16, v19  }
0xe3: {  	v20 =	vsub.f32 v24, v20;
	v14 =	vld [tilespmem:s20+$0x30];
	v22 =	vsub.f32 v25, v22;
	v24 =	vmul.f32 v15, v19  }
0xe4: {  	v25 =	vsub.f32 v26, v27;
	v26 =	vmul.f32 v12, v19;
	v27 =	vmul.f32 v1, v17  }
0xe5: {  	v20 =	vmul.f32 v20, v20;
	v22 =	vmul.f32 v22, v22;
	v21 =	vsub.f32 v24, v21  }
0xe6: {  	v24 =	vsub.f32 v26, v27;
	v26 =	vmul.f32 v10, v19;
	v27 =	vmul.f32 v13, v17  }
0xe7: {  	v20 =	vadd.f32 v22, v20;
	v22 =	vmul.f32 v25, v25;
	v25 =	vmul.f32 v18, v19  }
0xe8: {  	v26 =	vsub.f32 v26, v27;
	v27 =	vmul.f32 v11, v19;
	v28 =	vmul.f32 v14, v17  }
0xe9: {  	v20 =	vadd.f32 v22, v20;
	v22 =	vmul.f32 v24, v24;
	v23 =	vsub.f32 v25, v23  }
0xea: {  	v19 =	vmul.f32 v19, v17;
	v24 =	vsub.f32 v27, v28  }
0xeb: {  	v21 =	vmul.f32 v21, v21;
	v20 =	vadd.f32 v22, v20;
	_ =	sdelay $0x1  }
0xec: {  	v20 =	vadd.f32 v21, v20;
	v21 =	vmul.f32 v26, v26;
	_ =	sdelay $0x1  }
0xed: {  	v20 =	vadd.f32 v21, v20;
	v21 =	vmul.f32 v23, v23;
	_ =	sdelay $0x1  }
0xee: {  	v20 =	vadd.f32 v21, v20;
	v21 =	vmul.f32 v24, v24;
	_ =	sdelay $0x1  }
0xef: {  	v20 =	vadd.f32 v21, v20;
	_ =	sdelay $0x1  }
0xf0: {  	(xrf2) =	vadd.scan.msk.f32 $0xffff, v20;
	_ =	sdelay $0x9  }
0xf1: {  	v20, _, _ =	vpop (xrf2)  }
0xf2: {  	v20 =	vmax.f32 v20, $9.999999680e-21  }
0xf3: {  	v20 =	vbroadcast v20, $0xF;
	_ =	sdelay $0x1  }
0xf4: {  	v21 =	vshra.s32 v20, $0x1;
	v22 =	vmul.f32 $5.000000000e-01, v20  }
0xf5: {  	v21 =	vsub.s32 $0x5F3759DF, v21  }
0xf6: {  	v23 =	vmul.f32 v21, v22;
	_ =	sdelay $0x1  }
0xf7: {  	v23 =	vmul.f32 v21, v23;
	_ =	sdelay $0x1  }
0xf8: {  	v23 =	vsub.f32 $1.500000000e+00, v23;
	_ =	sdelay $0x1  }
0xf9: {  	v21 =	vmul.f32 v21, v23;
	_ =	sdelay $0x1  }
0xfa: {  	v23 =	vmul.f32 v21, v22;
	_ =	sdelay $0x1  }
0xfb: {  	v23 =	vmul.f32 v23, v21;
	_ =	sdelay $0x1  }
.Ltmp1:
0xfc: {  	v23 =	vsub.f32 $1.500000000e+00, v23;
	(pc) =	sbr.rel @p2 .LBB2_5-.Ltmp1, $3  }
0xfd: {  	_ = 	snop  }
0xfe: {  	v21 =	vmul.f32 v23, v21;
	_ =	sdelay $0x1  }
0xff: {  	v22 =	vmul.f32 v21, v22  }
0x100: {  	_ = 	snop  }
0x101: {  	v22 =	vmul.f32 v22, v21;
	_ =	sdelay $0x1  }
0x102: {  	v22 =	vsub.f32 $1.500000000e+00, v22;
	_ =	sdelay $0x1  }
0x103: {  	v21 =	vmul.f32 v22, v21;
	_ =	sdelay $0x1  }
0x104: {  	v20 =	vmul.f32 v21, v20;
	_ =	sdelay $0x1  }
0x105: {  	v20 =	vadd.f32 $9.999999740e-06, v20;
	_ =	sdelay $0x1  }
0x106: {  	(erf) = vrcp.f32 v20;
	_ =	sdelay $0x2  }
0x107: {  	v2 =	vld.idx.msk [tilespmem:v2+s31+$0x0], $0xffff;
	_ =	sdelay $0x4  }
0x108: {  	v2 =	vmul.f32 $5.000000000e-01, v2  }
0x109: {  	v20 =	vpop (erf)  }
0x10a: {  	v2 =	vmul.f32 v20, v2  }
0x10b: {  	v17 =	vmul.f32 v17, v17  }
0x10c: {  	v20 =	vsub.f32 $1.000000000e+00, v2  }
0x10d: {  	v2 =	vmul.f32 v2, v17  }
0x10e: {  	v17 =	vmul.f32 v20, v19  }
0x10f: {  	v16 =	vmul.f32 v2, v16;
	v18 =	vmul.f32 v2, v18  }
0x110: {  	v9 =	vmul.f32 v2, v9;
	v7 =	vmul.f32 v17, v7  }
0x111: {  	v6 =	vmul.f32 v2, v6;
	v8 =	vmul.f32 v17, v8  }
0x112: {  	v4 =	vmul.f32 v17, v4;
	v5 =	vmul.f32 v17, v5;
	v7 =	vadd.f32 v7, v16  }
0x113: {  	v3 =	vmul.f32 v17, v3;
	v1 =	vmul.f32 v17, v1;
	v8 =	vadd.f32 v8, v18  }
0x114: {  	v4 =	vadd.f32 v4, v9;
	v9 =	vmul.f32 v2, v10;
	v10 =	vmul.f32 v2, v15;
	[tilespmem:s9+$0xFFFFFFE0] =	vst v7  }
0x115: {  	v5 =	vadd.f32 v5, v6;
	v6 =	vmul.f32 v2, v12;
	v7 =	vmul.f32 v17, v13;
	[tilespmem:s9+$0x20] =	vst v8  }
0x116: {  	v2 =	vmul.f32 v2, v11;
	[tilespmem:s9+$0xFFFFFFD0] =	vst v4;
	v3 =	vadd.f32 v3, v10  }
0x117: {  	[tilespmem:s9+$0xFFFFFFC0] =	vst v5;
	v1 =	vadd.f32 v1, v6;
	v4 =	vadd.f32 v7, v9;
	v7 =	vmul.f32 v17, v14  }
0x118: {  	[tilespmem:s9+$0x0] =	vst v3  }
0x119: {  	[tilespmem:s9+$0xFFFFFFF0] =	vst v1;
	v2 =	vadd.f32 v7, v2  }
0x11a: {  	[tilespmem:s9+$0x10] =	vst v4  }
0x11b: {  	[tilespmem:s9+$0x30] =	vst v2;
	s9 =	simm.s32 @!p1 $0x4  }
0x11c: {  	[spmem:s3] =	stream.indirect.scatter.add.f32 [tilespmem:s5], [sflag:$0x3], $0x80, s30, s2, $0xb8;
	[tilespmem:$0x1DB00] =	vst v63  }
0x11d: {  	_ =	swait.ge @!p1 [sflag:s9], $0x2800  }
0x11e: {  	s18 =	sor.u32 $0x10, s24;
	[sflag:s9] =	ssyncset.done @!p1 $0x0  }
0x11f: {  	s19 =	simm.s32 $0x0;
	s20 =	sadd.s32 s6, s18;
	[sflag:s9] =	ssyncadd.s32 @!p1 $0xFFFFD800  }
0x120: {  	[tilespmem:s29], [sflag:$0x5] =	stream.linear.gather [hbm4b:s20+s19], $0x80, $0x38;
	[tilespmem:$0x1DB00] =	vst v63  }
0x121: {  	s21 =	sadd.s32 s7, s18  }
0x122: {  	[tilespmem:s17], [sflag:$0x6] =	stream.linear.gather [hbm4b:s21+s19], $0x80, $0x38;
	[tilespmem:$0x1DB00] =	vst v63  }
0x123: {  	s24 =	sadd.s32 s8, s18  }
0x124: {  	[tilespmem:s31], [sflag:$0x7] =	stream.linear.gather [hbm4b:s24+s19], $0x80, $0x38;
	[tilespmem:$0x1DB00] =	vst v63  }
0x125: {  	_ =	swait.ge [sflag:s0], $0x80  }
0x126: {  	[sflag:s0] =	ssyncset.done $0x0  }
0x127: {  	[sflag:s0] =	ssyncadd.s32 $0xFFFFFF80  }
0x128: {  	_ =	swait.ge [sflag:s4], $0x80  }
0x129: {  	[sflag:s4] =	ssyncset.done $0x0  }
0x12a: {  	[sflag:s4] =	ssyncadd.s32 $0xFFFFFF80  }
0x12b: {  	[tilespmem:s28], [sflag:$0x1] =	stream.indirect.gather [hbm4b:s1+s2], $0x80, s29, s2, $0xb8;
	[tilespmem:$0x1DB00] =	vst v63  }
0x12c: {  	_ = 	snop  }
0x12d: {  	[tilespmem:s10], [sflag:$0x2] =	stream.indirect.gather [hbm4b:s1+s2], $0x80, s17, s2, $0xb8;
	[tilespmem:$0x1DB00] =	vst v63  }
0x12e: {  	_ =	swait.ge [sflag:s11], $0x80  }
0x12f: {  	[sflag:s11] =	ssyncset.done $0x0  }
0x130: {  	[sflag:s11] =	ssyncadd.s32 $0xFFFFFF80  }
0x131: {  	v1 =	vld [tilespmem:$0x16000];
	_ =	sdelay $0x5  }
0x132: {  	v2 =	vld [tilespmem:$0x16100];
	_ =	sdelay $0x1  }
0x133: {  	v1 =	vld.idx.msk [tilespmem:v1+s25+$0x0], $0xffff;
	_ =	sdelay $0x3  }
0x134: {  	v3 =	vld [tilespmem:$0x16010]  }
0x135: {  	[tilespmem:$0x16200] =	vst v1  }
0x136: {  	v1 =	vld.idx.msk [tilespmem:v2+s25+$0x0], $0xffff;
	_ =	sdelay $0x3  }
0x137: {  	v2 =	vld [tilespmem:$0x16110]  }
0x138: {  	[tilespmem:$0x16280] =	vst v1  }
0x139: {  	v1 =	vld.idx.msk [tilespmem:v3+s25+$0x0], $0xffff;
	_ =	sdelay $0x3  }
0x13a: {  	v3 =	vld [tilespmem:$0x16020]  }
0x13b: {  	[tilespmem:$0x16210] =	vst v1  }
0x13c: {  	v1 =	vld.idx.msk [tilespmem:v2+s25+$0x0], $0xffff;
	_ =	sdelay $0x3  }
0x13d: {  	v2 =	vld [tilespmem:$0x16120]  }
0x13e: {  	[tilespmem:$0x16290] =	vst v1  }
0x13f: {  	v1 =	vld.idx.msk [tilespmem:v3+s25+$0x0], $0xffff;
	_ =	sdelay $0x3  }
0x140: {  	v3 =	vld [tilespmem:$0x16030]  }
0x141: {  	[tilespmem:$0x16220] =	vst v1  }
0x142: {  	v1 =	vld.idx.msk [tilespmem:v2+s25+$0x0], $0xffff;
	_ =	sdelay $0x3  }
0x143: {  	v2 =	vld [tilespmem:$0x16130]  }
0x144: {  	[tilespmem:$0x162A0] =	vst v1  }
0x145: {  	v1 =	vld.idx.msk [tilespmem:v3+s25+$0x0], $0xffff;
	_ =	sdelay $0x3  }
0x146: {  	v3 =	vld [tilespmem:$0x16040]  }
0x147: {  	[tilespmem:$0x16230] =	vst v1  }
0x148: {  	v1 =	vld.idx.msk [tilespmem:v2+s25+$0x0], $0xffff;
	_ =	sdelay $0x3  }
0x149: {  	v2 =	vld [tilespmem:$0x16140]  }
0x14a: {  	[tilespmem:$0x162B0] =	vst v1  }
0x14b: {  	v1 =	vld.idx.msk [tilespmem:v3+s25+$0x0], $0xffff;
	_ =	sdelay $0x4  }
0x14c: {  	[tilespmem:$0x16240] =	vst v1  }
0x14d: {  	v1 =	vld.idx.msk [tilespmem:v2+s25+$0x0], $0xffff;
	_ =	sdelay $0x4  }
0x14e: {  	[tilespmem:$0x162C0] =	vst v1  }
0x14f: {  	_ =	swait.ge [sflag:s12], $0x2800  }
0x150: {  	[sflag:s12] =	ssyncset.done $0x0  }
0x151: {  	[sflag:s12] =	ssyncadd.s32 $0xFFFFD800  }
0x152: {  	_ =	swait.ge [sflag:s13], $0x2800  }
0x153: {  	v2 =	vmov s19;
	[sflag:s13] =	ssyncset.done $0x0  }
0x154: {  	s20 =	simm.s32 $0x1B340;
	[sflag:s13] =	ssyncadd.s32 $0xFFFFD800  }
0x155: {  	v1 =	vld [tilespmem:s20+$0xFFFFFFF0]  }
0x156: {  	v4 =	vld [tilespmem:s20+$0xFFFFFFD0]  }
0x157: {  	v5 =	vld [tilespmem:s20+$0xFFFFFFC0]  }
0x158: {  	s18 =	simm.s32 $0x18B40;
	v17 =	vld.idx.msk [tilespmem:v2+s15+$0x0], $0xffff  }
0x159: {  	v6 =	vld [tilespmem:s18+$0xFFFFFFC0]  }
0x15a: {  	v19 =	vld.idx.msk [tilespmem:v2+s16+$0x0], $0xffff  }
0x15b: {  	v9 =	vld [tilespmem:s18+$0xFFFFFFD0]  }
0x15c: {  	v16 =	vld [tilespmem:s18+$0xFFFFFFE0]  }
0x15d: {  	v7 =	vld [tilespmem:s20+$0xFFFFFFE0]  }
0x15e: {  	v12 =	vld [tilespmem:s18+$0xFFFFFFF0]  }
0x15f: {  	v3 =	vld [tilespmem:s20+$0x0];
	v11 =	vmul.f32 v5, v17;
	v13 =	vmul.f32 v4, v17  }
0x160: {  	v15 =	vld [tilespmem:s18+$0x0];
	v14 =	vmul.f32 v6, v19;
	v18 =	vmul.f32 v9, v19  }
0x161: {  	v8 =	vld [tilespmem:s20+$0x20];
	v20 =	vmul.f32 v16, v19  }
0x162: {  	v10 =	vld [tilespmem:s18+$0x10];
	v21 =	vmul.f32 v7, v17;
	v11 =	vsub.f32 v14, v11;
	v14 =	vsub.f32 v18, v13  }
0x163: {  	v22 =	vmul.f32 v12, v19;
	v23 =	vmul.f32 v1, v17;
	v13 =	vld [tilespmem:s20+$0x10]  }
0x164: {  	v18 =	vld [tilespmem:s18+$0x20];
	v20 =	vsub.f32 v20, v21;
	v21 =	vmul.f32 v11, v11;
	v24 =	vmul.f32 v14, v14  }
0x165: {  	v25 =	vmul.f32 v3, v17;
	v26 =	vmul.f32 v15, v19;
	v11 =	vld [tilespmem:s18+$0x30]  }
0x166: {  	v22 =	vsub.f32 v22, v23;
	v14 =	vld [tilespmem:s20+$0x30];
	v20 =	vmul.f32 v20, v20;
	v21 =	vadd.f32 v24, v21  }
0x167: {  	v60 =	vmul.f32 v10, v19;
	v23 =	vsub.f32 v26, v25  }
0x168: {  	v61 =	vmul.f32 v13, v17;
	v20 =	vadd.f32 v20, v21;
	v21 =	vmul.f32 v22, v22  }
0x169: {  	v62 =	vmul.f32 v18, v19;
	v22 =	vmul.f32 v8, v17  }
0x16a: {  	v24 =	vsub.f32 v60, v61;
	v20 =	vadd.f32 v21, v20;
	v21 =	vmul.f32 v23, v23  }
0x16b: {  	v63 =	vmul.f32 v14, v17;
	v23 =	vmul.f32 v11, v19  }
0x16c: {  	v22 =	vsub.f32 v62, v22;
	v20 =	vadd.f32 v21, v20;
	v21 =	vmul.f32 v24, v24;
	_ =	sdelay $0x1  }
0x16d: {  	v23 =	vsub.f32 v23, v63;
	v20 =	vadd.f32 v21, v20;
	v21 =	vmul.f32 v22, v22;
	_ =	sdelay $0x1  }
0x16e: {  	v20 =	vadd.f32 v21, v20;
	v21 =	vmul.f32 v23, v23;
	_ =	sdelay $0x1  }
0x16f: {  	v20 =	vadd.f32 v21, v20;
	_ =	sdelay $0x1  }
0x170: {  	(xrf2) =	vadd.scan.msk.f32 $0xffff, v20;
	_ =	sdelay $0x9  }
0x171: {  	v20, _, _ =	vpop (xrf2)  }
0x172: {  	v20 =	vmax.f32 v20, $9.999999680e-21  }
0x173: {  	v20 =	vbroadcast v20, $0xF;
	_ =	sdelay $0x1  }
0x174: {  	v21 =	vshra.s32 v20, $0x1;
	v22 =	vmul.f32 $5.000000000e-01, v20  }
0x175: {  	v21 =	vsub.s32 $0x5F3759DF, v21  }
0x176: {  	v23 =	vmul.f32 v21, v22;
	_ =	sdelay $0x1  }
0x177: {  	v23 =	vmul.f32 v21, v23;
	_ =	sdelay $0x1  }
0x178: {  	v23 =	vsub.f32 $1.500000000e+00, v23;
	_ =	sdelay $0x1  }
0x179: {  	v21 =	vmul.f32 v21, v23;
	_ =	sdelay $0x1  }
0x17a: {  	v23 =	vmul.f32 v21, v22;
	_ =	sdelay $0x1  }
0x17b: {  	v23 =	vmul.f32 v23, v21;
	_ =	sdelay $0x1  }
0x17c: {  	v23 =	vsub.f32 $1.500000000e+00, v23;
	_ =	sdelay $0x1  }
0x17d: {  	v21 =	vmul.f32 v23, v21;
	_ =	sdelay $0x1  }
0x17e: {  	s9 =	simm.s32 $0x1B340;
	s19 =	simm.s32 $0x1;
	v19 =	vmul.f32 v19, v17;
	v22 =	vmul.f32 v21, v22  }
.LBB2_7:
0x17f: {  	p1 =	sne.s32 s19, $0x4F;
	s18 =	sadd.s32 $0x80, s18;
	s20 =	sadd.s32 $0x80, s20  }
0x180: {  	s21 =	smov.u32 s19;
	s19 =	sadd.s32 $0x1, s19;
	v22 =	vmul.f32 v22, v21;
	_ =	sdelay $0x1  }
0x181: {  	v22 =	vsub.f32 $1.500000000e+00, v22;
	_ =	sdelay $0x1  }
0x182: {  	v21 =	vmul.f32 v22, v21;
	_ =	sdelay $0x1  }
0x183: {  	v22 =	vmov s21;
	v20 =	vmul.f32 v21, v20;
	_ =	sdelay $0x1  }
0x184: {  	v20 =	vadd.f32 $9.999999740e-06, v20;
	_ =	sdelay $0x1  }
0x185: {  	(erf) = vrcp.f32 v20;
	_ =	sdelay $0x1  }
0x186: {  	v20 =	vld.idx.msk [tilespmem:v2+s31+$0x0], $0xffff;
	v2 =	vmov v22;
	_ =	sdelay $0x5  }
0x187: {  	v20 =	vmul.f32 $5.000000000e-01, v20  }
0x188: {  	v21 =	vpop (erf)  }
0x189: {  	v17 =	vmul.f32 v17, v17;
	v20 =	vmul.f32 v21, v20;
	_ =	sdelay $0x1  }
0x18a: {  	v21 =	vsub.f32 $1.000000000e+00, v20;
	v17 =	vmul.f32 v20, v17;
	_ =	sdelay $0x1  }
0x18b: {  	v19 =	vmul.f32 v21, v19;
	v12 =	vmul.f32 v17, v12  }
0x18c: {  	v15 =	vmul.f32 v17, v15;
	v11 =	vmul.f32 v17, v11  }
0x18d: {  	v16 =	vmul.f32 v17, v16;
	v7 =	vmul.f32 v19, v7  }
0x18e: {  	v18 =	vmul.f32 v17, v18;
	v8 =	vmul.f32 v19, v8  }
0x18f: {  	v9 =	vmul.f32 v17, v9;
	v4 =	vmul.f32 v19, v4;
	v7 =	vadd.f32 v7, v16  }
0x190: {  	v5 =	vmul.f32 v19, v5;
	v8 =	vadd.f32 v8, v18  }
0x191: {  	v6 =	vmul.f32 v17, v6;
	v1 =	vmul.f32 v19, v1;
	v4 =	vadd.f32 v4, v9;
	[tilespmem:s9+$0xFFFFFFE0] =	vst v7  }
0x192: {  	v9 =	vmul.f32 v17, v10;
	v7 =	vmul.f32 v19, v13;
	[tilespmem:s9+$0x20] =	vst v8  }
0x193: {  	v3 =	vmul.f32 v19, v3;
	v5 =	vadd.f32 v5, v6;
	v6 =	vadd.f32 v1, v12  }
0x194: {  	v1 =	vld [tilespmem:s20+$0xFFFFFFF0];
	[tilespmem:s9+$0xFFFFFFD0] =	vst v4;
	v4 =	vadd.f32 v7, v9;
	v9 =	vmul.f32 v19, v14  }
0x195: {  	v3 =	vadd.f32 v3, v15;
	v7 =	vld [tilespmem:s20+$0xFFFFFFE0];
	[tilespmem:s9+$0xFFFFFFC0] =	vst v5  }
0x196: {  	v8 =	vld [tilespmem:s20+$0x20];
	[tilespmem:s9+$0x10] =	vst v4;
	v9 =	vadd.f32 v9, v11  }
0x197: {  	v4 =	vld [tilespmem:s20+$0xFFFFFFD0];
	[tilespmem:s9+$0x0] =	vst v3  }
0x198: {  	v3 =	vld [tilespmem:s20+$0x0];
	[tilespmem:s9+$0xFFFFFFF0] =	vst v6  }
0x199: {  	v5 =	vld [tilespmem:s20+$0xFFFFFFC0];
	[tilespmem:s9+$0x30] =	vst v9;
	s9 =	smov.u32 s20  }
0x19a: {  	v11 =	vld [tilespmem:s18+$0x30]  }
0x19b: {  	v17 =	vld.idx.msk [tilespmem:v2+s15+$0x0], $0xffff  }
0x19c: {  	v6 =	vld [tilespmem:s18+$0xFFFFFFC0]  }
0x19d: {  	v19 =	vld.idx.msk [tilespmem:v2+s16+$0x0], $0xffff  }
0x19e: {  	v9 =	vld [tilespmem:s18+$0xFFFFFFD0]  }
0x19f: {  	v16 =	vld [tilespmem:s18+$0xFFFFFFE0]  }
0x1a0: {  	v15 =	vld [tilespmem:s18+$0x0]  }
0x1a1: {  	v20 =	vmul.f32 v5, v17;
	v21 =	vmul.f32 v3, v17;
	v12 =	vld [tilespmem:s18+$0xFFFFFFF0]  }
0x1a2: {  	v22 =	vmul.f32 v4, v17;
	v23 =	vmul.f32 v8, v17;
	v13 =	vld [tilespmem:s20+$0x10]  }
0x1a3: {  	v24 =	vmul.f32 v6, v19;
	v10 =	vld [tilespmem:s18+$0x10];
	v25 =	vmul.f32 v9, v19  }
0x1a4: {  	v27 =	vmul.f32 v7, v17;
	v18 =	vld [tilespmem:s18+$0x20];
	v26 =	vmul.f32 v16, v19  }
0x1a5: {  	v20 =	vsub.f32 v24, v20;
	v14 =	vld [tilespmem:s20+$0x30];
	v22 =	vsub.f32 v25, v22;
	v24 =	vmul.f32 v15, v19  }
0x1a6: {  	v25 =	vsub.f32 v26, v27;
	v26 =	vmul.f32 v12, v19;
	v27 =	vmul.f32 v1, v17  }
0x1a7: {  	v20 =	vmul.f32 v20, v20;
	v22 =	vmul.f32 v22, v22;
	v21 =	vsub.f32 v24, v21  }
0x1a8: {  	v24 =	vsub.f32 v26, v27;
	v26 =	vmul.f32 v10, v19;
	v27 =	vmul.f32 v13, v17  }
0x1a9: {  	v20 =	vadd.f32 v22, v20;
	v22 =	vmul.f32 v25, v25;
	v25 =	vmul.f32 v18, v19  }
0x1aa: {  	v26 =	vsub.f32 v26, v27;
	v27 =	vmul.f32 v11, v19;
	v28 =	vmul.f32 v14, v17  }
0x1ab: {  	v20 =	vadd.f32 v22, v20;
	v22 =	vmul.f32 v24, v24;
	v23 =	vsub.f32 v25, v23  }
0x1ac: {  	v19 =	vmul.f32 v19, v17;
	v24 =	vsub.f32 v27, v28  }
0x1ad: {  	v21 =	vmul.f32 v21, v21;
	v20 =	vadd.f32 v22, v20;
	_ =	sdelay $0x1  }
0x1ae: {  	v20 =	vadd.f32 v21, v20;
	v21 =	vmul.f32 v26, v26;
	_ =	sdelay $0x1  }
0x1af: {  	v20 =	vadd.f32 v21, v20;
	v21 =	vmul.f32 v23, v23;
	_ =	sdelay $0x1  }
0x1b0: {  	v20 =	vadd.f32 v21, v20;
	v21 =	vmul.f32 v24, v24;
	_ =	sdelay $0x1  }
0x1b1: {  	v20 =	vadd.f32 v21, v20;
	_ =	sdelay $0x1  }
0x1b2: {  	(xrf2) =	vadd.scan.msk.f32 $0xffff, v20;
	_ =	sdelay $0x9  }
0x1b3: {  	v20, _, _ =	vpop (xrf2)  }
0x1b4: {  	v20 =	vmax.f32 v20, $9.999999680e-21  }
0x1b5: {  	v20 =	vbroadcast v20, $0xF;
	_ =	sdelay $0x1  }
0x1b6: {  	v21 =	vshra.s32 v20, $0x1;
	v22 =	vmul.f32 $5.000000000e-01, v20  }
0x1b7: {  	v21 =	vsub.s32 $0x5F3759DF, v21  }
0x1b8: {  	v23 =	vmul.f32 v21, v22;
	_ =	sdelay $0x1  }
0x1b9: {  	v23 =	vmul.f32 v21, v23;
	_ =	sdelay $0x1  }
0x1ba: {  	v23 =	vsub.f32 $1.500000000e+00, v23;
	_ =	sdelay $0x1  }
0x1bb: {  	v21 =	vmul.f32 v21, v23;
	_ =	sdelay $0x1  }
0x1bc: {  	v23 =	vmul.f32 v21, v22;
	_ =	sdelay $0x1  }
0x1bd: {  	v23 =	vmul.f32 v23, v21;
	_ =	sdelay $0x1  }
.Ltmp2:
0x1be: {  	v23 =	vsub.f32 $1.500000000e+00, v23;
	(pc) =	sbr.rel @p1 .LBB2_7-.Ltmp2, $3  }
0x1bf: {  	_ = 	snop  }
0x1c0: {  	v21 =	vmul.f32 v23, v21;
	_ =	sdelay $0x1  }
0x1c1: {  	v22 =	vmul.f32 v21, v22  }
0x1c2: {  	_ = 	snop  }
0x1c3: {  	v22 =	vmul.f32 v22, v21;
	_ =	sdelay $0x1  }
0x1c4: {  	v22 =	vsub.f32 $1.500000000e+00, v22;
	_ =	sdelay $0x1  }
0x1c5: {  	v56 =	vmul.f32 v22, v21;
	_ =	sdelay $0x1  }
0x1c6: {  	v20 =	vmul.f32 v56, v20;
	_ =	sdelay $0x1  }
0x1c7: {  	v20 =	vadd.f32 $9.999999740e-06, v20;
	_ =	sdelay $0x1  }
0x1c8: {  	(erf) = vrcp.f32 v20;
	_ =	sdelay $0x2  }
0x1c9: {  	v2 =	vld.idx.msk [tilespmem:v2+s31+$0x0], $0xffff;
	_ =	sdelay $0x4  }
0x1ca: {  	v2 =	vmul.f32 $5.000000000e-01, v2  }
0x1cb: {  	v20 =	vpop (erf)  }
0x1cc: {  	v2 =	vmul.f32 v20, v2;
	_ =	sdelay $0x1  }
0x1cd: {  	v17 =	vmul.f32 v17, v17;
	v20 =	vsub.f32 $1.000000000e+00, v2;
	_ =	sdelay $0x1  }
0x1ce: {  	v2 =	vmul.f32 v2, v17;
	v57 =	vmul.f32 v20, v19;
	_ =	sdelay $0x1  }
0x1cf: {  	v16 =	vmul.f32 v2, v16;
	v7 =	vmul.f32 v57, v7  }
0x1d0: {  	v18 =	vmul.f32 v2, v18;
	v8 =	vmul.f32 v57, v8  }
0x1d1: {  	v9 =	vmul.f32 v2, v9;
	v4 =	vmul.f32 v57, v4;
	v7 =	vadd.f32 v7, v16  }
0x1d2: {  	v6 =	vmul.f32 v2, v6;
	v5 =	vmul.f32 v57, v5;
	v8 =	vadd.f32 v8, v18  }
0x1d3: {  	v59 =	vmul.f32 v2, v10;
	v58 =	vmul.f32 v57, v13;
	v4 =	vadd.f32 v4, v9;
	[tilespmem:s9+$0xFFFFFFE0] =	vst v7  }
0x1d4: {  	v60 =	vmul.f32 v2, v15;
	v3 =	vmul.f32 v57, v3;
	v5 =	vadd.f32 v5, v6;
	[tilespmem:s9+$0x20] =	vst v8  }
0x1d5: {  	v61 =	vmul.f32 v2, v12;
	v1 =	vmul.f32 v57, v1;
	v62 =	vadd.f32 v58, v59;
	[tilespmem:s9+$0xFFFFFFD0] =	vst v4  }
0x1d6: {  	p1 =	sne.s32 s23, $0x3D;
	v2 =	vmul.f32 v2, v11;
	v63 =	vmul.f32 v57, v14;
	v3 =	vadd.f32 v3, v60;
	[tilespmem:s9+$0xFFFFFFC0] =	vst v5  }
.Ltmp3:
0x1d7: {  	v1 =	vadd.f32 v1, v61;
	[tilespmem:s9+$0x10] =	vst v62;
	(pc) =	sbr.rel @p1 .LBB2_4-.Ltmp3, $4  }
0x1d8: {  	v2 =	vadd.f32 v63, v2;
	[tilespmem:s9+$0x0] =	vst v3  }
0x1d9: {  	s24 =	sadd.s32 $0x1, s23;
	[tilespmem:s9+$0xFFFFFFF0] =	vst v1  }
0x1da: {  	s23 =	smov.u32 s24;
	[tilespmem:s9+$0x30] =	vst v2  }
0x1db: {  	[spmem:s3] =	stream.indirect.scatter.add.f32 [tilespmem:s28], [sflag:$0x4], $0x80, s17, s2, $0xb8;
	[tilespmem:$0x1DB00] =	vst v63  }
0x1dc: {  	s22 =	simm.s32 $0x3  }
0x1dd: {  	_ =	swait.ge [sflag:s22], $0x2800  }
0x1de: {  	[sflag:s22] =	ssyncset.done $0x0  }
0x1df: {  	s9 =	simm.s32 $0x0;
	s18 =	rddreg [dreg:$0xe];
	[sflag:s22] =	ssyncadd.s32 $0xFFFFD800  }
0x1e0: {  	[tilespmem:s29], [sflag:$0x5] =	stream.linear.gather [hbm4b:s18+s9], $0x80, $0x38;
	[tilespmem:$0x1DB00] =	vst v63  }
0x1e1: {  	s23 =	rddreg [dreg:$0xf]  }
0x1e2: {  	[tilespmem:s30], [sflag:$0x6] =	stream.linear.gather [hbm4b:s23+s9], $0x80, $0x38;
	[tilespmem:$0x1DB00] =	vst v63  }
0x1e3: {  	s24 =	rddreg [dreg:$0x10]  }
0x1e4: {  	[tilespmem:s31], [sflag:$0x7] =	stream.linear.gather [hbm4b:s24+s9], $0x80, $0x38;
	[tilespmem:$0x1DB00] =	vst v63  }
0x1e5: {  	_ =	swait.ge [sflag:s0], $0x80  }
0x1e6: {  	[sflag:s0] =	ssyncset.done $0x0  }
0x1e7: {  	[sflag:s0] =	ssyncadd.s32 $0xFFFFFF80  }
0x1e8: {  	_ =	swait.ge [sflag:s4], $0x80  }
0x1e9: {  	[sflag:s4] =	ssyncset.done $0x0  }
0x1ea: {  	[sflag:s4] =	ssyncadd.s32 $0xFFFFFF80  }
0x1eb: {  	[tilespmem:s5], [sflag:$0x1] =	stream.indirect.gather [hbm4b:s1+s2], $0x80, s29, s2, $0xb8;
	[tilespmem:$0x1DB00] =	vst v63  }
0x1ec: {  	_ = 	snop  }
0x1ed: {  	[tilespmem:s10], [sflag:$0x2] =	stream.indirect.gather [hbm4b:s1+s2], $0x80, s30, s2, $0xb8;
	[tilespmem:$0x1DB00] =	vst v63  }
0x1ee: {  	_ =	swait.ge [sflag:s11], $0x80  }
0x1ef: {  	[sflag:s11] =	ssyncset.done $0x0  }
0x1f0: {  	[sflag:s11] =	ssyncadd.s32 $0xFFFFFF80  }
0x1f1: {  	v1 =	vld [tilespmem:$0x16000];
	_ =	sdelay $0x5  }
0x1f2: {  	v2 =	vld [tilespmem:$0x16080];
	_ =	sdelay $0x1  }
0x1f3: {  	v1 =	vld.idx.msk [tilespmem:v1+s25+$0x0], $0xffff;
	_ =	sdelay $0x3  }
0x1f4: {  	v3 =	vld [tilespmem:$0x16010]  }
0x1f5: {  	[tilespmem:$0x16200] =	vst v1  }
0x1f6: {  	v1 =	vld.idx.msk [tilespmem:v2+s25+$0x0], $0xffff;
	_ =	sdelay $0x3  }
0x1f7: {  	v2 =	vld [tilespmem:$0x16090]  }
0x1f8: {  	[tilespmem:$0x16280] =	vst v1  }
0x1f9: {  	v1 =	vld.idx.msk [tilespmem:v3+s25+$0x0], $0xffff;
	_ =	sdelay $0x3  }
0x1fa: {  	v3 =	vld [tilespmem:$0x16020]  }
0x1fb: {  	[tilespmem:$0x16210] =	vst v1  }
0x1fc: {  	v1 =	vld.idx.msk [tilespmem:v2+s25+$0x0], $0xffff;
	_ =	sdelay $0x3  }
0x1fd: {  	v2 =	vld [tilespmem:$0x160A0]  }
0x1fe: {  	[tilespmem:$0x16290] =	vst v1  }
0x1ff: {  	v1 =	vld.idx.msk [tilespmem:v3+s25+$0x0], $0xffff;
	_ =	sdelay $0x3  }
0x200: {  	v3 =	vld [tilespmem:$0x16030]  }
0x201: {  	[tilespmem:$0x16220] =	vst v1  }
0x202: {  	v1 =	vld.idx.msk [tilespmem:v2+s25+$0x0], $0xffff;
	_ =	sdelay $0x3  }
0x203: {  	v2 =	vld [tilespmem:$0x160B0]  }
0x204: {  	[tilespmem:$0x162A0] =	vst v1  }
0x205: {  	v1 =	vld.idx.msk [tilespmem:v3+s25+$0x0], $0xffff;
	_ =	sdelay $0x3  }
0x206: {  	v3 =	vld [tilespmem:$0x16040]  }
0x207: {  	[tilespmem:$0x16230] =	vst v1  }
0x208: {  	v1 =	vld.idx.msk [tilespmem:v2+s25+$0x0], $0xffff;
	_ =	sdelay $0x3  }
0x209: {  	v2 =	vld [tilespmem:$0x160C0]  }
0x20a: {  	[tilespmem:$0x162B0] =	vst v1  }
0x20b: {  	v1 =	vld.idx.msk [tilespmem:v3+s25+$0x0], $0xffff;
	_ =	sdelay $0x4  }
0x20c: {  	[tilespmem:$0x16240] =	vst v1  }
0x20d: {  	v1 =	vld.idx.msk [tilespmem:v2+s25+$0x0], $0xffff;
	_ =	sdelay $0x4  }
0x20e: {  	[tilespmem:$0x162C0] =	vst v1  }
0x20f: {  	_ =	swait.ge [sflag:s12], $0x2800  }
0x210: {  	[sflag:s12] =	ssyncset.done $0x0  }
0x211: {  	[sflag:s12] =	ssyncadd.s32 $0xFFFFD800  }
0x212: {  	_ =	swait.ge [sflag:s13], $0x2800  }
0x213: {  	v2 =	vmov s9;
	[sflag:s13] =	ssyncset.done $0x0  }
0x214: {  	s20 =	simm.s32 $0x16340;
	[sflag:s13] =	ssyncadd.s32 $0xFFFFD800  }
0x215: {  	v1 =	vld [tilespmem:s20+$0xFFFFFFF0]  }
0x216: {  	v4 =	vld [tilespmem:s20+$0xFFFFFFD0]  }
0x217: {  	v5 =	vld [tilespmem:s20+$0xFFFFFFC0]  }
0x218: {  	s18 =	simm.s32 $0x18B40;
	v17 =	vld.idx.msk [tilespmem:v2+s15+$0x0], $0xffff  }
0x219: {  	v6 =	vld [tilespmem:s18+$0xFFFFFFC0]  }
0x21a: {  	v19 =	vld.idx.msk [tilespmem:v2+s16+$0x0], $0xffff  }
0x21b: {  	v9 =	vld [tilespmem:s18+$0xFFFFFFD0]  }
0x21c: {  	v16 =	vld [tilespmem:s18+$0xFFFFFFE0]  }
0x21d: {  	v7 =	vld [tilespmem:s20+$0xFFFFFFE0]  }
0x21e: {  	v12 =	vld [tilespmem:s18+$0xFFFFFFF0]  }
0x21f: {  	v3 =	vld [tilespmem:s20+$0x0];
	v11 =	vmul.f32 v5, v17;
	v13 =	vmul.f32 v4, v17  }
0x220: {  	v15 =	vld [tilespmem:s18+$0x0];
	v14 =	vmul.f32 v6, v19;
	v18 =	vmul.f32 v9, v19  }
0x221: {  	v8 =	vld [tilespmem:s20+$0x20];
	v20 =	vmul.f32 v16, v19  }
0x222: {  	v10 =	vld [tilespmem:s18+$0x10];
	v21 =	vmul.f32 v7, v17;
	v11 =	vsub.f32 v14, v11;
	v14 =	vsub.f32 v18, v13  }
0x223: {  	v22 =	vmul.f32 v12, v19;
	v23 =	vmul.f32 v1, v17;
	v13 =	vld [tilespmem:s20+$0x10]  }
0x224: {  	v18 =	vld [tilespmem:s18+$0x20];
	v20 =	vsub.f32 v20, v21;
	v21 =	vmul.f32 v11, v11;
	v24 =	vmul.f32 v14, v14  }
0x225: {  	v25 =	vmul.f32 v3, v17;
	v26 =	vmul.f32 v15, v19;
	v11 =	vld [tilespmem:s18+$0x30]  }
0x226: {  	v22 =	vsub.f32 v22, v23;
	v14 =	vld [tilespmem:s20+$0x30];
	v20 =	vmul.f32 v20, v20;
	v21 =	vadd.f32 v24, v21  }
0x227: {  	v60 =	vmul.f32 v10, v19;
	v23 =	vsub.f32 v26, v25  }
0x228: {  	v61 =	vmul.f32 v13, v17;
	v20 =	vadd.f32 v20, v21;
	v21 =	vmul.f32 v22, v22  }
0x229: {  	v62 =	vmul.f32 v18, v19;
	v22 =	vmul.f32 v8, v17  }
0x22a: {  	v24 =	vsub.f32 v60, v61;
	v20 =	vadd.f32 v21, v20;
	v21 =	vmul.f32 v23, v23  }
0x22b: {  	v63 =	vmul.f32 v14, v17;
	v23 =	vmul.f32 v11, v19  }
0x22c: {  	v22 =	vsub.f32 v62, v22;
	v20 =	vadd.f32 v21, v20;
	v21 =	vmul.f32 v24, v24;
	_ =	sdelay $0x1  }
0x22d: {  	v23 =	vsub.f32 v23, v63;
	v20 =	vadd.f32 v21, v20;
	v21 =	vmul.f32 v22, v22;
	_ =	sdelay $0x1  }
0x22e: {  	v20 =	vadd.f32 v21, v20;
	v21 =	vmul.f32 v23, v23;
	_ =	sdelay $0x1  }
0x22f: {  	v20 =	vadd.f32 v21, v20;
	_ =	sdelay $0x1  }
0x230: {  	(xrf2) =	vadd.scan.msk.f32 $0xffff, v20;
	_ =	sdelay $0x9  }
0x231: {  	v20, _, _ =	vpop (xrf2)  }
0x232: {  	v20 =	vmax.f32 v20, $9.999999680e-21  }
0x233: {  	v20 =	vbroadcast v20, $0xF;
	_ =	sdelay $0x1  }
0x234: {  	v21 =	vshra.s32 v20, $0x1;
	v22 =	vmul.f32 $5.000000000e-01, v20  }
0x235: {  	v21 =	vsub.s32 $0x5F3759DF, v21  }
0x236: {  	v23 =	vmul.f32 v21, v22;
	_ =	sdelay $0x1  }
0x237: {  	v23 =	vmul.f32 v21, v23;
	_ =	sdelay $0x1  }
0x238: {  	v23 =	vsub.f32 $1.500000000e+00, v23;
	_ =	sdelay $0x1  }
0x239: {  	v21 =	vmul.f32 v21, v23;
	_ =	sdelay $0x1  }
0x23a: {  	v23 =	vmul.f32 v21, v22;
	_ =	sdelay $0x1  }
0x23b: {  	v23 =	vmul.f32 v23, v21;
	_ =	sdelay $0x1  }
0x23c: {  	v23 =	vsub.f32 $1.500000000e+00, v23;
	_ =	sdelay $0x1  }
0x23d: {  	v21 =	vmul.f32 v23, v21;
	_ =	sdelay $0x1  }
0x23e: {  	s19 =	simm.s32 $0x1;
	s9 =	simm.s32 $0x16340;
	v19 =	vmul.f32 v19, v17;
	v22 =	vmul.f32 v21, v22  }
.LBB2_10:
0x23f: {  	p1 =	sne.s32 s19, $0x4F;
	s18 =	sadd.s32 $0x80, s18;
	s20 =	sadd.s32 $0x80, s20  }
0x240: {  	s21 =	smov.u32 s19;
	s19 =	sadd.s32 $0x1, s19;
	v22 =	vmul.f32 v22, v21;
	_ =	sdelay $0x1  }
0x241: {  	v22 =	vsub.f32 $1.500000000e+00, v22;
	_ =	sdelay $0x1  }
0x242: {  	v21 =	vmul.f32 v22, v21;
	_ =	sdelay $0x1  }
0x243: {  	v22 =	vmov s21;
	v20 =	vmul.f32 v21, v20;
	_ =	sdelay $0x1  }
0x244: {  	v20 =	vadd.f32 $9.999999740e-06, v20;
	_ =	sdelay $0x1  }
0x245: {  	(erf) = vrcp.f32 v20;
	_ =	sdelay $0x1  }
0x246: {  	v20 =	vld.idx.msk [tilespmem:v2+s31+$0x0], $0xffff;
	v2 =	vmov v22;
	_ =	sdelay $0x5  }
0x247: {  	v20 =	vmul.f32 $5.000000000e-01, v20  }
0x248: {  	v21 =	vpop (erf)  }
0x249: {  	v17 =	vmul.f32 v17, v17;
	v20 =	vmul.f32 v21, v20;
	_ =	sdelay $0x1  }
0x24a: {  	v21 =	vsub.f32 $1.000000000e+00, v20;
	v17 =	vmul.f32 v20, v17;
	_ =	sdelay $0x1  }
0x24b: {  	v19 =	vmul.f32 v21, v19;
	v12 =	vmul.f32 v17, v12  }
0x24c: {  	v15 =	vmul.f32 v17, v15;
	v11 =	vmul.f32 v17, v11  }
0x24d: {  	v16 =	vmul.f32 v17, v16;
	v7 =	vmul.f32 v19, v7  }
0x24e: {  	v18 =	vmul.f32 v17, v18;
	v8 =	vmul.f32 v19, v8  }
0x24f: {  	v9 =	vmul.f32 v17, v9;
	v4 =	vmul.f32 v19, v4;
	v7 =	vadd.f32 v7, v16  }
0x250: {  	v5 =	vmul.f32 v19, v5;
	v8 =	vadd.f32 v8, v18  }
0x251: {  	v6 =	vmul.f32 v17, v6;
	v1 =	vmul.f32 v19, v1;
	v4 =	vadd.f32 v4, v9;
	[tilespmem:s9+$0xFFFFFFE0] =	vst v7  }
0x252: {  	v9 =	vmul.f32 v17, v10;
	v7 =	vmul.f32 v19, v13;
	[tilespmem:s9+$0x20] =	vst v8  }
0x253: {  	v3 =	vmul.f32 v19, v3;
	v5 =	vadd.f32 v5, v6;
	v6 =	vadd.f32 v1, v12  }
0x254: {  	v1 =	vld [tilespmem:s20+$0xFFFFFFF0];
	[tilespmem:s9+$0xFFFFFFD0] =	vst v4;
	v4 =	vadd.f32 v7, v9;
	v9 =	vmul.f32 v19, v14  }
0x255: {  	v3 =	vadd.f32 v3, v15;
	v7 =	vld [tilespmem:s20+$0xFFFFFFE0];
	[tilespmem:s9+$0xFFFFFFC0] =	vst v5  }
0x256: {  	v8 =	vld [tilespmem:s20+$0x20];
	[tilespmem:s9+$0x10] =	vst v4;
	v9 =	vadd.f32 v9, v11  }
0x257: {  	v4 =	vld [tilespmem:s20+$0xFFFFFFD0];
	[tilespmem:s9+$0x0] =	vst v3  }
0x258: {  	v3 =	vld [tilespmem:s20+$0x0];
	[tilespmem:s9+$0xFFFFFFF0] =	vst v6  }
0x259: {  	v5 =	vld [tilespmem:s20+$0xFFFFFFC0];
	[tilespmem:s9+$0x30] =	vst v9;
	s9 =	smov.u32 s20  }
0x25a: {  	v11 =	vld [tilespmem:s18+$0x30]  }
0x25b: {  	v17 =	vld.idx.msk [tilespmem:v2+s15+$0x0], $0xffff  }
0x25c: {  	v6 =	vld [tilespmem:s18+$0xFFFFFFC0]  }
0x25d: {  	v19 =	vld.idx.msk [tilespmem:v2+s16+$0x0], $0xffff  }
0x25e: {  	v9 =	vld [tilespmem:s18+$0xFFFFFFD0]  }
0x25f: {  	v16 =	vld [tilespmem:s18+$0xFFFFFFE0]  }
0x260: {  	v15 =	vld [tilespmem:s18+$0x0]  }
0x261: {  	v20 =	vmul.f32 v5, v17;
	v21 =	vmul.f32 v3, v17;
	v12 =	vld [tilespmem:s18+$0xFFFFFFF0]  }
0x262: {  	v22 =	vmul.f32 v4, v17;
	v23 =	vmul.f32 v8, v17;
	v13 =	vld [tilespmem:s20+$0x10]  }
0x263: {  	v24 =	vmul.f32 v6, v19;
	v10 =	vld [tilespmem:s18+$0x10];
	v25 =	vmul.f32 v9, v19  }
0x264: {  	v27 =	vmul.f32 v7, v17;
	v18 =	vld [tilespmem:s18+$0x20];
	v26 =	vmul.f32 v16, v19  }
0x265: {  	v20 =	vsub.f32 v24, v20;
	v14 =	vld [tilespmem:s20+$0x30];
	v22 =	vsub.f32 v25, v22;
	v24 =	vmul.f32 v15, v19  }
0x266: {  	v25 =	vsub.f32 v26, v27;
	v26 =	vmul.f32 v12, v19;
	v27 =	vmul.f32 v1, v17  }
0x267: {  	v20 =	vmul.f32 v20, v20;
	v22 =	vmul.f32 v22, v22;
	v21 =	vsub.f32 v24, v21  }
0x268: {  	v24 =	vsub.f32 v26, v27;
	v26 =	vmul.f32 v10, v19;
	v27 =	vmul.f32 v13, v17  }
0x269: {  	v20 =	vadd.f32 v22, v20;
	v22 =	vmul.f32 v25, v25;
	v25 =	vmul.f32 v18, v19  }
0x26a: {  	v26 =	vsub.f32 v26, v27;
	v27 =	vmul.f32 v11, v19;
	v28 =	vmul.f32 v14, v17  }
0x26b: {  	v20 =	vadd.f32 v22, v20;
	v22 =	vmul.f32 v24, v24;
	v23 =	vsub.f32 v25, v23  }
0x26c: {  	v19 =	vmul.f32 v19, v17;
	v24 =	vsub.f32 v27, v28  }
0x26d: {  	v21 =	vmul.f32 v21, v21;
	v20 =	vadd.f32 v22, v20;
	_ =	sdelay $0x1  }
0x26e: {  	v20 =	vadd.f32 v21, v20;
	v21 =	vmul.f32 v26, v26;
	_ =	sdelay $0x1  }
0x26f: {  	v20 =	vadd.f32 v21, v20;
	v21 =	vmul.f32 v23, v23;
	_ =	sdelay $0x1  }
0x270: {  	v20 =	vadd.f32 v21, v20;
	v21 =	vmul.f32 v24, v24;
	_ =	sdelay $0x1  }
0x271: {  	v20 =	vadd.f32 v21, v20;
	_ =	sdelay $0x1  }
0x272: {  	(xrf2) =	vadd.scan.msk.f32 $0xffff, v20;
	_ =	sdelay $0x9  }
0x273: {  	v20, _, _ =	vpop (xrf2)  }
0x274: {  	v20 =	vmax.f32 v20, $9.999999680e-21  }
0x275: {  	v20 =	vbroadcast v20, $0xF;
	_ =	sdelay $0x1  }
0x276: {  	v21 =	vshra.s32 v20, $0x1;
	v22 =	vmul.f32 $5.000000000e-01, v20  }
0x277: {  	v21 =	vsub.s32 $0x5F3759DF, v21  }
0x278: {  	v23 =	vmul.f32 v21, v22;
	_ =	sdelay $0x1  }
0x279: {  	v23 =	vmul.f32 v21, v23;
	_ =	sdelay $0x1  }
0x27a: {  	v23 =	vsub.f32 $1.500000000e+00, v23;
	_ =	sdelay $0x1  }
0x27b: {  	v21 =	vmul.f32 v21, v23;
	_ =	sdelay $0x1  }
0x27c: {  	v23 =	vmul.f32 v21, v22;
	_ =	sdelay $0x1  }
0x27d: {  	v23 =	vmul.f32 v23, v21;
	_ =	sdelay $0x1  }
.Ltmp4:
0x27e: {  	v23 =	vsub.f32 $1.500000000e+00, v23;
	(pc) =	sbr.rel @p1 .LBB2_10-.Ltmp4, $3  }
0x27f: {  	_ = 	snop  }
0x280: {  	v21 =	vmul.f32 v23, v21;
	_ =	sdelay $0x1  }
0x281: {  	v22 =	vmul.f32 v21, v22  }
0x282: {  	_ = 	snop  }
0x283: {  	v22 =	vmul.f32 v22, v21;
	_ =	sdelay $0x1  }
0x284: {  	v22 =	vsub.f32 $1.500000000e+00, v22;
	_ =	sdelay $0x1  }
0x285: {  	v56 =	vmul.f32 v22, v21;
	_ =	sdelay $0x1  }
0x286: {  	v20 =	vmul.f32 v56, v20;
	_ =	sdelay $0x1  }
0x287: {  	v20 =	vadd.f32 $9.999999740e-06, v20;
	_ =	sdelay $0x1  }
0x288: {  	(erf) = vrcp.f32 v20;
	_ =	sdelay $0x2  }
0x289: {  	v2 =	vld.idx.msk [tilespmem:v2+s31+$0x0], $0xffff;
	_ =	sdelay $0x4  }
0x28a: {  	v2 =	vmul.f32 $5.000000000e-01, v2  }
0x28b: {  	v20 =	vpop (erf)  }
0x28c: {  	v2 =	vmul.f32 v20, v2;
	_ =	sdelay $0x1  }
0x28d: {  	v17 =	vmul.f32 v17, v17;
	v20 =	vsub.f32 $1.000000000e+00, v2;
	_ =	sdelay $0x1  }
0x28e: {  	v2 =	vmul.f32 v2, v17;
	v57 =	vmul.f32 v20, v19;
	_ =	sdelay $0x1  }
0x28f: {  	v16 =	vmul.f32 v2, v16;
	v7 =	vmul.f32 v57, v7  }
0x290: {  	v18 =	vmul.f32 v2, v18;
	v8 =	vmul.f32 v57, v8  }
0x291: {  	v9 =	vmul.f32 v2, v9;
	v4 =	vmul.f32 v57, v4;
	v7 =	vadd.f32 v7, v16  }
0x292: {  	v6 =	vmul.f32 v2, v6;
	v5 =	vmul.f32 v57, v5;
	v8 =	vadd.f32 v8, v18  }
0x293: {  	v59 =	vmul.f32 v2, v10;
	v58 =	vmul.f32 v57, v13;
	v4 =	vadd.f32 v4, v9;
	[tilespmem:s9+$0xFFFFFFE0] =	vst v7  }
0x294: {  	v60 =	vmul.f32 v2, v15;
	v3 =	vmul.f32 v57, v3;
	v5 =	vadd.f32 v5, v6;
	[tilespmem:s9+$0x20] =	vst v8  }
0x295: {  	v61 =	vmul.f32 v2, v12;
	v1 =	vmul.f32 v57, v1;
	v62 =	vadd.f32 v58, v59;
	[tilespmem:s9+$0xFFFFFFD0] =	vst v4  }
0x296: {  	v2 =	vmul.f32 v2, v11;
	v63 =	vmul.f32 v57, v14;
	v3 =	vadd.f32 v3, v60;
	[tilespmem:s9+$0xFFFFFFC0] =	vst v5  }
0x297: {  	v1 =	vadd.f32 v1, v61;
	[tilespmem:s9+$0x10] =	vst v62  }
0x298: {  	v2 =	vadd.f32 v63, v2;
	[tilespmem:s9+$0x0] =	vst v3  }
0x299: {  	[tilespmem:s9+$0xFFFFFFF0] =	vst v1  }
0x29a: {  	[tilespmem:s9+$0x30] =	vst v2  }
0x29b: {  	[spmem:s3] =	stream.indirect.scatter.add.f32 [tilespmem:s5], [sflag:$0x3], $0x80, s30, s2, $0xb8;
	[tilespmem:$0x1DB00] =	vst v63  }
0x29c: {  	_ =	swait.ge [sflag:s22], $0x2800  }
0x29d: {  	[sflag:s22] =	ssyncset.done $0x0  }
0x29e: {  	s21 =	simm.s32 $0x4;
	[sflag:s22] =	ssyncadd.s32 $0xFFFFD800  }
0x29f: {  	_ =	swait.ge [sflag:s21], $0x2800  }
0x2a0: {  	[sflag:s21] =	ssyncset.done $0x0  }
0x2a1: {  	[sflag:s21] =	ssyncadd.s32 $0xFFFFD800  }
0x2a2: {  	s22 =	stileid.u32;
	[bflag:$0x0] =	sbarrier.arrive $0xFFFF  }
0x2a3: {  	s9 =	sshll.u32 s22, $0x6;
	s19 =	rddreg [dreg:$0x5]  }
0x2a4: {  	s9 =	sor.u32 $0x1C08, s9;
	s20 =	rddreg [dreg:$0x11];
	s18 =	sshrl.u32 s19, $0x3  }
0x2a5: {  	[hbm:s20], [sflag:s9] =	dma.local [spmem:s18], $0x2700  }
0x2a6: {  	_ =	swait.ge [sflag:s26], $0x2700  }
0x2a7: {  	[sflag:s26] =	ssyncset.done $0x0;
	s20 =	rddreg [dreg:$0xd]  }
0x2a8: {  	s21 =	rddreg [dreg:$0x12];
	[sflag:s26] =	ssyncadd.s32 $0xFFFFD900;
	s18 =	sshrl.u32 @!p0 s20, $0x3  }
0x2a9: {  	[hbm:s21], [sflag:s9] =	dma.local @!p0 [spmem:s18], $0x100  }
0x2aa: {  	s9 =	simm.s32 @!p0 $0x8  }
0x2ab: {  	_ =	swait.ge @!p0 [sflag:s9], $0x100  }
0x2ac: {  	s23 =	rddreg [dreg:$0x14]  }
0x2ad: {  	s24 =	rddreg [dreg:$0x13];
	s21 =	sadd.s32 $0x1, s23  }
0x2ae: {  	p1 =	sne.s32 s21, s24  }
.Ltmp5:
0x2af: {  	_ = 	snop;
	(pc) =	sbr.rel @p1 .LBB2_1-.Ltmp5, $3  }
0x2b0: {  	_ =	sdelay $0x1  }
0x2b1: {  	[sflag:s9] =	ssyncset.done @!p0 $0x0  }
0x2b2: {  	[sflag:s9] =	ssyncadd.s32 @!p0 $0xFFFFFF00  }
0x2b3: {  	_ =	sfence.sel $0x180000  }
0x2b4: {  	[bflag:$0x0] =	sbarrier.arrive $0xFFFF  }
0x2b5: {  	_ =	strace $0x9000004A  }
0x2b6: {  	s0 =	stileid.u32;
	[bflag:$0x2] =	sbarrier.arrive $0xFFFF  }
0x2b7: {  	p0 =	sne.s32 s0, $0x0;
	s0 =	rddreg [dreg:$0x3]  }
0x2b8: {  	s0 =	sadd.s32 @!p0 $0x100000, s0  }
0x2b9: {  	[sflag:s0] =	ssyncadd.tile.s32 @!p0 $0x1;
	_ =	shalt  }
.Lfunc_end2:
_tile_overlayer_lowered:
.L_overlay_start_2:
0x2ba: {  	(tag) =	ssettag $0x2  }
0x2bb: {  	s0 =	rddreg [dreg:$0x0];
	s2 =	stileid.u32  }
0x2bc: {  	s1 =	rddreg [dreg:$0x1];
	p0 =	sne.s32 s2, $0x0  }
0x2bd: {  	s3 =	rddreg [dreg:$0x2];
	[bflag:$0x3] =	sbarrier.arrive $0xFFFF;
	s2 =	simm.s32 @!p0 $0x1C08  }
0x2be: {  	[timem:s3], [sflag:s2] =	dma.local @!p0 [hbm:s0], s1  }
0x2bf: {  	s0 =	simm.s32 @!p0 $0x8  }
0x2c0: {  	_ =	swait.ge @!p0 [sflag:s0], s1  }
0x2c1: {  	s1 =	ssub.s32 @!p0 $0x0, s1;
	[sflag:s0] =	ssyncset.done @!p0 $0x0  }
0x2c2: {  	[sflag:s0] =	ssyncadd.s32 @!p0 s1  }
0x2c3: {  	[bflag:$0x3] =	sbarrier.arrive $0xFFFF  }
0x2c4: {  	_ =	shalt  }

// kernel: kernel.17.cloned.1.call-start
scs
__scs_entry_jumppad:
0x0: {  	(pc) =	sbr.rel $0x88, $3  }
0x1: {  	(tag) =	ssettag $0x0;
	lr =	simm.s32 $0x1  }
0x2: {  	[smem:$0x3F9A] =	sst lr;
	_ =	strace $0xD0000000  }
0x3: {  	_ = 	snop  }
0x4: {  	_ = 	snop  }
0x5: {  	_ = 	snop  }
0x6: {  	_ = 	snop  }
0x7: {  	_ = 	snop  }
__scs_overlays_trampoline_lowered:
0x8: {  	[smem:$0x3FA9] =	sst s0  }
0x9: {  	[smem:$0x3FAA] =	sst s1  }
0xa: {  	[smem:$0x3FAB] =	sst s2  }
0xb: {  	[smem:$0x3FAC] =	sst s3  }
0xc: {  	[smem:$0x3FAD] =	sst s4  }
0xd: {  	[smem:$0x3FAE] =	sst s5  }
0xe: {  	[smem:$0x3FAF] =	sst s6  }
0xf: {  	[smem:$0x3FB0] =	sst s7  }
0x10: {  	[smem:$0x3FB1] =	sst s8  }
0x11: {  	[smem:$0x3FB2] =	sst s9;
	s0 =	simm.s32 @!p0 $0x0  }
0x12: {  	s1 =	sld [smem:$0x3F98];
	s0 =	simm.s32 @p0 $0x1  }
0x13: {  	[smem:$0x3FB3] =	sst s0;
	s0 =	simm.s32 @!p1 $0x0  }
0x14: {  	s2 =	sld [smem:$0x3F97];
	s0 =	simm.s32 @p1 $0x1  }
0x15: {  	[smem:$0x3FB4] =	sst s0;
	s0 =	simm.s32 @!p2 $0x0  }
0x16: {  	s3 =	sld [smem:$0x3FDB];
	s0 =	simm.s32 @p2 $0x1  }
0x17: {  	s4 =	simm.s32 $0x1BF5;
	[smem:$0x3FB6] =	sst s0  }
0x18: {  	s0 =	sld [smem:$0x3F99];
	_ =	swait.ge [sflag:s4], $0x0  }
0x19: {  	s7 =	sld [smem:$0x3F9A]  }
0x1a: {  	s8 =	sadd.s32 $0xFFFFE003, lr  }
0x1b: {  	s9 =	sadd.s32 $0xFFFFFEF7, lr;
	s5 =	simm.s32 $0xFFFFFFFF;
	p2 =	slt.u32 s8, $0xFFFFF086  }
0x1c: {  	p1 =	slt.u32 s9, $0xF7A;
	s5 =	simm.s32 @!p2 $0x0  }
0x1d: {  	s5 =	simm.s32 @p1 $0x1;
	p0 =	seq.s32 s7, s2  }
0x1e: {  	s7 =	smul.u32 @!p0 $0xF7A, s2;
	p2 =	seq.s32 @!p0 s5, $0x0  }
0x1f: {  	s9 =	smul.u32 $0xF7A, s1;
	s8 =	simm.s32 @!p0 $0x1BF5;
	p2 =	por !p2, p0  }
0x20: {  	[sflag:s8] =	ssyncset.s32 @!p0 $0xFFFFF086;
	s6 =	sadd.s32 @!p0 s3, s7;
	s7 =	simm.s32 @!p0 $0x108  }
0x21: {  	s3 =	sadd.s32 s3, s9;
	s6 =	sadd.s32 @!p0 $0x88, s6;
	s7 =	simm.s32 @p2 $0x1082  }
0x22: {  	[simem:s7], [sflag:s8] =	dma.local @!p0 [hbm:s6], $0xF7A  }
0x23: {  	s9 =	sor.u32 $0xD0000000, s2;
	s6 =	simm.s32 $0x108;
	_ =	swait.ge @!p0 [sflag:s8], $0x0  }
0x24: {  	s3 =	sadd.s32 $0x88, s3;
	s6 =	simm.s32 @!p1 $0x1082;
	[sflag:s4] =	ssyncset.s32 $0xFFFFF086  }
0x25: {  	[simem:s6], [sflag:s4] =	dma.local [hbm:s3], $0xF7A  }
0x26: {  	[smem:$0x3F9A] =	sst s1;
	(tag) =	ssettag s2;
	_ =	strace s9  }
0x27: {  	s1 =	sld [smem:$0x3FAA]  }
0x28: {  	s2 =	sld [smem:$0x3FAB]  }
0x29: {  	s4 =	sld [smem:$0x3FAD]  }
0x2a: {  	p0 =	seq.s32 s5, $0x0;
	s5 =	sld [smem:$0x3FAE]  }
0x2b: {  	s6 =	sld [smem:$0x3FAF]  }
0x2c: {  	s7 =	sld [smem:$0x3FB0]  }
0x2d: {  	s3 =	simm.s32 $0x108;
	s8 =	sld [smem:$0x3FB1]  }
0x2e: {  	s3 =	simm.s32 @!p0 $0x1082;
	s9 =	sld [smem:$0x3FB2]  }
0x2f: {  	lr =	sadd.s32 s0, s3;
	s0 =	sld [smem:$0x3FA9]  }
0x30: {  	s3 =	sld [smem:$0x3FAC]  }
0x31: {  	[smem:$0x3FB5] =	sst s10  }
0x32: {  	s10 =	sld [smem:$0x3FB3];
	_ =	sdelay $0x3  }
0x33: {  	p0 =	seq.s32 s10, $0x1;
	s10 =	sld [smem:$0x3FB5];
	_ =	sdelay $0x3  }
0x34: {  	[smem:$0x3FB5] =	sst s10  }
0x35: {  	s10 =	sld [smem:$0x3FB4];
	_ =	sdelay $0x3  }
0x36: {  	p1 =	seq.s32 s10, $0x1;
	s10 =	sld [smem:$0x3FB5];
	_ =	sdelay $0x3  }
0x37: {  	[smem:$0x3FB5] =	sst s10  }
0x38: {  	s10 =	sld [smem:$0x3FB6]  }
0x39: {  	_ = 	snop;
	(pc) =	sbr.ind lr, $3  }
0x3a: {  	_ = 	snop  }
0x3b: {  	_ = 	snop  }
0x3c: {  	p2 =	seq.s32 s10, $0x1;
	s10 =	sld [smem:$0x3FB5]  }
0x3d: {  	_ =	shalt  }
0x3e: {  	_ =	shalt  }
0x3f: {  	_ =	shalt  }
0x40: {  	_ =	shalt  }
0x41: {  	_ =	shalt  }
0x42: {  	_ =	shalt  }
0x43: {  	_ =	shalt  }
0x44: {  	_ =	shalt  }
0x45: {  	_ =	shalt  }
0x46: {  	_ =	shalt  }
0x47: {  	_ =	shalt  }
0x48: {  	_ =	shalt  }
0x49: {  	_ =	shalt  }
0x4a: {  	_ =	shalt  }
0x4b: {  	_ =	shalt  }
0x4c: {  	_ =	shalt  }
0x4d: {  	_ =	shalt  }
0x4e: {  	_ =	shalt  }
0x4f: {  	_ =	shalt  }
0x50: {  	_ =	shalt  }
0x51: {  	_ =	shalt  }
0x52: {  	_ =	shalt  }
0x53: {  	_ =	shalt  }
0x54: {  	_ =	shalt  }
0x55: {  	_ =	shalt  }
0x56: {  	_ =	shalt  }
0x57: {  	_ =	shalt  }
0x58: {  	_ =	shalt  }
0x59: {  	_ =	shalt  }
0x5a: {  	_ =	shalt  }
0x5b: {  	_ =	shalt  }
0x5c: {  	_ =	shalt  }
0x5d: {  	_ =	shalt  }
0x5e: {  	_ =	shalt  }
0x5f: {  	_ =	shalt  }
0x60: {  	_ =	shalt  }
0x61: {  	_ =	shalt  }
0x62: {  	_ =	shalt  }
0x63: {  	_ =	shalt  }
0x64: {  	_ =	shalt  }
0x65: {  	_ =	shalt  }
0x66: {  	_ =	shalt  }
0x67: {  	_ =	shalt  }
0x68: {  	_ =	shalt  }
0x69: {  	_ =	shalt  }
0x6a: {  	_ =	shalt  }
0x6b: {  	_ =	shalt  }
0x6c: {  	_ =	shalt  }
0x6d: {  	_ =	shalt  }
0x6e: {  	_ =	shalt  }
0x6f: {  	_ =	shalt  }
0x70: {  	_ =	shalt  }
0x71: {  	_ =	shalt  }
0x72: {  	_ =	shalt  }
0x73: {  	_ =	shalt  }
0x74: {  	_ =	shalt  }
0x75: {  	_ =	shalt  }
0x76: {  	_ =	shalt  }
0x77: {  	_ =	shalt  }
0x78: {  	_ =	shalt  }
0x79: {  	_ =	shalt  }
0x7a: {  	_ =	shalt  }
0x7b: {  	_ =	shalt  }
0x7c: {  	_ =	shalt  }
0x7d: {  	_ =	shalt  }
0x7e: {  	_ =	shalt  }
0x7f: {  	_ =	shalt  }
0x80: {  	_ =	shalt  }
0x81: {  	_ =	shalt  }
0x82: {  	_ =	shalt  }
0x83: {  	_ =	shalt  }
0x84: {  	_ =	shalt  }
0x85: {  	_ =	shalt  }
0x86: {  	_ =	shalt  }
0x87: {  	_ =	shalt  }
.Lfunc_end0:
.L_simem_size_0:
called_computation.2_lowered:
.L_overlay_start_0:
0x88: {  	s2 =	sld [smem:$0x3FD9]  }
0x89: {  	s3 =	sld [smem:$0x3FFE];
	_ =	sdelay $0x1  }
0x8a: {  	s1 =	srdreg.scid  }
0x8b: {  	s0 =	sand.u32 $0x1, s1  }
0x8c: {  	s17 =	sshll.u32 s0, $0xA;
	s2 =	sadd.s32 s3, s2  }
0x8d: {  	s2 =	sadd.s32 s2, s17  }
0x8e: {  	[smem:$0x3FC1] =	sst s2  }
0x8f: {  	_ = 	snop  }
0x90: {  	s2 =	sld [smem:$0x3FD0];
	(tm) =	ssettm $0x1  }
0x91: {  	s18 =	sld [smem:$0x3FFB];
	_ =	sdelay $0x3  }
0x92: {  	_ =	strace s18  }
0x93: {  	s3 =	sld [smem:$0x3FFC];
	_ =	sdelay $0x3  }
0x94: {  	_ =	strace s3  }
0x95: {  	s3 =	sld [smem:$0x3FFD];
	_ =	sdelay $0x3  }
0x96: {  	_ =	strace s3  }
0x97: {  	_ =	strace $0x8FFFFFFF  }
0x98: {  	s19 =	sld [smem:$0x3FDB];
	_ =	sdelay $0x1  }
0x99: {  	s4 =	simm.s32 $_scs_section_size  }
0x9a: {  	s5 =	simm.s32 $_size__tile_overlayer_lowered;
	s6 =	simm.s32 $_tile_overlayer_lowered  }
0x9b: {  	s22 =	simm.s32 $0x1BFF;
	s21 =	sshll.u32 s6, $0x1;
	s3 =	sadd.s32 s4, s19  }
0x9c: {  	s7 =	simm.s32 $0x0;
	s20 =	sshll.u32 s5, $0x1;
	s5 =	sadd.s32 s21, s3  }
0x9d: {  	[timem:s7], [sflag:s22] =	dma.local [hbm:s5], s20  }
0x9e: {  	_ =	swait.ge [sflag:s22], s20  }
0x9f: {  	s4 =	ssub.s32 $0x0, s20;
	[sflag:s22] =	ssyncset.done $0x0  }
0xa0: {  	[sflag:s22] =	ssyncadd.s32 s4;
	_ =	sdelay $0x1  }
0xa1: {  	s23 =	simm.s32 $0x1B8B  }
0xa2: {  	_ =	swait.ge [sflag:s23], $0x1  }
0xa3: {  	[sflag:s23] =	ssyncset.done $0x0  }
0xa4: {  	s25 =	simm.s32 $0x1B8E;
	s24 =	sld [smem:$0x3FFE];
	[sflag:s23] =	ssyncadd.s32 $0xFFFFFFFF  }
0xa5: {  	s26 =	simm.s32 $execute0_lowered;
	[smem:$0x3FD2] =	sst s25  }
0xa6: {  	s5 =	sshll.u32 s26, $0x1;
	_ =	strace $0x8000004C;
	[dreg:$0x1] =	wrdreg $0xFFFFFFFF  }
0xa7: {  	s28 =	simm.s32 $_size_execute0_lowered;
	s3 =	sadd.s32 s3, s5;
	[dreg:$0x0] =	wrdreg $0x0  }
0xa8: {  	s5 =	sshll.u32 s28, $0x1;
	[dreg:$0x2] =	wrdreg s3  }
0xa9: {  	[dreg:$0x3] =	wrdreg s5  }
0xaa: {  	[dreg:$0x4] =	wrdreg $0xC0  }
0xab: {  	_ =	task [dreg:s7], $0x5FFFF  }
0xac: {  	[dreg:$0x1] =	wrdreg $0xFFFFFFFF  }
0xad: {  	[dreg:$0x0] =	wrdreg $0x60  }
0xae: {  	[dreg:$0x2] =	wrdreg s2  }
0xaf: {  	[dreg:$0x3] =	wrdreg s24  }
0xb0: {  	[dreg:$0x4] =	wrdreg $0x0  }
0xb1: {  	[dreg:$0x5] =	wrdreg $0x9  }
0xb2: {  	_ =	task.clear_ibuf [dreg:s7], $0x6FFFF;
	_ =	strace $0x9000004C  }
0xb3: {  	s29 =	simm.s32 $0x9;
	_ =	strace $0x8000004E  }
0xb4: {  	_ =	swait.ge [sflag:s29], $0x1  }
0xb5: {  	[sflag:s29] =	ssyncadd.s32 $0xFFFFFFFF  }
0xb6: {  	_ =	strace $0x9000004E  }
0xb7: {  	_ =	sfence  }
0xb8: {  	s30 =	sld [smem:$0x0];
	_ =	sdelay $0x2  }
0xb9: {  	s31 =	sshll.u32 s1, $0xD;
	s1 =	sshrl.u32 s1, $0x2  }
0xba: {  	s3 =	sand.u32 $0x4000, s31;
	s1 =	sadd.s32 s1, s30  }
0xbb: {  	s0 =	sor.u32 s3, s0;
	s1 =	sshll.u32 s1, $0x11  }
0xbc: {  	s0 =	sor.u32 s1, s0  }
0xbd: {  	s0 =	sadd.s32 $0x8F2B, s0  }
0xbe: {  	[sflag:s0] =	ssyncadd.remote.s32 $0x1  }
0xbf: {  	_ =	sfence.sel $0xFFFF  }
0xc0: {  	[dreg:$0x0] =	wrdreg $0xFFFFFFFF;
	(pc) =	sbr.abs _section_cstart, $3  }
0xc1: {  	[dreg:$0x1] =	wrdreg $0xFFFFFFFF  }
0xc2: {  	_ =	task.clear_ibuf [dreg:s7], $0x2FFFF;
	_ =	strace $0x9FFFFFFF  }
0xc3: {  	(tm) =	ssettm $0x7FFFFFFF  }
tec
execute0_lowered:
.L_overlay_start_1:
0x0: {  	(tag) =	ssettag $0x1  }
0x1: {  	s1 =	rddreg [dreg:$0x0]  }
0x2: {  	s0 =	rddreg [dreg:$0x1]  }
0x3: {  	s3 =	rddreg [dreg:$0x2];
	s2 =	simm.s32 $0x0;
	s10 =	stileid.u32  }
0x4: {  	s24 =	srdreg.scid;
	s28 =	simm.s32 $0x1B300;
	s29 =	simm.s32 $0x16000  }
0x5: {  	s30 =	simm.s32 $0x16080;
	s31 =	simm.s32 $0x16180;
	[smem:$0x7FF] =	sst s2  }
0x6: {  	s4 =	smul.u32 $0x4E000, s10;
	s5 =	sadd.s32 $0x12600, s0;
	s6 =	sadd.s32 $0x12C00, s0  }
0x7: {  	s2 =	sand.u32 $0x1, s24;
	s7 =	sadd.s32 $0x2600, s0;
	s8 =	sadd.s32 $0x22C00, s0  }
0x8: {  	s0 =	sadd.s32 $0x32C00, s0;
	s13 =	sshll.u32 s10, $0xE;
	s18 =	smul.u32 $0x13800, s10  }
0x9: {  	s20 =	sadd.s32 $0x138000, s3;
	p0 =	sne.s32 s10, $0xF;
	_ =	strace $0x8000004D  }
0xa: {  	[dreg:$0x4] =	wrdreg s5;
	s25 =	ssub.s32 $0x2, s2;
	s4 =	sshrl.u32 s4, $0x2  }
0xb: {  	[dreg:$0xd] =	wrdreg s20;
	s9 =	sshrl.u32 s25, $0x1;
	s19 =	sadd.s32 s4, s3  }
0xc: {  	s26 =	ssub.s32 s25, s9;
	s9 =	sadd.s32 $0x2800, s19;
	[dreg:$0x5] =	wrdreg s19  }
0xd: {  	s10 =	simm.s32 $0x18B00;
	s11 =	sadd.s32 $0x5000, s19;
	[dreg:$0x6] =	wrdreg s9  }
0xe: {  	s12 =	sshll.u32 s2, $0x12;
	s14 =	sadd.s32 $0xA000, s19;
	[dreg:$0x7] =	wrdreg s11  }
0xf: {  	s2 =	smul.u32 $0x138800, s2;
	s15 =	sadd.s32 $0xC800, s19;
	[dreg:$0x9] =	wrdreg s14  }
0x10: {  	s4 =	simm.s32 $0x6;
	s17 =	sadd.s32 $0xF000, s19;
	[dreg:$0xa] =	wrdreg s15  }
0x11: {  	s21 =	sadd.s32 $0x11800, s19;
	s26 =	smax.u32 s26, $0x1;
	[dreg:$0xb] =	wrdreg s17  }
0x12: {  	s11 =	sadd.s32 $0x7800, s19;
	s14 =	sor.u32 s13, s12;
	[dreg:$0xc] =	wrdreg s21  }
0x13: {  	s9 =	sadd.s32 s18, s2;
	s2 =	sshrl.u32 s2, $0x3;
	[dreg:$0x13] =	wrdreg s26  }
0x14: {  	s26 =	simm.s32 $0x8;
	s12 =	simm.s32 $0x1;
	s13 =	simm.s32 $0x2  }
0x15: {  	s15 =	simm.s32 $0x16200;
	s17 =	simm.s32 $0x16100;
	s21 =	simm.s32 $0x0  }
0x16: {  	[dreg:$0x8] =	wrdreg s11;
	s16 =	sshrl.u32 s14, $0x3;
	s24 =	sshrl.u32 s9, $0x3  }
0x17: {  	s2 =	sadd.s32 s0, s2;
	s11 =	simm.s32 $0x7;
	s0 =	sadd.s32 s0, s24  }
0x18: {  	s5 =	sor.u32 $0x7C0, s16;
	s25 =	sadd.s32 $0x27000, s2;
	[dreg:$0x11] =	wrdreg s0  }
0x19: {  	s2 =	simm.s32 $0x50;
	s22 =	sadd.s32 s6, s5;
	[dreg:$0x12] =	wrdreg s25  }
0x1a: {  	s16 =	simm.s32 $0x16280;
	s23 =	sadd.s32 s7, s5;
	[dreg:$0xe] =	wrdreg s22  }
0x1b: {  	s5 =	sadd.s32 s8, s5;
	s25 =	simm.s32 $0x13880;
	[dreg:$0xf] =	wrdreg s23  }
0x1c: {  	v0 =	vimm.f32 $0.0e+00;
	s0 =	simm.s32 $0x5;
	[dreg:$0x10] =	wrdreg s5;
	s5 =	simm.s32 $0x16300  }
.LBB2_1:
0x1d: {  	[dreg:$0x14] =	wrdreg s21  }
0x1e: {  	s9 =	simm.s32 $0x0;
	s18 =	rddreg [dreg:$0x4]  }
0x1f: {  	[tilespmem:s25], [sflag:$0x8] =	stream.linear.gather [hbm4b:s18+s9], $0x2780, $0x38;
	[tilespmem:$0x1DB00] =	vst v63  }
0x20: {  	_ =	swait.ge [sflag:s26], $0x2780  }
0x21: {  	[sflag:s26] =	ssyncset.done $0x0  }
0x22: {  	s9 =	simm.s32 $0x0;
	s18 =	simm.s32 $0x200;
	[sflag:s26] =	ssyncadd.s32 $0xFFFFD880  }
.LBB2_2:
0x23: {  	p1 =	sne.s32 s18, $0x9E00;
	[tilespmem:s9+$0x1B370] =	vst v0  }
0x24: {  	[tilespmem:s9+$0x1B300] =	vst v0  }
0x25: {  	[tilespmem:s9+$0x1B310] =	vst v0  }
.Ltmp0:
0x26: {  	[tilespmem:s9+$0x1B320] =	vst v0;
	(pc) =	sbr.rel @p1 .LBB2_2-.Ltmp0, $4  }
0x27: {  	[tilespmem:s9+$0x1B330] =	vst v0  }
0x28: {  	[tilespmem:s9+$0x1B340] =	vst v0  }
0x29: {  	[tilespmem:s9+$0x1B350] =	vst v0  }
0x2a: {  	[tilespmem:s9+$0x1B360] =	vst v0;
	s9 =	sshra.s32 s18, $0x2;
	s18 =	sadd.s32 $0x200, s18  }
0x2b: {  	[tilespmem:s9+$0x1B370] =	vst v0  }
0x2c: {  	[tilespmem:s9+$0x1B300] =	vst v0  }
0x2d: {  	[tilespmem:s9+$0x1B310] =	vst v0  }
0x2e: {  	[tilespmem:s9+$0x1B320] =	vst v0  }
0x2f: {  	[tilespmem:s9+$0x1B330] =	vst v0  }
0x30: {  	[tilespmem:s9+$0x1B340] =	vst v0  }
0x31: {  	[tilespmem:s9+$0x1B350] =	vst v0  }
0x32: {  	[tilespmem:s9+$0x1B360] =	vst v0  }
0x33: {  	[spmem:s19] =	stream.linear.scatter [tilespmem:s28], [sflag:$0x8], $0x2800, $0x38;
	[tilespmem:$0x1DB00] =	vst v63  }
0x34: {  	_ =	swait.ge [sflag:s26], $0x2800  }
0x35: {  	[sflag:s26] =	ssyncset.done $0x0  }
0x36: {  	s24 =	rddreg [dreg:$0x6];
	[sflag:s26] =	ssyncadd.s32 $0xFFFFD800  }
0x37: {  	[spmem:s24] =	stream.linear.scatter [tilespmem:s28], [sflag:$0x8], $0x2800, $0x38;
	[tilespmem:$0x1DB00] =	vst v63  }
0x38: {  	_ =	swait.ge [sflag:s26], $0x2800  }
0x39: {  	[sflag:s26] =	ssyncset.done $0x0  }
0x3a: {  	s18 =	rddreg [dreg:$0x7];
	[sflag:s26] =	ssyncadd.s32 $0xFFFFD800  }
0x3b: {  	[spmem:s18] =	stream.linear.scatter [tilespmem:s28], [sflag:$0x8], $0x2800, $0x38;
	[tilespmem:$0x1DB00] =	vst v63  }
0x3c: {  	_ =	swait.ge [sflag:s26], $0x2800  }
0x3d: {  	[sflag:s26] =	ssyncset.done $0x0  }
0x3e: {  	s19 =	rddreg [dreg:$0x8];
	[sflag:s26] =	ssyncadd.s32 $0xFFFFD800  }
0x3f: {  	[spmem:s19] =	stream.linear.scatter [tilespmem:s28], [sflag:$0x8], $0x2800, $0x38;
	[tilespmem:$0x1DB00] =	vst v63  }
0x40: {  	_ =	swait.ge [sflag:s26], $0x2800  }
0x41: {  	[sflag:s26] =	ssyncset.done $0x0  }
0x42: {  	s21 =	rddreg [dreg:$0x9];
	[sflag:s26] =	ssyncadd.s32 $0xFFFFD800  }
0x43: {  	[spmem:s21] =	stream.linear.scatter [tilespmem:s28], [sflag:$0x8], $0x2800, $0x38;
	[tilespmem:$0x1DB00] =	vst v63  }
0x44: {  	_ =	swait.ge [sflag:s26], $0x2800  }
0x45: {  	[sflag:s26] =	ssyncset.done $0x0  }
0x46: {  	s22 =	rddreg [dreg:$0xa];
	[sflag:s26] =	ssyncadd.s32 $0xFFFFD800  }
0x47: {  	[spmem:s22] =	stream.linear.scatter [tilespmem:s28], [sflag:$0x8], $0x2800, $0x38;
	[tilespmem:$0x1DB00] =	vst v63  }
0x48: {  	_ =	swait.ge [sflag:s26], $0x2800  }
0x49: {  	[sflag:s26] =	ssyncset.done $0x0  }
0x4a: {  	s23 =	rddreg [dreg:$0xb];
	[sflag:s26] =	ssyncadd.s32 $0xFFFFD800  }
0x4b: {  	[spmem:s23] =	stream.linear.scatter [tilespmem:s28], [sflag:$0x8], $0x2800, $0x38;
	[tilespmem:$0x1DB00] =	vst v63  }
0x4c: {  	_ =	swait.ge [sflag:s26], $0x2800  }
0x4d: {  	[sflag:s26] =	ssyncset.done $0x0  }
0x4e: {  	s24 =	rddreg [dreg:$0xc];
	[sflag:s26] =	ssyncadd.s32 $0xFFFFD800  }
0x4f: {  	[spmem:s24] =	stream.linear.scatter [tilespmem:s28], [sflag:$0x8], $0x2000, $0x38;
	[tilespmem:$0x1DB00] =	vst v63  }
0x50: {  	_ =	swait.ge [sflag:s26], $0x2000  }
0x51: {  	[sflag:s26] =	ssyncset.done $0x0  }
0x52: {  	s9 =	simm.s32 @!p0 $0x1B300;
	[sflag:s26] =	ssyncadd.s32 $0xFFFFE000  }
0x53: {  	[spmem:s20] =	stream.linear.scatter @!p0 [tilespmem:s9], [sflag:$0x8], $0x800, $0x38;
	[tilespmem:$0x1DB00] =	vst v63  }
0x54: {  	s9 =	simm.s32 @!p0 $0x8  }
0x55: {  	_ =	swait.ge @!p0 [sflag:s9], $0x800  }
0x56: {  	[sflag:s9] =	ssyncset.done @!p0 $0x0  }
0x57: {  	[sflag:s9] =	ssyncadd.s32 @!p0 $0xFFFFF800  }
0x58: {  	s22 =	simm.s32 $0x0;
	s23 =	simm.s32 $0x0;
	[bflag:$0x0] =	sbarrier.arrive $0xFFFF  }
.LBB2_4:
0x59: {  	p1 =	seq.s32 s23, $0x0  }
0x5a: {  	s18 =	sshll.u32 s23, $0x8;
	s9 =	simm.s32 @!p1 $0x3  }
0x5b: {  	s18 =	sor.u32 s14, s18;
	_ =	swait.ge @!p1 [sflag:s9], $0x2800  }
0x5c: {  	s24 =	sshrl.u32 s18, $0x3;
	[sflag:s9] =	ssyncset.done @!p1 $0x0  }
0x5d: {  	s19 =	sadd.s32 s6, s24;
	[sflag:s9] =	ssyncadd.s32 @!p1 $0xFFFFD800  }
0x5e: {  	[tilespmem:s29], [sflag:$0x5] =	stream.linear.gather [hbm4b:s19+s22], $0x80, $0x38;
	[tilespmem:$0x1DB00] =	vst v63  }
0x5f: {  	s20 =	sadd.s32 s7, s24  }
0x60: {  	[tilespmem:s30], [sflag:$0x6] =	stream.linear.gather [hbm4b:s20+s22], $0x80, $0x38;
	[tilespmem:$0x1DB00] =	vst v63  }
0x61: {  	s21 =	sadd.s32 s8, s24  }
0x62: {  	[tilespmem:s31], [sflag:$0x7] =	stream.linear.gather [hbm4b:s21+s22], $0x80, $0x38;
	[tilespmem:$0x1DB00] =	vst v63  }
0x63: {  	_ =	swait.ge [sflag:s0], $0x80  }
0x64: {  	[sflag:s0] =	ssyncset.done $0x0  }
0x65: {  	[sflag:s0] =	ssyncadd.s32 $0xFFFFFF80  }
0x66: {  	_ =	swait.ge [sflag:s4], $0x80  }
0x67: {  	[sflag:s4] =	ssyncset.done $0x0  }
0x68: {  	[sflag:s4] =	ssyncadd.s32 $0xFFFFFF80  }
0x69: {  	[tilespmem:s5], [sflag:$0x1] =	stream.indirect.gather [hbm4b:s1+s2], $0x80, s29, s2, $0xb8;
	[tilespmem:$0x1DB00] =	vst v63  }
0x6a: {  	_ = 	snop  }
0x6b: {  	[tilespmem:s10], [sflag:$0x2] =	stream.indirect.gather [hbm4b:s1+s2], $0x80, s30, s2, $0xb8;
	[tilespmem:$0x1DB00] =	vst v63  }
0x6c: {  	_ =	swait.ge [sflag:s11], $0x80  }
0x6d: {  	[sflag:s11] =	ssyncset.done $0x0  }
0x6e: {  	[sflag:s11] =	ssyncadd.s32 $0xFFFFFF80  }
0x6f: {  	v1 =	vld [tilespmem:$0x16000];
	_ =	sdelay $0x5  }
0x70: {  	v2 =	vld [tilespmem:$0x16080];
	_ =	sdelay $0x1  }
0x71: {  	v1 =	vld.idx.msk [tilespmem:v1+s25+$0x0], $0xffff;
	_ =	sdelay $0x3  }
0x72: {  	v3 =	vld [tilespmem:$0x16010]  }
0x73: {  	[tilespmem:$0x16200] =	vst v1  }
0x74: {  	v1 =	vld.idx.msk [tilespmem:v2+s25+$0x0], $0xffff;
	_ =	sdelay $0x3  }
0x75: {  	v2 =	vld [tilespmem:$0x16090]  }
0x76: {  	[tilespmem:$0x16280] =	vst v1  }
0x77: {  	v1 =	vld.idx.msk [tilespmem:v3+s25+$0x0], $0xffff;
	_ =	sdelay $0x3  }
0x78: {  	v3 =	vld [tilespmem:$0x16020]  }
0x79: {  	[tilespmem:$0x16210] =	vst v1  }
0x7a: {  	v1 =	vld.idx.msk [tilespmem:v2+s25+$0x0], $0xffff;
	_ =	sdelay $0x3  }
0x7b: {  	v2 =	vld [tilespmem:$0x160A0]  }
0x7c: {  	[tilespmem:$0x16290] =	vst v1  }
0x7d: {  	v1 =	vld.idx.msk [tilespmem:v3+s25+$0x0], $0xffff;
	_ =	sdelay $0x3  }
0x7e: {  	v3 =	vld [tilespmem:$0x16030]  }
0x7f: {  	[tilespmem:$0x16220] =	vst v1  }
0x80: {  	v1 =	vld.idx.msk [tilespmem:v2+s25+$0x0], $0xffff;
	_ =	sdelay $0x3  }
0x81: {  	v2 =	vld [tilespmem:$0x160B0]  }
0x82: {  	[tilespmem:$0x162A0] =	vst v1  }
0x83: {  	v1 =	vld.idx.msk [tilespmem:v3+s25+$0x0], $0xffff;
	_ =	sdelay $0x3  }
0x84: {  	v3 =	vld [tilespmem:$0x16040]  }
0x85: {  	[tilespmem:$0x16230] =	vst v1  }
0x86: {  	v1 =	vld.idx.msk [tilespmem:v2+s25+$0x0], $0xffff;
	_ =	sdelay $0x3  }
0x87: {  	v2 =	vld [tilespmem:$0x160C0]  }
0x88: {  	[tilespmem:$0x162B0] =	vst v1  }
0x89: {  	v1 =	vld.idx.msk [tilespmem:v3+s25+$0x0], $0xffff;
	_ =	sdelay $0x4  }
0x8a: {  	[tilespmem:$0x16240] =	vst v1  }
0x8b: {  	v1 =	vld.idx.msk [tilespmem:v2+s25+$0x0], $0xffff;
	_ =	sdelay $0x4  }
0x8c: {  	[tilespmem:$0x162C0] =	vst v1  }
0x8d: {  	_ =	swait.ge [sflag:s12], $0x2800  }
0x8e: {  	[sflag:s12] =	ssyncset.done $0x0  }
0x8f: {  	[sflag:s12] =	ssyncadd.s32 $0xFFFFD800  }
0x90: {  	_ =	swait.ge [sflag:s13], $0x2800  }
0x91: {  	v2 =	vmov s22;
	[sflag:s13] =	ssyncset.done $0x0  }
0x92: {  	s20 =	simm.s32 $0x16340;
	[sflag:s13] =	ssyncadd.s32 $0xFFFFD800  }
0x93: {  	v1 =	vld [tilespmem:s20+$0xFFFFFFF0]  }
0x94: {  	v4 =	vld [tilespmem:s20+$0xFFFFFFD0]  }
0x95: {  	v5 =	vld [tilespmem:s20+$0xFFFFFFC0]  }
0x96: {  	s18 =	simm.s32 $0x18B40;
	v17 =	vld.idx.msk [tilespmem:v2+s15+$0x0], $0xffff  }
0x97: {  	v6 =	vld [tilespmem:s18+$0xFFFFFFC0]  }
0x98: {  	v19 =	vld.idx.msk [tilespmem:v2+s16+$0x0], $0xffff  }
0x99: {  	v9 =	vld [tilespmem:s18+$0xFFFFFFD0]  }
0x9a: {  	v16 =	vld [tilespmem:s18+$0xFFFFFFE0]  }
0x9b: {  	v7 =	vld [tilespmem:s20+$0xFFFFFFE0]  }
0x9c: {  	v12 =	vld [tilespmem:s18+$0xFFFFFFF0]  }
0x9d: {  	v3 =	vld [tilespmem:s20+$0x0];
	v11 =	vmul.f32 v5, v17;
	v13 =	vmul.f32 v4, v17  }
0x9e: {  	v15 =	vld [tilespmem:s18+$0x0];
	v14 =	vmul.f32 v6, v19;
	v18 =	vmul.f32 v9, v19  }
0x9f: {  	v8 =	vld [tilespmem:s20+$0x20];
	v20 =	vmul.f32 v16, v19  }
0xa0: {  	v10 =	vld [tilespmem:s18+$0x10];
	v21 =	vmul.f32 v7, v17;
	v11 =	vsub.f32 v14, v11;
	v14 =	vsub.f32 v18, v13  }
0xa1: {  	v22 =	vmul.f32 v12, v19;
	v23 =	vmul.f32 v1, v17;
	v13 =	vld [tilespmem:s20+$0x10]  }
0xa2: {  	v18 =	vld [tilespmem:s18+$0x20];
	v20 =	vsub.f32 v20, v21;
	v21 =	vmul.f32 v11, v11;
	v24 =	vmul.f32 v14, v14  }
0xa3: {  	v25 =	vmul.f32 v3, v17;
	v26 =	vmul.f32 v15, v19;
	v11 =	vld [tilespmem:s18+$0x30]  }
0xa4: {  	v22 =	vsub.f32 v22, v23;
	v14 =	vld [tilespmem:s20+$0x30];
	v20 =	vmul.f32 v20, v20;
	v21 =	vadd.f32 v24, v21  }
0xa5: {  	v60 =	vmul.f32 v10, v19;
	v23 =	vsub.f32 v26, v25  }
0xa6: {  	v61 =	vmul.f32 v13, v17;
	v20 =	vadd.f32 v20, v21;
	v21 =	vmul.f32 v22, v22  }
0xa7: {  	v62 =	vmul.f32 v18, v19;
	v22 =	vmul.f32 v8, v17  }
0xa8: {  	v24 =	vsub.f32 v60, v61;
	v20 =	vadd.f32 v21, v20;
	v21 =	vmul.f32 v23, v23  }
0xa9: {  	v63 =	vmul.f32 v14, v17;
	v23 =	vmul.f32 v11, v19  }
0xaa: {  	v22 =	vsub.f32 v62, v22;
	v20 =	vadd.f32 v21, v20;
	v21 =	vmul.f32 v24, v24;
	_ =	sdelay $0x1  }
0xab: {  	v23 =	vsub.f32 v23, v63;
	v20 =	vadd.f32 v21, v20;
	v21 =	vmul.f32 v22, v22;
	_ =	sdelay $0x1  }
0xac: {  	v20 =	vadd.f32 v21, v20;
	v21 =	vmul.f32 v23, v23;
	_ =	sdelay $0x1  }
0xad: {  	v20 =	vadd.f32 v21, v20;
	_ =	sdelay $0x1  }
0xae: {  	(xrf2) =	vadd.scan.msk.f32 $0xffff, v20;
	_ =	sdelay $0x9  }
0xaf: {  	v20, _, _ =	vpop (xrf2)  }
0xb0: {  	v20 =	vmax.f32 v20, $9.999999680e-21  }
0xb1: {  	v20 =	vbroadcast v20, $0xF;
	_ =	sdelay $0x1  }
0xb2: {  	v21 =	vshra.s32 v20, $0x1;
	v22 =	vmul.f32 $5.000000000e-01, v20  }
0xb3: {  	v21 =	vsub.s32 $0x5F3759DF, v21  }
0xb4: {  	v23 =	vmul.f32 v21, v22;
	_ =	sdelay $0x1  }
0xb5: {  	v23 =	vmul.f32 v21, v23;
	_ =	sdelay $0x1  }
0xb6: {  	v23 =	vsub.f32 $1.500000000e+00, v23;
	_ =	sdelay $0x1  }
0xb7: {  	v21 =	vmul.f32 v21, v23;
	_ =	sdelay $0x1  }
0xb8: {  	v23 =	vmul.f32 v21, v22;
	_ =	sdelay $0x1  }
0xb9: {  	v23 =	vmul.f32 v23, v21;
	_ =	sdelay $0x1  }
0xba: {  	v23 =	vsub.f32 $1.500000000e+00, v23;
	_ =	sdelay $0x1  }
0xbb: {  	v21 =	vmul.f32 v23, v21;
	_ =	sdelay $0x1  }
0xbc: {  	s9 =	simm.s32 $0x16340;
	s19 =	simm.s32 $0x1;
	v19 =	vmul.f32 v19, v17;
	v22 =	vmul.f32 v21, v22  }
.LBB2_5:
0xbd: {  	p2 =	sne.s32 s19, $0x4F;
	s18 =	sadd.s32 $0x80, s18;
	s20 =	sadd.s32 $0x80, s20  }
0xbe: {  	s21 =	smov.u32 s19;
	s19 =	sadd.s32 $0x1, s19;
	v22 =	vmul.f32 v22, v21;
	_ =	sdelay $0x1  }
0xbf: {  	v22 =	vsub.f32 $1.500000000e+00, v22;
	_ =	sdelay $0x1  }
0xc0: {  	v21 =	vmul.f32 v22, v21;
	_ =	sdelay $0x1  }
0xc1: {  	v22 =	vmov s21;
	v20 =	vmul.f32 v21, v20;
	_ =	sdelay $0x1  }
0xc2: {  	v20 =	vadd.f32 $9.999999740e-06, v20;
	_ =	sdelay $0x1  }
0xc3: {  	(erf) = vrcp.f32 v20;
	_ =	sdelay $0x1  }
0xc4: {  	v20 =	vld.idx.msk [tilespmem:v2+s31+$0x0], $0xffff;
	v2 =	vmov v22;
	_ =	sdelay $0x5  }
0xc5: {  	v20 =	vmul.f32 $5.000000000e-01, v20  }
0xc6: {  	v21 =	vpop (erf)  }
0xc7: {  	v17 =	vmul.f32 v17, v17;
	v20 =	vmul.f32 v21, v20;
	_ =	sdelay $0x1  }
0xc8: {  	v21 =	vsub.f32 $1.000000000e+00, v20;
	v17 =	vmul.f32 v20, v17;
	_ =	sdelay $0x1  }
0xc9: {  	v19 =	vmul.f32 v21, v19;
	v12 =	vmul.f32 v17, v12  }
0xca: {  	v15 =	vmul.f32 v17, v15;
	v11 =	vmul.f32 v17, v11  }
0xcb: {  	v16 =	vmul.f32 v17, v16;
	v7 =	vmul.f32 v19, v7  }
0xcc: {  	v18 =	vmul.f32 v17, v18;
	v8 =	vmul.f32 v19, v8  }
0xcd: {  	v9 =	vmul.f32 v17, v9;
	v4 =	vmul.f32 v19, v4;
	v7 =	vadd.f32 v7, v16  }
0xce: {  	v5 =	vmul.f32 v19, v5;
	v8 =	vadd.f32 v8, v18  }
0xcf: {  	v6 =	vmul.f32 v17, v6;
	v1 =	vmul.f32 v19, v1;
	v4 =	vadd.f32 v4, v9;
	[tilespmem:s9+$0xFFFFFFE0] =	vst v7  }
0xd0: {  	v9 =	vmul.f32 v17, v10;
	v7 =	vmul.f32 v19, v13;
	[tilespmem:s9+$0x20] =	vst v8  }
0xd1: {  	v3 =	vmul.f32 v19, v3;
	v5 =	vadd.f32 v5, v6;
	v6 =	vadd.f32 v1, v12  }
0xd2: {  	v1 =	vld [tilespmem:s20+$0xFFFFFFF0];
	[tilespmem:s9+$0xFFFFFFD0] =	vst v4;
	v4 =	vadd.f32 v7, v9;
	v9 =	vmul.f32 v19, v14  }
0xd3: {  	v3 =	vadd.f32 v3, v15;
	v7 =	vld [tilespmem:s20+$0xFFFFFFE0];
	[tilespmem:s9+$0xFFFFFFC0] =	vst v5  }
0xd4: {  	v8 =	vld [tilespmem:s20+$0x20];
	[tilespmem:s9+$0x10] =	vst v4;
	v9 =	vadd.f32 v9, v11  }
0xd5: {  	v4 =	vld [tilespmem:s20+$0xFFFFFFD0];
	[tilespmem:s9+$0x0] =	vst v3  }
0xd6: {  	v3 =	vld [tilespmem:s20+$0x0];
	[tilespmem:s9+$0xFFFFFFF0] =	vst v6  }
0xd7: {  	v5 =	vld [tilespmem:s20+$0xFFFFFFC0];
	[tilespmem:s9+$0x30] =	vst v9;
	s9 =	smov.u32 s20  }
0xd8: {  	v11 =	vld [tilespmem:s18+$0x30]  }
0xd9: {  	v17 =	vld.idx.msk [tilespmem:v2+s15+$0x0], $0xffff  }
0xda: {  	v6 =	vld [tilespmem:s18+$0xFFFFFFC0]  }
0xdb: {  	v19 =	vld.idx.msk [tilespmem:v2+s16+$0x0], $0xffff  }
0xdc: {  	v9 =	vld [tilespmem:s18+$0xFFFFFFD0]  }
0xdd: {  	v16 =	vld [tilespmem:s18+$0xFFFFFFE0]  }
0xde: {  	v15 =	vld [tilespmem:s18+$0x0]  }
0xdf: {  	v20 =	vmul.f32 v5, v17;
	v21 =	vmul.f32 v3, v17;
	v12 =	vld [tilespmem:s18+$0xFFFFFFF0]  }
0xe0: {  	v22 =	vmul.f32 v4, v17;
	v23 =	vmul.f32 v8, v17;
	v13 =	vld [tilespmem:s20+$0x10]  }
0xe1: {  	v24 =	vmul.f32 v6, v19;
	v10 =	vld [tilespmem:s18+$0x10];
	v25 =	vmul.f32 v9, v19  }
0xe2: {  	v27 =	vmul.f32 v7, v17;
	v18 =	vld [tilespmem:s18+$0x20];
	v26 =	vmul.f32 v16, v19  }
0xe3: {  	v20 =	vsub.f32 v24, v20;
	v14 =	vld [tilespmem:s20+$0x30];
	v22 =	vsub.f32 v25, v22;
	v24 =	vmul.f32 v15, v19  }
0xe4: {  	v25 =	vsub.f32 v26, v27;
	v26 =	vmul.f32 v12, v19;
	v27 =	vmul.f32 v1, v17  }
0xe5: {  	v20 =	vmul.f32 v20, v20;
	v22 =	vmul.f32 v22, v22;
	v21 =	vsub.f32 v24, v21  }
0xe6: {  	v24 =	vsub.f32 v26, v27;
	v26 =	vmul.f32 v10, v19;
	v27 =	vmul.f32 v13, v17  }
0xe7: {  	v20 =	vadd.f32 v22, v20;
	v22 =	vmul.f32 v25, v25;
	v25 =	vmul.f32 v18, v19  }
0xe8: {  	v26 =	vsub.f32 v26, v27;
	v27 =	vmul.f32 v11, v19;
	v28 =	vmul.f32 v14, v17  }
0xe9: {  	v20 =	vadd.f32 v22, v20;
	v22 =	vmul.f32 v24, v24;
	v23 =	vsub.f32 v25, v23  }
0xea: {  	v19 =	vmul.f32 v19, v17;
	v24 =	vsub.f32 v27, v28  }
0xeb: {  	v21 =	vmul.f32 v21, v21;
	v20 =	vadd.f32 v22, v20;
	_ =	sdelay $0x1  }
0xec: {  	v20 =	vadd.f32 v21, v20;
	v21 =	vmul.f32 v26, v26;
	_ =	sdelay $0x1  }
0xed: {  	v20 =	vadd.f32 v21, v20;
	v21 =	vmul.f32 v23, v23;
	_ =	sdelay $0x1  }
0xee: {  	v20 =	vadd.f32 v21, v20;
	v21 =	vmul.f32 v24, v24;
	_ =	sdelay $0x1  }
0xef: {  	v20 =	vadd.f32 v21, v20;
	_ =	sdelay $0x1  }
0xf0: {  	(xrf2) =	vadd.scan.msk.f32 $0xffff, v20;
	_ =	sdelay $0x9  }
0xf1: {  	v20, _, _ =	vpop (xrf2)  }
0xf2: {  	v20 =	vmax.f32 v20, $9.999999680e-21  }
0xf3: {  	v20 =	vbroadcast v20, $0xF;
	_ =	sdelay $0x1  }
0xf4: {  	v21 =	vshra.s32 v20, $0x1;
	v22 =	vmul.f32 $5.000000000e-01, v20  }
0xf5: {  	v21 =	vsub.s32 $0x5F3759DF, v21  }
0xf6: {  	v23 =	vmul.f32 v21, v22;
	_ =	sdelay $0x1  }
0xf7: {  	v23 =	vmul.f32 v21, v23;
	_ =	sdelay $0x1  }
0xf8: {  	v23 =	vsub.f32 $1.500000000e+00, v23;
	_ =	sdelay $0x1  }
0xf9: {  	v21 =	vmul.f32 v21, v23;
	_ =	sdelay $0x1  }
0xfa: {  	v23 =	vmul.f32 v21, v22;
	_ =	sdelay $0x1  }
0xfb: {  	v23 =	vmul.f32 v23, v21;
	_ =	sdelay $0x1  }
.Ltmp1:
0xfc: {  	v23 =	vsub.f32 $1.500000000e+00, v23;
	(pc) =	sbr.rel @p2 .LBB2_5-.Ltmp1, $3  }
0xfd: {  	_ = 	snop  }
0xfe: {  	v21 =	vmul.f32 v23, v21;
	_ =	sdelay $0x1  }
0xff: {  	v22 =	vmul.f32 v21, v22  }
0x100: {  	_ = 	snop  }
0x101: {  	v22 =	vmul.f32 v22, v21;
	_ =	sdelay $0x1  }
0x102: {  	v22 =	vsub.f32 $1.500000000e+00, v22;
	_ =	sdelay $0x1  }
0x103: {  	v21 =	vmul.f32 v22, v21;
	_ =	sdelay $0x1  }
0x104: {  	v20 =	vmul.f32 v21, v20;
	_ =	sdelay $0x1  }
0x105: {  	v20 =	vadd.f32 $9.999999740e-06, v20;
	_ =	sdelay $0x1  }
0x106: {  	(erf) = vrcp.f32 v20;
	_ =	sdelay $0x2  }
0x107: {  	v2 =	vld.idx.msk [tilespmem:v2+s31+$0x0], $0xffff;
	_ =	sdelay $0x4  }
0x108: {  	v2 =	vmul.f32 $5.000000000e-01, v2  }
0x109: {  	v20 =	vpop (erf)  }
0x10a: {  	v2 =	vmul.f32 v20, v2  }
0x10b: {  	v17 =	vmul.f32 v17, v17  }
0x10c: {  	v20 =	vsub.f32 $1.000000000e+00, v2  }
0x10d: {  	v2 =	vmul.f32 v2, v17  }
0x10e: {  	v17 =	vmul.f32 v20, v19  }
0x10f: {  	v16 =	vmul.f32 v2, v16;
	v18 =	vmul.f32 v2, v18  }
0x110: {  	v9 =	vmul.f32 v2, v9;
	v7 =	vmul.f32 v17, v7  }
0x111: {  	v6 =	vmul.f32 v2, v6;
	v8 =	vmul.f32 v17, v8  }
0x112: {  	v4 =	vmul.f32 v17, v4;
	v5 =	vmul.f32 v17, v5;
	v7 =	vadd.f32 v7, v16  }
0x113: {  	v3 =	vmul.f32 v17, v3;
	v1 =	vmul.f32 v17, v1;
	v8 =	vadd.f32 v8, v18  }
0x114: {  	v4 =	vadd.f32 v4, v9;
	v9 =	vmul.f32 v2, v10;
	v10 =	vmul.f32 v2, v15;
	[tilespmem:s9+$0xFFFFFFE0] =	vst v7  }
0x115: {  	v5 =	vadd.f32 v5, v6;
	v6 =	vmul.f32 v2, v12;
	v7 =	vmul.f32 v17, v13;
	[tilespmem:s9+$0x20] =	vst v8  }
0x116: {  	v2 =	vmul.f32 v2, v11;
	[tilespmem:s9+$0xFFFFFFD0] =	vst v4;
	v3 =	vadd.f32 v3, v10  }
0x117: {  	[tilespmem:s9+$0xFFFFFFC0] =	vst v5;
	v1 =	vadd.f32 v1, v6;
	v4 =	vadd.f32 v7, v9;
	v7 =	vmul.f32 v17, v14  }
0x118: {  	[tilespmem:s9+$0x0] =	vst v3  }
0x119: {  	[tilespmem:s9+$0xFFFFFFF0] =	vst v1;
	v2 =	vadd.f32 v7, v2  }
0x11a: {  	[tilespmem:s9+$0x10] =	vst v4  }
0x11b: {  	[tilespmem:s9+$0x30] =	vst v2;
	s9 =	simm.s32 @!p1 $0x4  }
0x11c: {  	[spmem:s3] =	stream.indirect.scatter.add.f32 [tilespmem:s5], [sflag:$0x3], $0x80, s30, s2, $0xb8;
	[tilespmem:$0x1DB00] =	vst v63  }
0x11d: {  	_ =	swait.ge @!p1 [sflag:s9], $0x2800  }
0x11e: {  	s18 =	sor.u32 $0x10, s24;
	[sflag:s9] =	ssyncset.done @!p1 $0x0  }
0x11f: {  	s19 =	simm.s32 $0x0;
	s20 =	sadd.s32 s6, s18;
	[sflag:s9] =	ssyncadd.s32 @!p1 $0xFFFFD800  }
0x120: {  	[tilespmem:s29], [sflag:$0x5] =	stream.linear.gather [hbm4b:s20+s19], $0x80, $0x38;
	[tilespmem:$0x1DB00] =	vst v63  }
0x121: {  	s21 =	sadd.s32 s7, s18  }
0x122: {  	[tilespmem:s17], [sflag:$0x6] =	stream.linear.gather [hbm4b:s21+s19], $0x80, $0x38;
	[tilespmem:$0x1DB00] =	vst v63  }
0x123: {  	s24 =	sadd.s32 s8, s18  }
0x124: {  	[tilespmem:s31], [sflag:$0x7] =	stream.linear.gather [hbm4b:s24+s19], $0x80, $0x38;
	[tilespmem:$0x1DB00] =	vst v63  }
0x125: {  	_ =	swait.ge [sflag:s0], $0x80  }
0x126: {  	[sflag:s0] =	ssyncset.done $0x0  }
0x127: {  	[sflag:s0] =	ssyncadd.s32 $0xFFFFFF80  }
0x128: {  	_ =	swait.ge [sflag:s4], $0x80  }
0x129: {  	[sflag:s4] =	ssyncset.done $0x0  }
0x12a: {  	[sflag:s4] =	ssyncadd.s32 $0xFFFFFF80  }
0x12b: {  	[tilespmem:s28], [sflag:$0x1] =	stream.indirect.gather [hbm4b:s1+s2], $0x80, s29, s2, $0xb8;
	[tilespmem:$0x1DB00] =	vst v63  }
0x12c: {  	_ = 	snop  }
0x12d: {  	[tilespmem:s10], [sflag:$0x2] =	stream.indirect.gather [hbm4b:s1+s2], $0x80, s17, s2, $0xb8;
	[tilespmem:$0x1DB00] =	vst v63  }
0x12e: {  	_ =	swait.ge [sflag:s11], $0x80  }
0x12f: {  	[sflag:s11] =	ssyncset.done $0x0  }
0x130: {  	[sflag:s11] =	ssyncadd.s32 $0xFFFFFF80  }
0x131: {  	v1 =	vld [tilespmem:$0x16000];
	_ =	sdelay $0x5  }
0x132: {  	v2 =	vld [tilespmem:$0x16100];
	_ =	sdelay $0x1  }
0x133: {  	v1 =	vld.idx.msk [tilespmem:v1+s25+$0x0], $0xffff;
	_ =	sdelay $0x3  }
0x134: {  	v3 =	vld [tilespmem:$0x16010]  }
0x135: {  	[tilespmem:$0x16200] =	vst v1  }
0x136: {  	v1 =	vld.idx.msk [tilespmem:v2+s25+$0x0], $0xffff;
	_ =	sdelay $0x3  }
0x137: {  	v2 =	vld [tilespmem:$0x16110]  }
0x138: {  	[tilespmem:$0x16280] =	vst v1  }
0x139: {  	v1 =	vld.idx.msk [tilespmem:v3+s25+$0x0], $0xffff;
	_ =	sdelay $0x3  }
0x13a: {  	v3 =	vld [tilespmem:$0x16020]  }
0x13b: {  	[tilespmem:$0x16210] =	vst v1  }
0x13c: {  	v1 =	vld.idx.msk [tilespmem:v2+s25+$0x0], $0xffff;
	_ =	sdelay $0x3  }
0x13d: {  	v2 =	vld [tilespmem:$0x16120]  }
0x13e: {  	[tilespmem:$0x16290] =	vst v1  }
0x13f: {  	v1 =	vld.idx.msk [tilespmem:v3+s25+$0x0], $0xffff;
	_ =	sdelay $0x3  }
0x140: {  	v3 =	vld [tilespmem:$0x16030]  }
0x141: {  	[tilespmem:$0x16220] =	vst v1  }
0x142: {  	v1 =	vld.idx.msk [tilespmem:v2+s25+$0x0], $0xffff;
	_ =	sdelay $0x3  }
0x143: {  	v2 =	vld [tilespmem:$0x16130]  }
0x144: {  	[tilespmem:$0x162A0] =	vst v1  }
0x145: {  	v1 =	vld.idx.msk [tilespmem:v3+s25+$0x0], $0xffff;
	_ =	sdelay $0x3  }
0x146: {  	v3 =	vld [tilespmem:$0x16040]  }
0x147: {  	[tilespmem:$0x16230] =	vst v1  }
0x148: {  	v1 =	vld.idx.msk [tilespmem:v2+s25+$0x0], $0xffff;
	_ =	sdelay $0x3  }
0x149: {  	v2 =	vld [tilespmem:$0x16140]  }
0x14a: {  	[tilespmem:$0x162B0] =	vst v1  }
0x14b: {  	v1 =	vld.idx.msk [tilespmem:v3+s25+$0x0], $0xffff;
	_ =	sdelay $0x4  }
0x14c: {  	[tilespmem:$0x16240] =	vst v1  }
0x14d: {  	v1 =	vld.idx.msk [tilespmem:v2+s25+$0x0], $0xffff;
	_ =	sdelay $0x4  }
0x14e: {  	[tilespmem:$0x162C0] =	vst v1  }
0x14f: {  	_ =	swait.ge [sflag:s12], $0x2800  }
0x150: {  	[sflag:s12] =	ssyncset.done $0x0  }
0x151: {  	[sflag:s12] =	ssyncadd.s32 $0xFFFFD800  }
0x152: {  	_ =	swait.ge [sflag:s13], $0x2800  }
0x153: {  	v2 =	vmov s19;
	[sflag:s13] =	ssyncset.done $0x0  }
0x154: {  	s20 =	simm.s32 $0x1B340;
	[sflag:s13] =	ssyncadd.s32 $0xFFFFD800  }
0x155: {  	v1 =	vld [tilespmem:s20+$0xFFFFFFF0]  }
0x156: {  	v4 =	vld [tilespmem:s20+$0xFFFFFFD0]  }
0x157: {  	v5 =	vld [tilespmem:s20+$0xFFFFFFC0]  }
0x158: {  	s18 =	simm.s32 $0x18B40;
	v17 =	vld.idx.msk [tilespmem:v2+s15+$0x0], $0xffff  }
0x159: {  	v6 =	vld [tilespmem:s18+$0xFFFFFFC0]  }
0x15a: {  	v19 =	vld.idx.msk [tilespmem:v2+s16+$0x0], $0xffff  }
0x15b: {  	v9 =	vld [tilespmem:s18+$0xFFFFFFD0]  }
0x15c: {  	v16 =	vld [tilespmem:s18+$0xFFFFFFE0]  }
0x15d: {  	v7 =	vld [tilespmem:s20+$0xFFFFFFE0]  }
0x15e: {  	v12 =	vld [tilespmem:s18+$0xFFFFFFF0]  }
0x15f: {  	v3 =	vld [tilespmem:s20+$0x0];
	v11 =	vmul.f32 v5, v17;
	v13 =	vmul.f32 v4, v17  }
0x160: {  	v15 =	vld [tilespmem:s18+$0x0];
	v14 =	vmul.f32 v6, v19;
	v18 =	vmul.f32 v9, v19  }
0x161: {  	v8 =	vld [tilespmem:s20+$0x20];
	v20 =	vmul.f32 v16, v19  }
0x162: {  	v10 =	vld [tilespmem:s18+$0x10];
	v21 =	vmul.f32 v7, v17;
	v11 =	vsub.f32 v14, v11;
	v14 =	vsub.f32 v18, v13  }
0x163: {  	v22 =	vmul.f32 v12, v19;
	v23 =	vmul.f32 v1, v17;
	v13 =	vld [tilespmem:s20+$0x10]  }
0x164: {  	v18 =	vld [tilespmem:s18+$0x20];
	v20 =	vsub.f32 v20, v21;
	v21 =	vmul.f32 v11, v11;
	v24 =	vmul.f32 v14, v14  }
0x165: {  	v25 =	vmul.f32 v3, v17;
	v26 =	vmul.f32 v15, v19;
	v11 =	vld [tilespmem:s18+$0x30]  }
0x166: {  	v22 =	vsub.f32 v22, v23;
	v14 =	vld [tilespmem:s20+$0x30];
	v20 =	vmul.f32 v20, v20;
	v21 =	vadd.f32 v24, v21  }
0x167: {  	v60 =	vmul.f32 v10, v19;
	v23 =	vsub.f32 v26, v25  }
0x168: {  	v61 =	vmul.f32 v13, v17;
	v20 =	vadd.f32 v20, v21;
	v21 =	vmul.f32 v22, v22  }
0x169: {  	v62 =	vmul.f32 v18, v19;
	v22 =	vmul.f32 v8, v17  }
0x16a: {  	v24 =	vsub.f32 v60, v61;
	v20 =	vadd.f32 v21, v20;
	v21 =	vmul.f32 v23, v23  }
0x16b: {  	v63 =	vmul.f32 v14, v17;
	v23 =	vmul.f32 v11, v19  }
0x16c: {  	v22 =	vsub.f32 v62, v22;
	v20 =	vadd.f32 v21, v20;
	v21 =	vmul.f32 v24, v24;
	_ =	sdelay $0x1  }
0x16d: {  	v23 =	vsub.f32 v23, v63;
	v20 =	vadd.f32 v21, v20;
	v21 =	vmul.f32 v22, v22;
	_ =	sdelay $0x1  }
0x16e: {  	v20 =	vadd.f32 v21, v20;
	v21 =	vmul.f32 v23, v23;
	_ =	sdelay $0x1  }
0x16f: {  	v20 =	vadd.f32 v21, v20;
	_ =	sdelay $0x1  }
0x170: {  	(xrf2) =	vadd.scan.msk.f32 $0xffff, v20;
	_ =	sdelay $0x9  }
0x171: {  	v20, _, _ =	vpop (xrf2)  }
0x172: {  	v20 =	vmax.f32 v20, $9.999999680e-21  }
0x173: {  	v20 =	vbroadcast v20, $0xF;
	_ =	sdelay $0x1  }
0x174: {  	v21 =	vshra.s32 v20, $0x1;
	v22 =	vmul.f32 $5.000000000e-01, v20  }
0x175: {  	v21 =	vsub.s32 $0x5F3759DF, v21  }
0x176: {  	v23 =	vmul.f32 v21, v22;
	_ =	sdelay $0x1  }
0x177: {  	v23 =	vmul.f32 v21, v23;
	_ =	sdelay $0x1  }
0x178: {  	v23 =	vsub.f32 $1.500000000e+00, v23;
	_ =	sdelay $0x1  }
0x179: {  	v21 =	vmul.f32 v21, v23;
	_ =	sdelay $0x1  }
0x17a: {  	v23 =	vmul.f32 v21, v22;
	_ =	sdelay $0x1  }
0x17b: {  	v23 =	vmul.f32 v23, v21;
	_ =	sdelay $0x1  }
0x17c: {  	v23 =	vsub.f32 $1.500000000e+00, v23;
	_ =	sdelay $0x1  }
0x17d: {  	v21 =	vmul.f32 v23, v21;
	_ =	sdelay $0x1  }
0x17e: {  	s9 =	simm.s32 $0x1B340;
	s19 =	simm.s32 $0x1;
	v19 =	vmul.f32 v19, v17;
	v22 =	vmul.f32 v21, v22  }
.LBB2_7:
0x17f: {  	p1 =	sne.s32 s19, $0x4F;
	s18 =	sadd.s32 $0x80, s18;
	s20 =	sadd.s32 $0x80, s20  }
0x180: {  	s21 =	smov.u32 s19;
	s19 =	sadd.s32 $0x1, s19;
	v22 =	vmul.f32 v22, v21;
	_ =	sdelay $0x1  }
0x181: {  	v22 =	vsub.f32 $1.500000000e+00, v22;
	_ =	sdelay $0x1  }
0x182: {  	v21 =	vmul.f32 v22, v21;
	_ =	sdelay $0x1  }
0x183: {  	v22 =	vmov s21;
	v20 =	vmul.f32 v21, v20;
	_ =	sdelay $0x1  }
0x184: {  	v20 =	vadd.f32 $9.999999740e-06, v20;
	_ =	sdelay $0x1  }
0x185: {  	(erf) = vrcp.f32 v20;
	_ =	sdelay $0x1  }
0x186: {  	v20 =	vld.idx.msk [tilespmem:v2+s31+$0x0], $0xffff;
	v2 =	vmov v22;
	_ =	sdelay $0x5  }
0x187: {  	v20 =	vmul.f32 $5.000000000e-01, v20  }
0x188: {  	v21 =	vpop (erf)  }
0x189: {  	v17 =	vmul.f32 v17, v17;
	v20 =	vmul.f32 v21, v20;
	_ =	sdelay $0x1  }
0x18a: {  	v21 =	vsub.f32 $1.000000000e+00, v20;
	v17 =	vmul.f32 v20, v17;
	_ =	sdelay $0x1  }
0x18b: {  	v19 =	vmul.f32 v21, v19;
	v12 =	vmul.f32 v17, v12  }
0x18c: {  	v15 =	vmul.f32 v17, v15;
	v11 =	vmul.f32 v17, v11  }
0x18d: {  	v16 =	vmul.f32 v17, v16;
	v7 =	vmul.f32 v19, v7  }
0x18e: {  	v18 =	vmul.f32 v17, v18;
	v8 =	vmul.f32 v19, v8  }
0x18f: {  	v9 =	vmul.f32 v17, v9;
	v4 =	vmul.f32 v19, v4;
	v7 =	vadd.f32 v7, v16  }
0x190: {  	v5 =	vmul.f32 v19, v5;
	v8 =	vadd.f32 v8, v18  }
0x191: {  	v6 =	vmul.f32 v17, v6;
	v1 =	vmul.f32 v19, v1;
	v4 =	vadd.f32 v4, v9;
	[tilespmem:s9+$0xFFFFFFE0] =	vst v7  }
0x192: {  	v9 =	vmul.f32 v17, v10;
	v7 =	vmul.f32 v19, v13;
	[tilespmem:s9+$0x20] =	vst v8  }
0x193: {  	v3 =	vmul.f32 v19, v3;
	v5 =	vadd.f32 v5, v6;
	v6 =	vadd.f32 v1, v12  }
0x194: {  	v1 =	vld [tilespmem:s20+$0xFFFFFFF0];
	[tilespmem:s9+$0xFFFFFFD0] =	vst v4;
	v4 =	vadd.f32 v7, v9;
	v9 =	vmul.f32 v19, v14  }
0x195: {  	v3 =	vadd.f32 v3, v15;
	v7 =	vld [tilespmem:s20+$0xFFFFFFE0];
	[tilespmem:s9+$0xFFFFFFC0] =	vst v5  }
0x196: {  	v8 =	vld [tilespmem:s20+$0x20];
	[tilespmem:s9+$0x10] =	vst v4;
	v9 =	vadd.f32 v9, v11  }
0x197: {  	v4 =	vld [tilespmem:s20+$0xFFFFFFD0];
	[tilespmem:s9+$0x0] =	vst v3  }
0x198: {  	v3 =	vld [tilespmem:s20+$0x0];
	[tilespmem:s9+$0xFFFFFFF0] =	vst v6  }
0x199: {  	v5 =	vld [tilespmem:s20+$0xFFFFFFC0];
	[tilespmem:s9+$0x30] =	vst v9;
	s9 =	smov.u32 s20  }
0x19a: {  	v11 =	vld [tilespmem:s18+$0x30]  }
0x19b: {  	v17 =	vld.idx.msk [tilespmem:v2+s15+$0x0], $0xffff  }
0x19c: {  	v6 =	vld [tilespmem:s18+$0xFFFFFFC0]  }
0x19d: {  	v19 =	vld.idx.msk [tilespmem:v2+s16+$0x0], $0xffff  }
0x19e: {  	v9 =	vld [tilespmem:s18+$0xFFFFFFD0]  }
0x19f: {  	v16 =	vld [tilespmem:s18+$0xFFFFFFE0]  }
0x1a0: {  	v15 =	vld [tilespmem:s18+$0x0]  }
0x1a1: {  	v20 =	vmul.f32 v5, v17;
	v21 =	vmul.f32 v3, v17;
	v12 =	vld [tilespmem:s18+$0xFFFFFFF0]  }
0x1a2: {  	v22 =	vmul.f32 v4, v17;
	v23 =	vmul.f32 v8, v17;
	v13 =	vld [tilespmem:s20+$0x10]  }
0x1a3: {  	v24 =	vmul.f32 v6, v19;
	v10 =	vld [tilespmem:s18+$0x10];
	v25 =	vmul.f32 v9, v19  }
0x1a4: {  	v27 =	vmul.f32 v7, v17;
	v18 =	vld [tilespmem:s18+$0x20];
	v26 =	vmul.f32 v16, v19  }
0x1a5: {  	v20 =	vsub.f32 v24, v20;
	v14 =	vld [tilespmem:s20+$0x30];
	v22 =	vsub.f32 v25, v22;
	v24 =	vmul.f32 v15, v19  }
0x1a6: {  	v25 =	vsub.f32 v26, v27;
	v26 =	vmul.f32 v12, v19;
	v27 =	vmul.f32 v1, v17  }
0x1a7: {  	v20 =	vmul.f32 v20, v20;
	v22 =	vmul.f32 v22, v22;
	v21 =	vsub.f32 v24, v21  }
0x1a8: {  	v24 =	vsub.f32 v26, v27;
	v26 =	vmul.f32 v10, v19;
	v27 =	vmul.f32 v13, v17  }
0x1a9: {  	v20 =	vadd.f32 v22, v20;
	v22 =	vmul.f32 v25, v25;
	v25 =	vmul.f32 v18, v19  }
0x1aa: {  	v26 =	vsub.f32 v26, v27;
	v27 =	vmul.f32 v11, v19;
	v28 =	vmul.f32 v14, v17  }
0x1ab: {  	v20 =	vadd.f32 v22, v20;
	v22 =	vmul.f32 v24, v24;
	v23 =	vsub.f32 v25, v23  }
0x1ac: {  	v19 =	vmul.f32 v19, v17;
	v24 =	vsub.f32 v27, v28  }
0x1ad: {  	v21 =	vmul.f32 v21, v21;
	v20 =	vadd.f32 v22, v20;
	_ =	sdelay $0x1  }
0x1ae: {  	v20 =	vadd.f32 v21, v20;
	v21 =	vmul.f32 v26, v26;
	_ =	sdelay $0x1  }
0x1af: {  	v20 =	vadd.f32 v21, v20;
	v21 =	vmul.f32 v23, v23;
	_ =	sdelay $0x1  }
0x1b0: {  	v20 =	vadd.f32 v21, v20;
	v21 =	vmul.f32 v24, v24;
	_ =	sdelay $0x1  }
0x1b1: {  	v20 =	vadd.f32 v21, v20;
	_ =	sdelay $0x1  }
0x1b2: {  	(xrf2) =	vadd.scan.msk.f32 $0xffff, v20;
	_ =	sdelay $0x9  }
0x1b3: {  	v20, _, _ =	vpop (xrf2)  }
0x1b4: {  	v20 =	vmax.f32 v20, $9.999999680e-21  }
0x1b5: {  	v20 =	vbroadcast v20, $0xF;
	_ =	sdelay $0x1  }
0x1b6: {  	v21 =	vshra.s32 v20, $0x1;
	v22 =	vmul.f32 $5.000000000e-01, v20  }
0x1b7: {  	v21 =	vsub.s32 $0x5F3759DF, v21  }
0x1b8: {  	v23 =	vmul.f32 v21, v22;
	_ =	sdelay $0x1  }
0x1b9: {  	v23 =	vmul.f32 v21, v23;
	_ =	sdelay $0x1  }
0x1ba: {  	v23 =	vsub.f32 $1.500000000e+00, v23;
	_ =	sdelay $0x1  }
0x1bb: {  	v21 =	vmul.f32 v21, v23;
	_ =	sdelay $0x1  }
0x1bc: {  	v23 =	vmul.f32 v21, v22;
	_ =	sdelay $0x1  }
0x1bd: {  	v23 =	vmul.f32 v23, v21;
	_ =	sdelay $0x1  }
.Ltmp2:
0x1be: {  	v23 =	vsub.f32 $1.500000000e+00, v23;
	(pc) =	sbr.rel @p1 .LBB2_7-.Ltmp2, $3  }
0x1bf: {  	_ = 	snop  }
0x1c0: {  	v21 =	vmul.f32 v23, v21;
	_ =	sdelay $0x1  }
0x1c1: {  	v22 =	vmul.f32 v21, v22  }
0x1c2: {  	_ = 	snop  }
0x1c3: {  	v22 =	vmul.f32 v22, v21;
	_ =	sdelay $0x1  }
0x1c4: {  	v22 =	vsub.f32 $1.500000000e+00, v22;
	_ =	sdelay $0x1  }
0x1c5: {  	v56 =	vmul.f32 v22, v21;
	_ =	sdelay $0x1  }
0x1c6: {  	v20 =	vmul.f32 v56, v20;
	_ =	sdelay $0x1  }
0x1c7: {  	v20 =	vadd.f32 $9.999999740e-06, v20;
	_ =	sdelay $0x1  }
0x1c8: {  	(erf) = vrcp.f32 v20;
	_ =	sdelay $0x2  }
0x1c9: {  	v2 =	vld.idx.msk [tilespmem:v2+s31+$0x0], $0xffff;
	_ =	sdelay $0x4  }
0x1ca: {  	v2 =	vmul.f32 $5.000000000e-01, v2  }
0x1cb: {  	v20 =	vpop (erf)  }
0x1cc: {  	v2 =	vmul.f32 v20, v2;
	_ =	sdelay $0x1  }
0x1cd: {  	v17 =	vmul.f32 v17, v17;
	v20 =	vsub.f32 $1.000000000e+00, v2;
	_ =	sdelay $0x1  }
0x1ce: {  	v2 =	vmul.f32 v2, v17;
	v57 =	vmul.f32 v20, v19;
	_ =	sdelay $0x1  }
0x1cf: {  	v16 =	vmul.f32 v2, v16;
	v7 =	vmul.f32 v57, v7  }
0x1d0: {  	v18 =	vmul.f32 v2, v18;
	v8 =	vmul.f32 v57, v8  }
0x1d1: {  	v9 =	vmul.f32 v2, v9;
	v4 =	vmul.f32 v57, v4;
	v7 =	vadd.f32 v7, v16  }
0x1d2: {  	v6 =	vmul.f32 v2, v6;
	v5 =	vmul.f32 v57, v5;
	v8 =	vadd.f32 v8, v18  }
0x1d3: {  	v59 =	vmul.f32 v2, v10;
	v58 =	vmul.f32 v57, v13;
	v4 =	vadd.f32 v4, v9;
	[tilespmem:s9+$0xFFFFFFE0] =	vst v7  }
0x1d4: {  	v60 =	vmul.f32 v2, v15;
	v3 =	vmul.f32 v57, v3;
	v5 =	vadd.f32 v5, v6;
	[tilespmem:s9+$0x20] =	vst v8  }
0x1d5: {  	v61 =	vmul.f32 v2, v12;
	v1 =	vmul.f32 v57, v1;
	v62 =	vadd.f32 v58, v59;
	[tilespmem:s9+$0xFFFFFFD0] =	vst v4  }
0x1d6: {  	p1 =	sne.s32 s23, $0x3D;
	v2 =	vmul.f32 v2, v11;
	v63 =	vmul.f32 v57, v14;
	v3 =	vadd.f32 v3, v60;
	[tilespmem:s9+$0xFFFFFFC0] =	vst v5  }
.Ltmp3:
0x1d7: {  	v1 =	vadd.f32 v1, v61;
	[tilespmem:s9+$0x10] =	vst v62;
	(pc) =	sbr.rel @p1 .LBB2_4-.Ltmp3, $4  }
0x1d8: {  	v2 =	vadd.f32 v63, v2;
	[tilespmem:s9+$0x0] =	vst v3  }
0x1d9: {  	s24 =	sadd.s32 $0x1, s23;
	[tilespmem:s9+$0xFFFFFFF0] =	vst v1  }
0x1da: {  	s23 =	smov.u32 s24;
	[tilespmem:s9+$0x30] =	vst v2  }
0x1db: {  	[spmem:s3] =	stream.indirect.scatter.add.f32 [tilespmem:s28], [sflag:$0x4], $0x80, s17, s2, $0xb8;
	[tilespmem:$0x1DB00] =	vst v63  }
0x1dc: {  	s22 =	simm.s32 $0x3  }
0x1dd: {  	_ =	swait.ge [sflag:s22], $0x2800  }
0x1de: {  	[sflag:s22] =	ssyncset.done $0x0  }
0x1df: {  	s9 =	simm.s32 $0x0;
	s18 =	rddreg [dreg:$0xe];
	[sflag:s22] =	ssyncadd.s32 $0xFFFFD800  }
0x1e0: {  	[tilespmem:s29], [sflag:$0x5] =	stream.linear.gather [hbm4b:s18+s9], $0x80, $0x38;
	[tilespmem:$0x1DB00] =	vst v63  }
0x1e1: {  	s23 =	rddreg [dreg:$0xf]  }
0x1e2: {  	[tilespmem:s30], [sflag:$0x6] =	stream.linear.gather [hbm4b:s23+s9], $0x80, $0x38;
	[tilespmem:$0x1DB00] =	vst v63  }
0x1e3: {  	s24 =	rddreg [dreg:$0x10]  }
0x1e4: {  	[tilespmem:s31], [sflag:$0x7] =	stream.linear.gather [hbm4b:s24+s9], $0x80, $0x38;
	[tilespmem:$0x1DB00] =	vst v63  }
0x1e5: {  	_ =	swait.ge [sflag:s0], $0x80  }
0x1e6: {  	[sflag:s0] =	ssyncset.done $0x0  }
0x1e7: {  	[sflag:s0] =	ssyncadd.s32 $0xFFFFFF80  }
0x1e8: {  	_ =	swait.ge [sflag:s4], $0x80  }
0x1e9: {  	[sflag:s4] =	ssyncset.done $0x0  }
0x1ea: {  	[sflag:s4] =	ssyncadd.s32 $0xFFFFFF80  }
0x1eb: {  	[tilespmem:s5], [sflag:$0x1] =	stream.indirect.gather [hbm4b:s1+s2], $0x80, s29, s2, $0xb8;
	[tilespmem:$0x1DB00] =	vst v63  }
0x1ec: {  	_ = 	snop  }
0x1ed: {  	[tilespmem:s10], [sflag:$0x2] =	stream.indirect.gather [hbm4b:s1+s2], $0x80, s30, s2, $0xb8;
	[tilespmem:$0x1DB00] =	vst v63  }
0x1ee: {  	_ =	swait.ge [sflag:s11], $0x80  }
0x1ef: {  	[sflag:s11] =	ssyncset.done $0x0  }
0x1f0: {  	[sflag:s11] =	ssyncadd.s32 $0xFFFFFF80  }
0x1f1: {  	v1 =	vld [tilespmem:$0x16000];
	_ =	sdelay $0x5  }
0x1f2: {  	v2 =	vld [tilespmem:$0x16080];
	_ =	sdelay $0x1  }
0x1f3: {  	v1 =	vld.idx.msk [tilespmem:v1+s25+$0x0], $0xffff;
	_ =	sdelay $0x3  }
0x1f4: {  	v3 =	vld [tilespmem:$0x16010]  }
0x1f5: {  	[tilespmem:$0x16200] =	vst v1  }
0x1f6: {  	v1 =	vld.idx.msk [tilespmem:v2+s25+$0x0], $0xffff;
	_ =	sdelay $0x3  }
0x1f7: {  	v2 =	vld [tilespmem:$0x16090]  }
0x1f8: {  	[tilespmem:$0x16280] =	vst v1  }
0x1f9: {  	v1 =	vld.idx.msk [tilespmem:v3+s25+$0x0], $0xffff;
	_ =	sdelay $0x3  }
0x1fa: {  	v3 =	vld [tilespmem:$0x16020]  }
0x1fb: {  	[tilespmem:$0x16210] =	vst v1  }
0x1fc: {  	v1 =	vld.idx.msk [tilespmem:v2+s25+$0x0], $0xffff;
	_ =	sdelay $0x3  }
0x1fd: {  	v2 =	vld [tilespmem:$0x160A0]  }
0x1fe: {  	[tilespmem:$0x16290] =	vst v1  }
0x1ff: {  	v1 =	vld.idx.msk [tilespmem:v3+s25+$0x0], $0xffff;
	_ =	sdelay $0x3  }
0x200: {  	v3 =	vld [tilespmem:$0x16030]  }
0x201: {  	[tilespmem:$0x16220] =	vst v1  }
0x202: {  	v1 =	vld.idx.msk [tilespmem:v2+s25+$0x0], $0xffff;
	_ =	sdelay $0x3  }
0x203: {  	v2 =	vld [tilespmem:$0x160B0]  }
0x204: {  	[tilespmem:$0x162A0] =	vst v1  }
0x205: {  	v1 =	vld.idx.msk [tilespmem:v3+s25+$0x0], $0xffff;
	_ =	sdelay $0x3  }
0x206: {  	v3 =	vld [tilespmem:$0x16040]  }
0x207: {  	[tilespmem:$0x16230] =	vst v1  }
0x208: {  	v1 =	vld.idx.msk [tilespmem:v2+s25+$0x0], $0xffff;
	_ =	sdelay $0x3  }
0x209: {  	v2 =	vld [tilespmem:$0x160C0]  }
0x20a: {  	[tilespmem:$0x162B0] =	vst v1  }
0x20b: {  	v1 =	vld.idx.msk [tilespmem:v3+s25+$0x0], $0xffff;
	_ =	sdelay $0x4  }
0x20c: {  	[tilespmem:$0x16240] =	vst v1  }
0x20d: {  	v1 =	vld.idx.msk [tilespmem:v2+s25+$0x0], $0xffff;
	_ =	sdelay $0x4  }
0x20e: {  	[tilespmem:$0x162C0] =	vst v1  }
0x20f: {  	_ =	swait.ge [sflag:s12], $0x2800  }
0x210: {  	[sflag:s12] =	ssyncset.done $0x0  }
0x211: {  	[sflag:s12] =	ssyncadd.s32 $0xFFFFD800  }
0x212: {  	_ =	swait.ge [sflag:s13], $0x2800  }
0x213: {  	v2 =	vmov s9;
	[sflag:s13] =	ssyncset.done $0x0  }
0x214: {  	s20 =	simm.s32 $0x16340;
	[sflag:s13] =	ssyncadd.s32 $0xFFFFD800  }
0x215: {  	v1 =	vld [tilespmem:s20+$0xFFFFFFF0]  }
0x216: {  	v4 =	vld [tilespmem:s20+$0xFFFFFFD0]  }
0x217: {  	v5 =	vld [tilespmem:s20+$0xFFFFFFC0]  }
0x218: {  	s18 =	simm.s32 $0x18B40;
	v17 =	vld.idx.msk [tilespmem:v2+s15+$0x0], $0xffff  }
0x219: {  	v6 =	vld [tilespmem:s18+$0xFFFFFFC0]  }
0x21a: {  	v19 =	vld.idx.msk [tilespmem:v2+s16+$0x0], $0xffff  }
0x21b: {  	v9 =	vld [tilespmem:s18+$0xFFFFFFD0]  }
0x21c: {  	v16 =	vld [tilespmem:s18+$0xFFFFFFE0]  }
0x21d: {  	v7 =	vld [tilespmem:s20+$0xFFFFFFE0]  }
0x21e: {  	v12 =	vld [tilespmem:s18+$0xFFFFFFF0]  }
0x21f: {  	v3 =	vld [tilespmem:s20+$0x0];
	v11 =	vmul.f32 v5, v17;
	v13 =	vmul.f32 v4, v17  }
0x220: {  	v15 =	vld [tilespmem:s18+$0x0];
	v14 =	vmul.f32 v6, v19;
	v18 =	vmul.f32 v9, v19  }
0x221: {  	v8 =	vld [tilespmem:s20+$0x20];
	v20 =	vmul.f32 v16, v19  }
0x222: {  	v10 =	vld [tilespmem:s18+$0x10];
	v21 =	vmul.f32 v7, v17;
	v11 =	vsub.f32 v14, v11;
	v14 =	vsub.f32 v18, v13  }
0x223: {  	v22 =	vmul.f32 v12, v19;
	v23 =	vmul.f32 v1, v17;
	v13 =	vld [tilespmem:s20+$0x10]  }
0x224: {  	v18 =	vld [tilespmem:s18+$0x20];
	v20 =	vsub.f32 v20, v21;
	v21 =	vmul.f32 v11, v11;
	v24 =	vmul.f32 v14, v14  }
0x225: {  	v25 =	vmul.f32 v3, v17;
	v26 =	vmul.f32 v15, v19;
	v11 =	vld [tilespmem:s18+$0x30]  }
0x226: {  	v22 =	vsub.f32 v22, v23;
	v14 =	vld [tilespmem:s20+$0x30];
	v20 =	vmul.f32 v20, v20;
	v21 =	vadd.f32 v24, v21  }
0x227: {  	v60 =	vmul.f32 v10, v19;
	v23 =	vsub.f32 v26, v25  }
0x228: {  	v61 =	vmul.f32 v13, v17;
	v20 =	vadd.f32 v20, v21;
	v21 =	vmul.f32 v22, v22  }
0x229: {  	v62 =	vmul.f32 v18, v19;
	v22 =	vmul.f32 v8, v17  }
0x22a: {  	v24 =	vsub.f32 v60, v61;
	v20 =	vadd.f32 v21, v20;
	v21 =	vmul.f32 v23, v23  }
0x22b: {  	v63 =	vmul.f32 v14, v17;
	v23 =	vmul.f32 v11, v19  }
0x22c: {  	v22 =	vsub.f32 v62, v22;
	v20 =	vadd.f32 v21, v20;
	v21 =	vmul.f32 v24, v24;
	_ =	sdelay $0x1  }
0x22d: {  	v23 =	vsub.f32 v23, v63;
	v20 =	vadd.f32 v21, v20;
	v21 =	vmul.f32 v22, v22;
	_ =	sdelay $0x1  }
0x22e: {  	v20 =	vadd.f32 v21, v20;
	v21 =	vmul.f32 v23, v23;
	_ =	sdelay $0x1  }
0x22f: {  	v20 =	vadd.f32 v21, v20;
	_ =	sdelay $0x1  }
0x230: {  	(xrf2) =	vadd.scan.msk.f32 $0xffff, v20;
	_ =	sdelay $0x9  }
0x231: {  	v20, _, _ =	vpop (xrf2)  }
0x232: {  	v20 =	vmax.f32 v20, $9.999999680e-21  }
0x233: {  	v20 =	vbroadcast v20, $0xF;
	_ =	sdelay $0x1  }
0x234: {  	v21 =	vshra.s32 v20, $0x1;
	v22 =	vmul.f32 $5.000000000e-01, v20  }
0x235: {  	v21 =	vsub.s32 $0x5F3759DF, v21  }
0x236: {  	v23 =	vmul.f32 v21, v22;
	_ =	sdelay $0x1  }
0x237: {  	v23 =	vmul.f32 v21, v23;
	_ =	sdelay $0x1  }
0x238: {  	v23 =	vsub.f32 $1.500000000e+00, v23;
	_ =	sdelay $0x1  }
0x239: {  	v21 =	vmul.f32 v21, v23;
	_ =	sdelay $0x1  }
0x23a: {  	v23 =	vmul.f32 v21, v22;
	_ =	sdelay $0x1  }
0x23b: {  	v23 =	vmul.f32 v23, v21;
	_ =	sdelay $0x1  }
0x23c: {  	v23 =	vsub.f32 $1.500000000e+00, v23;
	_ =	sdelay $0x1  }
0x23d: {  	v21 =	vmul.f32 v23, v21;
	_ =	sdelay $0x1  }
0x23e: {  	s19 =	simm.s32 $0x1;
	s9 =	simm.s32 $0x16340;
	v19 =	vmul.f32 v19, v17;
	v22 =	vmul.f32 v21, v22  }
.LBB2_10:
0x23f: {  	p1 =	sne.s32 s19, $0x4F;
	s18 =	sadd.s32 $0x80, s18;
	s20 =	sadd.s32 $0x80, s20  }
0x240: {  	s21 =	smov.u32 s19;
	s19 =	sadd.s32 $0x1, s19;
	v22 =	vmul.f32 v22, v21;
	_ =	sdelay $0x1  }
0x241: {  	v22 =	vsub.f32 $1.500000000e+00, v22;
	_ =	sdelay $0x1  }
0x242: {  	v21 =	vmul.f32 v22, v21;
	_ =	sdelay $0x1  }
0x243: {  	v22 =	vmov s21;
	v20 =	vmul.f32 v21, v20;
	_ =	sdelay $0x1  }
0x244: {  	v20 =	vadd.f32 $9.999999740e-06, v20;
	_ =	sdelay $0x1  }
0x245: {  	(erf) = vrcp.f32 v20;
	_ =	sdelay $0x1  }
0x246: {  	v20 =	vld.idx.msk [tilespmem:v2+s31+$0x0], $0xffff;
	v2 =	vmov v22;
	_ =	sdelay $0x5  }
0x247: {  	v20 =	vmul.f32 $5.000000000e-01, v20  }
0x248: {  	v21 =	vpop (erf)  }
0x249: {  	v17 =	vmul.f32 v17, v17;
	v20 =	vmul.f32 v21, v20;
	_ =	sdelay $0x1  }
0x24a: {  	v21 =	vsub.f32 $1.000000000e+00, v20;
	v17 =	vmul.f32 v20, v17;
	_ =	sdelay $0x1  }
0x24b: {  	v19 =	vmul.f32 v21, v19;
	v12 =	vmul.f32 v17, v12  }
0x24c: {  	v15 =	vmul.f32 v17, v15;
	v11 =	vmul.f32 v17, v11  }
0x24d: {  	v16 =	vmul.f32 v17, v16;
	v7 =	vmul.f32 v19, v7  }
0x24e: {  	v18 =	vmul.f32 v17, v18;
	v8 =	vmul.f32 v19, v8  }
0x24f: {  	v9 =	vmul.f32 v17, v9;
	v4 =	vmul.f32 v19, v4;
	v7 =	vadd.f32 v7, v16  }
0x250: {  	v5 =	vmul.f32 v19, v5;
	v8 =	vadd.f32 v8, v18  }
0x251: {  	v6 =	vmul.f32 v17, v6;
	v1 =	vmul.f32 v19, v1;
	v4 =	vadd.f32 v4, v9;
	[tilespmem:s9+$0xFFFFFFE0] =	vst v7  }
0x252: {  	v9 =	vmul.f32 v17, v10;
	v7 =	vmul.f32 v19, v13;
	[tilespmem:s9+$0x20] =	vst v8  }
0x253: {  	v3 =	vmul.f32 v19, v3;
	v5 =	vadd.f32 v5, v6;
	v6 =	vadd.f32 v1, v12  }
0x254: {  	v1 =	vld [tilespmem:s20+$0xFFFFFFF0];
	[tilespmem:s9+$0xFFFFFFD0] =	vst v4;
	v4 =	vadd.f32 v7, v9;
	v9 =	vmul.f32 v19, v14  }
0x255: {  	v3 =	vadd.f32 v3, v15;
	v7 =	vld [tilespmem:s20+$0xFFFFFFE0];
	[tilespmem:s9+$0xFFFFFFC0] =	vst v5  }
0x256: {  	v8 =	vld [tilespmem:s20+$0x20];
	[tilespmem:s9+$0x10] =	vst v4;
	v9 =	vadd.f32 v9, v11  }
0x257: {  	v4 =	vld [tilespmem:s20+$0xFFFFFFD0];
	[tilespmem:s9+$0x0] =	vst v3  }
0x258: {  	v3 =	vld [tilespmem:s20+$0x0];
	[tilespmem:s9+$0xFFFFFFF0] =	vst v6  }
0x259: {  	v5 =	vld [tilespmem:s20+$0xFFFFFFC0];
	[tilespmem:s9+$0x30] =	vst v9;
	s9 =	smov.u32 s20  }
0x25a: {  	v11 =	vld [tilespmem:s18+$0x30]  }
0x25b: {  	v17 =	vld.idx.msk [tilespmem:v2+s15+$0x0], $0xffff  }
0x25c: {  	v6 =	vld [tilespmem:s18+$0xFFFFFFC0]  }
0x25d: {  	v19 =	vld.idx.msk [tilespmem:v2+s16+$0x0], $0xffff  }
0x25e: {  	v9 =	vld [tilespmem:s18+$0xFFFFFFD0]  }
0x25f: {  	v16 =	vld [tilespmem:s18+$0xFFFFFFE0]  }
0x260: {  	v15 =	vld [tilespmem:s18+$0x0]  }
0x261: {  	v20 =	vmul.f32 v5, v17;
	v21 =	vmul.f32 v3, v17;
	v12 =	vld [tilespmem:s18+$0xFFFFFFF0]  }
0x262: {  	v22 =	vmul.f32 v4, v17;
	v23 =	vmul.f32 v8, v17;
	v13 =	vld [tilespmem:s20+$0x10]  }
0x263: {  	v24 =	vmul.f32 v6, v19;
	v10 =	vld [tilespmem:s18+$0x10];
	v25 =	vmul.f32 v9, v19  }
0x264: {  	v27 =	vmul.f32 v7, v17;
	v18 =	vld [tilespmem:s18+$0x20];
	v26 =	vmul.f32 v16, v19  }
0x265: {  	v20 =	vsub.f32 v24, v20;
	v14 =	vld [tilespmem:s20+$0x30];
	v22 =	vsub.f32 v25, v22;
	v24 =	vmul.f32 v15, v19  }
0x266: {  	v25 =	vsub.f32 v26, v27;
	v26 =	vmul.f32 v12, v19;
	v27 =	vmul.f32 v1, v17  }
0x267: {  	v20 =	vmul.f32 v20, v20;
	v22 =	vmul.f32 v22, v22;
	v21 =	vsub.f32 v24, v21  }
0x268: {  	v24 =	vsub.f32 v26, v27;
	v26 =	vmul.f32 v10, v19;
	v27 =	vmul.f32 v13, v17  }
0x269: {  	v20 =	vadd.f32 v22, v20;
	v22 =	vmul.f32 v25, v25;
	v25 =	vmul.f32 v18, v19  }
0x26a: {  	v26 =	vsub.f32 v26, v27;
	v27 =	vmul.f32 v11, v19;
	v28 =	vmul.f32 v14, v17  }
0x26b: {  	v20 =	vadd.f32 v22, v20;
	v22 =	vmul.f32 v24, v24;
	v23 =	vsub.f32 v25, v23  }
0x26c: {  	v19 =	vmul.f32 v19, v17;
	v24 =	vsub.f32 v27, v28  }
0x26d: {  	v21 =	vmul.f32 v21, v21;
	v20 =	vadd.f32 v22, v20;
	_ =	sdelay $0x1  }
0x26e: {  	v20 =	vadd.f32 v21, v20;
	v21 =	vmul.f32 v26, v26;
	_ =	sdelay $0x1  }
0x26f: {  	v20 =	vadd.f32 v21, v20;
	v21 =	vmul.f32 v23, v23;
	_ =	sdelay $0x1  }
0x270: {  	v20 =	vadd.f32 v21, v20;
	v21 =	vmul.f32 v24, v24;
	_ =	sdelay $0x1  }
0x271: {  	v20 =	vadd.f32 v21, v20;
	_ =	sdelay $0x1  }
0x272: {  	(xrf2) =	vadd.scan.msk.f32 $0xffff, v20;
	_ =	sdelay $0x9  }
0x273: {  	v20, _, _ =	vpop (xrf2)  }
0x274: {  	v20 =	vmax.f32 v20, $9.999999680e-21  }
0x275: {  	v20 =	vbroadcast v20, $0xF;
	_ =	sdelay $0x1  }
0x276: {  	v21 =	vshra.s32 v20, $0x1;
	v22 =	vmul.f32 $5.000000000e-01, v20  }
0x277: {  	v21 =	vsub.s32 $0x5F3759DF, v21  }
0x278: {  	v23 =	vmul.f32 v21, v22;
	_ =	sdelay $0x1  }
0x279: {  	v23 =	vmul.f32 v21, v23;
	_ =	sdelay $0x1  }
0x27a: {  	v23 =	vsub.f32 $1.500000000e+00, v23;
	_ =	sdelay $0x1  }
0x27b: {  	v21 =	vmul.f32 v21, v23;
	_ =	sdelay $0x1  }
0x27c: {  	v23 =	vmul.f32 v21, v22;
	_ =	sdelay $0x1  }
0x27d: {  	v23 =	vmul.f32 v23, v21;
	_ =	sdelay $0x1  }
.Ltmp4:
0x27e: {  	v23 =	vsub.f32 $1.500000000e+00, v23;
	(pc) =	sbr.rel @p1 .LBB2_10-.Ltmp4, $3  }
0x27f: {  	_ = 	snop  }
0x280: {  	v21 =	vmul.f32 v23, v21;
	_ =	sdelay $0x1  }
0x281: {  	v22 =	vmul.f32 v21, v22  }
0x282: {  	_ = 	snop  }
0x283: {  	v22 =	vmul.f32 v22, v21;
	_ =	sdelay $0x1  }
0x284: {  	v22 =	vsub.f32 $1.500000000e+00, v22;
	_ =	sdelay $0x1  }
0x285: {  	v56 =	vmul.f32 v22, v21;
	_ =	sdelay $0x1  }
0x286: {  	v20 =	vmul.f32 v56, v20;
	_ =	sdelay $0x1  }
0x287: {  	v20 =	vadd.f32 $9.999999740e-06, v20;
	_ =	sdelay $0x1  }
0x288: {  	(erf) = vrcp.f32 v20;
	_ =	sdelay $0x2  }
0x289: {  	v2 =	vld.idx.msk [tilespmem:v2+s31+$0x0], $0xffff;
	_ =	sdelay $0x4  }
0x28a: {  	v2 =	vmul.f32 $5.000000000e-01, v2  }
0x28b: {  	v20 =	vpop (erf)  }
0x28c: {  	v2 =	vmul.f32 v20, v2;
	_ =	sdelay $0x1  }
0x28d: {  	v17 =	vmul.f32 v17, v17;
	v20 =	vsub.f32 $1.000000000e+00, v2;
	_ =	sdelay $0x1  }
0x28e: {  	v2 =	vmul.f32 v2, v17;
	v57 =	vmul.f32 v20, v19;
	_ =	sdelay $0x1  }
0x28f: {  	v16 =	vmul.f32 v2, v16;
	v7 =	vmul.f32 v57, v7  }
0x290: {  	v18 =	vmul.f32 v2, v18;
	v8 =	vmul.f32 v57, v8  }
0x291: {  	v9 =	vmul.f32 v2, v9;
	v4 =	vmul.f32 v57, v4;
	v7 =	vadd.f32 v7, v16  }
0x292: {  	v6 =	vmul.f32 v2, v6;
	v5 =	vmul.f32 v57, v5;
	v8 =	vadd.f32 v8, v18  }
0x293: {  	v59 =	vmul.f32 v2, v10;
	v58 =	vmul.f32 v57, v13;
	v4 =	vadd.f32 v4, v9;
	[tilespmem:s9+$0xFFFFFFE0] =	vst v7  }
0x294: {  	v60 =	vmul.f32 v2, v15;
	v3 =	vmul.f32 v57, v3;
	v5 =	vadd.f32 v5, v6;
	[tilespmem:s9+$0x20] =	vst v8  }
0x295: {  	v61 =	vmul.f32 v2, v12;
	v1 =	vmul.f32 v57, v1;
	v62 =	vadd.f32 v58, v59;
	[tilespmem:s9+$0xFFFFFFD0] =	vst v4  }
0x296: {  	v2 =	vmul.f32 v2, v11;
	v63 =	vmul.f32 v57, v14;
	v3 =	vadd.f32 v3, v60;
	[tilespmem:s9+$0xFFFFFFC0] =	vst v5  }
0x297: {  	v1 =	vadd.f32 v1, v61;
	[tilespmem:s9+$0x10] =	vst v62  }
0x298: {  	v2 =	vadd.f32 v63, v2;
	[tilespmem:s9+$0x0] =	vst v3  }
0x299: {  	[tilespmem:s9+$0xFFFFFFF0] =	vst v1  }
0x29a: {  	[tilespmem:s9+$0x30] =	vst v2  }
0x29b: {  	[spmem:s3] =	stream.indirect.scatter.add.f32 [tilespmem:s5], [sflag:$0x3], $0x80, s30, s2, $0xb8;
	[tilespmem:$0x1DB00] =	vst v63  }
0x29c: {  	_ =	swait.ge [sflag:s22], $0x2800  }
0x29d: {  	[sflag:s22] =	ssyncset.done $0x0  }
0x29e: {  	s21 =	simm.s32 $0x4;
	[sflag:s22] =	ssyncadd.s32 $0xFFFFD800  }
0x29f: {  	_ =	swait.ge [sflag:s21], $0x2800  }
0x2a0: {  	[sflag:s21] =	ssyncset.done $0x0  }
0x2a1: {  	[sflag:s21] =	ssyncadd.s32 $0xFFFFD800  }
0x2a2: {  	s22 =	stileid.u32;
	[bflag:$0x0] =	sbarrier.arrive $0xFFFF  }
0x2a3: {  	s9 =	sshll.u32 s22, $0x6;
	s19 =	rddreg [dreg:$0x5]  }
0x2a4: {  	s9 =	sor.u32 $0x1C08, s9;
	s20 =	rddreg [dreg:$0x11];
	s18 =	sshrl.u32 s19, $0x3  }
0x2a5: {  	[hbm:s20], [sflag:s9] =	dma.local [spmem:s18], $0x2700  }
0x2a6: {  	_ =	swait.ge [sflag:s26], $0x2700  }
0x2a7: {  	[sflag:s26] =	ssyncset.done $0x0;
	s20 =	rddreg [dreg:$0xd]  }
0x2a8: {  	s21 =	rddreg [dreg:$0x12];
	[sflag:s26] =	ssyncadd.s32 $0xFFFFD900;
	s18 =	sshrl.u32 @!p0 s20, $0x3  }
0x2a9: {  	[hbm:s21], [sflag:s9] =	dma.local @!p0 [spmem:s18], $0x100  }
0x2aa: {  	s9 =	simm.s32 @!p0 $0x8  }
0x2ab: {  	_ =	swait.ge @!p0 [sflag:s9], $0x100  }
0x2ac: {  	s23 =	rddreg [dreg:$0x14]  }
0x2ad: {  	s24 =	rddreg [dreg:$0x13];
	s21 =	sadd.s32 $0x1, s23  }
0x2ae: {  	p1 =	sne.s32 s21, s24  }
.Ltmp5:
0x2af: {  	_ = 	snop;
	(pc) =	sbr.rel @p1 .LBB2_1-.Ltmp5, $3  }
0x2b0: {  	_ =	sdelay $0x1  }
0x2b1: {  	[sflag:s9] =	ssyncset.done @!p0 $0x0  }
0x2b2: {  	[sflag:s9] =	ssyncadd.s32 @!p0 $0xFFFFFF00  }
0x2b3: {  	_ =	sfence.sel $0x180000  }
0x2b4: {  	[bflag:$0x0] =	sbarrier.arrive $0xFFFF  }
0x2b5: {  	_ =	strace $0x9000004D  }
0x2b6: {  	s0 =	stileid.u32;
	[bflag:$0x2] =	sbarrier.arrive $0xFFFF  }
0x2b7: {  	p0 =	sne.s32 s0, $0x0;
	s0 =	rddreg [dreg:$0x3]  }
0x2b8: {  	s0 =	sadd.s32 @!p0 $0x100000, s0  }
0x2b9: {  	[sflag:s0] =	ssyncadd.tile.s32 @!p0 $0x1;
	_ =	shalt  }
.Lfunc_end2:
_tile_overlayer_lowered:
.L_overlay_start_2:
0x2ba: {  	(tag) =	ssettag $0x2  }
0x2bb: {  	s0 =	rddreg [dreg:$0x0];
	s2 =	stileid.u32  }
0x2bc: {  	s1 =	rddreg [dreg:$0x1];
	p0 =	sne.s32 s2, $0x0  }
0x2bd: {  	s3 =	rddreg [dreg:$0x2];
	[bflag:$0x3] =	sbarrier.arrive $0xFFFF;
	s2 =	simm.s32 @!p0 $0x1C08  }
0x2be: {  	[timem:s3], [sflag:s2] =	dma.local @!p0 [hbm:s0], s1  }
0x2bf: {  	s0 =	simm.s32 @!p0 $0x8  }
0x2c0: {  	_ =	swait.ge @!p0 [sflag:s0], s1  }
0x2c1: {  	s1 =	ssub.s32 @!p0 $0x0, s1;
	[sflag:s0] =	ssyncset.done @!p0 $0x0  }
0x2c2: {  	[sflag:s0] =	ssyncadd.s32 @!p0 s1  }
0x2c3: {  	[bflag:$0x3] =	sbarrier.arrive $0xFFFF  }
0x2c4: {  	_ =	shalt  }

</sc_bundles>
